<compile_context>
chip_gen: v7x
topology: tpu7x:2x2x1
jax: 0.10.2.dev20260603
libtpu: 0.0.44.dev20260713+nightly
codegen_flags: <defaults>
</compile_context>

<pallas_src>
import functools

import jax
import jax.numpy as jnp
from jax import lax
from jax.experimental import pallas as pl
from jax.experimental.pallas import tpu as pltpu
from jax.experimental.pallas import tpu_sc as plsc

GAMMA = 0.1
TAO = 10.0
B_CONST = 1.0
BETA = 1.0
LAMBDA_ = 0.1
EPS = 1e-06

K = 8192
D = 256

L = 16
NC = 2
NS = 16
NW = NC * NS
K_SC = 2048
K_TC = K - K_SC
RPW = K_SC // NW
CHUNK = 32
NCHUNK = RPW // CHUNK

BLK = 1024
NBLK = K_TC // BLK

_mesh = plsc.VectorSubcoreMesh(core_axis_name="c", subcore_axis_name="s")


@functools.partial(
    pl.kernel,
    out_type=jax.ShapeDtypeStruct((K_SC,), jnp.float32),
    mesh=_mesh,
    scratch_types=[
        pltpu.VMEM((D,), jnp.float32),
        pltpu.VMEM((CHUNK, D), jnp.float32),
        pltpu.VMEM((CHUNK, D), jnp.float32),
        pltpu.VMEM((RPW,), jnp.float32),
        pltpu.SemaphoreType.DMA,
        pltpu.SemaphoreType.DMA,
    ],
    compiler_params=pltpu.CompilerParams(needs_layout_passes=False),
)
def _sc_d2(f_hbm, p_hbm, out_hbm, c_v, buf0, buf1, out_v, sem0, sem1):
    wid = lax.axis_index("s") * NC + lax.axis_index("c")
    base = wid * RPW
    prow = K_TC + base
    pltpu.sync_copy(f_hbm, c_v)

    bufs = (buf0, buf1)
    sems = (sem0, sem1)
    copies = [None] * NCHUNK
    copies[0] = pltpu.async_copy(
        p_hbm.at[pl.ds(prow, CHUNK)], buf0, sem0)

    cvecs = [c_v[pl.ds(jb * L, L)] + EPS for jb in range(D // L)]
    lane = lax.iota(jnp.int32, L)

    for chunk in range(NCHUNK):
        buf = bufs[chunk % 2]
        if chunk + 1 < NCHUNK:
            copies[chunk + 1] = pltpu.async_copy(
                p_hbm.at[pl.ds(prow + (chunk + 1) * CHUNK, CHUNK)],
                bufs[(chunk + 1) % 2], sems[(chunk + 1) % 2])
        copies[chunk].wait()

        def group_body(g, carry, buf=buf, chunk=chunk):
            rowsums = jnp.zeros((L,), jnp.float32)
            for rr in range(L):
                row = g * L + rr
                acc = jnp.zeros((L,), jnp.float32)
                for jb in range(D // L):
                    v = buf[row, pl.ds(jb * L, L)]
                    dlt = cvecs[jb] - v
                    acc = acc + dlt * dlt
                s = jnp.sum(acc)
                rowsums = jnp.where(lane == rr, s, rowsums)
            out_v[pl.ds(chunk * CHUNK + g * L, L)] = rowsums
            return carry

        lax.fori_loop(0, CHUNK // L, group_body, 0)

    pltpu.sync_copy(out_v, out_hbm.at[pl.ds(base, RPW)])


def _tc_d2_body(c_ref, p_ref, d2_ref):
    diff = (c_ref[...] + EPS) - p_ref[...]
    sq = diff * diff
    ones = jnp.ones((D, 1), jnp.float32)
    d2_ref[...] = jax.lax.dot_general(
        sq, ones, (((1,), (0,)), ((), ())),
        preferred_element_type=jnp.float32).reshape(BLK // 128, 128)


_tc_d2 = pl.pallas_call(
    _tc_d2_body,
    grid=(NBLK,),
    in_specs=[
        pl.BlockSpec((1, D), lambda i: (0, 0)),
        pl.BlockSpec((BLK, D), lambda i: (i, 0)),
    ],
    out_specs=pl.BlockSpec((BLK // 128, 128), lambda i: (i, 0)),
    out_shape=jax.ShapeDtypeStruct((K_TC // 128, 128), jnp.float32),
)


def _softplus(z):
    return jnp.log1p(jnp.exp(z))


def _merge_body(label_ref, d2a_ref, d2b_ref, lab_ref, loss_ref, mind_ref):
    d2 = jnp.concatenate([d2a_ref[...], d2b_ref[...]], axis=0)
    mask = lab_ref[...] == label_ref[0, 0]
    d = jnp.sqrt(d2)
    e = jnp.exp(-GAMMA * d2)
    one = jnp.sum(e)
    num = jnp.sum(jnp.where(mask, e, 0.0))
    g1 = _softplus(B_CONST - (TAO - d))
    g2 = _softplus(B_CONST + (TAO - d))
    pw = jnp.sum(jnp.where(mask, g1, 0.0)) + jnp.sum(g2)
    mind2 = jnp.min(jnp.where(mask, d2, jnp.inf))
    dce = -jnp.log(num / one)
    loss_ref[0, 0] = dce + LAMBDA_ * pw
    mind_ref[0, 0] = jnp.sqrt(mind2)


_merge = pl.pallas_call(
    _merge_body,
    in_specs=[
        pl.BlockSpec(memory_space=pltpu.SMEM),
        pl.BlockSpec(memory_space=pltpu.VMEM),
        pl.BlockSpec(memory_space=pltpu.VMEM),
        pl.BlockSpec(memory_space=pltpu.VMEM),
    ],
    out_specs=(
        pl.BlockSpec(memory_space=pltpu.SMEM),
        pl.BlockSpec(memory_space=pltpu.SMEM),
    ),
    out_shape=(
        jax.ShapeDtypeStruct((1, 1), jnp.float32),
        jax.ShapeDtypeStruct((1, 1), jnp.float32),
    ),
)


def kernel(feature, label, prototypes, proto_labels):
    f = feature.astype(jnp.float32)
    d2_sc = _sc_d2(f.reshape(D), prototypes)
    d2_tc = _tc_d2(f, prototypes)
    lab = proto_labels.astype(jnp.int32).reshape(K // 128, 128)
    label2d = jnp.asarray(label, jnp.int32).reshape(1, 1)
    loss, mind = _merge(label2d, d2_tc, d2_sc.reshape(K_SC // 128, 128), lab)
    return (loss.reshape(()), mind.reshape(()))

# --- scband reference (transcript-rebuilt; emitter-appended) ---
"""Pipeline reference for scband-gcplloss-60198261621446 (READ-ONLY COPY).

The authoritative reference and input builder live on the scoring server;
editing this copy changes nothing except your own understanding.
"""

import jax, jax.numpy as jnp
import numpy as np

THRESHOLD = 5.0
GAMMA = 0.1
TAO = 10.0
B = 1.0
BETA = 1.0
LAMBDA_ = 0.1
EPS = 1e-06


def _g(z):
    # g(z) = log(1 + exp(beta*z)) / beta
    return jnp.log1p(jnp.exp(BETA * z)) / BETA


def setup_inputs(seed: int = 0) -> dict:
    key = jax.random.key(seed)
    k1, k2, k3 = jax.random.split(key, 3)
    feature = jax.random.normal(k1, (1, 256), dtype=jnp.float32)
    prototypes = jax.random.normal(k2, (8192, 256), dtype=jnp.float32)
    proto_labels = jax.random.randint(k3, (8192,), 0, 100)
    label = 5
    return {"feature": feature, "label": label, "prototypes": prototypes, "proto_labels": proto_labels}


def reference(feature, label, prototypes, proto_labels):
    # PairwiseDistance(p=2, eps=1e-6, keepdim=True): ||x1 - x2 + eps||_2
    d_all = jnp.linalg.norm(feature - prototypes + EPS, axis=-1, keepdims=True)  # [K, 1]
    mask = (proto_labels == label)[:, None]  # [K, 1]

    # assign_prototype: min distance among prototypes of the same label (on detached feature)
    min_distance = jnp.min(jnp.where(mask, d_all, jnp.inf))

    # compute_probability
    e = jnp.exp(-GAMMA * jnp.square(d_all))
    one = jnp.sum(e)
    num = jnp.sum(jnp.where(mask, e, 0.0))
    probability = num / one
    dce_loss = -jnp.log(probability)

    # pairwise losses
    pw_loss = jnp.sum(jnp.where(mask, _g(B - (TAO - d_all)), 0.0))
    # loop over every label in the dict == sum over all prototypes
    pw_loss = pw_loss + jnp.sum(_g(B + (TAO - d_all)))

    loss = dce_loss + LAMBDA_ * pw_loss
    return (loss, min_distance)

if __name__ == "__main__":
    import jax
    _d = setup_inputs()
    print(jax.jit(kernel)(*tuple(_d.values())))

</pallas_src>

<mosaic_0001>
#map = affine_map<(d0, d1) -> (0)>
#map1 = affine_map<(d0, d1) -> (0, 0)>
module attributes {stable_mosaic.version = 14 : i64} {
  func.func @_sc_d2(%arg0: i32, %arg1: i32, %arg2: memref<256xf32, #tpu.memory_space<hbm>>, %arg3: memref<8192x256xf32, #tpu.memory_space<hbm>>, %arg4: memref<2048xf32, #tpu.memory_space<hbm>>, %arg5: memref<256xf32, #tpu.memory_space<vmem>>, %arg6: memref<32x256xf32, #tpu.memory_space<vmem>>, %arg7: memref<32x256xf32, #tpu.memory_space<vmem>>, %arg8: memref<64xf32, #tpu.memory_space<vmem>>, %arg9: memref<!tpu.dma_semaphore, #tpu.memory_space<semaphore_mem>>, %arg10: memref<!tpu.dma_semaphore, #tpu.memory_space<semaphore_mem>>) attributes {dimension_semantics = [#tpu.dimension_semantics<core_parallel>, #tpu.dimension_semantics<subcore_parallel>], iteration_bounds = array<i64: 2, 16>, scalar_prefetch = 0 : i64, scratch_operands = 6 : i64, tpu.core_type = #tpu.core_type<sc_vector_subcore>, window_params = [{transform_indices = #map}, {transform_indices = #map1}, {transform_indices = #map}]} {
    %mul3A = arith.constant 2 : i32
    %mul3A_0 = arith.muli %arg1, %mul3A : i32
    %add3A = arith.addi %mul3A_0, %arg0 : i32
    %mul3A_1 = arith.constant 64 : i32
    %mul3A_2 = arith.muli %add3A, %mul3A_1 : i32
    %add3A_3 = arith.constant 6144 : i32
    %add3A_4 = arith.addi %add3A_3, %mul3A_2 : i32
    "tpu.region"() ({
      %run_scoped3A = tpu.sem_alloc : memref<!tpu.dma_semaphore, #tpu.memory_space<semaphore_mem>>
      tpu.enqueue_dma source(%arg2 : memref<256xf32, #tpu.memory_space<hbm>>) target(%arg5 : memref<256xf32, #tpu.memory_space<vmem>>) target_semaphore(%run_scoped3A : memref<!tpu.dma_semaphore, #tpu.memory_space<semaphore_mem>>)
      tpu.wait_dma2 semaphore(%run_scoped3A : memref<!tpu.dma_semaphore, #tpu.memory_space<semaphore_mem>>) src(%arg2 : memref<256xf32, #tpu.memory_space<hbm>>) dst(%arg5 : memref<256xf32, #tpu.memory_space<vmem>>)
      tpu.yield
    }) : () -> ()
    %dma_start3A = arith.constant 0 : i32
    %dma_start3A_5 = tpu.memref_slice %arg3[%add3A_4, %dma_start3A] : memref<8192x256xf32, #tpu.memory_space<hbm>> -> memref<32x256xf32, #tpu.memory_space<hbm>>
    %dma_start3A_6 = arith.constant 0 : i32
    %dma_start3A_7 = tpu.memref_slice %arg3[%add3A_4, %dma_start3A_6] : memref<8192x256xf32, #tpu.memory_space<hbm>> -> memref<32x256xf32, #tpu.memory_space<hbm>>
    tpu.enqueue_dma source(%dma_start3A_7 : memref<32x256xf32, #tpu.memory_space<hbm>>) target(%arg6 : memref<32x256xf32, #tpu.memory_space<vmem>>) target_semaphore(%arg9 : memref<!tpu.dma_semaphore, #tpu.memory_space<semaphore_mem>>)
    %get3A = arith.constant 0 : index
    %get3A_8 = tpu.vector_load %arg5[%get3A] {strides = array<i32>} : memref<256xf32, #tpu.memory_space<vmem>>, vector<16xf32>,
    %add3A_9 = arith.constant 9.99999997E-7 : f32
    %add3A_10 = vector.broadcast %add3A_9 : f32 to vector<16xf32>
    %add3A_11 = arith.addf %get3A_8, %add3A_10 : vector<16xf32>
    %get3A_12 = arith.constant 16 : index
    %get3A_13 = tpu.vector_load %arg5[%get3A_12] {strides = array<i32>} : memref<256xf32, #tpu.memory_space<vmem>>, vector<16xf32>,
    %add3A_14 = arith.constant 9.99999997E-7 : f32
    %add3A_15 = vector.broadcast %add3A_14 : f32 to vector<16xf32>
    %add3A_16 = arith.addf %get3A_13, %add3A_15 : vector<16xf32>
    %get3A_17 = arith.constant 32 : index
    %get3A_18 = tpu.vector_load %arg5[%get3A_17] {strides = array<i32>} : memref<256xf32, #tpu.memory_space<vmem>>, vector<16xf32>,
    %add3A_19 = arith.constant 9.99999997E-7 : f32
    %add3A_20 = vector.broadcast %add3A_19 : f32 to vector<16xf32>
    %add3A_21 = arith.addf %get3A_18, %add3A_20 : vector<16xf32>
    %get3A_22 = arith.constant 48 : index
    %get3A_23 = tpu.vector_load %arg5[%get3A_22] {strides = array<i32>} : memref<256xf32, #tpu.memory_space<vmem>>, vector<16xf32>,
    %add3A_24 = arith.constant 9.99999997E-7 : f32
    %add3A_25 = vector.broadcast %add3A_24 : f32 to vector<16xf32>
    %add3A_26 = arith.addf %get3A_23, %add3A_25 : vector<16xf32>
    %get3A_27 = arith.constant 64 : index
    %get3A_28 = tpu.vector_load %arg5[%get3A_27] {strides = array<i32>} : memref<256xf32, #tpu.memory_space<vmem>>, vector<16xf32>,
    %add3A_29 = arith.constant 9.99999997E-7 : f32
    %add3A_30 = vector.broadcast %add3A_29 : f32 to vector<16xf32>
    %add3A_31 = arith.addf %get3A_28, %add3A_30 : vector<16xf32>
    %get3A_32 = arith.constant 80 : index
    %get3A_33 = tpu.vector_load %arg5[%get3A_32] {strides = array<i32>} : memref<256xf32, #tpu.memory_space<vmem>>, vector<16xf32>,
    %add3A_34 = arith.constant 9.99999997E-7 : f32
    %add3A_35 = vector.broadcast %add3A_34 : f32 to vector<16xf32>
    %add3A_36 = arith.addf %get3A_33, %add3A_35 : vector<16xf32>
    %get3A_37 = arith.constant 96 : index
    %get3A_38 = tpu.vector_load %arg5[%get3A_37] {strides = array<i32>} : memref<256xf32, #tpu.memory_space<vmem>>, vector<16xf32>,
    %add3A_39 = arith.constant 9.99999997E-7 : f32
    %add3A_40 = vector.broadcast %add3A_39 : f32 to vector<16xf32>
    %add3A_41 = arith.addf %get3A_38, %add3A_40 : vector<16xf32>
    %get3A_42 = arith.constant 112 : index
    %get3A_43 = tpu.vector_load %arg5[%get3A_42] {strides = array<i32>} : memref<256xf32, #tpu.memory_space<vmem>>, vector<16xf32>,
    %add3A_44 = arith.constant 9.99999997E-7 : f32
    %add3A_45 = vector.broadcast %add3A_44 : f32 to vector<16xf32>
    %add3A_46 = arith.addf %get3A_43, %add3A_45 : vector<16xf32>
    %get3A_47 = arith.constant 128 : index
    %get3A_48 = tpu.vector_load %arg5[%get3A_47] {strides = array<i32>} : memref<256xf32, #tpu.memory_space<vmem>>, vector<16xf32>,
    %add3A_49 = arith.constant 9.99999997E-7 : f32
    %add3A_50 = vector.broadcast %add3A_49 : f32 to vector<16xf32>
    %add3A_51 = arith.addf %get3A_48, %add3A_50 : vector<16xf32>
    %get3A_52 = arith.constant 144 : index
    %get3A_53 = tpu.vector_load %arg5[%get3A_52] {strides = array<i32>} : memref<256xf32, #tpu.memory_space<vmem>>, vector<16xf32>,
    %add3A_54 = arith.constant 9.99999997E-7 : f32
    %add3A_55 = vector.broadcast %add3A_54 : f32 to vector<16xf32>
    %add3A_56 = arith.addf %get3A_53, %add3A_55 : vector<16xf32>
    %get3A_57 = arith.constant 160 : index
    %get3A_58 = tpu.vector_load %arg5[%get3A_57] {strides = array<i32>} : memref<256xf32, #tpu.memory_space<vmem>>, vector<16xf32>,
    %add3A_59 = arith.constant 9.99999997E-7 : f32
    %add3A_60 = vector.broadcast %add3A_59 : f32 to vector<16xf32>
    %add3A_61 = arith.addf %get3A_58, %add3A_60 : vector<16xf32>
    %get3A_62 = arith.constant 176 : index
    %get3A_63 = tpu.vector_load %arg5[%get3A_62] {strides = array<i32>} : memref<256xf32, #tpu.memory_space<vmem>>, vector<16xf32>,
    %add3A_64 = arith.constant 9.99999997E-7 : f32
    %add3A_65 = vector.broadcast %add3A_64 : f32 to vector<16xf32>
    %add3A_66 = arith.addf %get3A_63, %add3A_65 : vector<16xf32>
    %get3A_67 = arith.constant 192 : index
    %get3A_68 = tpu.vector_load %arg5[%get3A_67] {strides = array<i32>} : memref<256xf32, #tpu.memory_space<vmem>>, vector<16xf32>,
    %add3A_69 = arith.constant 9.99999997E-7 : f32
    %add3A_70 = vector.broadcast %add3A_69 : f32 to vector<16xf32>
    %add3A_71 = arith.addf %get3A_68, %add3A_70 : vector<16xf32>
    %get3A_72 = arith.constant 208 : index
    %get3A_73 = tpu.vector_load %arg5[%get3A_72] {strides = array<i32>} : memref<256xf32, #tpu.memory_space<vmem>>, vector<16xf32>,
    %add3A_74 = arith.constant 9.99999997E-7 : f32
    %add3A_75 = vector.broadcast %add3A_74 : f32 to vector<16xf32>
    %add3A_76 = arith.addf %get3A_73, %add3A_75 : vector<16xf32>
    %get3A_77 = arith.constant 224 : index
    %get3A_78 = tpu.vector_load %arg5[%get3A_77] {strides = array<i32>} : memref<256xf32, #tpu.memory_space<vmem>>, vector<16xf32>,
    %add3A_79 = arith.constant 9.99999997E-7 : f32
    %add3A_80 = vector.broadcast %add3A_79 : f32 to vector<16xf32>
    %add3A_81 = arith.addf %get3A_78, %add3A_80 : vector<16xf32>
    %get3A_82 = arith.constant 240 : index
    %get3A_83 = tpu.vector_load %arg5[%get3A_82] {strides = array<i32>} : memref<256xf32, #tpu.memory_space<vmem>>, vector<16xf32>,
    %add3A_84 = arith.constant 9.99999997E-7 : f32
    %add3A_85 = vector.broadcast %add3A_84 : f32 to vector<16xf32>
    %add3A_86 = arith.addf %get3A_83, %add3A_85 : vector<16xf32>
    %iota3A = tpu.iota {dimensions = array<i32: 0>} : vector<16xi32>
    %add3A_87 = arith.constant 32 : i32
    %add3A_88 = arith.addi %add3A_4, %add3A_87 : i32
    %dma_start3A_89 = arith.constant 0 : i32
    %dma_start3A_90 = tpu.memref_slice %arg3[%add3A_88, %dma_start3A_89] : memref<8192x256xf32, #tpu.memory_space<hbm>> -> memref<32x256xf32, #tpu.memory_space<hbm>>
    %dma_start3A_91 = arith.constant 0 : i32
    %dma_start3A_92 = tpu.memref_slice %arg3[%add3A_88, %dma_start3A_91] : memref<8192x256xf32, #tpu.memory_space<hbm>> -> memref<32x256xf32, #tpu.memory_space<hbm>>
    tpu.enqueue_dma source(%dma_start3A_92 : memref<32x256xf32, #tpu.memory_space<hbm>>) target(%arg7 : memref<32x256xf32, #tpu.memory_space<vmem>>) target_semaphore(%arg10 : memref<!tpu.dma_semaphore, #tpu.memory_space<semaphore_mem>>)
    %dma_wait3A = arith.constant 0 : i32
    %dma_wait3A_93 = tpu.memref_slice %arg3[%add3A_4, %dma_wait3A] : memref<8192x256xf32, #tpu.memory_space<hbm>> -> memref<32x256xf32, #tpu.memory_space<hbm>>
    %dma_wait3A_94 = arith.constant 0 : i32
    %dma_wait3A_95 = tpu.memref_slice %arg3[%add3A_4, %dma_wait3A_94] : memref<8192x256xf32, #tpu.memory_space<hbm>> -> memref<32x256xf32, #tpu.memory_space<hbm>>
    tpu.wait_dma2 semaphore(%arg9 : memref<!tpu.dma_semaphore, #tpu.memory_space<semaphore_mem>>) src(%dma_wait3A_95 : memref<32x256xf32, #tpu.memory_space<hbm>>) dst(%arg6 : memref<32x256xf32, #tpu.memory_space<vmem>>)
    %scan3A = arith.constant 0 : i32
    %scan3A_96 = arith.constant 0 : i32
    %scan3A_97 = arith.constant 2 : i32
    %scan3A_98 = arith.addi %scan3A_96, %scan3A_97 : i32
    %scan3A_99 = arith.constant 1 : i32
    scf.for %scan3A_111 = %scan3A_96 to %scan3A_98 step %scan3A_99  : i32 {
      %broadcast_in_dim3A = arith.constant 0.000000e+00 : f32
      %broadcast_in_dim3A_112 = vector.broadcast %broadcast_in_dim3A : f32 to vector<16xf32>
      %mul3A_113 = arith.constant 16 : i32
      %mul3A_114 = arith.muli %scan3A_111, %mul3A_113 : i32
      %add3A_115 = arith.constant 0 : i32
      %add3A_116 = arith.addi %mul3A_114, %add3A_115 : i32
      %broadcast_in_dim3A_117 = arith.constant 0.000000e+00 : f32
      %broadcast_in_dim3A_118 = vector.broadcast %broadcast_in_dim3A_117 : f32 to vector<16xf32>
      %get3A_119 = arith.index_cast %add3A_116 : i32 to index
      %get3A_120 = arith.constant 0 : index
      %get3A_121 = tpu.vector_load %arg6[%get3A_119, %get3A_120] {strides = array<i32>} : memref<32x256xf32, #tpu.memory_space<vmem>>, vector<16xf32>,
      %sub3A = arith.subf %add3A_11, %get3A_121 : vector<16xf32>
      %mul3A_122 = arith.mulf %sub3A, %sub3A : vector<16xf32>
      %add3A_123 = arith.addf %broadcast_in_dim3A_118, %mul3A_122 : vector<16xf32>
      %get3A_124 = arith.index_cast %add3A_116 : i32 to index
      %get3A_125 = arith.constant 16 : index
      %get3A_126 = tpu.vector_load %arg6[%get3A_124, %get3A_125] {strides = array<i32>} : memref<32x256xf32, #tpu.memory_space<vmem>>, vector<16xf32>,
      %sub3A_127 = arith.subf %add3A_16, %get3A_126 : vector<16xf32>
      %mul3A_128 = arith.mulf %sub3A_127, %sub3A_127 : vector<16xf32>
      %add3A_129 = arith.addf %add3A_123, %mul3A_128 : vector<16xf32>
      %get3A_130 = arith.index_cast %add3A_116 : i32 to index
      %get3A_131 = arith.constant 32 : index
      %get3A_132 = tpu.vector_load %arg6[%get3A_130, %get3A_131] {strides = array<i32>} : memref<32x256xf32, #tpu.memory_space<vmem>>, vector<16xf32>,
      %sub3A_133 = arith.subf %add3A_21, %get3A_132 : vector<16xf32>
      %mul3A_134 = arith.mulf %sub3A_133, %sub3A_133 : vector<16xf32>
      %add3A_135 = arith.addf %add3A_129, %mul3A_134 : vector<16xf32>
      %get3A_136 = arith.index_cast %add3A_116 : i32 to index
      %get3A_137 = arith.constant 48 : index
      %get3A_138 = tpu.vector_load %arg6[%get3A_136, %get3A_137] {strides = array<i32>} : memref<32x256xf32, #tpu.memory_space<vmem>>, vector<16xf32>,
      %sub3A_139 = arith.subf %add3A_26, %get3A_138 : vector<16xf32>
      %mul3A_140 = arith.mulf %sub3A_139, %sub3A_139 : vector<16xf32>
      %add3A_141 = arith.addf %add3A_135, %mul3A_140 : vector<16xf32>
      %get3A_142 = arith.index_cast %add3A_116 : i32 to index
      %get3A_143 = arith.constant 64 : index
      %get3A_144 = tpu.vector_load %arg6[%get3A_142, %get3A_143] {strides = array<i32>} : memref<32x256xf32, #tpu.memory_space<vmem>>, vector<16xf32>,
      %sub3A_145 = arith.subf %add3A_31, %get3A_144 : vector<16xf32>
      %mul3A_146 = arith.mulf %sub3A_145, %sub3A_145 : vector<16xf32>
      %add3A_147 = arith.addf %add3A_141, %mul3A_146 : vector<16xf32>
      %get3A_148 = arith.index_cast %add3A_116 : i32 to index
      %get3A_149 = arith.constant 80 : index
      %get3A_150 = tpu.vector_load %arg6[%get3A_148, %get3A_149] {strides = array<i32>} : memref<32x256xf32, #tpu.memory_space<vmem>>, vector<16xf32>,
      %sub3A_151 = arith.subf %add3A_36, %get3A_150 : vector<16xf32>
      %mul3A_152 = arith.mulf %sub3A_151, %sub3A_151 : vector<16xf32>
      %add3A_153 = arith.addf %add3A_147, %mul3A_152 : vector<16xf32>
      %get3A_154 = arith.index_cast %add3A_116 : i32 to index
      %get3A_155 = arith.constant 96 : index
      %get3A_156 = tpu.vector_load %arg6[%get3A_154, %get3A_155] {strides = array<i32>} : memref<32x256xf32, #tpu.memory_space<vmem>>, vector<16xf32>,
      %sub3A_157 = arith.subf %add3A_41, %get3A_156 : vector<16xf32>
      %mul3A_158 = arith.mulf %sub3A_157, %sub3A_157 : vector<16xf32>
      %add3A_159 = arith.addf %add3A_153, %mul3A_158 : vector<16xf32>
      %get3A_160 = arith.index_cast %add3A_116 : i32 to index
      %get3A_161 = arith.constant 112 : index
      %get3A_162 = tpu.vector_load %arg6[%get3A_160, %get3A_161] {strides = array<i32>} : memref<32x256xf32, #tpu.memory_space<vmem>>, vector<16xf32>,
      %sub3A_163 = arith.subf %add3A_46, %get3A_162 : vector<16xf32>
      %mul3A_164 = arith.mulf %sub3A_163, %sub3A_163 : vector<16xf32>
      %add3A_165 = arith.addf %add3A_159, %mul3A_164 : vector<16xf32>
      %get3A_166 = arith.index_cast %add3A_116 : i32 to index
      %get3A_167 = arith.constant 128 : index
      %get3A_168 = tpu.vector_load %arg6[%get3A_166, %get3A_167] {strides = array<i32>} : memref<32x256xf32, #tpu.memory_space<vmem>>, vector<16xf32>,
      %sub3A_169 = arith.subf %add3A_51, %get3A_168 : vector<16xf32>
      %mul3A_170 = arith.mulf %sub3A_169, %sub3A_169 : vector<16xf32>
      %add3A_171 = arith.addf %add3A_165, %mul3A_170 : vector<16xf32>
      %get3A_172 = arith.index_cast %add3A_116 : i32 to index
      %get3A_173 = arith.constant 144 : index
      %get3A_174 = tpu.vector_load %arg6[%get3A_172, %get3A_173] {strides = array<i32>} : memref<32x256xf32, #tpu.memory_space<vmem>>, vector<16xf32>,
      %sub3A_175 = arith.subf %add3A_56, %get3A_174 : vector<16xf32>
      %mul3A_176 = arith.mulf %sub3A_175, %sub3A_175 : vector<16xf32>
      %add3A_177 = arith.addf %add3A_171, %mul3A_176 : vector<16xf32>
      %get3A_178 = arith.index_cast %add3A_116 : i32 to index
      %get3A_179 = arith.constant 160 : index
      %get3A_180 = tpu.vector_load %arg6[%get3A_178, %get3A_179] {strides = array<i32>} : memref<32x256xf32, #tpu.memory_space<vmem>>, vector<16xf32>,
      %sub3A_181 = arith.subf %add3A_61, %get3A_180 : vector<16xf32>
      %mul3A_182 = arith.mulf %sub3A_181, %sub3A_181 : vector<16xf32>
      %add3A_183 = arith.addf %add3A_177, %mul3A_182 : vector<16xf32>
      %get3A_184 = arith.index_cast %add3A_116 : i32 to index
      %get3A_185 = arith.constant 176 : index
      %get3A_186 = tpu.vector_load %arg6[%get3A_184, %get3A_185] {strides = array<i32>} : memref<32x256xf32, #tpu.memory_space<vmem>>, vector<16xf32>,
      %sub3A_187 = arith.subf %add3A_66, %get3A_186 : vector<16xf32>
      %mul3A_188 = arith.mulf %sub3A_187, %sub3A_187 : vector<16xf32>
      %add3A_189 = arith.addf %add3A_183, %mul3A_188 : vector<16xf32>
      %get3A_190 = arith.index_cast %add3A_116 : i32 to index
      %get3A_191 = arith.constant 192 : index
      %get3A_192 = tpu.vector_load %arg6[%get3A_190, %get3A_191] {strides = array<i32>} : memref<32x256xf32, #tpu.memory_space<vmem>>, vector<16xf32>,
      %sub3A_193 = arith.subf %add3A_71, %get3A_192 : vector<16xf32>
      %mul3A_194 = arith.mulf %sub3A_193, %sub3A_193 : vector<16xf32>
      %add3A_195 = arith.addf %add3A_189, %mul3A_194 : vector<16xf32>
      %get3A_196 = arith.index_cast %add3A_116 : i32 to index
      %get3A_197 = arith.constant 208 : index
      %get3A_198 = tpu.vector_load %arg6[%get3A_196, %get3A_197] {strides = array<i32>} : memref<32x256xf32, #tpu.memory_space<vmem>>, vector<16xf32>,
      %sub3A_199 = arith.subf %add3A_76, %get3A_198 : vector<16xf32>
      %mul3A_200 = arith.mulf %sub3A_199, %sub3A_199 : vector<16xf32>
      %add3A_201 = arith.addf %add3A_195, %mul3A_200 : vector<16xf32>
      %get3A_202 = arith.index_cast %add3A_116 : i32 to index
      %get3A_203 = arith.constant 224 : index
      %get3A_204 = tpu.vector_load %arg6[%get3A_202, %get3A_203] {strides = array<i32>} : memref<32x256xf32, #tpu.memory_space<vmem>>, vector<16xf32>,
      %sub3A_205 = arith.subf %add3A_81, %get3A_204 : vector<16xf32>
      %mul3A_206 = arith.mulf %sub3A_205, %sub3A_205 : vector<16xf32>
      %add3A_207 = arith.addf %add3A_201, %mul3A_206 : vector<16xf32>
      %get3A_208 = arith.index_cast %add3A_116 : i32 to index
      %get3A_209 = arith.constant 240 : index
      %get3A_210 = tpu.vector_load %arg6[%get3A_208, %get3A_209] {strides = array<i32>} : memref<32x256xf32, #tpu.memory_space<vmem>>, vector<16xf32>,
      %sub3A_211 = arith.subf %add3A_86, %get3A_210 : vector<16xf32>
      %mul3A_212 = arith.mulf %sub3A_211, %sub3A_211 : vector<16xf32>
      %add3A_213 = arith.addf %add3A_207, %mul3A_212 : vector<16xf32>
      %reduce_sum3A = arith.constant true
      %reduce_sum3A_214 = vector.broadcast %reduce_sum3A : i1 to vector<16xi1>
      %reduce_sum3A_215 = tpu.scan <sum>, %add3A_213 masked %reduce_sum3A_214 : vector<16xf32>, vector<16xi1> -> vector<16xf32>
      %reduce_sum3A_216 = vector.extract %reduce_sum3A_215[15] : f32 from vector<16xf32>
      %eq3A = arith.constant 0 : i32
      %eq3A_217 = vector.broadcast %eq3A : i32 to vector<16xi32>
      %eq3A_218 = arith.cmpi eq, %iota3A, %eq3A_217 : vector<16xi32>
      %broadcast_in_dim3A_219 = vector.broadcast %reduce_sum3A_216 : f32 to vector<16xf32>
      %select_n3A = arith.select %eq3A_218, %broadcast_in_dim3A_219, %broadcast_in_dim3A_112 : vector<16xi1>, vector<16xf32>
      %mul3A_220 = arith.constant 16 : i32
      %mul3A_221 = arith.muli %scan3A_111, %mul3A_220 : i32
      %add3A_222 = arith.constant 1 : i32
      %add3A_223 = arith.addi %mul3A_221, %add3A_222 : i32
      %broadcast_in_dim3A_224 = arith.constant 0.000000e+00 : f32
      %broadcast_in_dim3A_225 = vector.broadcast %broadcast_in_dim3A_224 : f32 to vector<16xf32>
      %get3A_226 = arith.index_cast %add3A_223 : i32 to index
      %get3A_227 = arith.constant 0 : index
      %get3A_228 = tpu.vector_load %arg6[%get3A_226, %get3A_227] {strides = array<i32>} : memref<32x256xf32, #tpu.memory_space<vmem>>, vector<16xf32>,
      %sub3A_229 = arith.subf %add3A_11, %get3A_228 : vector<16xf32>
      %mul3A_230 = arith.mulf %sub3A_229, %sub3A_229 : vector<16xf32>
      %add3A_231 = arith.addf %broadcast_in_dim3A_225, %mul3A_230 : vector<16xf32>
      %get3A_232 = arith.index_cast %add3A_223 : i32 to index
      %get3A_233 = arith.constant 16 : index
      %get3A_234 = tpu.vector_load %arg6[%get3A_232, %get3A_233] {strides = array<i32>} : memref<32x256xf32, #tpu.memory_space<vmem>>, vector<16xf32>,
      %sub3A_235 = arith.subf %add3A_16, %get3A_234 : vector<16xf32>
      %mul3A_236 = arith.mulf %sub3A_235, %sub3A_235 : vector<16xf32>
      %add3A_237 = arith.addf %add3A_231, %mul3A_236 : vector<16xf32>
      %get3A_238 = arith.index_cast %add3A_223 : i32 to index
      %get3A_239 = arith.constant 32 : index
      %get3A_240 = tpu.vector_load %arg6[%get3A_238, %get3A_239] {strides = array<i32>} : memref<32x256xf32, #tpu.memory_space<vmem>>, vector<16xf32>,
      %sub3A_241 = arith.subf %add3A_21, %get3A_240 : vector<16xf32>
      %mul3A_242 = arith.mulf %sub3A_241, %sub3A_241 : vector<16xf32>
      %add3A_243 = arith.addf %add3A_237, %mul3A_242 : vector<16xf32>
      %get3A_244 = arith.index_cast %add3A_223 : i32 to index
      %get3A_245 = arith.constant 48 : index
      %get3A_246 = tpu.vector_load %arg6[%get3A_244, %get3A_245] {strides = array<i32>} : memref<32x256xf32, #tpu.memory_space<vmem>>, vector<16xf32>,
      %sub3A_247 = arith.subf %add3A_26, %get3A_246 : vector<16xf32>
      %mul3A_248 = arith.mulf %sub3A_247, %sub3A_247 : vector<16xf32>
      %add3A_249 = arith.addf %add3A_243, %mul3A_248 : vector<16xf32>
      %get3A_250 = arith.index_cast %add3A_223 : i32 to index
      %get3A_251 = arith.constant 64 : index
      %get3A_252 = tpu.vector_load %arg6[%get3A_250, %get3A_251] {strides = array<i32>} : memref<32x256xf32, #tpu.memory_space<vmem>>, vector<16xf32>,
      %sub3A_253 = arith.subf %add3A_31, %get3A_252 : vector<16xf32>
      %mul3A_254 = arith.mulf %sub3A_253, %sub3A_253 : vector<16xf32>
      %add3A_255 = arith.addf %add3A_249, %mul3A_254 : vector<16xf32>
      %get3A_256 = arith.index_cast %add3A_223 : i32 to index
      %get3A_257 = arith.constant 80 : index
      %get3A_258 = tpu.vector_load %arg6[%get3A_256, %get3A_257] {strides = array<i32>} : memref<32x256xf32, #tpu.memory_space<vmem>>, vector<16xf32>,
      %sub3A_259 = arith.subf %add3A_36, %get3A_258 : vector<16xf32>
      %mul3A_260 = arith.mulf %sub3A_259, %sub3A_259 : vector<16xf32>
      %add3A_261 = arith.addf %add3A_255, %mul3A_260 : vector<16xf32>
      %get3A_262 = arith.index_cast %add3A_223 : i32 to index
      %get3A_263 = arith.constant 96 : index
      %get3A_264 = tpu.vector_load %arg6[%get3A_262, %get3A_263] {strides = array<i32>} : memref<32x256xf32, #tpu.memory_space<vmem>>, vector<16xf32>,
      %sub3A_265 = arith.subf %add3A_41, %get3A_264 : vector<16xf32>
      %mul3A_266 = arith.mulf %sub3A_265, %sub3A_265 : vector<16xf32>
      %add3A_267 = arith.addf %add3A_261, %mul3A_266 : vector<16xf32>
      %get3A_268 = arith.index_cast %add3A_223 : i32 to index
      %get3A_269 = arith.constant 112 : index
      %get3A_270 = tpu.vector_load %arg6[%get3A_268, %get3A_269] {strides = array<i32>} : memref<32x256xf32, #tpu.memory_space<vmem>>, vector<16xf32>,
      %sub3A_271 = arith.subf %add3A_46, %get3A_270 : vector<16xf32>
      %mul3A_272 = arith.mulf %sub3A_271, %sub3A_271 : vector<16xf32>
      %add3A_273 = arith.addf %add3A_267, %mul3A_272 : vector<16xf32>
      %get3A_274 = arith.index_cast %add3A_223 : i32 to index
      %get3A_275 = arith.constant 128 : index
      %get3A_276 = tpu.vector_load %arg6[%get3A_274, %get3A_275] {strides = array<i32>} : memref<32x256xf32, #tpu.memory_space<vmem>>, vector<16xf32>,
      %sub3A_277 = arith.subf %add3A_51, %get3A_276 : vector<16xf32>
      %mul3A_278 = arith.mulf %sub3A_277, %sub3A_277 : vector<16xf32>
      %add3A_279 = arith.addf %add3A_273, %mul3A_278 : vector<16xf32>
      %get3A_280 = arith.index_cast %add3A_223 : i32 to index
      %get3A_281 = arith.constant 144 : index
      %get3A_282 = tpu.vector_load %arg6[%get3A_280, %get3A_281] {strides = array<i32>} : memref<32x256xf32, #tpu.memory_space<vmem>>, vector<16xf32>,
      %sub3A_283 = arith.subf %add3A_56, %get3A_282 : vector<16xf32>
      %mul3A_284 = arith.mulf %sub3A_283, %sub3A_283 : vector<16xf32>
      %add3A_285 = arith.addf %add3A_279, %mul3A_284 : vector<16xf32>
      %get3A_286 = arith.index_cast %add3A_223 : i32 to index
      %get3A_287 = arith.constant 160 : index
      %get3A_288 = tpu.vector_load %arg6[%get3A_286, %get3A_287] {strides = array<i32>} : memref<32x256xf32, #tpu.memory_space<vmem>>, vector<16xf32>,
      %sub3A_289 = arith.subf %add3A_61, %get3A_288 : vector<16xf32>
      %mul3A_290 = arith.mulf %sub3A_289, %sub3A_289 : vector<16xf32>
      %add3A_291 = arith.addf %add3A_285, %mul3A_290 : vector<16xf32>
      %get3A_292 = arith.index_cast %add3A_223 : i32 to index
      %get3A_293 = arith.constant 176 : index
      %get3A_294 = tpu.vector_load %arg6[%get3A_292, %get3A_293] {strides = array<i32>} : memref<32x256xf32, #tpu.memory_space<vmem>>, vector<16xf32>,
      %sub3A_295 = arith.subf %add3A_66, %get3A_294 : vector<16xf32>
      %mul3A_296 = arith.mulf %sub3A_295, %sub3A_295 : vector<16xf32>
      %add3A_297 = arith.addf %add3A_291, %mul3A_296 : vector<16xf32>
      %get3A_298 = arith.index_cast %add3A_223 : i32 to index
      %get3A_299 = arith.constant 192 : index
      %get3A_300 = tpu.vector_load %arg6[%get3A_298, %get3A_299] {strides = array<i32>} : memref<32x256xf32, #tpu.memory_space<vmem>>, vector<16xf32>,
      %sub3A_301 = arith.subf %add3A_71, %get3A_300 : vector<16xf32>
      %mul3A_302 = arith.mulf %sub3A_301, %sub3A_301 : vector<16xf32>
      %add3A_303 = arith.addf %add3A_297, %mul3A_302 : vector<16xf32>
      %get3A_304 = arith.index_cast %add3A_223 : i32 to index
      %get3A_305 = arith.constant 208 : index
      %get3A_306 = tpu.vector_load %arg6[%get3A_304, %get3A_305] {strides = array<i32>} : memref<32x256xf32, #tpu.memory_space<vmem>>, vector<16xf32>,
      %sub3A_307 = arith.subf %add3A_76, %get3A_306 : vector<16xf32>
      %mul3A_308 = arith.mulf %sub3A_307, %sub3A_307 : vector<16xf32>
      %add3A_309 = arith.addf %add3A_303, %mul3A_308 : vector<16xf32>
      %get3A_310 = arith.index_cast %add3A_223 : i32 to index
      %get3A_311 = arith.constant 224 : index
      %get3A_312 = tpu.vector_load %arg6[%get3A_310, %get3A_311] {strides = array<i32>} : memref<32x256xf32, #tpu.memory_space<vmem>>, vector<16xf32>,
      %sub3A_313 = arith.subf %add3A_81, %get3A_312 : vector<16xf32>
      %mul3A_314 = arith.mulf %sub3A_313, %sub3A_313 : vector<16xf32>
      %add3A_315 = arith.addf %add3A_309, %mul3A_314 : vector<16xf32>
      %get3A_316 = arith.index_cast %add3A_223 : i32 to index
      %get3A_317 = arith.constant 240 : index
      %get3A_318 = tpu.vector_load %arg6[%get3A_316, %get3A_317] {strides = array<i32>} : memref<32x256xf32, #tpu.memory_space<vmem>>, vector<16xf32>,
      %sub3A_319 = arith.subf %add3A_86, %get3A_318 : vector<16xf32>
      %mul3A_320 = arith.mulf %sub3A_319, %sub3A_319 : vector<16xf32>
      %add3A_321 = arith.addf %add3A_315, %mul3A_320 : vector<16xf32>
      %reduce_sum3A_322 = arith.constant true
      %reduce_sum3A_323 = vector.broadcast %reduce_sum3A_322 : i1 to vector<16xi1>
      %reduce_sum3A_324 = tpu.scan <sum>, %add3A_321 masked %reduce_sum3A_323 : vector<16xf32>, vector<16xi1> -> vector<16xf32>
      %reduce_sum3A_325 = vector.extract %reduce_sum3A_324[15] : f32 from vector<16xf32>
      %eq3A_326 = arith.constant 1 : i32
      %eq3A_327 = vector.broadcast %eq3A_326 : i32 to vector<16xi32>
      %eq3A_328 = arith.cmpi eq, %iota3A, %eq3A_327 : vector<16xi32>
      %broadcast_in_dim3A_329 = vector.broadcast %reduce_sum3A_325 : f32 to vector<16xf32>
      %select_n3A_330 = arith.select %eq3A_328, %broadcast_in_dim3A_329, %select_n3A : vector<16xi1>, vector<16xf32>
      %mul3A_331 = arith.constant 16 : i32
      %mul3A_332 = arith.muli %scan3A_111, %mul3A_331 : i32
      %add3A_333 = arith.constant 2 : i32
      %add3A_334 = arith.addi %mul3A_332, %add3A_333 : i32
      %broadcast_in_dim3A_335 = arith.constant 0.000000e+00 : f32
      %broadcast_in_dim3A_336 = vector.broadcast %broadcast_in_dim3A_335 : f32 to vector<16xf32>
      %get3A_337 = arith.index_cast %add3A_334 : i32 to index
      %get3A_338 = arith.constant 0 : index
      %get3A_339 = tpu.vector_load %arg6[%get3A_337, %get3A_338] {strides = array<i32>} : memref<32x256xf32, #tpu.memory_space<vmem>>, vector<16xf32>,
      %sub3A_340 = arith.subf %add3A_11, %get3A_339 : vector<16xf32>
      %mul3A_341 = arith.mulf %sub3A_340, %sub3A_340 : vector<16xf32>
      %add3A_342 = arith.addf %broadcast_in_dim3A_336, %mul3A_341 : vector<16xf32>
      %get3A_343 = arith.index_cast %add3A_334 : i32 to index
      %get3A_344 = arith.constant 16 : index
      %get3A_345 = tpu.vector_load %arg6[%get3A_343, %get3A_344] {strides = array<i32>} : memref<32x256xf32, #tpu.memory_space<vmem>>, vector<16xf32>,
      %sub3A_346 = arith.subf %add3A_16, %get3A_345 : vector<16xf32>
      %mul3A_347 = arith.mulf %sub3A_346, %sub3A_346 : vector<16xf32>
      %add3A_348 = arith.addf %add3A_342, %mul3A_347 : vector<16xf32>
      %get3A_349 = arith.index_cast %add3A_334 : i32 to index
      %get3A_350 = arith.constant 32 : index
      %get3A_351 = tpu.vector_load %arg6[%get3A_349, %get3A_350] {strides = array<i32>} : memref<32x256xf32, #tpu.memory_space<vmem>>, vector<16xf32>,
      %sub3A_352 = arith.subf %add3A_21, %get3A_351 : vector<16xf32>
      %mul3A_353 = arith.mulf %sub3A_352, %sub3A_352 : vector<16xf32>
      %add3A_354 = arith.addf %add3A_348, %mul3A_353 : vector<16xf32>
      %get3A_355 = arith.index_cast %add3A_334 : i32 to index
      %get3A_356 = arith.constant 48 : index
      %get3A_357 = tpu.vector_load %arg6[%get3A_355, %get3A_356] {strides = array<i32>} : memref<32x256xf32, #tpu.memory_space<vmem>>, vector<16xf32>,
      %sub3A_358 = arith.subf %add3A_26, %get3A_357 : vector<16xf32>
      %mul3A_359 = arith.mulf %sub3A_358, %sub3A_358 : vector<16xf32>
      %add3A_360 = arith.addf %add3A_354, %mul3A_359 : vector<16xf32>
      %get3A_361 = arith.index_cast %add3A_334 : i32 to index
      %get3A_362 = arith.constant 64 : index
      %get3A_363 = tpu.vector_load %arg6[%get3A_361, %get3A_362] {strides = array<i32>} : memref<32x256xf32, #tpu.memory_space<vmem>>, vector<16xf32>,
      %sub3A_364 = arith.subf %add3A_31, %get3A_363 : vector<16xf32>
      %mul3A_365 = arith.mulf %sub3A_364, %sub3A_364 : vector<16xf32>
      %add3A_366 = arith.addf %add3A_360, %mul3A_365 : vector<16xf32>
      %get3A_367 = arith.index_cast %add3A_334 : i32 to index
      %get3A_368 = arith.constant 80 : index
      %get3A_369 = tpu.vector_load %arg6[%get3A_367, %get3A_368] {strides = array<i32>} : memref<32x256xf32, #tpu.memory_space<vmem>>, vector<16xf32>,
      %sub3A_370 = arith.subf %add3A_36, %get3A_369 : vector<16xf32>
      %mul3A_371 = arith.mulf %sub3A_370, %sub3A_370 : vector<16xf32>
      %add3A_372 = arith.addf %add3A_366, %mul3A_371 : vector<16xf32>
      %get3A_373 = arith.index_cast %add3A_334 : i32 to index
      %get3A_374 = arith.constant 96 : index
      %get3A_375 = tpu.vector_load %arg6[%get3A_373, %get3A_374] {strides = array<i32>} : memref<32x256xf32, #tpu.memory_space<vmem>>, vector<16xf32>,
      %sub3A_376 = arith.subf %add3A_41, %get3A_375 : vector<16xf32>
      %mul3A_377 = arith.mulf %sub3A_376, %sub3A_376 : vector<16xf32>
      %add3A_378 = arith.addf %add3A_372, %mul3A_377 : vector<16xf32>
      %get3A_379 = arith.index_cast %add3A_334 : i32 to index
      %get3A_380 = arith.constant 112 : index
      %get3A_381 = tpu.vector_load %arg6[%get3A_379, %get3A_380] {strides = array<i32>} : memref<32x256xf32, #tpu.memory_space<vmem>>, vector<16xf32>,
      %sub3A_382 = arith.subf %add3A_46, %get3A_381 : vector<16xf32>
      %mul3A_383 = arith.mulf %sub3A_382, %sub3A_382 : vector<16xf32>
      %add3A_384 = arith.addf %add3A_378, %mul3A_383 : vector<16xf32>
      %get3A_385 = arith.index_cast %add3A_334 : i32 to index
      %get3A_386 = arith.constant 128 : index
      %get3A_387 = tpu.vector_load %arg6[%get3A_385, %get3A_386] {strides = array<i32>} : memref<32x256xf32, #tpu.memory_space<vmem>>, vector<16xf32>,
      %sub3A_388 = arith.subf %add3A_51, %get3A_387 : vector<16xf32>
      %mul3A_389 = arith.mulf %sub3A_388, %sub3A_388 : vector<16xf32>
      %add3A_390 = arith.addf %add3A_384, %mul3A_389 : vector<16xf32>
      %get3A_391 = arith.index_cast %add3A_334 : i32 to index
      %get3A_392 = arith.constant 144 : index
      %get3A_393 = tpu.vector_load %arg6[%get3A_391, %get3A_392] {strides = array<i32>} : memref<32x256xf32, #tpu.memory_space<vmem>>, vector<16xf32>,
      %sub3A_394 = arith.subf %add3A_56, %get3A_393 : vector<16xf32>
      %mul3A_395 = arith.mulf %sub3A_394, %sub3A_394 : vector<16xf32>
      %add3A_396 = arith.addf %add3A_390, %mul3A_395 : vector<16xf32>
      %get3A_397 = arith.index_cast %add3A_334 : i32 to index
      %get3A_398 = arith.constant 160 : index
      %get3A_399 = tpu.vector_load %arg6[%get3A_397, %get3A_398] {strides = array<i32>} : memref<32x256xf32, #tpu.memory_space<vmem>>, vector<16xf32>,
      %sub3A_400 = arith.subf %add3A_61, %get3A_399 : vector<16xf32>
      %mul3A_401 = arith.mulf %sub3A_400, %sub3A_400 : vector<16xf32>
      %add3A_402 = arith.addf %add3A_396, %mul3A_401 : vector<16xf32>
      %get3A_403 = arith.index_cast %add3A_334 : i32 to index
      %get3A_404 = arith.constant 176 : index
      %get3A_405 = tpu.vector_load %arg6[%get3A_403, %get3A_404] {strides = array<i32>} : memref<32x256xf32, #tpu.memory_space<vmem>>, vector<16xf32>,
      %sub3A_406 = arith.subf %add3A_66, %get3A_405 : vector<16xf32>
      %mul3A_407 = arith.mulf %sub3A_406, %sub3A_406 : vector<16xf32>
      %add3A_408 = arith.addf %add3A_402, %mul3A_407 : vector<16xf32>
      %get3A_409 = arith.index_cast %add3A_334 : i32 to index
      %get3A_410 = arith.constant 192 : index
      %get3A_411 = tpu.vector_load %arg6[%get3A_409, %get3A_410] {strides = array<i32>} : memref<32x256xf32, #tpu.memory_space<vmem>>, vector<16xf32>,
      %sub3A_412 = arith.subf %add3A_71, %get3A_411 : vector<16xf32>
      %mul3A_413 = arith.mulf %sub3A_412, %sub3A_412 : vector<16xf32>
      %add3A_414 = arith.addf %add3A_408, %mul3A_413 : vector<16xf32>
      %get3A_415 = arith.index_cast %add3A_334 : i32 to index
      %get3A_416 = arith.constant 208 : index
      %get3A_417 = tpu.vector_load %arg6[%get3A_415, %get3A_416] {strides = array<i32>} : memref<32x256xf32, #tpu.memory_space<vmem>>, vector<16xf32>,
      %sub3A_418 = arith.subf %add3A_76, %get3A_417 : vector<16xf32>
      %mul3A_419 = arith.mulf %sub3A_418, %sub3A_418 : vector<16xf32>
      %add3A_420 = arith.addf %add3A_414, %mul3A_419 : vector<16xf32>
      %get3A_421 = arith.index_cast %add3A_334 : i32 to index
      %get3A_422 = arith.constant 224 : index
      %get3A_423 = tpu.vector_load %arg6[%get3A_421, %get3A_422] {strides = array<i32>} : memref<32x256xf32, #tpu.memory_space<vmem>>, vector<16xf32>,
      %sub3A_424 = arith.subf %add3A_81, %get3A_423 : vector<16xf32>
      %mul3A_425 = arith.mulf %sub3A_424, %sub3A_424 : vector<16xf32>
      %add3A_426 = arith.addf %add3A_420, %mul3A_425 : vector<16xf32>
      %get3A_427 = arith.index_cast %add3A_334 : i32 to index
      %get3A_428 = arith.constant 240 : index
      %get3A_429 = tpu.vector_load %arg6[%get3A_427, %get3A_428] {strides = array<i32>} : memref<32x256xf32, #tpu.memory_space<vmem>>, vector<16xf32>,
      %sub3A_430 = arith.subf %add3A_86, %get3A_429 : vector<16xf32>
      %mul3A_431 = arith.mulf %sub3A_430, %sub3A_430 : vector<16xf32>
      %add3A_432 = arith.addf %add3A_426, %mul3A_431 : vector<16xf32>
      %reduce_sum3A_433 = arith.constant true
      %reduce_sum3A_434 = vector.broadcast %reduce_sum3A_433 : i1 to vector<16xi1>
      %reduce_sum3A_435 = tpu.scan <sum>, %add3A_432 masked %reduce_sum3A_434 : vector<16xf32>, vector<16xi1> -> vector<16xf32>
      %reduce_sum3A_436 = vector.extract %reduce_sum3A_435[15] : f32 from vector<16xf32>
      %eq3A_437 = arith.constant 2 : i32
      %eq3A_438 = vector.broadcast %eq3A_437 : i32 to vector<16xi32>
      %eq3A_439 = arith.cmpi eq, %iota3A, %eq3A_438 : vector<16xi32>
      %broadcast_in_dim3A_440 = vector.broadcast %reduce_sum3A_436 : f32 to vector<16xf32>
      %select_n3A_441 = arith.select %eq3A_439, %broadcast_in_dim3A_440, %select_n3A_330 : vector<16xi1>, vector<16xf32>
      %mul3A_442 = arith.constant 16 : i32
      %mul3A_443 = arith.muli %scan3A_111, %mul3A_442 : i32
      %add3A_444 = arith.constant 3 : i32
      %add3A_445 = arith.addi %mul3A_443, %add3A_444 : i32
      %broadcast_in_dim3A_446 = arith.constant 0.000000e+00 : f32
      %broadcast_in_dim3A_447 = vector.broadcast %broadcast_in_dim3A_446 : f32 to vector<16xf32>
      %get3A_448 = arith.index_cast %add3A_445 : i32 to index
      %get3A_449 = arith.constant 0 : index
      %get3A_450 = tpu.vector_load %arg6[%get3A_448, %get3A_449] {strides = array<i32>} : memref<32x256xf32, #tpu.memory_space<vmem>>, vector<16xf32>,
      %sub3A_451 = arith.subf %add3A_11, %get3A_450 : vector<16xf32>
      %mul3A_452 = arith.mulf %sub3A_451, %sub3A_451 : vector<16xf32>
      %add3A_453 = arith.addf %broadcast_in_dim3A_447, %mul3A_452 : vector<16xf32>
      %get3A_454 = arith.index_cast %add3A_445 : i32 to index
      %get3A_455 = arith.constant 16 : index
      %get3A_456 = tpu.vector_load %arg6[%get3A_454, %get3A_455] {strides = array<i32>} : memref<32x256xf32, #tpu.memory_space<vmem>>, vector<16xf32>,
      %sub3A_457 = arith.subf %add3A_16, %get3A_456 : vector<16xf32>
      %mul3A_458 = arith.mulf %sub3A_457, %sub3A_457 : vector<16xf32>
      %add3A_459 = arith.addf %add3A_453, %mul3A_458 : vector<16xf32>
      %get3A_460 = arith.index_cast %add3A_445 : i32 to index
      %get3A_461 = arith.constant 32 : index
      %get3A_462 = tpu.vector_load %arg6[%get3A_460, %get3A_461] {strides = array<i32>} : memref<32x256xf32, #tpu.memory_space<vmem>>, vector<16xf32>,
      %sub3A_463 = arith.subf %add3A_21, %get3A_462 : vector<16xf32>
      %mul3A_464 = arith.mulf %sub3A_463, %sub3A_463 : vector<16xf32>
      %add3A_465 = arith.addf %add3A_459, %mul3A_464 : vector<16xf32>
      %get3A_466 = arith.index_cast %add3A_445 : i32 to index
      %get3A_467 = arith.constant 48 : index
      %get3A_468 = tpu.vector_load %arg6[%get3A_466, %get3A_467] {strides = array<i32>} : memref<32x256xf32, #tpu.memory_space<vmem>>, vector<16xf32>,
      %sub3A_469 = arith.subf %add3A_26, %get3A_468 : vector<16xf32>
      %mul3A_470 = arith.mulf %sub3A_469, %sub3A_469 : vector<16xf32>
      %add3A_471 = arith.addf %add3A_465, %mul3A_470 : vector<16xf32>
      %get3A_472 = arith.index_cast %add3A_445 : i32 to index
      %get3A_473 = arith.constant 64 : index
      %get3A_474 = tpu.vector_load %arg6[%get3A_472, %get3A_473] {strides = array<i32>} : memref<32x256xf32, #tpu.memory_space<vmem>>, vector<16xf32>,
      %sub3A_475 = arith.subf %add3A_31, %get3A_474 : vector<16xf32>
      %mul3A_476 = arith.mulf %sub3A_475, %sub3A_475 : vector<16xf32>
      %add3A_477 = arith.addf %add3A_471, %mul3A_476 : vector<16xf32>
      %get3A_478 = arith.index_cast %add3A_445 : i32 to index
      %get3A_479 = arith.constant 80 : index
      %get3A_480 = tpu.vector_load %arg6[%get3A_478, %get3A_479] {strides = array<i32>} : memref<32x256xf32, #tpu.memory_space<vmem>>, vector<16xf32>,
      %sub3A_481 = arith.subf %add3A_36, %get3A_480 : vector<16xf32>
      %mul3A_482 = arith.mulf %sub3A_481, %sub3A_481 : vector<16xf32>
      %add3A_483 = arith.addf %add3A_477, %mul3A_482 : vector<16xf32>
      %get3A_484 = arith.index_cast %add3A_445 : i32 to index
      %get3A_485 = arith.constant 96 : index
      %get3A_486 = tpu.vector_load %arg6[%get3A_484, %get3A_485] {strides = array<i32>} : memref<32x256xf32, #tpu.memory_space<vmem>>, vector<16xf32>,
      %sub3A_487 = arith.subf %add3A_41, %get3A_486 : vector<16xf32>
      %mul3A_488 = arith.mulf %sub3A_487, %sub3A_487 : vector<16xf32>
      %add3A_489 = arith.addf %add3A_483, %mul3A_488 : vector<16xf32>
      %get3A_490 = arith.index_cast %add3A_445 : i32 to index
      %get3A_491 = arith.constant 112 : index
      %get3A_492 = tpu.vector_load %arg6[%get3A_490, %get3A_491] {strides = array<i32>} : memref<32x256xf32, #tpu.memory_space<vmem>>, vector<16xf32>,
      %sub3A_493 = arith.subf %add3A_46, %get3A_492 : vector<16xf32>
      %mul3A_494 = arith.mulf %sub3A_493, %sub3A_493 : vector<16xf32>
      %add3A_495 = arith.addf %add3A_489, %mul3A_494 : vector<16xf32>
      %get3A_496 = arith.index_cast %add3A_445 : i32 to index
      %get3A_497 = arith.constant 128 : index
      %get3A_498 = tpu.vector_load %arg6[%get3A_496, %get3A_497] {strides = array<i32>} : memref<32x256xf32, #tpu.memory_space<vmem>>, vector<16xf32>,
      %sub3A_499 = arith.subf %add3A_51, %get3A_498 : vector<16xf32>
      %mul3A_500 = arith.mulf %sub3A_499, %sub3A_499 : vector<16xf32>
      %add3A_501 = arith.addf %add3A_495, %mul3A_500 : vector<16xf32>
      %get3A_502 = arith.index_cast %add3A_445 : i32 to index
      %get3A_503 = arith.constant 144 : index
      %get3A_504 = tpu.vector_load %arg6[%get3A_502, %get3A_503] {strides = array<i32>} : memref<32x256xf32, #tpu.memory_space<vmem>>, vector<16xf32>,
      %sub3A_505 = arith.subf %add3A_56, %get3A_504 : vector<16xf32>
      %mul3A_506 = arith.mulf %sub3A_505, %sub3A_505 : vector<16xf32>
      %add3A_507 = arith.addf %add3A_501, %mul3A_506 : vector<16xf32>
      %get3A_508 = arith.index_cast %add3A_445 : i32 to index
      %get3A_509 = arith.constant 160 : index
      %get3A_510 = tpu.vector_load %arg6[%get3A_508, %get3A_509] {strides = array<i32>} : memref<32x256xf32, #tpu.memory_space<vmem>>, vector<16xf32>,
      %sub3A_511 = arith.subf %add3A_61, %get3A_510 : vector<16xf32>
      %mul3A_512 = arith.mulf %sub3A_511, %sub3A_511 : vector<16xf32>
      %add3A_513 = arith.addf %add3A_507, %mul3A_512 : vector<16xf32>
      %get3A_514 = arith.index_cast %add3A_445 : i32 to index
      %get3A_515 = arith.constant 176 : index
      %get3A_516 = tpu.vector_load %arg6[%get3A_514, %get3A_515] {strides = array<i32>} : memref<32x256xf32, #tpu.memory_space<vmem>>, vector<16xf32>,
      %sub3A_517 = arith.subf %add3A_66, %get3A_516 : vector<16xf32>
      %mul3A_518 = arith.mulf %sub3A_517, %sub3A_517 : vector<16xf32>
      %add3A_519 = arith.addf %add3A_513, %mul3A_518 : vector<16xf32>
      %get3A_520 = arith.index_cast %add3A_445 : i32 to index
      %get3A_521 = arith.constant 192 : index
      %get3A_522 = tpu.vector_load %arg6[%get3A_520, %get3A_521] {strides = array<i32>} : memref<32x256xf32, #tpu.memory_space<vmem>>, vector<16xf32>,
      %sub3A_523 = arith.subf %add3A_71, %get3A_522 : vector<16xf32>
      %mul3A_524 = arith.mulf %sub3A_523, %sub3A_523 : vector<16xf32>
      %add3A_525 = arith.addf %add3A_519, %mul3A_524 : vector<16xf32>
      %get3A_526 = arith.index_cast %add3A_445 : i32 to index
      %get3A_527 = arith.constant 208 : index
      %get3A_528 = tpu.vector_load %arg6[%get3A_526, %get3A_527] {strides = array<i32>} : memref<32x256xf32, #tpu.memory_space<vmem>>, vector<16xf32>,
      %sub3A_529 = arith.subf %add3A_76, %get3A_528 : vector<16xf32>
      %mul3A_530 = arith.mulf %sub3A_529, %sub3A_529 : vector<16xf32>
      %add3A_531 = arith.addf %add3A_525, %mul3A_530 : vector<16xf32>
      %get3A_532 = arith.index_cast %add3A_445 : i32 to index
      %get3A_533 = arith.constant 224 : index
      %get3A_534 = tpu.vector_load %arg6[%get3A_532, %get3A_533] {strides = array<i32>} : memref<32x256xf32, #tpu.memory_space<vmem>>, vector<16xf32>,
      %sub3A_535 = arith.subf %add3A_81, %get3A_534 : vector<16xf32>
      %mul3A_536 = arith.mulf %sub3A_535, %sub3A_535 : vector<16xf32>
      %add3A_537 = arith.addf %add3A_531, %mul3A_536 : vector<16xf32>
      %get3A_538 = arith.index_cast %add3A_445 : i32 to index
      %get3A_539 = arith.constant 240 : index
      %get3A_540 = tpu.vector_load %arg6[%get3A_538, %get3A_539] {strides = array<i32>} : memref<32x256xf32, #tpu.memory_space<vmem>>, vector<16xf32>,
      %sub3A_541 = arith.subf %add3A_86, %get3A_540 : vector<16xf32>
      %mul3A_542 = arith.mulf %sub3A_541, %sub3A_541 : vector<16xf32>
      %add3A_543 = arith.addf %add3A_537, %mul3A_542 : vector<16xf32>
      %reduce_sum3A_544 = arith.constant true
      %reduce_sum3A_545 = vector.broadcast %reduce_sum3A_544 : i1 to vector<16xi1>
      %reduce_sum3A_546 = tpu.scan <sum>, %add3A_543 masked %reduce_sum3A_545 : vector<16xf32>, vector<16xi1> -> vector<16xf32>
      %reduce_sum3A_547 = vector.extract %reduce_sum3A_546[15] : f32 from vector<16xf32>
      %eq3A_548 = arith.constant 3 : i32
      %eq3A_549 = vector.broadcast %eq3A_548 : i32 to vector<16xi32>
      %eq3A_550 = arith.cmpi eq, %iota3A, %eq3A_549 : vector<16xi32>
      %broadcast_in_dim3A_551 = vector.broadcast %reduce_sum3A_547 : f32 to vector<16xf32>
      %select_n3A_552 = arith.select %eq3A_550, %broadcast_in_dim3A_551, %select_n3A_441 : vector<16xi1>, vector<16xf32>
      %mul3A_553 = arith.constant 16 : i32
      %mul3A_554 = arith.muli %scan3A_111, %mul3A_553 : i32
      %add3A_555 = arith.constant 4 : i32
      %add3A_556 = arith.addi %mul3A_554, %add3A_555 : i32
      %broadcast_in_dim3A_557 = arith.constant 0.000000e+00 : f32
      %broadcast_in_dim3A_558 = vector.broadcast %broadcast_in_dim3A_557 : f32 to vector<16xf32>
      %get3A_559 = arith.index_cast %add3A_556 : i32 to index
      %get3A_560 = arith.constant 0 : index
      %get3A_561 = tpu.vector_load %arg6[%get3A_559, %get3A_560] {strides = array<i32>} : memref<32x256xf32, #tpu.memory_space<vmem>>, vector<16xf32>,
      %sub3A_562 = arith.subf %add3A_11, %get3A_561 : vector<16xf32>
      %mul3A_563 = arith.mulf %sub3A_562, %sub3A_562 : vector<16xf32>
      %add3A_564 = arith.addf %broadcast_in_dim3A_558, %mul3A_563 : vector<16xf32>
      %get3A_565 = arith.index_cast %add3A_556 : i32 to index
      %get3A_566 = arith.constant 16 : index
      %get3A_567 = tpu.vector_load %arg6[%get3A_565, %get3A_566] {strides = array<i32>} : memref<32x256xf32, #tpu.memory_space<vmem>>, vector<16xf32>,
      %sub3A_568 = arith.subf %add3A_16, %get3A_567 : vector<16xf32>
      %mul3A_569 = arith.mulf %sub3A_568, %sub3A_568 : vector<16xf32>
      %add3A_570 = arith.addf %add3A_564, %mul3A_569 : vector<16xf32>
      %get3A_571 = arith.index_cast %add3A_556 : i32 to index
      %get3A_572 = arith.constant 32 : index
      %get3A_573 = tpu.vector_load %arg6[%get3A_571, %get3A_572] {strides = array<i32>} : memref<32x256xf32, #tpu.memory_space<vmem>>, vector<16xf32>,
      %sub3A_574 = arith.subf %add3A_21, %get3A_573 : vector<16xf32>
      %mul3A_575 = arith.mulf %sub3A_574, %sub3A_574 : vector<16xf32>
      %add3A_576 = arith.addf %add3A_570, %mul3A_575 : vector<16xf32>
      %get3A_577 = arith.index_cast %add3A_556 : i32 to index
      %get3A_578 = arith.constant 48 : index
      %get3A_579 = tpu.vector_load %arg6[%get3A_577, %get3A_578] {strides = array<i32>} : memref<32x256xf32, #tpu.memory_space<vmem>>, vector<16xf32>,
      %sub3A_580 = arith.subf %add3A_26, %get3A_579 : vector<16xf32>
      %mul3A_581 = arith.mulf %sub3A_580, %sub3A_580 : vector<16xf32>
      %add3A_582 = arith.addf %add3A_576, %mul3A_581 : vector<16xf32>
      %get3A_583 = arith.index_cast %add3A_556 : i32 to index
      %get3A_584 = arith.constant 64 : index
      %get3A_585 = tpu.vector_load %arg6[%get3A_583, %get3A_584] {strides = array<i32>} : memref<32x256xf32, #tpu.memory_space<vmem>>, vector<16xf32>,
      %sub3A_586 = arith.subf %add3A_31, %get3A_585 : vector<16xf32>
      %mul3A_587 = arith.mulf %sub3A_586, %sub3A_586 : vector<16xf32>
      %add3A_588 = arith.addf %add3A_582, %mul3A_587 : vector<16xf32>
      %get3A_589 = arith.index_cast %add3A_556 : i32 to index
      %get3A_590 = arith.constant 80 : index
      %get3A_591 = tpu.vector_load %arg6[%get3A_589, %get3A_590] {strides = array<i32>} : memref<32x256xf32, #tpu.memory_space<vmem>>, vector<16xf32>,
      %sub3A_592 = arith.subf %add3A_36, %get3A_591 : vector<16xf32>
      %mul3A_593 = arith.mulf %sub3A_592, %sub3A_592 : vector<16xf32>
      %add3A_594 = arith.addf %add3A_588, %mul3A_593 : vector<16xf32>
      %get3A_595 = arith.index_cast %add3A_556 : i32 to index
      %get3A_596 = arith.constant 96 : index
      %get3A_597 = tpu.vector_load %arg6[%get3A_595, %get3A_596] {strides = array<i32>} : memref<32x256xf32, #tpu.memory_space<vmem>>, vector<16xf32>,
      %sub3A_598 = arith.subf %add3A_41, %get3A_597 : vector<16xf32>
      %mul3A_599 = arith.mulf %sub3A_598, %sub3A_598 : vector<16xf32>
      %add3A_600 = arith.addf %add3A_594, %mul3A_599 : vector<16xf32>
      %get3A_601 = arith.index_cast %add3A_556 : i32 to index
      %get3A_602 = arith.constant 112 : index
      %get3A_603 = tpu.vector_load %arg6[%get3A_601, %get3A_602] {strides = array<i32>} : memref<32x256xf32, #tpu.memory_space<vmem>>, vector<16xf32>,
      %sub3A_604 = arith.subf %add3A_46, %get3A_603 : vector<16xf32>
      %mul3A_605 = arith.mulf %sub3A_604, %sub3A_604 : vector<16xf32>
      %add3A_606 = arith.addf %add3A_600, %mul3A_605 : vector<16xf32>
      %get3A_607 = arith.index_cast %add3A_556 : i32 to index
      %get3A_608 = arith.constant 128 : index
      %get3A_609 = tpu.vector_load %arg6[%get3A_607, %get3A_608] {strides = array<i32>} : memref<32x256xf32, #tpu.memory_space<vmem>>, vector<16xf32>,
      %sub3A_610 = arith.subf %add3A_51, %get3A_609 : vector<16xf32>
      %mul3A_611 = arith.mulf %sub3A_610, %sub3A_610 : vector<16xf32>
      %add3A_612 = arith.addf %add3A_606, %mul3A_611 : vector<16xf32>
      %get3A_613 = arith.index_cast %add3A_556 : i32 to index
      %get3A_614 = arith.constant 144 : index
      %get3A_615 = tpu.vector_load %arg6[%get3A_613, %get3A_614] {strides = array<i32>} : memref<32x256xf32, #tpu.memory_space<vmem>>, vector<16xf32>,
      %sub3A_616 = arith.subf %add3A_56, %get3A_615 : vector<16xf32>
      %mul3A_617 = arith.mulf %sub3A_616, %sub3A_616 : vector<16xf32>
      %add3A_618 = arith.addf %add3A_612, %mul3A_617 : vector<16xf32>
      %get3A_619 = arith.index_cast %add3A_556 : i32 to index
      %get3A_620 = arith.constant 160 : index
      %get3A_621 = tpu.vector_load %arg6[%get3A_619, %get3A_620] {strides = array<i32>} : memref<32x256xf32, #tpu.memory_space<vmem>>, vector<16xf32>,
      %sub3A_622 = arith.subf %add3A_61, %get3A_621 : vector<16xf32>
      %mul3A_623 = arith.mulf %sub3A_622, %sub3A_622 : vector<16xf32>
      %add3A_624 = arith.addf %add3A_618, %mul3A_623 : vector<16xf32>
      %get3A_625 = arith.index_cast %add3A_556 : i32 to index
      %get3A_626 = arith.constant 176 : index
      %get3A_627 = tpu.vector_load %arg6[%get3A_625, %get3A_626] {strides = array<i32>} : memref<32x256xf32, #tpu.memory_space<vmem>>, vector<16xf32>,
      %sub3A_628 = arith.subf %add3A_66, %get3A_627 : vector<16xf32>
      %mul3A_629 = arith.mulf %sub3A_628, %sub3A_628 : vector<16xf32>
      %add3A_630 = arith.addf %add3A_624, %mul3A_629 : vector<16xf32>
      %get3A_631 = arith.index_cast %add3A_556 : i32 to index
      %get3A_632 = arith.constant 192 : index
      %get3A_633 = tpu.vector_load %arg6[%get3A_631, %get3A_632] {strides = array<i32>} : memref<32x256xf32, #tpu.memory_space<vmem>>, vector<16xf32>,
      %sub3A_634 = arith.subf %add3A_71, %get3A_633 : vector<16xf32>
      %mul3A_635 = arith.mulf %sub3A_634, %sub3A_634 : vector<16xf32>
      %add3A_636 = arith.addf %add3A_630, %mul3A_635 : vector<16xf32>
      %get3A_637 = arith.index_cast %add3A_556 : i32 to index
      %get3A_638 = arith.constant 208 : index
      %get3A_639 = tpu.vector_load %arg6[%get3A_637, %get3A_638] {strides = array<i32>} : memref<32x256xf32, #tpu.memory_space<vmem>>, vector<16xf32>,
      %sub3A_640 = arith.subf %add3A_76, %get3A_639 : vector<16xf32>
      %mul3A_641 = arith.mulf %sub3A_640, %sub3A_640 : vector<16xf32>
      %add3A_642 = arith.addf %add3A_636, %mul3A_641 : vector<16xf32>
      %get3A_643 = arith.index_cast %add3A_556 : i32 to index
      %get3A_644 = arith.constant 224 : index
      %get3A_645 = tpu.vector_load %arg6[%get3A_643, %get3A_644] {strides = array<i32>} : memref<32x256xf32, #tpu.memory_space<vmem>>, vector<16xf32>,
      %sub3A_646 = arith.subf %add3A_81, %get3A_645 : vector<16xf32>
      %mul3A_647 = arith.mulf %sub3A_646, %sub3A_646 : vector<16xf32>
      %add3A_648 = arith.addf %add3A_642, %mul3A_647 : vector<16xf32>
      %get3A_649 = arith.index_cast %add3A_556 : i32 to index
      %get3A_650 = arith.constant 240 : index
      %get3A_651 = tpu.vector_load %arg6[%get3A_649, %get3A_650] {strides = array<i32>} : memref<32x256xf32, #tpu.memory_space<vmem>>, vector<16xf32>,
      %sub3A_652 = arith.subf %add3A_86, %get3A_651 : vector<16xf32>
      %mul3A_653 = arith.mulf %sub3A_652, %sub3A_652 : vector<16xf32>
      %add3A_654 = arith.addf %add3A_648, %mul3A_653 : vector<16xf32>
      %reduce_sum3A_655 = arith.constant true
      %reduce_sum3A_656 = vector.broadcast %reduce_sum3A_655 : i1 to vector<16xi1>
      %reduce_sum3A_657 = tpu.scan <sum>, %add3A_654 masked %reduce_sum3A_656 : vector<16xf32>, vector<16xi1> -> vector<16xf32>
      %reduce_sum3A_658 = vector.extract %reduce_sum3A_657[15] : f32 from vector<16xf32>
      %eq3A_659 = arith.constant 4 : i32
      %eq3A_660 = vector.broadcast %eq3A_659 : i32 to vector<16xi32>
      %eq3A_661 = arith.cmpi eq, %iota3A, %eq3A_660 : vector<16xi32>
      %broadcast_in_dim3A_662 = vector.broadcast %reduce_sum3A_658 : f32 to vector<16xf32>
      %select_n3A_663 = arith.select %eq3A_661, %broadcast_in_dim3A_662, %select_n3A_552 : vector<16xi1>, vector<16xf32>
      %mul3A_664 = arith.constant 16 : i32
      %mul3A_665 = arith.muli %scan3A_111, %mul3A_664 : i32
      %add3A_666 = arith.constant 5 : i32
      %add3A_667 = arith.addi %mul3A_665, %add3A_666 : i32
      %broadcast_in_dim3A_668 = arith.constant 0.000000e+00 : f32
      %broadcast_in_dim3A_669 = vector.broadcast %broadcast_in_dim3A_668 : f32 to vector<16xf32>
      %get3A_670 = arith.index_cast %add3A_667 : i32 to index
      %get3A_671 = arith.constant 0 : index
      %get3A_672 = tpu.vector_load %arg6[%get3A_670, %get3A_671] {strides = array<i32>} : memref<32x256xf32, #tpu.memory_space<vmem>>, vector<16xf32>,
      %sub3A_673 = arith.subf %add3A_11, %get3A_672 : vector<16xf32>
      %mul3A_674 = arith.mulf %sub3A_673, %sub3A_673 : vector<16xf32>
      %add3A_675 = arith.addf %broadcast_in_dim3A_669, %mul3A_674 : vector<16xf32>
      %get3A_676 = arith.index_cast %add3A_667 : i32 to index
      %get3A_677 = arith.constant 16 : index
      %get3A_678 = tpu.vector_load %arg6[%get3A_676, %get3A_677] {strides = array<i32>} : memref<32x256xf32, #tpu.memory_space<vmem>>, vector<16xf32>,
      %sub3A_679 = arith.subf %add3A_16, %get3A_678 : vector<16xf32>
      %mul3A_680 = arith.mulf %sub3A_679, %sub3A_679 : vector<16xf32>
      %add3A_681 = arith.addf %add3A_675, %mul3A_680 : vector<16xf32>
      %get3A_682 = arith.index_cast %add3A_667 : i32 to index
      %get3A_683 = arith.constant 32 : index
      %get3A_684 = tpu.vector_load %arg6[%get3A_682, %get3A_683] {strides = array<i32>} : memref<32x256xf32, #tpu.memory_space<vmem>>, vector<16xf32>,
      %sub3A_685 = arith.subf %add3A_21, %get3A_684 : vector<16xf32>
      %mul3A_686 = arith.mulf %sub3A_685, %sub3A_685 : vector<16xf32>
      %add3A_687 = arith.addf %add3A_681, %mul3A_686 : vector<16xf32>
      %get3A_688 = arith.index_cast %add3A_667 : i32 to index
      %get3A_689 = arith.constant 48 : index
      %get3A_690 = tpu.vector_load %arg6[%get3A_688, %get3A_689] {strides = array<i32>} : memref<32x256xf32, #tpu.memory_space<vmem>>, vector<16xf32>,
      %sub3A_691 = arith.subf %add3A_26, %get3A_690 : vector<16xf32>
      %mul3A_692 = arith.mulf %sub3A_691, %sub3A_691 : vector<16xf32>
      %add3A_693 = arith.addf %add3A_687, %mul3A_692 : vector<16xf32>
      %get3A_694 = arith.index_cast %add3A_667 : i32 to index
      %get3A_695 = arith.constant 64 : index
      %get3A_696 = tpu.vector_load %arg6[%get3A_694, %get3A_695] {strides = array<i32>} : memref<32x256xf32, #tpu.memory_space<vmem>>, vector<16xf32>,
      %sub3A_697 = arith.subf %add3A_31, %get3A_696 : vector<16xf32>
      %mul3A_698 = arith.mulf %sub3A_697, %sub3A_697 : vector<16xf32>
      %add3A_699 = arith.addf %add3A_693, %mul3A_698 : vector<16xf32>
      %get3A_700 = arith.index_cast %add3A_667 : i32 to index
      %get3A_701 = arith.constant 80 : index
      %get3A_702 = tpu.vector_load %arg6[%get3A_700, %get3A_701] {strides = array<i32>} : memref<32x256xf32, #tpu.memory_space<vmem>>, vector<16xf32>,
      %sub3A_703 = arith.subf %add3A_36, %get3A_702 : vector<16xf32>
      %mul3A_704 = arith.mulf %sub3A_703, %sub3A_703 : vector<16xf32>
      %add3A_705 = arith.addf %add3A_699, %mul3A_704 : vector<16xf32>
      %get3A_706 = arith.index_cast %add3A_667 : i32 to index
      %get3A_707 = arith.constant 96 : index
      %get3A_708 = tpu.vector_load %arg6[%get3A_706, %get3A_707] {strides = array<i32>} : memref<32x256xf32, #tpu.memory_space<vmem>>, vector<16xf32>,
      %sub3A_709 = arith.subf %add3A_41, %get3A_708 : vector<16xf32>
      %mul3A_710 = arith.mulf %sub3A_709, %sub3A_709 : vector<16xf32>
      %add3A_711 = arith.addf %add3A_705, %mul3A_710 : vector<16xf32>
      %get3A_712 = arith.index_cast %add3A_667 : i32 to index
      %get3A_713 = arith.constant 112 : index
      %get3A_714 = tpu.vector_load %arg6[%get3A_712, %get3A_713] {strides = array<i32>} : memref<32x256xf32, #tpu.memory_space<vmem>>, vector<16xf32>,
      %sub3A_715 = arith.subf %add3A_46, %get3A_714 : vector<16xf32>
      %mul3A_716 = arith.mulf %sub3A_715, %sub3A_715 : vector<16xf32>
      %add3A_717 = arith.addf %add3A_711, %mul3A_716 : vector<16xf32>
      %get3A_718 = arith.index_cast %add3A_667 : i32 to index
      %get3A_719 = arith.constant 128 : index
      %get3A_720 = tpu.vector_load %arg6[%get3A_718, %get3A_719] {strides = array<i32>} : memref<32x256xf32, #tpu.memory_space<vmem>>, vector<16xf32>,
      %sub3A_721 = arith.subf %add3A_51, %get3A_720 : vector<16xf32>
      %mul3A_722 = arith.mulf %sub3A_721, %sub3A_721 : vector<16xf32>
      %add3A_723 = arith.addf %add3A_717, %mul3A_722 : vector<16xf32>
      %get3A_724 = arith.index_cast %add3A_667 : i32 to index
      %get3A_725 = arith.constant 144 : index
      %get3A_726 = tpu.vector_load %arg6[%get3A_724, %get3A_725] {strides = array<i32>} : memref<32x256xf32, #tpu.memory_space<vmem>>, vector<16xf32>,
      %sub3A_727 = arith.subf %add3A_56, %get3A_726 : vector<16xf32>
      %mul3A_728 = arith.mulf %sub3A_727, %sub3A_727 : vector<16xf32>
      %add3A_729 = arith.addf %add3A_723, %mul3A_728 : vector<16xf32>
      %get3A_730 = arith.index_cast %add3A_667 : i32 to index
      %get3A_731 = arith.constant 160 : index
      %get3A_732 = tpu.vector_load %arg6[%get3A_730, %get3A_731] {strides = array<i32>} : memref<32x256xf32, #tpu.memory_space<vmem>>, vector<16xf32>,
      %sub3A_733 = arith.subf %add3A_61, %get3A_732 : vector<16xf32>
      %mul3A_734 = arith.mulf %sub3A_733, %sub3A_733 : vector<16xf32>
      %add3A_735 = arith.addf %add3A_729, %mul3A_734 : vector<16xf32>
      %get3A_736 = arith.index_cast %add3A_667 : i32 to index
      %get3A_737 = arith.constant 176 : index
      %get3A_738 = tpu.vector_load %arg6[%get3A_736, %get3A_737] {strides = array<i32>} : memref<32x256xf32, #tpu.memory_space<vmem>>, vector<16xf32>,
      %sub3A_739 = arith.subf %add3A_66, %get3A_738 : vector<16xf32>
      %mul3A_740 = arith.mulf %sub3A_739, %sub3A_739 : vector<16xf32>
      %add3A_741 = arith.addf %add3A_735, %mul3A_740 : vector<16xf32>
      %get3A_742 = arith.index_cast %add3A_667 : i32 to index
      %get3A_743 = arith.constant 192 : index
      %get3A_744 = tpu.vector_load %arg6[%get3A_742, %get3A_743] {strides = array<i32>} : memref<32x256xf32, #tpu.memory_space<vmem>>, vector<16xf32>,
      %sub3A_745 = arith.subf %add3A_71, %get3A_744 : vector<16xf32>
      %mul3A_746 = arith.mulf %sub3A_745, %sub3A_745 : vector<16xf32>
      %add3A_747 = arith.addf %add3A_741, %mul3A_746 : vector<16xf32>
      %get3A_748 = arith.index_cast %add3A_667 : i32 to index
      %get3A_749 = arith.constant 208 : index
      %get3A_750 = tpu.vector_load %arg6[%get3A_748, %get3A_749] {strides = array<i32>} : memref<32x256xf32, #tpu.memory_space<vmem>>, vector<16xf32>,
      %sub3A_751 = arith.subf %add3A_76, %get3A_750 : vector<16xf32>
      %mul3A_752 = arith.mulf %sub3A_751, %sub3A_751 : vector<16xf32>
      %add3A_753 = arith.addf %add3A_747, %mul3A_752 : vector<16xf32>
      %get3A_754 = arith.index_cast %add3A_667 : i32 to index
      %get3A_755 = arith.constant 224 : index
      %get3A_756 = tpu.vector_load %arg6[%get3A_754, %get3A_755] {strides = array<i32>} : memref<32x256xf32, #tpu.memory_space<vmem>>, vector<16xf32>,
      %sub3A_757 = arith.subf %add3A_81, %get3A_756 : vector<16xf32>
      %mul3A_758 = arith.mulf %sub3A_757, %sub3A_757 : vector<16xf32>
      %add3A_759 = arith.addf %add3A_753, %mul3A_758 : vector<16xf32>
      %get3A_760 = arith.index_cast %add3A_667 : i32 to index
      %get3A_761 = arith.constant 240 : index
      %get3A_762 = tpu.vector_load %arg6[%get3A_760, %get3A_761] {strides = array<i32>} : memref<32x256xf32, #tpu.memory_space<vmem>>, vector<16xf32>,
      %sub3A_763 = arith.subf %add3A_86, %get3A_762 : vector<16xf32>
      %mul3A_764 = arith.mulf %sub3A_763, %sub3A_763 : vector<16xf32>
      %add3A_765 = arith.addf %add3A_759, %mul3A_764 : vector<16xf32>
      %reduce_sum3A_766 = arith.constant true
      %reduce_sum3A_767 = vector.broadcast %reduce_sum3A_766 : i1 to vector<16xi1>
      %reduce_sum3A_768 = tpu.scan <sum>, %add3A_765 masked %reduce_sum3A_767 : vector<16xf32>, vector<16xi1> -> vector<16xf32>
      %reduce_sum3A_769 = vector.extract %reduce_sum3A_768[15] : f32 from vector<16xf32>
      %eq3A_770 = arith.constant 5 : i32
      %eq3A_771 = vector.broadcast %eq3A_770 : i32 to vector<16xi32>
      %eq3A_772 = arith.cmpi eq, %iota3A, %eq3A_771 : vector<16xi32>
      %broadcast_in_dim3A_773 = vector.broadcast %reduce_sum3A_769 : f32 to vector<16xf32>
      %select_n3A_774 = arith.select %eq3A_772, %broadcast_in_dim3A_773, %select_n3A_663 : vector<16xi1>, vector<16xf32>
      %mul3A_775 = arith.constant 16 : i32
      %mul3A_776 = arith.muli %scan3A_111, %mul3A_775 : i32
      %add3A_777 = arith.constant 6 : i32
      %add3A_778 = arith.addi %mul3A_776, %add3A_777 : i32
      %broadcast_in_dim3A_779 = arith.constant 0.000000e+00 : f32
      %broadcast_in_dim3A_780 = vector.broadcast %broadcast_in_dim3A_779 : f32 to vector<16xf32>
      %get3A_781 = arith.index_cast %add3A_778 : i32 to index
      %get3A_782 = arith.constant 0 : index
      %get3A_783 = tpu.vector_load %arg6[%get3A_781, %get3A_782] {strides = array<i32>} : memref<32x256xf32, #tpu.memory_space<vmem>>, vector<16xf32>,
      %sub3A_784 = arith.subf %add3A_11, %get3A_783 : vector<16xf32>
      %mul3A_785 = arith.mulf %sub3A_784, %sub3A_784 : vector<16xf32>
      %add3A_786 = arith.addf %broadcast_in_dim3A_780, %mul3A_785 : vector<16xf32>
      %get3A_787 = arith.index_cast %add3A_778 : i32 to index
      %get3A_788 = arith.constant 16 : index
      %get3A_789 = tpu.vector_load %arg6[%get3A_787, %get3A_788] {strides = array<i32>} : memref<32x256xf32, #tpu.memory_space<vmem>>, vector<16xf32>,
      %sub3A_790 = arith.subf %add3A_16, %get3A_789 : vector<16xf32>
      %mul3A_791 = arith.mulf %sub3A_790, %sub3A_790 : vector<16xf32>
      %add3A_792 = arith.addf %add3A_786, %mul3A_791 : vector<16xf32>
      %get3A_793 = arith.index_cast %add3A_778 : i32 to index
      %get3A_794 = arith.constant 32 : index
      %get3A_795 = tpu.vector_load %arg6[%get3A_793, %get3A_794] {strides = array<i32>} : memref<32x256xf32, #tpu.memory_space<vmem>>, vector<16xf32>,
      %sub3A_796 = arith.subf %add3A_21, %get3A_795 : vector<16xf32>
      %mul3A_797 = arith.mulf %sub3A_796, %sub3A_796 : vector<16xf32>
      %add3A_798 = arith.addf %add3A_792, %mul3A_797 : vector<16xf32>
      %get3A_799 = arith.index_cast %add3A_778 : i32 to index
      %get3A_800 = arith.constant 48 : index
      %get3A_801 = tpu.vector_load %arg6[%get3A_799, %get3A_800] {strides = array<i32>} : memref<32x256xf32, #tpu.memory_space<vmem>>, vector<16xf32>,
      %sub3A_802 = arith.subf %add3A_26, %get3A_801 : vector<16xf32>
      %mul3A_803 = arith.mulf %sub3A_802, %sub3A_802 : vector<16xf32>
      %add3A_804 = arith.addf %add3A_798, %mul3A_803 : vector<16xf32>
      %get3A_805 = arith.index_cast %add3A_778 : i32 to index
      %get3A_806 = arith.constant 64 : index
      %get3A_807 = tpu.vector_load %arg6[%get3A_805, %get3A_806] {strides = array<i32>} : memref<32x256xf32, #tpu.memory_space<vmem>>, vector<16xf32>,
      %sub3A_808 = arith.subf %add3A_31, %get3A_807 : vector<16xf32>
      %mul3A_809 = arith.mulf %sub3A_808, %sub3A_808 : vector<16xf32>
      %add3A_810 = arith.addf %add3A_804, %mul3A_809 : vector<16xf32>
      %get3A_811 = arith.index_cast %add3A_778 : i32 to index
      %get3A_812 = arith.constant 80 : index
      %get3A_813 = tpu.vector_load %arg6[%get3A_811, %get3A_812] {strides = array<i32>} : memref<32x256xf32, #tpu.memory_space<vmem>>, vector<16xf32>,
      %sub3A_814 = arith.subf %add3A_36, %get3A_813 : vector<16xf32>
      %mul3A_815 = arith.mulf %sub3A_814, %sub3A_814 : vector<16xf32>
      %add3A_816 = arith.addf %add3A_810, %mul3A_815 : vector<16xf32>
      %get3A_817 = arith.index_cast %add3A_778 : i32 to index
      %get3A_818 = arith.constant 96 : index
      %get3A_819 = tpu.vector_load %arg6[%get3A_817, %get3A_818] {strides = array<i32>} : memref<32x256xf32, #tpu.memory_space<vmem>>, vector<16xf32>,
      %sub3A_820 = arith.subf %add3A_41, %get3A_819 : vector<16xf32>
      %mul3A_821 = arith.mulf %sub3A_820, %sub3A_820 : vector<16xf32>
      %add3A_822 = arith.addf %add3A_816, %mul3A_821 : vector<16xf32>
      %get3A_823 = arith.index_cast %add3A_778 : i32 to index
      %get3A_824 = arith.constant 112 : index
      %get3A_825 = tpu.vector_load %arg6[%get3A_823, %get3A_824] {strides = array<i32>} : memref<32x256xf32, #tpu.memory_space<vmem>>, vector<16xf32>,
      %sub3A_826 = arith.subf %add3A_46, %get3A_825 : vector<16xf32>
      %mul3A_827 = arith.mulf %sub3A_826, %sub3A_826 : vector<16xf32>
      %add3A_828 = arith.addf %add3A_822, %mul3A_827 : vector<16xf32>
      %get3A_829 = arith.index_cast %add3A_778 : i32 to index
      %get3A_830 = arith.constant 128 : index
      %get3A_831 = tpu.vector_load %arg6[%get3A_829, %get3A_830] {strides = array<i32>} : memref<32x256xf32, #tpu.memory_space<vmem>>, vector<16xf32>,
      %sub3A_832 = arith.subf %add3A_51, %get3A_831 : vector<16xf32>
      %mul3A_833 = arith.mulf %sub3A_832, %sub3A_832 : vector<16xf32>
      %add3A_834 = arith.addf %add3A_828, %mul3A_833 : vector<16xf32>
      %get3A_835 = arith.index_cast %add3A_778 : i32 to index
      %get3A_836 = arith.constant 144 : index
      %get3A_837 = tpu.vector_load %arg6[%get3A_835, %get3A_836] {strides = array<i32>} : memref<32x256xf32, #tpu.memory_space<vmem>>, vector<16xf32>,
      %sub3A_838 = arith.subf %add3A_56, %get3A_837 : vector<16xf32>
      %mul3A_839 = arith.mulf %sub3A_838, %sub3A_838 : vector<16xf32>
      %add3A_840 = arith.addf %add3A_834, %mul3A_839 : vector<16xf32>
      %get3A_841 = arith.index_cast %add3A_778 : i32 to index
      %get3A_842 = arith.constant 160 : index
      %get3A_843 = tpu.vector_load %arg6[%get3A_841, %get3A_842] {strides = array<i32>} : memref<32x256xf32, #tpu.memory_space<vmem>>, vector<16xf32>,
      %sub3A_844 = arith.subf %add3A_61, %get3A_843 : vector<16xf32>
      %mul3A_845 = arith.mulf %sub3A_844, %sub3A_844 : vector<16xf32>
      %add3A_846 = arith.addf %add3A_840, %mul3A_845 : vector<16xf32>
      %get3A_847 = arith.index_cast %add3A_778 : i32 to index
      %get3A_848 = arith.constant 176 : index
      %get3A_849 = tpu.vector_load %arg6[%get3A_847, %get3A_848] {strides = array<i32>} : memref<32x256xf32, #tpu.memory_space<vmem>>, vector<16xf32>,
      %sub3A_850 = arith.subf %add3A_66, %get3A_849 : vector<16xf32>
      %mul3A_851 = arith.mulf %sub3A_850, %sub3A_850 : vector<16xf32>
      %add3A_852 = arith.addf %add3A_846, %mul3A_851 : vector<16xf32>
      %get3A_853 = arith.index_cast %add3A_778 : i32 to index
      %get3A_854 = arith.constant 192 : index
      %get3A_855 = tpu.vector_load %arg6[%get3A_853, %get3A_854] {strides = array<i32>} : memref<32x256xf32, #tpu.memory_space<vmem>>, vector<16xf32>,
      %sub3A_856 = arith.subf %add3A_71, %get3A_855 : vector<16xf32>
      %mul3A_857 = arith.mulf %sub3A_856, %sub3A_856 : vector<16xf32>
      %add3A_858 = arith.addf %add3A_852, %mul3A_857 : vector<16xf32>
      %get3A_859 = arith.index_cast %add3A_778 : i32 to index
      %get3A_860 = arith.constant 208 : index
      %get3A_861 = tpu.vector_load %arg6[%get3A_859, %get3A_860] {strides = array<i32>} : memref<32x256xf32, #tpu.memory_space<vmem>>, vector<16xf32>,
      %sub3A_862 = arith.subf %add3A_76, %get3A_861 : vector<16xf32>
      %mul3A_863 = arith.mulf %sub3A_862, %sub3A_862 : vector<16xf32>
      %add3A_864 = arith.addf %add3A_858, %mul3A_863 : vector<16xf32>
      %get3A_865 = arith.index_cast %add3A_778 : i32 to index
      %get3A_866 = arith.constant 224 : index
      %get3A_867 = tpu.vector_load %arg6[%get3A_865, %get3A_866] {strides = array<i32>} : memref<32x256xf32, #tpu.memory_space<vmem>>, vector<16xf32>,
      %sub3A_868 = arith.subf %add3A_81, %get3A_867 : vector<16xf32>
      %mul3A_869 = arith.mulf %sub3A_868, %sub3A_868 : vector<16xf32>
      %add3A_870 = arith.addf %add3A_864, %mul3A_869 : vector<16xf32>
      %get3A_871 = arith.index_cast %add3A_778 : i32 to index
      %get3A_872 = arith.constant 240 : index
      %get3A_873 = tpu.vector_load %arg6[%get3A_871, %get3A_872] {strides = array<i32>} : memref<32x256xf32, #tpu.memory_space<vmem>>, vector<16xf32>,
      %sub3A_874 = arith.subf %add3A_86, %get3A_873 : vector<16xf32>
      %mul3A_875 = arith.mulf %sub3A_874, %sub3A_874 : vector<16xf32>
      %add3A_876 = arith.addf %add3A_870, %mul3A_875 : vector<16xf32>
      %reduce_sum3A_877 = arith.constant true
      %reduce_sum3A_878 = vector.broadcast %reduce_sum3A_877 : i1 to vector<16xi1>
      %reduce_sum3A_879 = tpu.scan <sum>, %add3A_876 masked %reduce_sum3A_878 : vector<16xf32>, vector<16xi1> -> vector<16xf32>
      %reduce_sum3A_880 = vector.extract %reduce_sum3A_879[15] : f32 from vector<16xf32>
      %eq3A_881 = arith.constant 6 : i32
      %eq3A_882 = vector.broadcast %eq3A_881 : i32 to vector<16xi32>
      %eq3A_883 = arith.cmpi eq, %iota3A, %eq3A_882 : vector<16xi32>
      %broadcast_in_dim3A_884 = vector.broadcast %reduce_sum3A_880 : f32 to vector<16xf32>
      %select_n3A_885 = arith.select %eq3A_883, %broadcast_in_dim3A_884, %select_n3A_774 : vector<16xi1>, vector<16xf32>
      %mul3A_886 = arith.constant 16 : i32
      %mul3A_887 = arith.muli %scan3A_111, %mul3A_886 : i32
      %add3A_888 = arith.constant 7 : i32
      %add3A_889 = arith.addi %mul3A_887, %add3A_888 : i32
      %broadcast_in_dim3A_890 = arith.constant 0.000000e+00 : f32
      %broadcast_in_dim3A_891 = vector.broadcast %broadcast_in_dim3A_890 : f32 to vector<16xf32>
      %get3A_892 = arith.index_cast %add3A_889 : i32 to index
      %get3A_893 = arith.constant 0 : index
      %get3A_894 = tpu.vector_load %arg6[%get3A_892, %get3A_893] {strides = array<i32>} : memref<32x256xf32, #tpu.memory_space<vmem>>, vector<16xf32>,
      %sub3A_895 = arith.subf %add3A_11, %get3A_894 : vector<16xf32>
      %mul3A_896 = arith.mulf %sub3A_895, %sub3A_895 : vector<16xf32>
      %add3A_897 = arith.addf %broadcast_in_dim3A_891, %mul3A_896 : vector<16xf32>
      %get3A_898 = arith.index_cast %add3A_889 : i32 to index
      %get3A_899 = arith.constant 16 : index
      %get3A_900 = tpu.vector_load %arg6[%get3A_898, %get3A_899] {strides = array<i32>} : memref<32x256xf32, #tpu.memory_space<vmem>>, vector<16xf32>,
      %sub3A_901 = arith.subf %add3A_16, %get3A_900 : vector<16xf32>
      %mul3A_902 = arith.mulf %sub3A_901, %sub3A_901 : vector<16xf32>
      %add3A_903 = arith.addf %add3A_897, %mul3A_902 : vector<16xf32>
      %get3A_904 = arith.index_cast %add3A_889 : i32 to index
      %get3A_905 = arith.constant 32 : index
      %get3A_906 = tpu.vector_load %arg6[%get3A_904, %get3A_905] {strides = array<i32>} : memref<32x256xf32, #tpu.memory_space<vmem>>, vector<16xf32>,
      %sub3A_907 = arith.subf %add3A_21, %get3A_906 : vector<16xf32>
      %mul3A_908 = arith.mulf %sub3A_907, %sub3A_907 : vector<16xf32>
      %add3A_909 = arith.addf %add3A_903, %mul3A_908 : vector<16xf32>
      %get3A_910 = arith.index_cast %add3A_889 : i32 to index
      %get3A_911 = arith.constant 48 : index
      %get3A_912 = tpu.vector_load %arg6[%get3A_910, %get3A_911] {strides = array<i32>} : memref<32x256xf32, #tpu.memory_space<vmem>>, vector<16xf32>,
      %sub3A_913 = arith.subf %add3A_26, %get3A_912 : vector<16xf32>
      %mul3A_914 = arith.mulf %sub3A_913, %sub3A_913 : vector<16xf32>
      %add3A_915 = arith.addf %add3A_909, %mul3A_914 : vector<16xf32>
      %get3A_916 = arith.index_cast %add3A_889 : i32 to index
      %get3A_917 = arith.constant 64 : index
      %get3A_918 = tpu.vector_load %arg6[%get3A_916, %get3A_917] {strides = array<i32>} : memref<32x256xf32, #tpu.memory_space<vmem>>, vector<16xf32>,
      %sub3A_919 = arith.subf %add3A_31, %get3A_918 : vector<16xf32>
      %mul3A_920 = arith.mulf %sub3A_919, %sub3A_919 : vector<16xf32>
      %add3A_921 = arith.addf %add3A_915, %mul3A_920 : vector<16xf32>
      %get3A_922 = arith.index_cast %add3A_889 : i32 to index
      %get3A_923 = arith.constant 80 : index
      %get3A_924 = tpu.vector_load %arg6[%get3A_922, %get3A_923] {strides = array<i32>} : memref<32x256xf32, #tpu.memory_space<vmem>>, vector<16xf32>,
      %sub3A_925 = arith.subf %add3A_36, %get3A_924 : vector<16xf32>
      %mul3A_926 = arith.mulf %sub3A_925, %sub3A_925 : vector<16xf32>
      %add3A_927 = arith.addf %add3A_921, %mul3A_926 : vector<16xf32>
      %get3A_928 = arith.index_cast %add3A_889 : i32 to index
      %get3A_929 = arith.constant 96 : index
      %get3A_930 = tpu.vector_load %arg6[%get3A_928, %get3A_929] {strides = array<i32>} : memref<32x256xf32, #tpu.memory_space<vmem>>, vector<16xf32>,
      %sub3A_931 = arith.subf %add3A_41, %get3A_930 : vector<16xf32>
      %mul3A_932 = arith.mulf %sub3A_931, %sub3A_931 : vector<16xf32>
      %add3A_933 = arith.addf %add3A_927, %mul3A_932 : vector<16xf32>
      %get3A_934 = arith.index_cast %add3A_889 : i32 to index
      %get3A_935 = arith.constant 112 : index
      %get3A_936 = tpu.vector_load %arg6[%get3A_934, %get3A_935] {strides = array<i32>} : memref<32x256xf32, #tpu.memory_space<vmem>>, vector<16xf32>,
      %sub3A_937 = arith.subf %add3A_46, %get3A_936 : vector<16xf32>
      %mul3A_938 = arith.mulf %sub3A_937, %sub3A_937 : vector<16xf32>
      %add3A_939 = arith.addf %add3A_933, %mul3A_938 : vector<16xf32>
      %get3A_940 = arith.index_cast %add3A_889 : i32 to index
      %get3A_941 = arith.constant 128 : index
      %get3A_942 = tpu.vector_load %arg6[%get3A_940, %get3A_941] {strides = array<i32>} : memref<32x256xf32, #tpu.memory_space<vmem>>, vector<16xf32>,
      %sub3A_943 = arith.subf %add3A_51, %get3A_942 : vector<16xf32>
      %mul3A_944 = arith.mulf %sub3A_943, %sub3A_943 : vector<16xf32>
      %add3A_945 = arith.addf %add3A_939, %mul3A_944 : vector<16xf32>
      %get3A_946 = arith.index_cast %add3A_889 : i32 to index
      %get3A_947 = arith.constant 144 : index
      %get3A_948 = tpu.vector_load %arg6[%get3A_946, %get3A_947] {strides = array<i32>} : memref<32x256xf32, #tpu.memory_space<vmem>>, vector<16xf32>,
      %sub3A_949 = arith.subf %add3A_56, %get3A_948 : vector<16xf32>
      %mul3A_950 = arith.mulf %sub3A_949, %sub3A_949 : vector<16xf32>
      %add3A_951 = arith.addf %add3A_945, %mul3A_950 : vector<16xf32>
      %get3A_952 = arith.index_cast %add3A_889 : i32 to index
      %get3A_953 = arith.constant 160 : index
      %get3A_954 = tpu.vector_load %arg6[%get3A_952, %get3A_953] {strides = array<i32>} : memref<32x256xf32, #tpu.memory_space<vmem>>, vector<16xf32>,
      %sub3A_955 = arith.subf %add3A_61, %get3A_954 : vector<16xf32>
      %mul3A_956 = arith.mulf %sub3A_955, %sub3A_955 : vector<16xf32>
      %add3A_957 = arith.addf %add3A_951, %mul3A_956 : vector<16xf32>
      %get3A_958 = arith.index_cast %add3A_889 : i32 to index
      %get3A_959 = arith.constant 176 : index
      %get3A_960 = tpu.vector_load %arg6[%get3A_958, %get3A_959] {strides = array<i32>} : memref<32x256xf32, #tpu.memory_space<vmem>>, vector<16xf32>,
      %sub3A_961 = arith.subf %add3A_66, %get3A_960 : vector<16xf32>
      %mul3A_962 = arith.mulf %sub3A_961, %sub3A_961 : vector<16xf32>
      %add3A_963 = arith.addf %add3A_957, %mul3A_962 : vector<16xf32>
      %get3A_964 = arith.index_cast %add3A_889 : i32 to index
      %get3A_965 = arith.constant 192 : index
      %get3A_966 = tpu.vector_load %arg6[%get3A_964, %get3A_965] {strides = array<i32>} : memref<32x256xf32, #tpu.memory_space<vmem>>, vector<16xf32>,
      %sub3A_967 = arith.subf %add3A_71, %get3A_966 : vector<16xf32>
      %mul3A_968 = arith.mulf %sub3A_967, %sub3A_967 : vector<16xf32>
      %add3A_969 = arith.addf %add3A_963, %mul3A_968 : vector<16xf32>
      %get3A_970 = arith.index_cast %add3A_889 : i32 to index
      %get3A_971 = arith.constant 208 : index
      %get3A_972 = tpu.vector_load %arg6[%get3A_970, %get3A_971] {strides = array<i32>} : memref<32x256xf32, #tpu.memory_space<vmem>>, vector<16xf32>,
      %sub3A_973 = arith.subf %add3A_76, %get3A_972 : vector<16xf32>
      %mul3A_974 = arith.mulf %sub3A_973, %sub3A_973 : vector<16xf32>
      %add3A_975 = arith.addf %add3A_969, %mul3A_974 : vector<16xf32>
      %get3A_976 = arith.index_cast %add3A_889 : i32 to index
      %get3A_977 = arith.constant 224 : index
      %get3A_978 = tpu.vector_load %arg6[%get3A_976, %get3A_977] {strides = array<i32>} : memref<32x256xf32, #tpu.memory_space<vmem>>, vector<16xf32>,
      %sub3A_979 = arith.subf %add3A_81, %get3A_978 : vector<16xf32>
      %mul3A_980 = arith.mulf %sub3A_979, %sub3A_979 : vector<16xf32>
      %add3A_981 = arith.addf %add3A_975, %mul3A_980 : vector<16xf32>
      %get3A_982 = arith.index_cast %add3A_889 : i32 to index
      %get3A_983 = arith.constant 240 : index
      %get3A_984 = tpu.vector_load %arg6[%get3A_982, %get3A_983] {strides = array<i32>} : memref<32x256xf32, #tpu.memory_space<vmem>>, vector<16xf32>,
      %sub3A_985 = arith.subf %add3A_86, %get3A_984 : vector<16xf32>
      %mul3A_986 = arith.mulf %sub3A_985, %sub3A_985 : vector<16xf32>
      %add3A_987 = arith.addf %add3A_981, %mul3A_986 : vector<16xf32>
      %reduce_sum3A_988 = arith.constant true
      %reduce_sum3A_989 = vector.broadcast %reduce_sum3A_988 : i1 to vector<16xi1>
      %reduce_sum3A_990 = tpu.scan <sum>, %add3A_987 masked %reduce_sum3A_989 : vector<16xf32>, vector<16xi1> -> vector<16xf32>
      %reduce_sum3A_991 = vector.extract %reduce_sum3A_990[15] : f32 from vector<16xf32>
      %eq3A_992 = arith.constant 7 : i32
      %eq3A_993 = vector.broadcast %eq3A_992 : i32 to vector<16xi32>
      %eq3A_994 = arith.cmpi eq, %iota3A, %eq3A_993 : vector<16xi32>
      %broadcast_in_dim3A_995 = vector.broadcast %reduce_sum3A_991 : f32 to vector<16xf32>
      %select_n3A_996 = arith.select %eq3A_994, %broadcast_in_dim3A_995, %select_n3A_885 : vector<16xi1>, vector<16xf32>
      %mul3A_997 = arith.constant 16 : i32
      %mul3A_998 = arith.muli %scan3A_111, %mul3A_997 : i32
      %add3A_999 = arith.constant 8 : i32
      %add3A_1000 = arith.addi %mul3A_998, %add3A_999 : i32
      %broadcast_in_dim3A_1001 = arith.constant 0.000000e+00 : f32
      %broadcast_in_dim3A_1002 = vector.broadcast %broadcast_in_dim3A_1001 : f32 to vector<16xf32>
      %get3A_1003 = arith.index_cast %add3A_1000 : i32 to index
      %get3A_1004 = arith.constant 0 : index
      %get3A_1005 = tpu.vector_load %arg6[%get3A_1003, %get3A_1004] {strides = array<i32>} : memref<32x256xf32, #tpu.memory_space<vmem>>, vector<16xf32>,
      %sub3A_1006 = arith.subf %add3A_11, %get3A_1005 : vector<16xf32>
      %mul3A_1007 = arith.mulf %sub3A_1006, %sub3A_1006 : vector<16xf32>
      %add3A_1008 = arith.addf %broadcast_in_dim3A_1002, %mul3A_1007 : vector<16xf32>
      %get3A_1009 = arith.index_cast %add3A_1000 : i32 to index
      %get3A_1010 = arith.constant 16 : index
      %get3A_1011 = tpu.vector_load %arg6[%get3A_1009, %get3A_1010] {strides = array<i32>} : memref<32x256xf32, #tpu.memory_space<vmem>>, vector<16xf32>,
      %sub3A_1012 = arith.subf %add3A_16, %get3A_1011 : vector<16xf32>
      %mul3A_1013 = arith.mulf %sub3A_1012, %sub3A_1012 : vector<16xf32>
      %add3A_1014 = arith.addf %add3A_1008, %mul3A_1013 : vector<16xf32>
      %get3A_1015 = arith.index_cast %add3A_1000 : i32 to index
      %get3A_1016 = arith.constant 32 : index
      %get3A_1017 = tpu.vector_load %arg6[%get3A_1015, %get3A_1016] {strides = array<i32>} : memref<32x256xf32, #tpu.memory_space<vmem>>, vector<16xf32>,
      %sub3A_1018 = arith.subf %add3A_21, %get3A_1017 : vector<16xf32>
      %mul3A_1019 = arith.mulf %sub3A_1018, %sub3A_1018 : vector<16xf32>
      %add3A_1020 = arith.addf %add3A_1014, %mul3A_1019 : vector<16xf32>
      %get3A_1021 = arith.index_cast %add3A_1000 : i32 to index
      %get3A_1022 = arith.constant 48 : index
      %get3A_1023 = tpu.vector_load %arg6[%get3A_1021, %get3A_1022] {strides = array<i32>} : memref<32x256xf32, #tpu.memory_space<vmem>>, vector<16xf32>,
      %sub3A_1024 = arith.subf %add3A_26, %get3A_1023 : vector<16xf32>
      %mul3A_1025 = arith.mulf %sub3A_1024, %sub3A_1024 : vector<16xf32>
      %add3A_1026 = arith.addf %add3A_1020, %mul3A_1025 : vector<16xf32>
      %get3A_1027 = arith.index_cast %add3A_1000 : i32 to index
      %get3A_1028 = arith.constant 64 : index
      %get3A_1029 = tpu.vector_load %arg6[%get3A_1027, %get3A_1028] {strides = array<i32>} : memref<32x256xf32, #tpu.memory_space<vmem>>, vector<16xf32>,
      %sub3A_1030 = arith.subf %add3A_31, %get3A_1029 : vector<16xf32>
      %mul3A_1031 = arith.mulf %sub3A_1030, %sub3A_1030 : vector<16xf32>
      %add3A_1032 = arith.addf %add3A_1026, %mul3A_1031 : vector<16xf32>
      %get3A_1033 = arith.index_cast %add3A_1000 : i32 to index
      %get3A_1034 = arith.constant 80 : index
      %get3A_1035 = tpu.vector_load %arg6[%get3A_1033, %get3A_1034] {strides = array<i32>} : memref<32x256xf32, #tpu.memory_space<vmem>>, vector<16xf32>,
      %sub3A_1036 = arith.subf %add3A_36, %get3A_1035 : vector<16xf32>
      %mul3A_1037 = arith.mulf %sub3A_1036, %sub3A_1036 : vector<16xf32>
      %add3A_1038 = arith.addf %add3A_1032, %mul3A_1037 : vector<16xf32>
      %get3A_1039 = arith.index_cast %add3A_1000 : i32 to index
      %get3A_1040 = arith.constant 96 : index
      %get3A_1041 = tpu.vector_load %arg6[%get3A_1039, %get3A_1040] {strides = array<i32>} : memref<32x256xf32, #tpu.memory_space<vmem>>, vector<16xf32>,
      %sub3A_1042 = arith.subf %add3A_41, %get3A_1041 : vector<16xf32>
      %mul3A_1043 = arith.mulf %sub3A_1042, %sub3A_1042 : vector<16xf32>
      %add3A_1044 = arith.addf %add3A_1038, %mul3A_1043 : vector<16xf32>
      %get3A_1045 = arith.index_cast %add3A_1000 : i32 to index
      %get3A_1046 = arith.constant 112 : index
      %get3A_1047 = tpu.vector_load %arg6[%get3A_1045, %get3A_1046] {strides = array<i32>} : memref<32x256xf32, #tpu.memory_space<vmem>>, vector<16xf32>,
      %sub3A_1048 = arith.subf %add3A_46, %get3A_1047 : vector<16xf32>
      %mul3A_1049 = arith.mulf %sub3A_1048, %sub3A_1048 : vector<16xf32>
      %add3A_1050 = arith.addf %add3A_1044, %mul3A_1049 : vector<16xf32>
      %get3A_1051 = arith.index_cast %add3A_1000 : i32 to index
      %get3A_1052 = arith.constant 128 : index
      %get3A_1053 = tpu.vector_load %arg6[%get3A_1051, %get3A_1052] {strides = array<i32>} : memref<32x256xf32, #tpu.memory_space<vmem>>, vector<16xf32>,
      %sub3A_1054 = arith.subf %add3A_51, %get3A_1053 : vector<16xf32>
      %mul3A_1055 = arith.mulf %sub3A_1054, %sub3A_1054 : vector<16xf32>
      %add3A_1056 = arith.addf %add3A_1050, %mul3A_1055 : vector<16xf32>
      %get3A_1057 = arith.index_cast %add3A_1000 : i32 to index
      %get3A_1058 = arith.constant 144 : index
      %get3A_1059 = tpu.vector_load %arg6[%get3A_1057, %get3A_1058] {strides = array<i32>} : memref<32x256xf32, #tpu.memory_space<vmem>>, vector<16xf32>,
      %sub3A_1060 = arith.subf %add3A_56, %get3A_1059 : vector<16xf32>
      %mul3A_1061 = arith.mulf %sub3A_1060, %sub3A_1060 : vector<16xf32>
      %add3A_1062 = arith.addf %add3A_1056, %mul3A_1061 : vector<16xf32>
      %get3A_1063 = arith.index_cast %add3A_1000 : i32 to index
      %get3A_1064 = arith.constant 160 : index
      %get3A_1065 = tpu.vector_load %arg6[%get3A_1063, %get3A_1064] {strides = array<i32>} : memref<32x256xf32, #tpu.memory_space<vmem>>, vector<16xf32>,
      %sub3A_1066 = arith.subf %add3A_61, %get3A_1065 : vector<16xf32>
      %mul3A_1067 = arith.mulf %sub3A_1066, %sub3A_1066 : vector<16xf32>
      %add3A_1068 = arith.addf %add3A_1062, %mul3A_1067 : vector<16xf32>
      %get3A_1069 = arith.index_cast %add3A_1000 : i32 to index
      %get3A_1070 = arith.constant 176 : index
      %get3A_1071 = tpu.vector_load %arg6[%get3A_1069, %get3A_1070] {strides = array<i32>} : memref<32x256xf32, #tpu.memory_space<vmem>>, vector<16xf32>,
      %sub3A_1072 = arith.subf %add3A_66, %get3A_1071 : vector<16xf32>
      %mul3A_1073 = arith.mulf %sub3A_1072, %sub3A_1072 : vector<16xf32>
      %add3A_1074 = arith.addf %add3A_1068, %mul3A_1073 : vector<16xf32>
      %get3A_1075 = arith.index_cast %add3A_1000 : i32 to index
      %get3A_1076 = arith.constant 192 : index
      %get3A_1077 = tpu.vector_load %arg6[%get3A_1075, %get3A_1076] {strides = array<i32>} : memref<32x256xf32, #tpu.memory_space<vmem>>, vector<16xf32>,
      %sub3A_1078 = arith.subf %add3A_71, %get3A_1077 : vector<16xf32>
      %mul3A_1079 = arith.mulf %sub3A_1078, %sub3A_1078 : vector<16xf32>
      %add3A_1080 = arith.addf %add3A_1074, %mul3A_1079 : vector<16xf32>
      %get3A_1081 = arith.index_cast %add3A_1000 : i32 to index
      %get3A_1082 = arith.constant 208 : index
      %get3A_1083 = tpu.vector_load %arg6[%get3A_1081, %get3A_1082] {strides = array<i32>} : memref<32x256xf32, #tpu.memory_space<vmem>>, vector<16xf32>,
      %sub3A_1084 = arith.subf %add3A_76, %get3A_1083 : vector<16xf32>
      %mul3A_1085 = arith.mulf %sub3A_1084, %sub3A_1084 : vector<16xf32>
      %add3A_1086 = arith.addf %add3A_1080, %mul3A_1085 : vector<16xf32>
      %get3A_1087 = arith.index_cast %add3A_1000 : i32 to index
      %get3A_1088 = arith.constant 224 : index
      %get3A_1089 = tpu.vector_load %arg6[%get3A_1087, %get3A_1088] {strides = array<i32>} : memref<32x256xf32, #tpu.memory_space<vmem>>, vector<16xf32>,
      %sub3A_1090 = arith.subf %add3A_81, %get3A_1089 : vector<16xf32>
      %mul3A_1091 = arith.mulf %sub3A_1090, %sub3A_1090 : vector<16xf32>
      %add3A_1092 = arith.addf %add3A_1086, %mul3A_1091 : vector<16xf32>
      %get3A_1093 = arith.index_cast %add3A_1000 : i32 to index
      %get3A_1094 = arith.constant 240 : index
      %get3A_1095 = tpu.vector_load %arg6[%get3A_1093, %get3A_1094] {strides = array<i32>} : memref<32x256xf32, #tpu.memory_space<vmem>>, vector<16xf32>,
      %sub3A_1096 = arith.subf %add3A_86, %get3A_1095 : vector<16xf32>
      %mul3A_1097 = arith.mulf %sub3A_1096, %sub3A_1096 : vector<16xf32>
      %add3A_1098 = arith.addf %add3A_1092, %mul3A_1097 : vector<16xf32>
      %reduce_sum3A_1099 = arith.constant true
      %reduce_sum3A_1100 = vector.broadcast %reduce_sum3A_1099 : i1 to vector<16xi1>
      %reduce_sum3A_1101 = tpu.scan <sum>, %add3A_1098 masked %reduce_sum3A_1100 : vector<16xf32>, vector<16xi1> -> vector<16xf32>
      %reduce_sum3A_1102 = vector.extract %reduce_sum3A_1101[15] : f32 from vector<16xf32>
      %eq3A_1103 = arith.constant 8 : i32
      %eq3A_1104 = vector.broadcast %eq3A_1103 : i32 to vector<16xi32>
      %eq3A_1105 = arith.cmpi eq, %iota3A, %eq3A_1104 : vector<16xi32>
      %broadcast_in_dim3A_1106 = vector.broadcast %reduce_sum3A_1102 : f32 to vector<16xf32>
      %select_n3A_1107 = arith.select %eq3A_1105, %broadcast_in_dim3A_1106, %select_n3A_996 : vector<16xi1>, vector<16xf32>
      %mul3A_1108 = arith.constant 16 : i32
      %mul3A_1109 = arith.muli %scan3A_111, %mul3A_1108 : i32
      %add3A_1110 = arith.constant 9 : i32
      %add3A_1111 = arith.addi %mul3A_1109, %add3A_1110 : i32
      %broadcast_in_dim3A_1112 = arith.constant 0.000000e+00 : f32
      %broadcast_in_dim3A_1113 = vector.broadcast %broadcast_in_dim3A_1112 : f32 to vector<16xf32>
      %get3A_1114 = arith.index_cast %add3A_1111 : i32 to index
      %get3A_1115 = arith.constant 0 : index
      %get3A_1116 = tpu.vector_load %arg6[%get3A_1114, %get3A_1115] {strides = array<i32>} : memref<32x256xf32, #tpu.memory_space<vmem>>, vector<16xf32>,
      %sub3A_1117 = arith.subf %add3A_11, %get3A_1116 : vector<16xf32>
      %mul3A_1118 = arith.mulf %sub3A_1117, %sub3A_1117 : vector<16xf32>
      %add3A_1119 = arith.addf %broadcast_in_dim3A_1113, %mul3A_1118 : vector<16xf32>
      %get3A_1120 = arith.index_cast %add3A_1111 : i32 to index
      %get3A_1121 = arith.constant 16 : index
      %get3A_1122 = tpu.vector_load %arg6[%get3A_1120, %get3A_1121] {strides = array<i32>} : memref<32x256xf32, #tpu.memory_space<vmem>>, vector<16xf32>,
      %sub3A_1123 = arith.subf %add3A_16, %get3A_1122 : vector<16xf32>
      %mul3A_1124 = arith.mulf %sub3A_1123, %sub3A_1123 : vector<16xf32>
      %add3A_1125 = arith.addf %add3A_1119, %mul3A_1124 : vector<16xf32>
      %get3A_1126 = arith.index_cast %add3A_1111 : i32 to index
      %get3A_1127 = arith.constant 32 : index
      %get3A_1128 = tpu.vector_load %arg6[%get3A_1126, %get3A_1127] {strides = array<i32>} : memref<32x256xf32, #tpu.memory_space<vmem>>, vector<16xf32>,
      %sub3A_1129 = arith.subf %add3A_21, %get3A_1128 : vector<16xf32>
      %mul3A_1130 = arith.mulf %sub3A_1129, %sub3A_1129 : vector<16xf32>
      %add3A_1131 = arith.addf %add3A_1125, %mul3A_1130 : vector<16xf32>
      %get3A_1132 = arith.index_cast %add3A_1111 : i32 to index
      %get3A_1133 = arith.constant 48 : index
      %get3A_1134 = tpu.vector_load %arg6[%get3A_1132, %get3A_1133] {strides = array<i32>} : memref<32x256xf32, #tpu.memory_space<vmem>>, vector<16xf32>,
      %sub3A_1135 = arith.subf %add3A_26, %get3A_1134 : vector<16xf32>
      %mul3A_1136 = arith.mulf %sub3A_1135, %sub3A_1135 : vector<16xf32>
      %add3A_1137 = arith.addf %add3A_1131, %mul3A_1136 : vector<16xf32>
      %get3A_1138 = arith.index_cast %add3A_1111 : i32 to index
      %get3A_1139 = arith.constant 64 : index
      %get3A_1140 = tpu.vector_load %arg6[%get3A_1138, %get3A_1139] {strides = array<i32>} : memref<32x256xf32, #tpu.memory_space<vmem>>, vector<16xf32>,
      %sub3A_1141 = arith.subf %add3A_31, %get3A_1140 : vector<16xf32>
      %mul3A_1142 = arith.mulf %sub3A_1141, %sub3A_1141 : vector<16xf32>
      %add3A_1143 = arith.addf %add3A_1137, %mul3A_1142 : vector<16xf32>
      %get3A_1144 = arith.index_cast %add3A_1111 : i32 to index
      %get3A_1145 = arith.constant 80 : index
      %get3A_1146 = tpu.vector_load %arg6[%get3A_1144, %get3A_1145] {strides = array<i32>} : memref<32x256xf32, #tpu.memory_space<vmem>>, vector<16xf32>,
      %sub3A_1147 = arith.subf %add3A_36, %get3A_1146 : vector<16xf32>
      %mul3A_1148 = arith.mulf %sub3A_1147, %sub3A_1147 : vector<16xf32>
      %add3A_1149 = arith.addf %add3A_1143, %mul3A_1148 : vector<16xf32>
      %get3A_1150 = arith.index_cast %add3A_1111 : i32 to index
      %get3A_1151 = arith.constant 96 : index
      %get3A_1152 = tpu.vector_load %arg6[%get3A_1150, %get3A_1151] {strides = array<i32>} : memref<32x256xf32, #tpu.memory_space<vmem>>, vector<16xf32>,
      %sub3A_1153 = arith.subf %add3A_41, %get3A_1152 : vector<16xf32>
      %mul3A_1154 = arith.mulf %sub3A_1153, %sub3A_1153 : vector<16xf32>
      %add3A_1155 = arith.addf %add3A_1149, %mul3A_1154 : vector<16xf32>
      %get3A_1156 = arith.index_cast %add3A_1111 : i32 to index
      %get3A_1157 = arith.constant 112 : index
      %get3A_1158 = tpu.vector_load %arg6[%get3A_1156, %get3A_1157] {strides = array<i32>} : memref<32x256xf32, #tpu.memory_space<vmem>>, vector<16xf32>,
      %sub3A_1159 = arith.subf %add3A_46, %get3A_1158 : vector<16xf32>
      %mul3A_1160 = arith.mulf %sub3A_1159, %sub3A_1159 : vector<16xf32>
      %add3A_1161 = arith.addf %add3A_1155, %mul3A_1160 : vector<16xf32>
      %get3A_1162 = arith.index_cast %add3A_1111 : i32 to index
      %get3A_1163 = arith.constant 128 : index
      %get3A_1164 = tpu.vector_load %arg6[%get3A_1162, %get3A_1163] {strides = array<i32>} : memref<32x256xf32, #tpu.memory_space<vmem>>, vector<16xf32>,
      %sub3A_1165 = arith.subf %add3A_51, %get3A_1164 : vector<16xf32>
      %mul3A_1166 = arith.mulf %sub3A_1165, %sub3A_1165 : vector<16xf32>
      %add3A_1167 = arith.addf %add3A_1161, %mul3A_1166 : vector<16xf32>
      %get3A_1168 = arith.index_cast %add3A_1111 : i32 to index
      %get3A_1169 = arith.constant 144 : index
      %get3A_1170 = tpu.vector_load %arg6[%get3A_1168, %get3A_1169] {strides = array<i32>} : memref<32x256xf32, #tpu.memory_space<vmem>>, vector<16xf32>,
      %sub3A_1171 = arith.subf %add3A_56, %get3A_1170 : vector<16xf32>
      %mul3A_1172 = arith.mulf %sub3A_1171, %sub3A_1171 : vector<16xf32>
      %add3A_1173 = arith.addf %add3A_1167, %mul3A_1172 : vector<16xf32>
      %get3A_1174 = arith.index_cast %add3A_1111 : i32 to index
      %get3A_1175 = arith.constant 160 : index
      %get3A_1176 = tpu.vector_load %arg6[%get3A_1174, %get3A_1175] {strides = array<i32>} : memref<32x256xf32, #tpu.memory_space<vmem>>, vector<16xf32>,
      %sub3A_1177 = arith.subf %add3A_61, %get3A_1176 : vector<16xf32>
      %mul3A_1178 = arith.mulf %sub3A_1177, %sub3A_1177 : vector<16xf32>
      %add3A_1179 = arith.addf %add3A_1173, %mul3A_1178 : vector<16xf32>
      %get3A_1180 = arith.index_cast %add3A_1111 : i32 to index
      %get3A_1181 = arith.constant 176 : index
      %get3A_1182 = tpu.vector_load %arg6[%get3A_1180, %get3A_1181] {strides = array<i32>} : memref<32x256xf32, #tpu.memory_space<vmem>>, vector<16xf32>,
      %sub3A_1183 = arith.subf %add3A_66, %get3A_1182 : vector<16xf32>
      %mul3A_1184 = arith.mulf %sub3A_1183, %sub3A_1183 : vector<16xf32>
      %add3A_1185 = arith.addf %add3A_1179, %mul3A_1184 : vector<16xf32>
      %get3A_1186 = arith.index_cast %add3A_1111 : i32 to index
      %get3A_1187 = arith.constant 192 : index
      %get3A_1188 = tpu.vector_load %arg6[%get3A_1186, %get3A_1187] {strides = array<i32>} : memref<32x256xf32, #tpu.memory_space<vmem>>, vector<16xf32>,
      %sub3A_1189 = arith.subf %add3A_71, %get3A_1188 : vector<16xf32>
      %mul3A_1190 = arith.mulf %sub3A_1189, %sub3A_1189 : vector<16xf32>
      %add3A_1191 = arith.addf %add3A_1185, %mul3A_1190 : vector<16xf32>
      %get3A_1192 = arith.index_cast %add3A_1111 : i32 to index
      %get3A_1193 = arith.constant 208 : index
      %get3A_1194 = tpu.vector_load %arg6[%get3A_1192, %get3A_1193] {strides = array<i32>} : memref<32x256xf32, #tpu.memory_space<vmem>>, vector<16xf32>,
      %sub3A_1195 = arith.subf %add3A_76, %get3A_1194 : vector<16xf32>
      %mul3A_1196 = arith.mulf %sub3A_1195, %sub3A_1195 : vector<16xf32>
      %add3A_1197 = arith.addf %add3A_1191, %mul3A_1196 : vector<16xf32>
      %get3A_1198 = arith.index_cast %add3A_1111 : i32 to index
      %get3A_1199 = arith.constant 224 : index
      %get3A_1200 = tpu.vector_load %arg6[%get3A_1198, %get3A_1199] {strides = array<i32>} : memref<32x256xf32, #tpu.memory_space<vmem>>, vector<16xf32>,
      %sub3A_1201 = arith.subf %add3A_81, %get3A_1200 : vector<16xf32>
      %mul3A_1202 = arith.mulf %sub3A_1201, %sub3A_1201 : vector<16xf32>
      %add3A_1203 = arith.addf %add3A_1197, %mul3A_1202 : vector<16xf32>
      %get3A_1204 = arith.index_cast %add3A_1111 : i32 to index
      %get3A_1205 = arith.constant 240 : index
      %get3A_1206 = tpu.vector_load %arg6[%get3A_1204, %get3A_1205] {strides = array<i32>} : memref<32x256xf32, #tpu.memory_space<vmem>>, vector<16xf32>,
      %sub3A_1207 = arith.subf %add3A_86, %get3A_1206 : vector<16xf32>
      %mul3A_1208 = arith.mulf %sub3A_1207, %sub3A_1207 : vector<16xf32>
      %add3A_1209 = arith.addf %add3A_1203, %mul3A_1208 : vector<16xf32>
      %reduce_sum3A_1210 = arith.constant true
      %reduce_sum3A_1211 = vector.broadcast %reduce_sum3A_1210 : i1 to vector<16xi1>
      %reduce_sum3A_1212 = tpu.scan <sum>, %add3A_1209 masked %reduce_sum3A_1211 : vector<16xf32>, vector<16xi1> -> vector<16xf32>
      %reduce_sum3A_1213 = vector.extract %reduce_sum3A_1212[15] : f32 from vector<16xf32>
      %eq3A_1214 = arith.constant 9 : i32
      %eq3A_1215 = vector.broadcast %eq3A_1214 : i32 to vector<16xi32>
      %eq3A_1216 = arith.cmpi eq, %iota3A, %eq3A_1215 : vector<16xi32>
      %broadcast_in_dim3A_1217 = vector.broadcast %reduce_sum3A_1213 : f32 to vector<16xf32>
      %select_n3A_1218 = arith.select %eq3A_1216, %broadcast_in_dim3A_1217, %select_n3A_1107 : vector<16xi1>, vector<16xf32>
      %mul3A_1219 = arith.constant 16 : i32
      %mul3A_1220 = arith.muli %scan3A_111, %mul3A_1219 : i32
      %add3A_1221 = arith.constant 10 : i32
      %add3A_1222 = arith.addi %mul3A_1220, %add3A_1221 : i32
      %broadcast_in_dim3A_1223 = arith.constant 0.000000e+00 : f32
      %broadcast_in_dim3A_1224 = vector.broadcast %broadcast_in_dim3A_1223 : f32 to vector<16xf32>
      %get3A_1225 = arith.index_cast %add3A_1222 : i32 to index
      %get3A_1226 = arith.constant 0 : index
      %get3A_1227 = tpu.vector_load %arg6[%get3A_1225, %get3A_1226] {strides = array<i32>} : memref<32x256xf32, #tpu.memory_space<vmem>>, vector<16xf32>,
      %sub3A_1228 = arith.subf %add3A_11, %get3A_1227 : vector<16xf32>
      %mul3A_1229 = arith.mulf %sub3A_1228, %sub3A_1228 : vector<16xf32>
      %add3A_1230 = arith.addf %broadcast_in_dim3A_1224, %mul3A_1229 : vector<16xf32>
      %get3A_1231 = arith.index_cast %add3A_1222 : i32 to index
      %get3A_1232 = arith.constant 16 : index
      %get3A_1233 = tpu.vector_load %arg6[%get3A_1231, %get3A_1232] {strides = array<i32>} : memref<32x256xf32, #tpu.memory_space<vmem>>, vector<16xf32>,
      %sub3A_1234 = arith.subf %add3A_16, %get3A_1233 : vector<16xf32>
      %mul3A_1235 = arith.mulf %sub3A_1234, %sub3A_1234 : vector<16xf32>
      %add3A_1236 = arith.addf %add3A_1230, %mul3A_1235 : vector<16xf32>
      %get3A_1237 = arith.index_cast %add3A_1222 : i32 to index
      %get3A_1238 = arith.constant 32 : index
      %get3A_1239 = tpu.vector_load %arg6[%get3A_1237, %get3A_1238] {strides = array<i32>} : memref<32x256xf32, #tpu.memory_space<vmem>>, vector<16xf32>,
      %sub3A_1240 = arith.subf %add3A_21, %get3A_1239 : vector<16xf32>
      %mul3A_1241 = arith.mulf %sub3A_1240, %sub3A_1240 : vector<16xf32>
      %add3A_1242 = arith.addf %add3A_1236, %mul3A_1241 : vector<16xf32>
      %get3A_1243 = arith.index_cast %add3A_1222 : i32 to index
      %get3A_1244 = arith.constant 48 : index
      %get3A_1245 = tpu.vector_load %arg6[%get3A_1243, %get3A_1244] {strides = array<i32>} : memref<32x256xf32, #tpu.memory_space<vmem>>, vector<16xf32>,
      %sub3A_1246 = arith.subf %add3A_26, %get3A_1245 : vector<16xf32>
      %mul3A_1247 = arith.mulf %sub3A_1246, %sub3A_1246 : vector<16xf32>
      %add3A_1248 = arith.addf %add3A_1242, %mul3A_1247 : vector<16xf32>
      %get3A_1249 = arith.index_cast %add3A_1222 : i32 to index
      %get3A_1250 = arith.constant 64 : index
      %get3A_1251 = tpu.vector_load %arg6[%get3A_1249, %get3A_1250] {strides = array<i32>} : memref<32x256xf32, #tpu.memory_space<vmem>>, vector<16xf32>,
      %sub3A_1252 = arith.subf %add3A_31, %get3A_1251 : vector<16xf32>
      %mul3A_1253 = arith.mulf %sub3A_1252, %sub3A_1252 : vector<16xf32>
      %add3A_1254 = arith.addf %add3A_1248, %mul3A_1253 : vector<16xf32>
      %get3A_1255 = arith.index_cast %add3A_1222 : i32 to index
      %get3A_1256 = arith.constant 80 : index
      %get3A_1257 = tpu.vector_load %arg6[%get3A_1255, %get3A_1256] {strides = array<i32>} : memref<32x256xf32, #tpu.memory_space<vmem>>, vector<16xf32>,
      %sub3A_1258 = arith.subf %add3A_36, %get3A_1257 : vector<16xf32>
      %mul3A_1259 = arith.mulf %sub3A_1258, %sub3A_1258 : vector<16xf32>
      %add3A_1260 = arith.addf %add3A_1254, %mul3A_1259 : vector<16xf32>
      %get3A_1261 = arith.index_cast %add3A_1222 : i32 to index
      %get3A_1262 = arith.constant 96 : index
      %get3A_1263 = tpu.vector_load %arg6[%get3A_1261, %get3A_1262] {strides = array<i32>} : memref<32x256xf32, #tpu.memory_space<vmem>>, vector<16xf32>,
      %sub3A_1264 = arith.subf %add3A_41, %get3A_1263 : vector<16xf32>
      %mul3A_1265 = arith.mulf %sub3A_1264, %sub3A_1264 : vector<16xf32>
      %add3A_1266 = arith.addf %add3A_1260, %mul3A_1265 : vector<16xf32>
      %get3A_1267 = arith.index_cast %add3A_1222 : i32 to index
      %get3A_1268 = arith.constant 112 : index
      %get3A_1269 = tpu.vector_load %arg6[%get3A_1267, %get3A_1268] {strides = array<i32>} : memref<32x256xf32, #tpu.memory_space<vmem>>, vector<16xf32>,
      %sub3A_1270 = arith.subf %add3A_46, %get3A_1269 : vector<16xf32>
      %mul3A_1271 = arith.mulf %sub3A_1270, %sub3A_1270 : vector<16xf32>
      %add3A_1272 = arith.addf %add3A_1266, %mul3A_1271 : vector<16xf32>
      %get3A_1273 = arith.index_cast %add3A_1222 : i32 to index
      %get3A_1274 = arith.constant 128 : index
      %get3A_1275 = tpu.vector_load %arg6[%get3A_1273, %get3A_1274] {strides = array<i32>} : memref<32x256xf32, #tpu.memory_space<vmem>>, vector<16xf32>,
      %sub3A_1276 = arith.subf %add3A_51, %get3A_1275 : vector<16xf32>
      %mul3A_1277 = arith.mulf %sub3A_1276, %sub3A_1276 : vector<16xf32>
      %add3A_1278 = arith.addf %add3A_1272, %mul3A_1277 : vector<16xf32>
      %get3A_1279 = arith.index_cast %add3A_1222 : i32 to index
      %get3A_1280 = arith.constant 144 : index
      %get3A_1281 = tpu.vector_load %arg6[%get3A_1279, %get3A_1280] {strides = array<i32>} : memref<32x256xf32, #tpu.memory_space<vmem>>, vector<16xf32>,
      %sub3A_1282 = arith.subf %add3A_56, %get3A_1281 : vector<16xf32>
      %mul3A_1283 = arith.mulf %sub3A_1282, %sub3A_1282 : vector<16xf32>
      %add3A_1284 = arith.addf %add3A_1278, %mul3A_1283 : vector<16xf32>
      %get3A_1285 = arith.index_cast %add3A_1222 : i32 to index
      %get3A_1286 = arith.constant 160 : index
      %get3A_1287 = tpu.vector_load %arg6[%get3A_1285, %get3A_1286] {strides = array<i32>} : memref<32x256xf32, #tpu.memory_space<vmem>>, vector<16xf32>,
      %sub3A_1288 = arith.subf %add3A_61, %get3A_1287 : vector<16xf32>
      %mul3A_1289 = arith.mulf %sub3A_1288, %sub3A_1288 : vector<16xf32>
      %add3A_1290 = arith.addf %add3A_1284, %mul3A_1289 : vector<16xf32>
      %get3A_1291 = arith.index_cast %add3A_1222 : i32 to index
      %get3A_1292 = arith.constant 176 : index
      %get3A_1293 = tpu.vector_load %arg6[%get3A_1291, %get3A_1292] {strides = array<i32>} : memref<32x256xf32, #tpu.memory_space<vmem>>, vector<16xf32>,
      %sub3A_1294 = arith.subf %add3A_66, %get3A_1293 : vector<16xf32>
      %mul3A_1295 = arith.mulf %sub3A_1294, %sub3A_1294 : vector<16xf32>
      %add3A_1296 = arith.addf %add3A_1290, %mul3A_1295 : vector<16xf32>
      %get3A_1297 = arith.index_cast %add3A_1222 : i32 to index
      %get3A_1298 = arith.constant 192 : index
      %get3A_1299 = tpu.vector_load %arg6[%get3A_1297, %get3A_1298] {strides = array<i32>} : memref<32x256xf32, #tpu.memory_space<vmem>>, vector<16xf32>,
      %sub3A_1300 = arith.subf %add3A_71, %get3A_1299 : vector<16xf32>
      %mul3A_1301 = arith.mulf %sub3A_1300, %sub3A_1300 : vector<16xf32>
      %add3A_1302 = arith.addf %add3A_1296, %mul3A_1301 : vector<16xf32>
      %get3A_1303 = arith.index_cast %add3A_1222 : i32 to index
      %get3A_1304 = arith.constant 208 : index
      %get3A_1305 = tpu.vector_load %arg6[%get3A_1303, %get3A_1304] {strides = array<i32>} : memref<32x256xf32, #tpu.memory_space<vmem>>, vector<16xf32>,
      %sub3A_1306 = arith.subf %add3A_76, %get3A_1305 : vector<16xf32>
      %mul3A_1307 = arith.mulf %sub3A_1306, %sub3A_1306 : vector<16xf32>
      %add3A_1308 = arith.addf %add3A_1302, %mul3A_1307 : vector<16xf32>
      %get3A_1309 = arith.index_cast %add3A_1222 : i32 to index
      %get3A_1310 = arith.constant 224 : index
      %get3A_1311 = tpu.vector_load %arg6[%get3A_1309, %get3A_1310] {strides = array<i32>} : memref<32x256xf32, #tpu.memory_space<vmem>>, vector<16xf32>,
      %sub3A_1312 = arith.subf %add3A_81, %get3A_1311 : vector<16xf32>
      %mul3A_1313 = arith.mulf %sub3A_1312, %sub3A_1312 : vector<16xf32>
      %add3A_1314 = arith.addf %add3A_1308, %mul3A_1313 : vector<16xf32>
      %get3A_1315 = arith.index_cast %add3A_1222 : i32 to index
      %get3A_1316 = arith.constant 240 : index
      %get3A_1317 = tpu.vector_load %arg6[%get3A_1315, %get3A_1316] {strides = array<i32>} : memref<32x256xf32, #tpu.memory_space<vmem>>, vector<16xf32>,
      %sub3A_1318 = arith.subf %add3A_86, %get3A_1317 : vector<16xf32>
      %mul3A_1319 = arith.mulf %sub3A_1318, %sub3A_1318 : vector<16xf32>
      %add3A_1320 = arith.addf %add3A_1314, %mul3A_1319 : vector<16xf32>
      %reduce_sum3A_1321 = arith.constant true
      %reduce_sum3A_1322 = vector.broadcast %reduce_sum3A_1321 : i1 to vector<16xi1>
      %reduce_sum3A_1323 = tpu.scan <sum>, %add3A_1320 masked %reduce_sum3A_1322 : vector<16xf32>, vector<16xi1> -> vector<16xf32>
      %reduce_sum3A_1324 = vector.extract %reduce_sum3A_1323[15] : f32 from vector<16xf32>
      %eq3A_1325 = arith.constant 10 : i32
      %eq3A_1326 = vector.broadcast %eq3A_1325 : i32 to vector<16xi32>
      %eq3A_1327 = arith.cmpi eq, %iota3A, %eq3A_1326 : vector<16xi32>
      %broadcast_in_dim3A_1328 = vector.broadcast %reduce_sum3A_1324 : f32 to vector<16xf32>
      %select_n3A_1329 = arith.select %eq3A_1327, %broadcast_in_dim3A_1328, %select_n3A_1218 : vector<16xi1>, vector<16xf32>
      %mul3A_1330 = arith.constant 16 : i32
      %mul3A_1331 = arith.muli %scan3A_111, %mul3A_1330 : i32
      %add3A_1332 = arith.constant 11 : i32
      %add3A_1333 = arith.addi %mul3A_1331, %add3A_1332 : i32
      %broadcast_in_dim3A_1334 = arith.constant 0.000000e+00 : f32
      %broadcast_in_dim3A_1335 = vector.broadcast %broadcast_in_dim3A_1334 : f32 to vector<16xf32>
      %get3A_1336 = arith.index_cast %add3A_1333 : i32 to index
      %get3A_1337 = arith.constant 0 : index
      %get3A_1338 = tpu.vector_load %arg6[%get3A_1336, %get3A_1337] {strides = array<i32>} : memref<32x256xf32, #tpu.memory_space<vmem>>, vector<16xf32>,
      %sub3A_1339 = arith.subf %add3A_11, %get3A_1338 : vector<16xf32>
      %mul3A_1340 = arith.mulf %sub3A_1339, %sub3A_1339 : vector<16xf32>
      %add3A_1341 = arith.addf %broadcast_in_dim3A_1335, %mul3A_1340 : vector<16xf32>
      %get3A_1342 = arith.index_cast %add3A_1333 : i32 to index
      %get3A_1343 = arith.constant 16 : index
      %get3A_1344 = tpu.vector_load %arg6[%get3A_1342, %get3A_1343] {strides = array<i32>} : memref<32x256xf32, #tpu.memory_space<vmem>>, vector<16xf32>,
      %sub3A_1345 = arith.subf %add3A_16, %get3A_1344 : vector<16xf32>
      %mul3A_1346 = arith.mulf %sub3A_1345, %sub3A_1345 : vector<16xf32>
      %add3A_1347 = arith.addf %add3A_1341, %mul3A_1346 : vector<16xf32>
      %get3A_1348 = arith.index_cast %add3A_1333 : i32 to index
      %get3A_1349 = arith.constant 32 : index
      %get3A_1350 = tpu.vector_load %arg6[%get3A_1348, %get3A_1349] {strides = array<i32>} : memref<32x256xf32, #tpu.memory_space<vmem>>, vector<16xf32>,
      %sub3A_1351 = arith.subf %add3A_21, %get3A_1350 : vector<16xf32>
      %mul3A_1352 = arith.mulf %sub3A_1351, %sub3A_1351 : vector<16xf32>
      %add3A_1353 = arith.addf %add3A_1347, %mul3A_1352 : vector<16xf32>
      %get3A_1354 = arith.index_cast %add3A_1333 : i32 to index
      %get3A_1355 = arith.constant 48 : index
      %get3A_1356 = tpu.vector_load %arg6[%get3A_1354, %get3A_1355] {strides = array<i32>} : memref<32x256xf32, #tpu.memory_space<vmem>>, vector<16xf32>,
      %sub3A_1357 = arith.subf %add3A_26, %get3A_1356 : vector<16xf32>
      %mul3A_1358 = arith.mulf %sub3A_1357, %sub3A_1357 : vector<16xf32>
      %add3A_1359 = arith.addf %add3A_1353, %mul3A_1358 : vector<16xf32>
      %get3A_1360 = arith.index_cast %add3A_1333 : i32 to index
      %get3A_1361 = arith.constant 64 : index
      %get3A_1362 = tpu.vector_load %arg6[%get3A_1360, %get3A_1361] {strides = array<i32>} : memref<32x256xf32, #tpu.memory_space<vmem>>, vector<16xf32>,
      %sub3A_1363 = arith.subf %add3A_31, %get3A_1362 : vector<16xf32>
      %mul3A_1364 = arith.mulf %sub3A_1363, %sub3A_1363 : vector<16xf32>
      %add3A_1365 = arith.addf %add3A_1359, %mul3A_1364 : vector<16xf32>
      %get3A_1366 = arith.index_cast %add3A_1333 : i32 to index
      %get3A_1367 = arith.constant 80 : index
      %get3A_1368 = tpu.vector_load %arg6[%get3A_1366, %get3A_1367] {strides = array<i32>} : memref<32x256xf32, #tpu.memory_space<vmem>>, vector<16xf32>,
      %sub3A_1369 = arith.subf %add3A_36, %get3A_1368 : vector<16xf32>
      %mul3A_1370 = arith.mulf %sub3A_1369, %sub3A_1369 : vector<16xf32>
      %add3A_1371 = arith.addf %add3A_1365, %mul3A_1370 : vector<16xf32>
      %get3A_1372 = arith.index_cast %add3A_1333 : i32 to index
      %get3A_1373 = arith.constant 96 : index
      %get3A_1374 = tpu.vector_load %arg6[%get3A_1372, %get3A_1373] {strides = array<i32>} : memref<32x256xf32, #tpu.memory_space<vmem>>, vector<16xf32>,
      %sub3A_1375 = arith.subf %add3A_41, %get3A_1374 : vector<16xf32>
      %mul3A_1376 = arith.mulf %sub3A_1375, %sub3A_1375 : vector<16xf32>
      %add3A_1377 = arith.addf %add3A_1371, %mul3A_1376 : vector<16xf32>
      %get3A_1378 = arith.index_cast %add3A_1333 : i32 to index
      %get3A_1379 = arith.constant 112 : index
      %get3A_1380 = tpu.vector_load %arg6[%get3A_1378, %get3A_1379] {strides = array<i32>} : memref<32x256xf32, #tpu.memory_space<vmem>>, vector<16xf32>,
      %sub3A_1381 = arith.subf %add3A_46, %get3A_1380 : vector<16xf32>
      %mul3A_1382 = arith.mulf %sub3A_1381, %sub3A_1381 : vector<16xf32>
      %add3A_1383 = arith.addf %add3A_1377, %mul3A_1382 : vector<16xf32>
      %get3A_1384 = arith.index_cast %add3A_1333 : i32 to index
      %get3A_1385 = arith.constant 128 : index
      %get3A_1386 = tpu.vector_load %arg6[%get3A_1384, %get3A_1385] {strides = array<i32>} : memref<32x256xf32, #tpu.memory_space<vmem>>, vector<16xf32>,
      %sub3A_1387 = arith.subf %add3A_51, %get3A_1386 : vector<16xf32>
      %mul3A_1388 = arith.mulf %sub3A_1387, %sub3A_1387 : vector<16xf32>
      %add3A_1389 = arith.addf %add3A_1383, %mul3A_1388 : vector<16xf32>
      %get3A_1390 = arith.index_cast %add3A_1333 : i32 to index
      %get3A_1391 = arith.constant 144 : index
      %get3A_1392 = tpu.vector_load %arg6[%get3A_1390, %get3A_1391] {strides = array<i32>} : memref<32x256xf32, #tpu.memory_space<vmem>>, vector<16xf32>,
      %sub3A_1393 = arith.subf %add3A_56, %get3A_1392 : vector<16xf32>
      %mul3A_1394 = arith.mulf %sub3A_1393, %sub3A_1393 : vector<16xf32>
      %add3A_1395 = arith.addf %add3A_1389, %mul3A_1394 : vector<16xf32>
      %get3A_1396 = arith.index_cast %add3A_1333 : i32 to index
      %get3A_1397 = arith.constant 160 : index
      %get3A_1398 = tpu.vector_load %arg6[%get3A_1396, %get3A_1397] {strides = array<i32>} : memref<32x256xf32, #tpu.memory_space<vmem>>, vector<16xf32>,
      %sub3A_1399 = arith.subf %add3A_61, %get3A_1398 : vector<16xf32>
      %mul3A_1400 = arith.mulf %sub3A_1399, %sub3A_1399 : vector<16xf32>
      %add3A_1401 = arith.addf %add3A_1395, %mul3A_1400 : vector<16xf32>
      %get3A_1402 = arith.index_cast %add3A_1333 : i32 to index
      %get3A_1403 = arith.constant 176 : index
      %get3A_1404 = tpu.vector_load %arg6[%get3A_1402, %get3A_1403] {strides = array<i32>} : memref<32x256xf32, #tpu.memory_space<vmem>>, vector<16xf32>,
      %sub3A_1405 = arith.subf %add3A_66, %get3A_1404 : vector<16xf32>
      %mul3A_1406 = arith.mulf %sub3A_1405, %sub3A_1405 : vector<16xf32>
      %add3A_1407 = arith.addf %add3A_1401, %mul3A_1406 : vector<16xf32>
      %get3A_1408 = arith.index_cast %add3A_1333 : i32 to index
      %get3A_1409 = arith.constant 192 : index
      %get3A_1410 = tpu.vector_load %arg6[%get3A_1408, %get3A_1409] {strides = array<i32>} : memref<32x256xf32, #tpu.memory_space<vmem>>, vector<16xf32>,
      %sub3A_1411 = arith.subf %add3A_71, %get3A_1410 : vector<16xf32>
      %mul3A_1412 = arith.mulf %sub3A_1411, %sub3A_1411 : vector<16xf32>
      %add3A_1413 = arith.addf %add3A_1407, %mul3A_1412 : vector<16xf32>
      %get3A_1414 = arith.index_cast %add3A_1333 : i32 to index
      %get3A_1415 = arith.constant 208 : index
      %get3A_1416 = tpu.vector_load %arg6[%get3A_1414, %get3A_1415] {strides = array<i32>} : memref<32x256xf32, #tpu.memory_space<vmem>>, vector<16xf32>,
      %sub3A_1417 = arith.subf %add3A_76, %get3A_1416 : vector<16xf32>
      %mul3A_1418 = arith.mulf %sub3A_1417, %sub3A_1417 : vector<16xf32>
      %add3A_1419 = arith.addf %add3A_1413, %mul3A_1418 : vector<16xf32>
      %get3A_1420 = arith.index_cast %add3A_1333 : i32 to index
      %get3A_1421 = arith.constant 224 : index
      %get3A_1422 = tpu.vector_load %arg6[%get3A_1420, %get3A_1421] {strides = array<i32>} : memref<32x256xf32, #tpu.memory_space<vmem>>, vector<16xf32>,
      %sub3A_1423 = arith.subf %add3A_81, %get3A_1422 : vector<16xf32>
      %mul3A_1424 = arith.mulf %sub3A_1423, %sub3A_1423 : vector<16xf32>
      %add3A_1425 = arith.addf %add3A_1419, %mul3A_1424 : vector<16xf32>
      %get3A_1426 = arith.index_cast %add3A_1333 : i32 to index
      %get3A_1427 = arith.constant 240 : index
      %get3A_1428 = tpu.vector_load %arg6[%get3A_1426, %get3A_1427] {strides = array<i32>} : memref<32x256xf32, #tpu.memory_space<vmem>>, vector<16xf32>,
      %sub3A_1429 = arith.subf %add3A_86, %get3A_1428 : vector<16xf32>
      %mul3A_1430 = arith.mulf %sub3A_1429, %sub3A_1429 : vector<16xf32>
      %add3A_1431 = arith.addf %add3A_1425, %mul3A_1430 : vector<16xf32>
      %reduce_sum3A_1432 = arith.constant true
      %reduce_sum3A_1433 = vector.broadcast %reduce_sum3A_1432 : i1 to vector<16xi1>
      %reduce_sum3A_1434 = tpu.scan <sum>, %add3A_1431 masked %reduce_sum3A_1433 : vector<16xf32>, vector<16xi1> -> vector<16xf32>
      %reduce_sum3A_1435 = vector.extract %reduce_sum3A_1434[15] : f32 from vector<16xf32>
      %eq3A_1436 = arith.constant 11 : i32
      %eq3A_1437 = vector.broadcast %eq3A_1436 : i32 to vector<16xi32>
      %eq3A_1438 = arith.cmpi eq, %iota3A, %eq3A_1437 : vector<16xi32>
      %broadcast_in_dim3A_1439 = vector.broadcast %reduce_sum3A_1435 : f32 to vector<16xf32>
      %select_n3A_1440 = arith.select %eq3A_1438, %broadcast_in_dim3A_1439, %select_n3A_1329 : vector<16xi1>, vector<16xf32>
      %mul3A_1441 = arith.constant 16 : i32
      %mul3A_1442 = arith.muli %scan3A_111, %mul3A_1441 : i32
      %add3A_1443 = arith.constant 12 : i32
      %add3A_1444 = arith.addi %mul3A_1442, %add3A_1443 : i32
      %broadcast_in_dim3A_1445 = arith.constant 0.000000e+00 : f32
      %broadcast_in_dim3A_1446 = vector.broadcast %broadcast_in_dim3A_1445 : f32 to vector<16xf32>
      %get3A_1447 = arith.index_cast %add3A_1444 : i32 to index
      %get3A_1448 = arith.constant 0 : index
      %get3A_1449 = tpu.vector_load %arg6[%get3A_1447, %get3A_1448] {strides = array<i32>} : memref<32x256xf32, #tpu.memory_space<vmem>>, vector<16xf32>,
      %sub3A_1450 = arith.subf %add3A_11, %get3A_1449 : vector<16xf32>
      %mul3A_1451 = arith.mulf %sub3A_1450, %sub3A_1450 : vector<16xf32>
      %add3A_1452 = arith.addf %broadcast_in_dim3A_1446, %mul3A_1451 : vector<16xf32>
      %get3A_1453 = arith.index_cast %add3A_1444 : i32 to index
      %get3A_1454 = arith.constant 16 : index
      %get3A_1455 = tpu.vector_load %arg6[%get3A_1453, %get3A_1454] {strides = array<i32>} : memref<32x256xf32, #tpu.memory_space<vmem>>, vector<16xf32>,
      %sub3A_1456 = arith.subf %add3A_16, %get3A_1455 : vector<16xf32>
      %mul3A_1457 = arith.mulf %sub3A_1456, %sub3A_1456 : vector<16xf32>
      %add3A_1458 = arith.addf %add3A_1452, %mul3A_1457 : vector<16xf32>
      %get3A_1459 = arith.index_cast %add3A_1444 : i32 to index
      %get3A_1460 = arith.constant 32 : index
      %get3A_1461 = tpu.vector_load %arg6[%get3A_1459, %get3A_1460] {strides = array<i32>} : memref<32x256xf32, #tpu.memory_space<vmem>>, vector<16xf32>,
      %sub3A_1462 = arith.subf %add3A_21, %get3A_1461 : vector<16xf32>
      %mul3A_1463 = arith.mulf %sub3A_1462, %sub3A_1462 : vector<16xf32>
      %add3A_1464 = arith.addf %add3A_1458, %mul3A_1463 : vector<16xf32>
      %get3A_1465 = arith.index_cast %add3A_1444 : i32 to index
      %get3A_1466 = arith.constant 48 : index
      %get3A_1467 = tpu.vector_load %arg6[%get3A_1465, %get3A_1466] {strides = array<i32>} : memref<32x256xf32, #tpu.memory_space<vmem>>, vector<16xf32>,
      %sub3A_1468 = arith.subf %add3A_26, %get3A_1467 : vector<16xf32>
      %mul3A_1469 = arith.mulf %sub3A_1468, %sub3A_1468 : vector<16xf32>
      %add3A_1470 = arith.addf %add3A_1464, %mul3A_1469 : vector<16xf32>
      %get3A_1471 = arith.index_cast %add3A_1444 : i32 to index
      %get3A_1472 = arith.constant 64 : index
      %get3A_1473 = tpu.vector_load %arg6[%get3A_1471, %get3A_1472] {strides = array<i32>} : memref<32x256xf32, #tpu.memory_space<vmem>>, vector<16xf32>,
      %sub3A_1474 = arith.subf %add3A_31, %get3A_1473 : vector<16xf32>
      %mul3A_1475 = arith.mulf %sub3A_1474, %sub3A_1474 : vector<16xf32>
      %add3A_1476 = arith.addf %add3A_1470, %mul3A_1475 : vector<16xf32>
      %get3A_1477 = arith.index_cast %add3A_1444 : i32 to index
      %get3A_1478 = arith.constant 80 : index
      %get3A_1479 = tpu.vector_load %arg6[%get3A_1477, %get3A_1478] {strides = array<i32>} : memref<32x256xf32, #tpu.memory_space<vmem>>, vector<16xf32>,
      %sub3A_1480 = arith.subf %add3A_36, %get3A_1479 : vector<16xf32>
      %mul3A_1481 = arith.mulf %sub3A_1480, %sub3A_1480 : vector<16xf32>
      %add3A_1482 = arith.addf %add3A_1476, %mul3A_1481 : vector<16xf32>
      %get3A_1483 = arith.index_cast %add3A_1444 : i32 to index
      %get3A_1484 = arith.constant 96 : index
      %get3A_1485 = tpu.vector_load %arg6[%get3A_1483, %get3A_1484] {strides = array<i32>} : memref<32x256xf32, #tpu.memory_space<vmem>>, vector<16xf32>,
      %sub3A_1486 = arith.subf %add3A_41, %get3A_1485 : vector<16xf32>
      %mul3A_1487 = arith.mulf %sub3A_1486, %sub3A_1486 : vector<16xf32>
      %add3A_1488 = arith.addf %add3A_1482, %mul3A_1487 : vector<16xf32>
      %get3A_1489 = arith.index_cast %add3A_1444 : i32 to index
      %get3A_1490 = arith.constant 112 : index
      %get3A_1491 = tpu.vector_load %arg6[%get3A_1489, %get3A_1490] {strides = array<i32>} : memref<32x256xf32, #tpu.memory_space<vmem>>, vector<16xf32>,
      %sub3A_1492 = arith.subf %add3A_46, %get3A_1491 : vector<16xf32>
      %mul3A_1493 = arith.mulf %sub3A_1492, %sub3A_1492 : vector<16xf32>
      %add3A_1494 = arith.addf %add3A_1488, %mul3A_1493 : vector<16xf32>
      %get3A_1495 = arith.index_cast %add3A_1444 : i32 to index
      %get3A_1496 = arith.constant 128 : index
      %get3A_1497 = tpu.vector_load %arg6[%get3A_1495, %get3A_1496] {strides = array<i32>} : memref<32x256xf32, #tpu.memory_space<vmem>>, vector<16xf32>,
      %sub3A_1498 = arith.subf %add3A_51, %get3A_1497 : vector<16xf32>
      %mul3A_1499 = arith.mulf %sub3A_1498, %sub3A_1498 : vector<16xf32>
      %add3A_1500 = arith.addf %add3A_1494, %mul3A_1499 : vector<16xf32>
      %get3A_1501 = arith.index_cast %add3A_1444 : i32 to index
      %get3A_1502 = arith.constant 144 : index
      %get3A_1503 = tpu.vector_load %arg6[%get3A_1501, %get3A_1502] {strides = array<i32>} : memref<32x256xf32, #tpu.memory_space<vmem>>, vector<16xf32>,
      %sub3A_1504 = arith.subf %add3A_56, %get3A_1503 : vector<16xf32>
      %mul3A_1505 = arith.mulf %sub3A_1504, %sub3A_1504 : vector<16xf32>
      %add3A_1506 = arith.addf %add3A_1500, %mul3A_1505 : vector<16xf32>
      %get3A_1507 = arith.index_cast %add3A_1444 : i32 to index
      %get3A_1508 = arith.constant 160 : index
      %get3A_1509 = tpu.vector_load %arg6[%get3A_1507, %get3A_1508] {strides = array<i32>} : memref<32x256xf32, #tpu.memory_space<vmem>>, vector<16xf32>,
      %sub3A_1510 = arith.subf %add3A_61, %get3A_1509 : vector<16xf32>
      %mul3A_1511 = arith.mulf %sub3A_1510, %sub3A_1510 : vector<16xf32>
      %add3A_1512 = arith.addf %add3A_1506, %mul3A_1511 : vector<16xf32>
      %get3A_1513 = arith.index_cast %add3A_1444 : i32 to index
      %get3A_1514 = arith.constant 176 : index
      %get3A_1515 = tpu.vector_load %arg6[%get3A_1513, %get3A_1514] {strides = array<i32>} : memref<32x256xf32, #tpu.memory_space<vmem>>, vector<16xf32>,
      %sub3A_1516 = arith.subf %add3A_66, %get3A_1515 : vector<16xf32>
      %mul3A_1517 = arith.mulf %sub3A_1516, %sub3A_1516 : vector<16xf32>
      %add3A_1518 = arith.addf %add3A_1512, %mul3A_1517 : vector<16xf32>
      %get3A_1519 = arith.index_cast %add3A_1444 : i32 to index
      %get3A_1520 = arith.constant 192 : index
      %get3A_1521 = tpu.vector_load %arg6[%get3A_1519, %get3A_1520] {strides = array<i32>} : memref<32x256xf32, #tpu.memory_space<vmem>>, vector<16xf32>,
      %sub3A_1522 = arith.subf %add3A_71, %get3A_1521 : vector<16xf32>
      %mul3A_1523 = arith.mulf %sub3A_1522, %sub3A_1522 : vector<16xf32>
      %add3A_1524 = arith.addf %add3A_1518, %mul3A_1523 : vector<16xf32>
      %get3A_1525 = arith.index_cast %add3A_1444 : i32 to index
      %get3A_1526 = arith.constant 208 : index
      %get3A_1527 = tpu.vector_load %arg6[%get3A_1525, %get3A_1526] {strides = array<i32>} : memref<32x256xf32, #tpu.memory_space<vmem>>, vector<16xf32>,
      %sub3A_1528 = arith.subf %add3A_76, %get3A_1527 : vector<16xf32>
      %mul3A_1529 = arith.mulf %sub3A_1528, %sub3A_1528 : vector<16xf32>
      %add3A_1530 = arith.addf %add3A_1524, %mul3A_1529 : vector<16xf32>
      %get3A_1531 = arith.index_cast %add3A_1444 : i32 to index
      %get3A_1532 = arith.constant 224 : index
      %get3A_1533 = tpu.vector_load %arg6[%get3A_1531, %get3A_1532] {strides = array<i32>} : memref<32x256xf32, #tpu.memory_space<vmem>>, vector<16xf32>,
      %sub3A_1534 = arith.subf %add3A_81, %get3A_1533 : vector<16xf32>
      %mul3A_1535 = arith.mulf %sub3A_1534, %sub3A_1534 : vector<16xf32>
      %add3A_1536 = arith.addf %add3A_1530, %mul3A_1535 : vector<16xf32>
      %get3A_1537 = arith.index_cast %add3A_1444 : i32 to index
      %get3A_1538 = arith.constant 240 : index
      %get3A_1539 = tpu.vector_load %arg6[%get3A_1537, %get3A_1538] {strides = array<i32>} : memref<32x256xf32, #tpu.memory_space<vmem>>, vector<16xf32>,
      %sub3A_1540 = arith.subf %add3A_86, %get3A_1539 : vector<16xf32>
      %mul3A_1541 = arith.mulf %sub3A_1540, %sub3A_1540 : vector<16xf32>
      %add3A_1542 = arith.addf %add3A_1536, %mul3A_1541 : vector<16xf32>
      %reduce_sum3A_1543 = arith.constant true
      %reduce_sum3A_1544 = vector.broadcast %reduce_sum3A_1543 : i1 to vector<16xi1>
      %reduce_sum3A_1545 = tpu.scan <sum>, %add3A_1542 masked %reduce_sum3A_1544 : vector<16xf32>, vector<16xi1> -> vector<16xf32>
      %reduce_sum3A_1546 = vector.extract %reduce_sum3A_1545[15] : f32 from vector<16xf32>
      %eq3A_1547 = arith.constant 12 : i32
      %eq3A_1548 = vector.broadcast %eq3A_1547 : i32 to vector<16xi32>
      %eq3A_1549 = arith.cmpi eq, %iota3A, %eq3A_1548 : vector<16xi32>
      %broadcast_in_dim3A_1550 = vector.broadcast %reduce_sum3A_1546 : f32 to vector<16xf32>
      %select_n3A_1551 = arith.select %eq3A_1549, %broadcast_in_dim3A_1550, %select_n3A_1440 : vector<16xi1>, vector<16xf32>
      %mul3A_1552 = arith.constant 16 : i32
      %mul3A_1553 = arith.muli %scan3A_111, %mul3A_1552 : i32
      %add3A_1554 = arith.constant 13 : i32
      %add3A_1555 = arith.addi %mul3A_1553, %add3A_1554 : i32
      %broadcast_in_dim3A_1556 = arith.constant 0.000000e+00 : f32
      %broadcast_in_dim3A_1557 = vector.broadcast %broadcast_in_dim3A_1556 : f32 to vector<16xf32>
      %get3A_1558 = arith.index_cast %add3A_1555 : i32 to index
      %get3A_1559 = arith.constant 0 : index
      %get3A_1560 = tpu.vector_load %arg6[%get3A_1558, %get3A_1559] {strides = array<i32>} : memref<32x256xf32, #tpu.memory_space<vmem>>, vector<16xf32>,
      %sub3A_1561 = arith.subf %add3A_11, %get3A_1560 : vector<16xf32>
      %mul3A_1562 = arith.mulf %sub3A_1561, %sub3A_1561 : vector<16xf32>
      %add3A_1563 = arith.addf %broadcast_in_dim3A_1557, %mul3A_1562 : vector<16xf32>
      %get3A_1564 = arith.index_cast %add3A_1555 : i32 to index
      %get3A_1565 = arith.constant 16 : index
      %get3A_1566 = tpu.vector_load %arg6[%get3A_1564, %get3A_1565] {strides = array<i32>} : memref<32x256xf32, #tpu.memory_space<vmem>>, vector<16xf32>,
      %sub3A_1567 = arith.subf %add3A_16, %get3A_1566 : vector<16xf32>
      %mul3A_1568 = arith.mulf %sub3A_1567, %sub3A_1567 : vector<16xf32>
      %add3A_1569 = arith.addf %add3A_1563, %mul3A_1568 : vector<16xf32>
      %get3A_1570 = arith.index_cast %add3A_1555 : i32 to index
      %get3A_1571 = arith.constant 32 : index
      %get3A_1572 = tpu.vector_load %arg6[%get3A_1570, %get3A_1571] {strides = array<i32>} : memref<32x256xf32, #tpu.memory_space<vmem>>, vector<16xf32>,
      %sub3A_1573 = arith.subf %add3A_21, %get3A_1572 : vector<16xf32>
      %mul3A_1574 = arith.mulf %sub3A_1573, %sub3A_1573 : vector<16xf32>
      %add3A_1575 = arith.addf %add3A_1569, %mul3A_1574 : vector<16xf32>
      %get3A_1576 = arith.index_cast %add3A_1555 : i32 to index
      %get3A_1577 = arith.constant 48 : index
      %get3A_1578 = tpu.vector_load %arg6[%get3A_1576, %get3A_1577] {strides = array<i32>} : memref<32x256xf32, #tpu.memory_space<vmem>>, vector<16xf32>,
      %sub3A_1579 = arith.subf %add3A_26, %get3A_1578 : vector<16xf32>
      %mul3A_1580 = arith.mulf %sub3A_1579, %sub3A_1579 : vector<16xf32>
      %add3A_1581 = arith.addf %add3A_1575, %mul3A_1580 : vector<16xf32>
      %get3A_1582 = arith.index_cast %add3A_1555 : i32 to index
      %get3A_1583 = arith.constant 64 : index
      %get3A_1584 = tpu.vector_load %arg6[%get3A_1582, %get3A_1583] {strides = array<i32>} : memref<32x256xf32, #tpu.memory_space<vmem>>, vector<16xf32>,
      %sub3A_1585 = arith.subf %add3A_31, %get3A_1584 : vector<16xf32>
      %mul3A_1586 = arith.mulf %sub3A_1585, %sub3A_1585 : vector<16xf32>
      %add3A_1587 = arith.addf %add3A_1581, %mul3A_1586 : vector<16xf32>
      %get3A_1588 = arith.index_cast %add3A_1555 : i32 to index
      %get3A_1589 = arith.constant 80 : index
      %get3A_1590 = tpu.vector_load %arg6[%get3A_1588, %get3A_1589] {strides = array<i32>} : memref<32x256xf32, #tpu.memory_space<vmem>>, vector<16xf32>,
      %sub3A_1591 = arith.subf %add3A_36, %get3A_1590 : vector<16xf32>
      %mul3A_1592 = arith.mulf %sub3A_1591, %sub3A_1591 : vector<16xf32>
      %add3A_1593 = arith.addf %add3A_1587, %mul3A_1592 : vector<16xf32>
      %get3A_1594 = arith.index_cast %add3A_1555 : i32 to index
      %get3A_1595 = arith.constant 96 : index
      %get3A_1596 = tpu.vector_load %arg6[%get3A_1594, %get3A_1595] {strides = array<i32>} : memref<32x256xf32, #tpu.memory_space<vmem>>, vector<16xf32>,
      %sub3A_1597 = arith.subf %add3A_41, %get3A_1596 : vector<16xf32>
      %mul3A_1598 = arith.mulf %sub3A_1597, %sub3A_1597 : vector<16xf32>
      %add3A_1599 = arith.addf %add3A_1593, %mul3A_1598 : vector<16xf32>
      %get3A_1600 = arith.index_cast %add3A_1555 : i32 to index
      %get3A_1601 = arith.constant 112 : index
      %get3A_1602 = tpu.vector_load %arg6[%get3A_1600, %get3A_1601] {strides = array<i32>} : memref<32x256xf32, #tpu.memory_space<vmem>>, vector<16xf32>,
      %sub3A_1603 = arith.subf %add3A_46, %get3A_1602 : vector<16xf32>
      %mul3A_1604 = arith.mulf %sub3A_1603, %sub3A_1603 : vector<16xf32>
      %add3A_1605 = arith.addf %add3A_1599, %mul3A_1604 : vector<16xf32>
      %get3A_1606 = arith.index_cast %add3A_1555 : i32 to index
      %get3A_1607 = arith.constant 128 : index
      %get3A_1608 = tpu.vector_load %arg6[%get3A_1606, %get3A_1607] {strides = array<i32>} : memref<32x256xf32, #tpu.memory_space<vmem>>, vector<16xf32>,
      %sub3A_1609 = arith.subf %add3A_51, %get3A_1608 : vector<16xf32>
      %mul3A_1610 = arith.mulf %sub3A_1609, %sub3A_1609 : vector<16xf32>
      %add3A_1611 = arith.addf %add3A_1605, %mul3A_1610 : vector<16xf32>
      %get3A_1612 = arith.index_cast %add3A_1555 : i32 to index
      %get3A_1613 = arith.constant 144 : index
      %get3A_1614 = tpu.vector_load %arg6[%get3A_1612, %get3A_1613] {strides = array<i32>} : memref<32x256xf32, #tpu.memory_space<vmem>>, vector<16xf32>,
      %sub3A_1615 = arith.subf %add3A_56, %get3A_1614 : vector<16xf32>
      %mul3A_1616 = arith.mulf %sub3A_1615, %sub3A_1615 : vector<16xf32>
      %add3A_1617 = arith.addf %add3A_1611, %mul3A_1616 : vector<16xf32>
      %get3A_1618 = arith.index_cast %add3A_1555 : i32 to index
      %get3A_1619 = arith.constant 160 : index
      %get3A_1620 = tpu.vector_load %arg6[%get3A_1618, %get3A_1619] {strides = array<i32>} : memref<32x256xf32, #tpu.memory_space<vmem>>, vector<16xf32>,
      %sub3A_1621 = arith.subf %add3A_61, %get3A_1620 : vector<16xf32>
      %mul3A_1622 = arith.mulf %sub3A_1621, %sub3A_1621 : vector<16xf32>
      %add3A_1623 = arith.addf %add3A_1617, %mul3A_1622 : vector<16xf32>
      %get3A_1624 = arith.index_cast %add3A_1555 : i32 to index
      %get3A_1625 = arith.constant 176 : index
      %get3A_1626 = tpu.vector_load %arg6[%get3A_1624, %get3A_1625] {strides = array<i32>} : memref<32x256xf32, #tpu.memory_space<vmem>>, vector<16xf32>,
      %sub3A_1627 = arith.subf %add3A_66, %get3A_1626 : vector<16xf32>
      %mul3A_1628 = arith.mulf %sub3A_1627, %sub3A_1627 : vector<16xf32>
      %add3A_1629 = arith.addf %add3A_1623, %mul3A_1628 : vector<16xf32>
      %get3A_1630 = arith.index_cast %add3A_1555 : i32 to index
      %get3A_1631 = arith.constant 192 : index
      %get3A_1632 = tpu.vector_load %arg6[%get3A_1630, %get3A_1631] {strides = array<i32>} : memref<32x256xf32, #tpu.memory_space<vmem>>, vector<16xf32>,
      %sub3A_1633 = arith.subf %add3A_71, %get3A_1632 : vector<16xf32>
      %mul3A_1634 = arith.mulf %sub3A_1633, %sub3A_1633 : vector<16xf32>
      %add3A_1635 = arith.addf %add3A_1629, %mul3A_1634 : vector<16xf32>
      %get3A_1636 = arith.index_cast %add3A_1555 : i32 to index
      %get3A_1637 = arith.constant 208 : index
      %get3A_1638 = tpu.vector_load %arg6[%get3A_1636, %get3A_1637] {strides = array<i32>} : memref<32x256xf32, #tpu.memory_space<vmem>>, vector<16xf32>,
      %sub3A_1639 = arith.subf %add3A_76, %get3A_1638 : vector<16xf32>
      %mul3A_1640 = arith.mulf %sub3A_1639, %sub3A_1639 : vector<16xf32>
      %add3A_1641 = arith.addf %add3A_1635, %mul3A_1640 : vector<16xf32>
      %get3A_1642 = arith.index_cast %add3A_1555 : i32 to index
      %get3A_1643 = arith.constant 224 : index
      %get3A_1644 = tpu.vector_load %arg6[%get3A_1642, %get3A_1643] {strides = array<i32>} : memref<32x256xf32, #tpu.memory_space<vmem>>, vector<16xf32>,
      %sub3A_1645 = arith.subf %add3A_81, %get3A_1644 : vector<16xf32>
      %mul3A_1646 = arith.mulf %sub3A_1645, %sub3A_1645 : vector<16xf32>
      %add3A_1647 = arith.addf %add3A_1641, %mul3A_1646 : vector<16xf32>
      %get3A_1648 = arith.index_cast %add3A_1555 : i32 to index
      %get3A_1649 = arith.constant 240 : index
      %get3A_1650 = tpu.vector_load %arg6[%get3A_1648, %get3A_1649] {strides = array<i32>} : memref<32x256xf32, #tpu.memory_space<vmem>>, vector<16xf32>,
      %sub3A_1651 = arith.subf %add3A_86, %get3A_1650 : vector<16xf32>
      %mul3A_1652 = arith.mulf %sub3A_1651, %sub3A_1651 : vector<16xf32>
      %add3A_1653 = arith.addf %add3A_1647, %mul3A_1652 : vector<16xf32>
      %reduce_sum3A_1654 = arith.constant true
      %reduce_sum3A_1655 = vector.broadcast %reduce_sum3A_1654 : i1 to vector<16xi1>
      %reduce_sum3A_1656 = tpu.scan <sum>, %add3A_1653 masked %reduce_sum3A_1655 : vector<16xf32>, vector<16xi1> -> vector<16xf32>
      %reduce_sum3A_1657 = vector.extract %reduce_sum3A_1656[15] : f32 from vector<16xf32>
      %eq3A_1658 = arith.constant 13 : i32
      %eq3A_1659 = vector.broadcast %eq3A_1658 : i32 to vector<16xi32>
      %eq3A_1660 = arith.cmpi eq, %iota3A, %eq3A_1659 : vector<16xi32>
      %broadcast_in_dim3A_1661 = vector.broadcast %reduce_sum3A_1657 : f32 to vector<16xf32>
      %select_n3A_1662 = arith.select %eq3A_1660, %broadcast_in_dim3A_1661, %select_n3A_1551 : vector<16xi1>, vector<16xf32>
      %mul3A_1663 = arith.constant 16 : i32
      %mul3A_1664 = arith.muli %scan3A_111, %mul3A_1663 : i32
      %add3A_1665 = arith.constant 14 : i32
      %add3A_1666 = arith.addi %mul3A_1664, %add3A_1665 : i32
      %broadcast_in_dim3A_1667 = arith.constant 0.000000e+00 : f32
      %broadcast_in_dim3A_1668 = vector.broadcast %broadcast_in_dim3A_1667 : f32 to vector<16xf32>
      %get3A_1669 = arith.index_cast %add3A_1666 : i32 to index
      %get3A_1670 = arith.constant 0 : index
      %get3A_1671 = tpu.vector_load %arg6[%get3A_1669, %get3A_1670] {strides = array<i32>} : memref<32x256xf32, #tpu.memory_space<vmem>>, vector<16xf32>,
      %sub3A_1672 = arith.subf %add3A_11, %get3A_1671 : vector<16xf32>
      %mul3A_1673 = arith.mulf %sub3A_1672, %sub3A_1672 : vector<16xf32>
      %add3A_1674 = arith.addf %broadcast_in_dim3A_1668, %mul3A_1673 : vector<16xf32>
      %get3A_1675 = arith.index_cast %add3A_1666 : i32 to index
      %get3A_1676 = arith.constant 16 : index
      %get3A_1677 = tpu.vector_load %arg6[%get3A_1675, %get3A_1676] {strides = array<i32>} : memref<32x256xf32, #tpu.memory_space<vmem>>, vector<16xf32>,
      %sub3A_1678 = arith.subf %add3A_16, %get3A_1677 : vector<16xf32>
      %mul3A_1679 = arith.mulf %sub3A_1678, %sub3A_1678 : vector<16xf32>
      %add3A_1680 = arith.addf %add3A_1674, %mul3A_1679 : vector<16xf32>
      %get3A_1681 = arith.index_cast %add3A_1666 : i32 to index
      %get3A_1682 = arith.constant 32 : index
      %get3A_1683 = tpu.vector_load %arg6[%get3A_1681, %get3A_1682] {strides = array<i32>} : memref<32x256xf32, #tpu.memory_space<vmem>>, vector<16xf32>,
      %sub3A_1684 = arith.subf %add3A_21, %get3A_1683 : vector<16xf32>
      %mul3A_1685 = arith.mulf %sub3A_1684, %sub3A_1684 : vector<16xf32>
      %add3A_1686 = arith.addf %add3A_1680, %mul3A_1685 : vector<16xf32>
      %get3A_1687 = arith.index_cast %add3A_1666 : i32 to index
      %get3A_1688 = arith.constant 48 : index
      %get3A_1689 = tpu.vector_load %arg6[%get3A_1687, %get3A_1688] {strides = array<i32>} : memref<32x256xf32, #tpu.memory_space<vmem>>, vector<16xf32>,
      %sub3A_1690 = arith.subf %add3A_26, %get3A_1689 : vector<16xf32>
      %mul3A_1691 = arith.mulf %sub3A_1690, %sub3A_1690 : vector<16xf32>
      %add3A_1692 = arith.addf %add3A_1686, %mul3A_1691 : vector<16xf32>
      %get3A_1693 = arith.index_cast %add3A_1666 : i32 to index
      %get3A_1694 = arith.constant 64 : index
      %get3A_1695 = tpu.vector_load %arg6[%get3A_1693, %get3A_1694] {strides = array<i32>} : memref<32x256xf32, #tpu.memory_space<vmem>>, vector<16xf32>,
      %sub3A_1696 = arith.subf %add3A_31, %get3A_1695 : vector<16xf32>
      %mul3A_1697 = arith.mulf %sub3A_1696, %sub3A_1696 : vector<16xf32>
      %add3A_1698 = arith.addf %add3A_1692, %mul3A_1697 : vector<16xf32>
      %get3A_1699 = arith.index_cast %add3A_1666 : i32 to index
      %get3A_1700 = arith.constant 80 : index
      %get3A_1701 = tpu.vector_load %arg6[%get3A_1699, %get3A_1700] {strides = array<i32>} : memref<32x256xf32, #tpu.memory_space<vmem>>, vector<16xf32>,
      %sub3A_1702 = arith.subf %add3A_36, %get3A_1701 : vector<16xf32>
      %mul3A_1703 = arith.mulf %sub3A_1702, %sub3A_1702 : vector<16xf32>
      %add3A_1704 = arith.addf %add3A_1698, %mul3A_1703 : vector<16xf32>
      %get3A_1705 = arith.index_cast %add3A_1666 : i32 to index
      %get3A_1706 = arith.constant 96 : index
      %get3A_1707 = tpu.vector_load %arg6[%get3A_1705, %get3A_1706] {strides = array<i32>} : memref<32x256xf32, #tpu.memory_space<vmem>>, vector<16xf32>,
      %sub3A_1708 = arith.subf %add3A_41, %get3A_1707 : vector<16xf32>
      %mul3A_1709 = arith.mulf %sub3A_1708, %sub3A_1708 : vector<16xf32>
      %add3A_1710 = arith.addf %add3A_1704, %mul3A_1709 : vector<16xf32>
      %get3A_1711 = arith.index_cast %add3A_1666 : i32 to index
      %get3A_1712 = arith.constant 112 : index
      %get3A_1713 = tpu.vector_load %arg6[%get3A_1711, %get3A_1712] {strides = array<i32>} : memref<32x256xf32, #tpu.memory_space<vmem>>, vector<16xf32>,
      %sub3A_1714 = arith.subf %add3A_46, %get3A_1713 : vector<16xf32>
      %mul3A_1715 = arith.mulf %sub3A_1714, %sub3A_1714 : vector<16xf32>
      %add3A_1716 = arith.addf %add3A_1710, %mul3A_1715 : vector<16xf32>
      %get3A_1717 = arith.index_cast %add3A_1666 : i32 to index
      %get3A_1718 = arith.constant 128 : index
      %get3A_1719 = tpu.vector_load %arg6[%get3A_1717, %get3A_1718] {strides = array<i32>} : memref<32x256xf32, #tpu.memory_space<vmem>>, vector<16xf32>,
      %sub3A_1720 = arith.subf %add3A_51, %get3A_1719 : vector<16xf32>
      %mul3A_1721 = arith.mulf %sub3A_1720, %sub3A_1720 : vector<16xf32>
      %add3A_1722 = arith.addf %add3A_1716, %mul3A_1721 : vector<16xf32>
      %get3A_1723 = arith.index_cast %add3A_1666 : i32 to index
      %get3A_1724 = arith.constant 144 : index
      %get3A_1725 = tpu.vector_load %arg6[%get3A_1723, %get3A_1724] {strides = array<i32>} : memref<32x256xf32, #tpu.memory_space<vmem>>, vector<16xf32>,
      %sub3A_1726 = arith.subf %add3A_56, %get3A_1725 : vector<16xf32>
      %mul3A_1727 = arith.mulf %sub3A_1726, %sub3A_1726 : vector<16xf32>
      %add3A_1728 = arith.addf %add3A_1722, %mul3A_1727 : vector<16xf32>
      %get3A_1729 = arith.index_cast %add3A_1666 : i32 to index
      %get3A_1730 = arith.constant 160 : index
      %get3A_1731 = tpu.vector_load %arg6[%get3A_1729, %get3A_1730] {strides = array<i32>} : memref<32x256xf32, #tpu.memory_space<vmem>>, vector<16xf32>,
      %sub3A_1732 = arith.subf %add3A_61, %get3A_1731 : vector<16xf32>
      %mul3A_1733 = arith.mulf %sub3A_1732, %sub3A_1732 : vector<16xf32>
      %add3A_1734 = arith.addf %add3A_1728, %mul3A_1733 : vector<16xf32>
      %get3A_1735 = arith.index_cast %add3A_1666 : i32 to index
      %get3A_1736 = arith.constant 176 : index
      %get3A_1737 = tpu.vector_load %arg6[%get3A_1735, %get3A_1736] {strides = array<i32>} : memref<32x256xf32, #tpu.memory_space<vmem>>, vector<16xf32>,
      %sub3A_1738 = arith.subf %add3A_66, %get3A_1737 : vector<16xf32>
      %mul3A_1739 = arith.mulf %sub3A_1738, %sub3A_1738 : vector<16xf32>
      %add3A_1740 = arith.addf %add3A_1734, %mul3A_1739 : vector<16xf32>
      %get3A_1741 = arith.index_cast %add3A_1666 : i32 to index
      %get3A_1742 = arith.constant 192 : index
      %get3A_1743 = tpu.vector_load %arg6[%get3A_1741, %get3A_1742] {strides = array<i32>} : memref<32x256xf32, #tpu.memory_space<vmem>>, vector<16xf32>,
      %sub3A_1744 = arith.subf %add3A_71, %get3A_1743 : vector<16xf32>
      %mul3A_1745 = arith.mulf %sub3A_1744, %sub3A_1744 : vector<16xf32>
      %add3A_1746 = arith.addf %add3A_1740, %mul3A_1745 : vector<16xf32>
      %get3A_1747 = arith.index_cast %add3A_1666 : i32 to index
      %get3A_1748 = arith.constant 208 : index
      %get3A_1749 = tpu.vector_load %arg6[%get3A_1747, %get3A_1748] {strides = array<i32>} : memref<32x256xf32, #tpu.memory_space<vmem>>, vector<16xf32>,
      %sub3A_1750 = arith.subf %add3A_76, %get3A_1749 : vector<16xf32>
      %mul3A_1751 = arith.mulf %sub3A_1750, %sub3A_1750 : vector<16xf32>
      %add3A_1752 = arith.addf %add3A_1746, %mul3A_1751 : vector<16xf32>
      %get3A_1753 = arith.index_cast %add3A_1666 : i32 to index
      %get3A_1754 = arith.constant 224 : index
      %get3A_1755 = tpu.vector_load %arg6[%get3A_1753, %get3A_1754] {strides = array<i32>} : memref<32x256xf32, #tpu.memory_space<vmem>>, vector<16xf32>,
      %sub3A_1756 = arith.subf %add3A_81, %get3A_1755 : vector<16xf32>
      %mul3A_1757 = arith.mulf %sub3A_1756, %sub3A_1756 : vector<16xf32>
      %add3A_1758 = arith.addf %add3A_1752, %mul3A_1757 : vector<16xf32>
      %get3A_1759 = arith.index_cast %add3A_1666 : i32 to index
      %get3A_1760 = arith.constant 240 : index
      %get3A_1761 = tpu.vector_load %arg6[%get3A_1759, %get3A_1760] {strides = array<i32>} : memref<32x256xf32, #tpu.memory_space<vmem>>, vector<16xf32>,
      %sub3A_1762 = arith.subf %add3A_86, %get3A_1761 : vector<16xf32>
      %mul3A_1763 = arith.mulf %sub3A_1762, %sub3A_1762 : vector<16xf32>
      %add3A_1764 = arith.addf %add3A_1758, %mul3A_1763 : vector<16xf32>
      %reduce_sum3A_1765 = arith.constant true
      %reduce_sum3A_1766 = vector.broadcast %reduce_sum3A_1765 : i1 to vector<16xi1>
      %reduce_sum3A_1767 = tpu.scan <sum>, %add3A_1764 masked %reduce_sum3A_1766 : vector<16xf32>, vector<16xi1> -> vector<16xf32>
      %reduce_sum3A_1768 = vector.extract %reduce_sum3A_1767[15] : f32 from vector<16xf32>
      %eq3A_1769 = arith.constant 14 : i32
      %eq3A_1770 = vector.broadcast %eq3A_1769 : i32 to vector<16xi32>
      %eq3A_1771 = arith.cmpi eq, %iota3A, %eq3A_1770 : vector<16xi32>
      %broadcast_in_dim3A_1772 = vector.broadcast %reduce_sum3A_1768 : f32 to vector<16xf32>
      %select_n3A_1773 = arith.select %eq3A_1771, %broadcast_in_dim3A_1772, %select_n3A_1662 : vector<16xi1>, vector<16xf32>
      %mul3A_1774 = arith.constant 16 : i32
      %mul3A_1775 = arith.muli %scan3A_111, %mul3A_1774 : i32
      %add3A_1776 = arith.constant 15 : i32
      %add3A_1777 = arith.addi %mul3A_1775, %add3A_1776 : i32
      %broadcast_in_dim3A_1778 = arith.constant 0.000000e+00 : f32
      %broadcast_in_dim3A_1779 = vector.broadcast %broadcast_in_dim3A_1778 : f32 to vector<16xf32>
      %get3A_1780 = arith.index_cast %add3A_1777 : i32 to index
      %get3A_1781 = arith.constant 0 : index
      %get3A_1782 = tpu.vector_load %arg6[%get3A_1780, %get3A_1781] {strides = array<i32>} : memref<32x256xf32, #tpu.memory_space<vmem>>, vector<16xf32>,
      %sub3A_1783 = arith.subf %add3A_11, %get3A_1782 : vector<16xf32>
      %mul3A_1784 = arith.mulf %sub3A_1783, %sub3A_1783 : vector<16xf32>
      %add3A_1785 = arith.addf %broadcast_in_dim3A_1779, %mul3A_1784 : vector<16xf32>
      %get3A_1786 = arith.index_cast %add3A_1777 : i32 to index
      %get3A_1787 = arith.constant 16 : index
      %get3A_1788 = tpu.vector_load %arg6[%get3A_1786, %get3A_1787] {strides = array<i32>} : memref<32x256xf32, #tpu.memory_space<vmem>>, vector<16xf32>,
      %sub3A_1789 = arith.subf %add3A_16, %get3A_1788 : vector<16xf32>
      %mul3A_1790 = arith.mulf %sub3A_1789, %sub3A_1789 : vector<16xf32>
      %add3A_1791 = arith.addf %add3A_1785, %mul3A_1790 : vector<16xf32>
      %get3A_1792 = arith.index_cast %add3A_1777 : i32 to index
      %get3A_1793 = arith.constant 32 : index
      %get3A_1794 = tpu.vector_load %arg6[%get3A_1792, %get3A_1793] {strides = array<i32>} : memref<32x256xf32, #tpu.memory_space<vmem>>, vector<16xf32>,
      %sub3A_1795 = arith.subf %add3A_21, %get3A_1794 : vector<16xf32>
      %mul3A_1796 = arith.mulf %sub3A_1795, %sub3A_1795 : vector<16xf32>
      %add3A_1797 = arith.addf %add3A_1791, %mul3A_1796 : vector<16xf32>
      %get3A_1798 = arith.index_cast %add3A_1777 : i32 to index
      %get3A_1799 = arith.constant 48 : index
      %get3A_1800 = tpu.vector_load %arg6[%get3A_1798, %get3A_1799] {strides = array<i32>} : memref<32x256xf32, #tpu.memory_space<vmem>>, vector<16xf32>,
      %sub3A_1801 = arith.subf %add3A_26, %get3A_1800 : vector<16xf32>
      %mul3A_1802 = arith.mulf %sub3A_1801, %sub3A_1801 : vector<16xf32>
      %add3A_1803 = arith.addf %add3A_1797, %mul3A_1802 : vector<16xf32>
      %get3A_1804 = arith.index_cast %add3A_1777 : i32 to index
      %get3A_1805 = arith.constant 64 : index
      %get3A_1806 = tpu.vector_load %arg6[%get3A_1804, %get3A_1805] {strides = array<i32>} : memref<32x256xf32, #tpu.memory_space<vmem>>, vector<16xf32>,
      %sub3A_1807 = arith.subf %add3A_31, %get3A_1806 : vector<16xf32>
      %mul3A_1808 = arith.mulf %sub3A_1807, %sub3A_1807 : vector<16xf32>
      %add3A_1809 = arith.addf %add3A_1803, %mul3A_1808 : vector<16xf32>
      %get3A_1810 = arith.index_cast %add3A_1777 : i32 to index
      %get3A_1811 = arith.constant 80 : index
      %get3A_1812 = tpu.vector_load %arg6[%get3A_1810, %get3A_1811] {strides = array<i32>} : memref<32x256xf32, #tpu.memory_space<vmem>>, vector<16xf32>,
      %sub3A_1813 = arith.subf %add3A_36, %get3A_1812 : vector<16xf32>
      %mul3A_1814 = arith.mulf %sub3A_1813, %sub3A_1813 : vector<16xf32>
      %add3A_1815 = arith.addf %add3A_1809, %mul3A_1814 : vector<16xf32>
      %get3A_1816 = arith.index_cast %add3A_1777 : i32 to index
      %get3A_1817 = arith.constant 96 : index
      %get3A_1818 = tpu.vector_load %arg6[%get3A_1816, %get3A_1817] {strides = array<i32>} : memref<32x256xf32, #tpu.memory_space<vmem>>, vector<16xf32>,
      %sub3A_1819 = arith.subf %add3A_41, %get3A_1818 : vector<16xf32>
      %mul3A_1820 = arith.mulf %sub3A_1819, %sub3A_1819 : vector<16xf32>
      %add3A_1821 = arith.addf %add3A_1815, %mul3A_1820 : vector<16xf32>
      %get3A_1822 = arith.index_cast %add3A_1777 : i32 to index
      %get3A_1823 = arith.constant 112 : index
      %get3A_1824 = tpu.vector_load %arg6[%get3A_1822, %get3A_1823] {strides = array<i32>} : memref<32x256xf32, #tpu.memory_space<vmem>>, vector<16xf32>,
      %sub3A_1825 = arith.subf %add3A_46, %get3A_1824 : vector<16xf32>
      %mul3A_1826 = arith.mulf %sub3A_1825, %sub3A_1825 : vector<16xf32>
      %add3A_1827 = arith.addf %add3A_1821, %mul3A_1826 : vector<16xf32>
      %get3A_1828 = arith.index_cast %add3A_1777 : i32 to index
      %get3A_1829 = arith.constant 128 : index
      %get3A_1830 = tpu.vector_load %arg6[%get3A_1828, %get3A_1829] {strides = array<i32>} : memref<32x256xf32, #tpu.memory_space<vmem>>, vector<16xf32>,
      %sub3A_1831 = arith.subf %add3A_51, %get3A_1830 : vector<16xf32>
      %mul3A_1832 = arith.mulf %sub3A_1831, %sub3A_1831 : vector<16xf32>
      %add3A_1833 = arith.addf %add3A_1827, %mul3A_1832 : vector<16xf32>
      %get3A_1834 = arith.index_cast %add3A_1777 : i32 to index
      %get3A_1835 = arith.constant 144 : index
      %get3A_1836 = tpu.vector_load %arg6[%get3A_1834, %get3A_1835] {strides = array<i32>} : memref<32x256xf32, #tpu.memory_space<vmem>>, vector<16xf32>,
      %sub3A_1837 = arith.subf %add3A_56, %get3A_1836 : vector<16xf32>
      %mul3A_1838 = arith.mulf %sub3A_1837, %sub3A_1837 : vector<16xf32>
      %add3A_1839 = arith.addf %add3A_1833, %mul3A_1838 : vector<16xf32>
      %get3A_1840 = arith.index_cast %add3A_1777 : i32 to index
      %get3A_1841 = arith.constant 160 : index
      %get3A_1842 = tpu.vector_load %arg6[%get3A_1840, %get3A_1841] {strides = array<i32>} : memref<32x256xf32, #tpu.memory_space<vmem>>, vector<16xf32>,
      %sub3A_1843 = arith.subf %add3A_61, %get3A_1842 : vector<16xf32>
      %mul3A_1844 = arith.mulf %sub3A_1843, %sub3A_1843 : vector<16xf32>
      %add3A_1845 = arith.addf %add3A_1839, %mul3A_1844 : vector<16xf32>
      %get3A_1846 = arith.index_cast %add3A_1777 : i32 to index
      %get3A_1847 = arith.constant 176 : index
      %get3A_1848 = tpu.vector_load %arg6[%get3A_1846, %get3A_1847] {strides = array<i32>} : memref<32x256xf32, #tpu.memory_space<vmem>>, vector<16xf32>,
      %sub3A_1849 = arith.subf %add3A_66, %get3A_1848 : vector<16xf32>
      %mul3A_1850 = arith.mulf %sub3A_1849, %sub3A_1849 : vector<16xf32>
      %add3A_1851 = arith.addf %add3A_1845, %mul3A_1850 : vector<16xf32>
      %get3A_1852 = arith.index_cast %add3A_1777 : i32 to index
      %get3A_1853 = arith.constant 192 : index
      %get3A_1854 = tpu.vector_load %arg6[%get3A_1852, %get3A_1853] {strides = array<i32>} : memref<32x256xf32, #tpu.memory_space<vmem>>, vector<16xf32>,
      %sub3A_1855 = arith.subf %add3A_71, %get3A_1854 : vector<16xf32>
      %mul3A_1856 = arith.mulf %sub3A_1855, %sub3A_1855 : vector<16xf32>
      %add3A_1857 = arith.addf %add3A_1851, %mul3A_1856 : vector<16xf32>
      %get3A_1858 = arith.index_cast %add3A_1777 : i32 to index
      %get3A_1859 = arith.constant 208 : index
      %get3A_1860 = tpu.vector_load %arg6[%get3A_1858, %get3A_1859] {strides = array<i32>} : memref<32x256xf32, #tpu.memory_space<vmem>>, vector<16xf32>,
      %sub3A_1861 = arith.subf %add3A_76, %get3A_1860 : vector<16xf32>
      %mul3A_1862 = arith.mulf %sub3A_1861, %sub3A_1861 : vector<16xf32>
      %add3A_1863 = arith.addf %add3A_1857, %mul3A_1862 : vector<16xf32>
      %get3A_1864 = arith.index_cast %add3A_1777 : i32 to index
      %get3A_1865 = arith.constant 224 : index
      %get3A_1866 = tpu.vector_load %arg6[%get3A_1864, %get3A_1865] {strides = array<i32>} : memref<32x256xf32, #tpu.memory_space<vmem>>, vector<16xf32>,
      %sub3A_1867 = arith.subf %add3A_81, %get3A_1866 : vector<16xf32>
      %mul3A_1868 = arith.mulf %sub3A_1867, %sub3A_1867 : vector<16xf32>
      %add3A_1869 = arith.addf %add3A_1863, %mul3A_1868 : vector<16xf32>
      %get3A_1870 = arith.index_cast %add3A_1777 : i32 to index
      %get3A_1871 = arith.constant 240 : index
      %get3A_1872 = tpu.vector_load %arg6[%get3A_1870, %get3A_1871] {strides = array<i32>} : memref<32x256xf32, #tpu.memory_space<vmem>>, vector<16xf32>,
      %sub3A_1873 = arith.subf %add3A_86, %get3A_1872 : vector<16xf32>
      %mul3A_1874 = arith.mulf %sub3A_1873, %sub3A_1873 : vector<16xf32>
      %add3A_1875 = arith.addf %add3A_1869, %mul3A_1874 : vector<16xf32>
      %reduce_sum3A_1876 = arith.constant true
      %reduce_sum3A_1877 = vector.broadcast %reduce_sum3A_1876 : i1 to vector<16xi1>
      %reduce_sum3A_1878 = tpu.scan <sum>, %add3A_1875 masked %reduce_sum3A_1877 : vector<16xf32>, vector<16xi1> -> vector<16xf32>
      %reduce_sum3A_1879 = vector.extract %reduce_sum3A_1878[15] : f32 from vector<16xf32>
      %eq3A_1880 = arith.constant 15 : i32
      %eq3A_1881 = vector.broadcast %eq3A_1880 : i32 to vector<16xi32>
      %eq3A_1882 = arith.cmpi eq, %iota3A, %eq3A_1881 : vector<16xi32>
      %broadcast_in_dim3A_1883 = vector.broadcast %reduce_sum3A_1879 : f32 to vector<16xf32>
      %select_n3A_1884 = arith.select %eq3A_1882, %broadcast_in_dim3A_1883, %select_n3A_1773 : vector<16xi1>, vector<16xf32>
      %mul3A_1885 = arith.constant 16 : i32
      %mul3A_1886 = arith.muli %scan3A_111, %mul3A_1885 : i32
      %add3A_1887 = arith.constant 0 : i32
      %add3A_1888 = arith.addi %add3A_1887, %mul3A_1886 : i32
      %swap3A = arith.index_cast %add3A_1888 : i32 to index
      %swap3A_1889 = tpu.vector_load %arg8[%swap3A] {strides = array<i32>} : memref<64xf32, #tpu.memory_space<vmem>>, vector<16xf32>,
      tpu.vector_store %arg8[%swap3A], %select_n3A_1884 {strides = array<i32>} : memref<64xf32, #tpu.memory_space<vmem>>, vector<16xf32>,
    }
    %scan3A_100 = arith.constant 2 : i32
    %dma_wait3A_101 = arith.constant 0 : i32
    %dma_wait3A_102 = tpu.memref_slice %arg3[%add3A_88, %dma_wait3A_101] : memref<8192x256xf32, #tpu.memory_space<hbm>> -> memref<32x256xf32, #tpu.memory_space<hbm>>
    %dma_wait3A_103 = arith.constant 0 : i32
    %dma_wait3A_104 = tpu.memref_slice %arg3[%add3A_88, %dma_wait3A_103] : memref<8192x256xf32, #tpu.memory_space<hbm>> -> memref<32x256xf32, #tpu.memory_space<hbm>>
    tpu.wait_dma2 semaphore(%arg10 : memref<!tpu.dma_semaphore, #tpu.memory_space<semaphore_mem>>) src(%dma_wait3A_104 : memref<32x256xf32, #tpu.memory_space<hbm>>) dst(%arg7 : memref<32x256xf32, #tpu.memory_space<vmem>>)
    %scan3A_105 = arith.constant 0 : i32
    %scan3A_106 = arith.constant 0 : i32
    %scan3A_107 = arith.constant 2 : i32
    %scan3A_108 = arith.addi %scan3A_106, %scan3A_107 : i32
    %scan3A_109 = arith.constant 1 : i32
    scf.for %scan3A_111 = %scan3A_106 to %scan3A_108 step %scan3A_109  : i32 {
      %broadcast_in_dim3A = arith.constant 0.000000e+00 : f32
      %broadcast_in_dim3A_112 = vector.broadcast %broadcast_in_dim3A : f32 to vector<16xf32>
      %mul3A_113 = arith.constant 16 : i32
      %mul3A_114 = arith.muli %scan3A_111, %mul3A_113 : i32
      %add3A_115 = arith.constant 0 : i32
      %add3A_116 = arith.addi %mul3A_114, %add3A_115 : i32
      %broadcast_in_dim3A_117 = arith.constant 0.000000e+00 : f32
      %broadcast_in_dim3A_118 = vector.broadcast %broadcast_in_dim3A_117 : f32 to vector<16xf32>
      %get3A_119 = arith.index_cast %add3A_116 : i32 to index
      %get3A_120 = arith.constant 0 : index
      %get3A_121 = tpu.vector_load %arg7[%get3A_119, %get3A_120] {strides = array<i32>} : memref<32x256xf32, #tpu.memory_space<vmem>>, vector<16xf32>,
      %sub3A = arith.subf %add3A_11, %get3A_121 : vector<16xf32>
      %mul3A_122 = arith.mulf %sub3A, %sub3A : vector<16xf32>
      %add3A_123 = arith.addf %broadcast_in_dim3A_118, %mul3A_122 : vector<16xf32>
      %get3A_124 = arith.index_cast %add3A_116 : i32 to index
      %get3A_125 = arith.constant 16 : index
      %get3A_126 = tpu.vector_load %arg7[%get3A_124, %get3A_125] {strides = array<i32>} : memref<32x256xf32, #tpu.memory_space<vmem>>, vector<16xf32>,
      %sub3A_127 = arith.subf %add3A_16, %get3A_126 : vector<16xf32>
      %mul3A_128 = arith.mulf %sub3A_127, %sub3A_127 : vector<16xf32>
      %add3A_129 = arith.addf %add3A_123, %mul3A_128 : vector<16xf32>
      %get3A_130 = arith.index_cast %add3A_116 : i32 to index
      %get3A_131 = arith.constant 32 : index
      %get3A_132 = tpu.vector_load %arg7[%get3A_130, %get3A_131] {strides = array<i32>} : memref<32x256xf32, #tpu.memory_space<vmem>>, vector<16xf32>,
      %sub3A_133 = arith.subf %add3A_21, %get3A_132 : vector<16xf32>
      %mul3A_134 = arith.mulf %sub3A_133, %sub3A_133 : vector<16xf32>
      %add3A_135 = arith.addf %add3A_129, %mul3A_134 : vector<16xf32>
      %get3A_136 = arith.index_cast %add3A_116 : i32 to index
      %get3A_137 = arith.constant 48 : index
      %get3A_138 = tpu.vector_load %arg7[%get3A_136, %get3A_137] {strides = array<i32>} : memref<32x256xf32, #tpu.memory_space<vmem>>, vector<16xf32>,
      %sub3A_139 = arith.subf %add3A_26, %get3A_138 : vector<16xf32>
      %mul3A_140 = arith.mulf %sub3A_139, %sub3A_139 : vector<16xf32>
      %add3A_141 = arith.addf %add3A_135, %mul3A_140 : vector<16xf32>
      %get3A_142 = arith.index_cast %add3A_116 : i32 to index
      %get3A_143 = arith.constant 64 : index
      %get3A_144 = tpu.vector_load %arg7[%get3A_142, %get3A_143] {strides = array<i32>} : memref<32x256xf32, #tpu.memory_space<vmem>>, vector<16xf32>,
      %sub3A_145 = arith.subf %add3A_31, %get3A_144 : vector<16xf32>
      %mul3A_146 = arith.mulf %sub3A_145, %sub3A_145 : vector<16xf32>
      %add3A_147 = arith.addf %add3A_141, %mul3A_146 : vector<16xf32>
      %get3A_148 = arith.index_cast %add3A_116 : i32 to index
      %get3A_149 = arith.constant 80 : index
      %get3A_150 = tpu.vector_load %arg7[%get3A_148, %get3A_149] {strides = array<i32>} : memref<32x256xf32, #tpu.memory_space<vmem>>, vector<16xf32>,
      %sub3A_151 = arith.subf %add3A_36, %get3A_150 : vector<16xf32>
      %mul3A_152 = arith.mulf %sub3A_151, %sub3A_151 : vector<16xf32>
      %add3A_153 = arith.addf %add3A_147, %mul3A_152 : vector<16xf32>
      %get3A_154 = arith.index_cast %add3A_116 : i32 to index
      %get3A_155 = arith.constant 96 : index
      %get3A_156 = tpu.vector_load %arg7[%get3A_154, %get3A_155] {strides = array<i32>} : memref<32x256xf32, #tpu.memory_space<vmem>>, vector<16xf32>,
      %sub3A_157 = arith.subf %add3A_41, %get3A_156 : vector<16xf32>
      %mul3A_158 = arith.mulf %sub3A_157, %sub3A_157 : vector<16xf32>
      %add3A_159 = arith.addf %add3A_153, %mul3A_158 : vector<16xf32>
      %get3A_160 = arith.index_cast %add3A_116 : i32 to index
      %get3A_161 = arith.constant 112 : index
      %get3A_162 = tpu.vector_load %arg7[%get3A_160, %get3A_161] {strides = array<i32>} : memref<32x256xf32, #tpu.memory_space<vmem>>, vector<16xf32>,
      %sub3A_163 = arith.subf %add3A_46, %get3A_162 : vector<16xf32>
      %mul3A_164 = arith.mulf %sub3A_163, %sub3A_163 : vector<16xf32>
      %add3A_165 = arith.addf %add3A_159, %mul3A_164 : vector<16xf32>
      %get3A_166 = arith.index_cast %add3A_116 : i32 to index
      %get3A_167 = arith.constant 128 : index
      %get3A_168 = tpu.vector_load %arg7[%get3A_166, %get3A_167] {strides = array<i32>} : memref<32x256xf32, #tpu.memory_space<vmem>>, vector<16xf32>,
      %sub3A_169 = arith.subf %add3A_51, %get3A_168 : vector<16xf32>
      %mul3A_170 = arith.mulf %sub3A_169, %sub3A_169 : vector<16xf32>
      %add3A_171 = arith.addf %add3A_165, %mul3A_170 : vector<16xf32>
      %get3A_172 = arith.index_cast %add3A_116 : i32 to index
      %get3A_173 = arith.constant 144 : index
      %get3A_174 = tpu.vector_load %arg7[%get3A_172, %get3A_173] {strides = array<i32>} : memref<32x256xf32, #tpu.memory_space<vmem>>, vector<16xf32>,
      %sub3A_175 = arith.subf %add3A_56, %get3A_174 : vector<16xf32>
      %mul3A_176 = arith.mulf %sub3A_175, %sub3A_175 : vector<16xf32>
      %add3A_177 = arith.addf %add3A_171, %mul3A_176 : vector<16xf32>
      %get3A_178 = arith.index_cast %add3A_116 : i32 to index
      %get3A_179 = arith.constant 160 : index
      %get3A_180 = tpu.vector_load %arg7[%get3A_178, %get3A_179] {strides = array<i32>} : memref<32x256xf32, #tpu.memory_space<vmem>>, vector<16xf32>,
      %sub3A_181 = arith.subf %add3A_61, %get3A_180 : vector<16xf32>
      %mul3A_182 = arith.mulf %sub3A_181, %sub3A_181 : vector<16xf32>
      %add3A_183 = arith.addf %add3A_177, %mul3A_182 : vector<16xf32>
      %get3A_184 = arith.index_cast %add3A_116 : i32 to index
      %get3A_185 = arith.constant 176 : index
      %get3A_186 = tpu.vector_load %arg7[%get3A_184, %get3A_185] {strides = array<i32>} : memref<32x256xf32, #tpu.memory_space<vmem>>, vector<16xf32>,
      %sub3A_187 = arith.subf %add3A_66, %get3A_186 : vector<16xf32>
      %mul3A_188 = arith.mulf %sub3A_187, %sub3A_187 : vector<16xf32>
      %add3A_189 = arith.addf %add3A_183, %mul3A_188 : vector<16xf32>
      %get3A_190 = arith.index_cast %add3A_116 : i32 to index
      %get3A_191 = arith.constant 192 : index
      %get3A_192 = tpu.vector_load %arg7[%get3A_190, %get3A_191] {strides = array<i32>} : memref<32x256xf32, #tpu.memory_space<vmem>>, vector<16xf32>,
      %sub3A_193 = arith.subf %add3A_71, %get3A_192 : vector<16xf32>
      %mul3A_194 = arith.mulf %sub3A_193, %sub3A_193 : vector<16xf32>
      %add3A_195 = arith.addf %add3A_189, %mul3A_194 : vector<16xf32>
      %get3A_196 = arith.index_cast %add3A_116 : i32 to index
      %get3A_197 = arith.constant 208 : index
      %get3A_198 = tpu.vector_load %arg7[%get3A_196, %get3A_197] {strides = array<i32>} : memref<32x256xf32, #tpu.memory_space<vmem>>, vector<16xf32>,
      %sub3A_199 = arith.subf %add3A_76, %get3A_198 : vector<16xf32>
      %mul3A_200 = arith.mulf %sub3A_199, %sub3A_199 : vector<16xf32>
      %add3A_201 = arith.addf %add3A_195, %mul3A_200 : vector<16xf32>
      %get3A_202 = arith.index_cast %add3A_116 : i32 to index
      %get3A_203 = arith.constant 224 : index
      %get3A_204 = tpu.vector_load %arg7[%get3A_202, %get3A_203] {strides = array<i32>} : memref<32x256xf32, #tpu.memory_space<vmem>>, vector<16xf32>,
      %sub3A_205 = arith.subf %add3A_81, %get3A_204 : vector<16xf32>
      %mul3A_206 = arith.mulf %sub3A_205, %sub3A_205 : vector<16xf32>
      %add3A_207 = arith.addf %add3A_201, %mul3A_206 : vector<16xf32>
      %get3A_208 = arith.index_cast %add3A_116 : i32 to index
      %get3A_209 = arith.constant 240 : index
      %get3A_210 = tpu.vector_load %arg7[%get3A_208, %get3A_209] {strides = array<i32>} : memref<32x256xf32, #tpu.memory_space<vmem>>, vector<16xf32>,
      %sub3A_211 = arith.subf %add3A_86, %get3A_210 : vector<16xf32>
      %mul3A_212 = arith.mulf %sub3A_211, %sub3A_211 : vector<16xf32>
      %add3A_213 = arith.addf %add3A_207, %mul3A_212 : vector<16xf32>
      %reduce_sum3A = arith.constant true
      %reduce_sum3A_214 = vector.broadcast %reduce_sum3A : i1 to vector<16xi1>
      %reduce_sum3A_215 = tpu.scan <sum>, %add3A_213 masked %reduce_sum3A_214 : vector<16xf32>, vector<16xi1> -> vector<16xf32>
      %reduce_sum3A_216 = vector.extract %reduce_sum3A_215[15] : f32 from vector<16xf32>
      %eq3A = arith.constant 0 : i32
      %eq3A_217 = vector.broadcast %eq3A : i32 to vector<16xi32>
      %eq3A_218 = arith.cmpi eq, %iota3A, %eq3A_217 : vector<16xi32>
      %broadcast_in_dim3A_219 = vector.broadcast %reduce_sum3A_216 : f32 to vector<16xf32>
      %select_n3A = arith.select %eq3A_218, %broadcast_in_dim3A_219, %broadcast_in_dim3A_112 : vector<16xi1>, vector<16xf32>
      %mul3A_220 = arith.constant 16 : i32
      %mul3A_221 = arith.muli %scan3A_111, %mul3A_220 : i32
      %add3A_222 = arith.constant 1 : i32
      %add3A_223 = arith.addi %mul3A_221, %add3A_222 : i32
      %broadcast_in_dim3A_224 = arith.constant 0.000000e+00 : f32
      %broadcast_in_dim3A_225 = vector.broadcast %broadcast_in_dim3A_224 : f32 to vector<16xf32>
      %get3A_226 = arith.index_cast %add3A_223 : i32 to index
      %get3A_227 = arith.constant 0 : index
      %get3A_228 = tpu.vector_load %arg7[%get3A_226, %get3A_227] {strides = array<i32>} : memref<32x256xf32, #tpu.memory_space<vmem>>, vector<16xf32>,
      %sub3A_229 = arith.subf %add3A_11, %get3A_228 : vector<16xf32>
      %mul3A_230 = arith.mulf %sub3A_229, %sub3A_229 : vector<16xf32>
      %add3A_231 = arith.addf %broadcast_in_dim3A_225, %mul3A_230 : vector<16xf32>
      %get3A_232 = arith.index_cast %add3A_223 : i32 to index
      %get3A_233 = arith.constant 16 : index
      %get3A_234 = tpu.vector_load %arg7[%get3A_232, %get3A_233] {strides = array<i32>} : memref<32x256xf32, #tpu.memory_space<vmem>>, vector<16xf32>,
      %sub3A_235 = arith.subf %add3A_16, %get3A_234 : vector<16xf32>
      %mul3A_236 = arith.mulf %sub3A_235, %sub3A_235 : vector<16xf32>
      %add3A_237 = arith.addf %add3A_231, %mul3A_236 : vector<16xf32>
      %get3A_238 = arith.index_cast %add3A_223 : i32 to index
      %get3A_239 = arith.constant 32 : index
      %get3A_240 = tpu.vector_load %arg7[%get3A_238, %get3A_239] {strides = array<i32>} : memref<32x256xf32, #tpu.memory_space<vmem>>, vector<16xf32>,
      %sub3A_241 = arith.subf %add3A_21, %get3A_240 : vector<16xf32>
      %mul3A_242 = arith.mulf %sub3A_241, %sub3A_241 : vector<16xf32>
      %add3A_243 = arith.addf %add3A_237, %mul3A_242 : vector<16xf32>
      %get3A_244 = arith.index_cast %add3A_223 : i32 to index
      %get3A_245 = arith.constant 48 : index
      %get3A_246 = tpu.vector_load %arg7[%get3A_244, %get3A_245] {strides = array<i32>} : memref<32x256xf32, #tpu.memory_space<vmem>>, vector<16xf32>,
      %sub3A_247 = arith.subf %add3A_26, %get3A_246 : vector<16xf32>
      %mul3A_248 = arith.mulf %sub3A_247, %sub3A_247 : vector<16xf32>
      %add3A_249 = arith.addf %add3A_243, %mul3A_248 : vector<16xf32>
      %get3A_250 = arith.index_cast %add3A_223 : i32 to index
      %get3A_251 = arith.constant 64 : index
      %get3A_252 = tpu.vector_load %arg7[%get3A_250, %get3A_251] {strides = array<i32>} : memref<32x256xf32, #tpu.memory_space<vmem>>, vector<16xf32>,
      %sub3A_253 = arith.subf %add3A_31, %get3A_252 : vector<16xf32>
      %mul3A_254 = arith.mulf %sub3A_253, %sub3A_253 : vector<16xf32>
      %add3A_255 = arith.addf %add3A_249, %mul3A_254 : vector<16xf32>
      %get3A_256 = arith.index_cast %add3A_223 : i32 to index
      %get3A_257 = arith.constant 80 : index
      %get3A_258 = tpu.vector_load %arg7[%get3A_256, %get3A_257] {strides = array<i32>} : memref<32x256xf32, #tpu.memory_space<vmem>>, vector<16xf32>,
      %sub3A_259 = arith.subf %add3A_36, %get3A_258 : vector<16xf32>
      %mul3A_260 = arith.mulf %sub3A_259, %sub3A_259 : vector<16xf32>
      %add3A_261 = arith.addf %add3A_255, %mul3A_260 : vector<16xf32>
      %get3A_262 = arith.index_cast %add3A_223 : i32 to index
      %get3A_263 = arith.constant 96 : index
      %get3A_264 = tpu.vector_load %arg7[%get3A_262, %get3A_263] {strides = array<i32>} : memref<32x256xf32, #tpu.memory_space<vmem>>, vector<16xf32>,
      %sub3A_265 = arith.subf %add3A_41, %get3A_264 : vector<16xf32>
      %mul3A_266 = arith.mulf %sub3A_265, %sub3A_265 : vector<16xf32>
      %add3A_267 = arith.addf %add3A_261, %mul3A_266 : vector<16xf32>
      %get3A_268 = arith.index_cast %add3A_223 : i32 to index
      %get3A_269 = arith.constant 112 : index
      %get3A_270 = tpu.vector_load %arg7[%get3A_268, %get3A_269] {strides = array<i32>} : memref<32x256xf32, #tpu.memory_space<vmem>>, vector<16xf32>,
      %sub3A_271 = arith.subf %add3A_46, %get3A_270 : vector<16xf32>
      %mul3A_272 = arith.mulf %sub3A_271, %sub3A_271 : vector<16xf32>
      %add3A_273 = arith.addf %add3A_267, %mul3A_272 : vector<16xf32>
      %get3A_274 = arith.index_cast %add3A_223 : i32 to index
      %get3A_275 = arith.constant 128 : index
      %get3A_276 = tpu.vector_load %arg7[%get3A_274, %get3A_275] {strides = array<i32>} : memref<32x256xf32, #tpu.memory_space<vmem>>, vector<16xf32>,
      %sub3A_277 = arith.subf %add3A_51, %get3A_276 : vector<16xf32>
      %mul3A_278 = arith.mulf %sub3A_277, %sub3A_277 : vector<16xf32>
      %add3A_279 = arith.addf %add3A_273, %mul3A_278 : vector<16xf32>
      %get3A_280 = arith.index_cast %add3A_223 : i32 to index
      %get3A_281 = arith.constant 144 : index
      %get3A_282 = tpu.vector_load %arg7[%get3A_280, %get3A_281] {strides = array<i32>} : memref<32x256xf32, #tpu.memory_space<vmem>>, vector<16xf32>,
      %sub3A_283 = arith.subf %add3A_56, %get3A_282 : vector<16xf32>
      %mul3A_284 = arith.mulf %sub3A_283, %sub3A_283 : vector<16xf32>
      %add3A_285 = arith.addf %add3A_279, %mul3A_284 : vector<16xf32>
      %get3A_286 = arith.index_cast %add3A_223 : i32 to index
      %get3A_287 = arith.constant 160 : index
      %get3A_288 = tpu.vector_load %arg7[%get3A_286, %get3A_287] {strides = array<i32>} : memref<32x256xf32, #tpu.memory_space<vmem>>, vector<16xf32>,
      %sub3A_289 = arith.subf %add3A_61, %get3A_288 : vector<16xf32>
      %mul3A_290 = arith.mulf %sub3A_289, %sub3A_289 : vector<16xf32>
      %add3A_291 = arith.addf %add3A_285, %mul3A_290 : vector<16xf32>
      %get3A_292 = arith.index_cast %add3A_223 : i32 to index
      %get3A_293 = arith.constant 176 : index
      %get3A_294 = tpu.vector_load %arg7[%get3A_292, %get3A_293] {strides = array<i32>} : memref<32x256xf32, #tpu.memory_space<vmem>>, vector<16xf32>,
      %sub3A_295 = arith.subf %add3A_66, %get3A_294 : vector<16xf32>
      %mul3A_296 = arith.mulf %sub3A_295, %sub3A_295 : vector<16xf32>
      %add3A_297 = arith.addf %add3A_291, %mul3A_296 : vector<16xf32>
      %get3A_298 = arith.index_cast %add3A_223 : i32 to index
      %get3A_299 = arith.constant 192 : index
      %get3A_300 = tpu.vector_load %arg7[%get3A_298, %get3A_299] {strides = array<i32>} : memref<32x256xf32, #tpu.memory_space<vmem>>, vector<16xf32>,
      %sub3A_301 = arith.subf %add3A_71, %get3A_300 : vector<16xf32>
      %mul3A_302 = arith.mulf %sub3A_301, %sub3A_301 : vector<16xf32>
      %add3A_303 = arith.addf %add3A_297, %mul3A_302 : vector<16xf32>
      %get3A_304 = arith.index_cast %add3A_223 : i32 to index
      %get3A_305 = arith.constant 208 : index
      %get3A_306 = tpu.vector_load %arg7[%get3A_304, %get3A_305] {strides = array<i32>} : memref<32x256xf32, #tpu.memory_space<vmem>>, vector<16xf32>,
      %sub3A_307 = arith.subf %add3A_76, %get3A_306 : vector<16xf32>
      %mul3A_308 = arith.mulf %sub3A_307, %sub3A_307 : vector<16xf32>
      %add3A_309 = arith.addf %add3A_303, %mul3A_308 : vector<16xf32>
      %get3A_310 = arith.index_cast %add3A_223 : i32 to index
      %get3A_311 = arith.constant 224 : index
      %get3A_312 = tpu.vector_load %arg7[%get3A_310, %get3A_311] {strides = array<i32>} : memref<32x256xf32, #tpu.memory_space<vmem>>, vector<16xf32>,
      %sub3A_313 = arith.subf %add3A_81, %get3A_312 : vector<16xf32>
      %mul3A_314 = arith.mulf %sub3A_313, %sub3A_313 : vector<16xf32>
      %add3A_315 = arith.addf %add3A_309, %mul3A_314 : vector<16xf32>
      %get3A_316 = arith.index_cast %add3A_223 : i32 to index
      %get3A_317 = arith.constant 240 : index
      %get3A_318 = tpu.vector_load %arg7[%get3A_316, %get3A_317] {strides = array<i32>} : memref<32x256xf32, #tpu.memory_space<vmem>>, vector<16xf32>,
      %sub3A_319 = arith.subf %add3A_86, %get3A_318 : vector<16xf32>
      %mul3A_320 = arith.mulf %sub3A_319, %sub3A_319 : vector<16xf32>
      %add3A_321 = arith.addf %add3A_315, %mul3A_320 : vector<16xf32>
      %reduce_sum3A_322 = arith.constant true
      %reduce_sum3A_323 = vector.broadcast %reduce_sum3A_322 : i1 to vector<16xi1>
      %reduce_sum3A_324 = tpu.scan <sum>, %add3A_321 masked %reduce_sum3A_323 : vector<16xf32>, vector<16xi1> -> vector<16xf32>
      %reduce_sum3A_325 = vector.extract %reduce_sum3A_324[15] : f32 from vector<16xf32>
      %eq3A_326 = arith.constant 1 : i32
      %eq3A_327 = vector.broadcast %eq3A_326 : i32 to vector<16xi32>
      %eq3A_328 = arith.cmpi eq, %iota3A, %eq3A_327 : vector<16xi32>
      %broadcast_in_dim3A_329 = vector.broadcast %reduce_sum3A_325 : f32 to vector<16xf32>
      %select_n3A_330 = arith.select %eq3A_328, %broadcast_in_dim3A_329, %select_n3A : vector<16xi1>, vector<16xf32>
      %mul3A_331 = arith.constant 16 : i32
      %mul3A_332 = arith.muli %scan3A_111, %mul3A_331 : i32
      %add3A_333 = arith.constant 2 : i32
      %add3A_334 = arith.addi %mul3A_332, %add3A_333 : i32
      %broadcast_in_dim3A_335 = arith.constant 0.000000e+00 : f32
      %broadcast_in_dim3A_336 = vector.broadcast %broadcast_in_dim3A_335 : f32 to vector<16xf32>
      %get3A_337 = arith.index_cast %add3A_334 : i32 to index
      %get3A_338 = arith.constant 0 : index
      %get3A_339 = tpu.vector_load %arg7[%get3A_337, %get3A_338] {strides = array<i32>} : memref<32x256xf32, #tpu.memory_space<vmem>>, vector<16xf32>,
      %sub3A_340 = arith.subf %add3A_11, %get3A_339 : vector<16xf32>
      %mul3A_341 = arith.mulf %sub3A_340, %sub3A_340 : vector<16xf32>
      %add3A_342 = arith.addf %broadcast_in_dim3A_336, %mul3A_341 : vector<16xf32>
      %get3A_343 = arith.index_cast %add3A_334 : i32 to index
      %get3A_344 = arith.constant 16 : index
      %get3A_345 = tpu.vector_load %arg7[%get3A_343, %get3A_344] {strides = array<i32>} : memref<32x256xf32, #tpu.memory_space<vmem>>, vector<16xf32>,
      %sub3A_346 = arith.subf %add3A_16, %get3A_345 : vector<16xf32>
      %mul3A_347 = arith.mulf %sub3A_346, %sub3A_346 : vector<16xf32>
      %add3A_348 = arith.addf %add3A_342, %mul3A_347 : vector<16xf32>
      %get3A_349 = arith.index_cast %add3A_334 : i32 to index
      %get3A_350 = arith.constant 32 : index
      %get3A_351 = tpu.vector_load %arg7[%get3A_349, %get3A_350] {strides = array<i32>} : memref<32x256xf32, #tpu.memory_space<vmem>>, vector<16xf32>,
      %sub3A_352 = arith.subf %add3A_21, %get3A_351 : vector<16xf32>
      %mul3A_353 = arith.mulf %sub3A_352, %sub3A_352 : vector<16xf32>
      %add3A_354 = arith.addf %add3A_348, %mul3A_353 : vector<16xf32>
      %get3A_355 = arith.index_cast %add3A_334 : i32 to index
      %get3A_356 = arith.constant 48 : index
      %get3A_357 = tpu.vector_load %arg7[%get3A_355, %get3A_356] {strides = array<i32>} : memref<32x256xf32, #tpu.memory_space<vmem>>, vector<16xf32>,
      %sub3A_358 = arith.subf %add3A_26, %get3A_357 : vector<16xf32>
      %mul3A_359 = arith.mulf %sub3A_358, %sub3A_358 : vector<16xf32>
      %add3A_360 = arith.addf %add3A_354, %mul3A_359 : vector<16xf32>
      %get3A_361 = arith.index_cast %add3A_334 : i32 to index
      %get3A_362 = arith.constant 64 : index
      %get3A_363 = tpu.vector_load %arg7[%get3A_361, %get3A_362] {strides = array<i32>} : memref<32x256xf32, #tpu.memory_space<vmem>>, vector<16xf32>,
      %sub3A_364 = arith.subf %add3A_31, %get3A_363 : vector<16xf32>
      %mul3A_365 = arith.mulf %sub3A_364, %sub3A_364 : vector<16xf32>
      %add3A_366 = arith.addf %add3A_360, %mul3A_365 : vector<16xf32>
      %get3A_367 = arith.index_cast %add3A_334 : i32 to index
      %get3A_368 = arith.constant 80 : index
      %get3A_369 = tpu.vector_load %arg7[%get3A_367, %get3A_368] {strides = array<i32>} : memref<32x256xf32, #tpu.memory_space<vmem>>, vector<16xf32>,
      %sub3A_370 = arith.subf %add3A_36, %get3A_369 : vector<16xf32>
      %mul3A_371 = arith.mulf %sub3A_370, %sub3A_370 : vector<16xf32>
      %add3A_372 = arith.addf %add3A_366, %mul3A_371 : vector<16xf32>
      %get3A_373 = arith.index_cast %add3A_334 : i32 to index
      %get3A_374 = arith.constant 96 : index
      %get3A_375 = tpu.vector_load %arg7[%get3A_373, %get3A_374] {strides = array<i32>} : memref<32x256xf32, #tpu.memory_space<vmem>>, vector<16xf32>,
      %sub3A_376 = arith.subf %add3A_41, %get3A_375 : vector<16xf32>
      %mul3A_377 = arith.mulf %sub3A_376, %sub3A_376 : vector<16xf32>
      %add3A_378 = arith.addf %add3A_372, %mul3A_377 : vector<16xf32>
      %get3A_379 = arith.index_cast %add3A_334 : i32 to index
      %get3A_380 = arith.constant 112 : index
      %get3A_381 = tpu.vector_load %arg7[%get3A_379, %get3A_380] {strides = array<i32>} : memref<32x256xf32, #tpu.memory_space<vmem>>, vector<16xf32>,
      %sub3A_382 = arith.subf %add3A_46, %get3A_381 : vector<16xf32>
      %mul3A_383 = arith.mulf %sub3A_382, %sub3A_382 : vector<16xf32>
      %add3A_384 = arith.addf %add3A_378, %mul3A_383 : vector<16xf32>
      %get3A_385 = arith.index_cast %add3A_334 : i32 to index
      %get3A_386 = arith.constant 128 : index
      %get3A_387 = tpu.vector_load %arg7[%get3A_385, %get3A_386] {strides = array<i32>} : memref<32x256xf32, #tpu.memory_space<vmem>>, vector<16xf32>,
      %sub3A_388 = arith.subf %add3A_51, %get3A_387 : vector<16xf32>
      %mul3A_389 = arith.mulf %sub3A_388, %sub3A_388 : vector<16xf32>
      %add3A_390 = arith.addf %add3A_384, %mul3A_389 : vector<16xf32>
      %get3A_391 = arith.index_cast %add3A_334 : i32 to index
      %get3A_392 = arith.constant 144 : index
      %get3A_393 = tpu.vector_load %arg7[%get3A_391, %get3A_392] {strides = array<i32>} : memref<32x256xf32, #tpu.memory_space<vmem>>, vector<16xf32>,
      %sub3A_394 = arith.subf %add3A_56, %get3A_393 : vector<16xf32>
      %mul3A_395 = arith.mulf %sub3A_394, %sub3A_394 : vector<16xf32>
      %add3A_396 = arith.addf %add3A_390, %mul3A_395 : vector<16xf32>
      %get3A_397 = arith.index_cast %add3A_334 : i32 to index
      %get3A_398 = arith.constant 160 : index
      %get3A_399 = tpu.vector_load %arg7[%get3A_397, %get3A_398] {strides = array<i32>} : memref<32x256xf32, #tpu.memory_space<vmem>>, vector<16xf32>,
      %sub3A_400 = arith.subf %add3A_61, %get3A_399 : vector<16xf32>
      %mul3A_401 = arith.mulf %sub3A_400, %sub3A_400 : vector<16xf32>
      %add3A_402 = arith.addf %add3A_396, %mul3A_401 : vector<16xf32>
      %get3A_403 = arith.index_cast %add3A_334 : i32 to index
      %get3A_404 = arith.constant 176 : index
      %get3A_405 = tpu.vector_load %arg7[%get3A_403, %get3A_404] {strides = array<i32>} : memref<32x256xf32, #tpu.memory_space<vmem>>, vector<16xf32>,
      %sub3A_406 = arith.subf %add3A_66, %get3A_405 : vector<16xf32>
      %mul3A_407 = arith.mulf %sub3A_406, %sub3A_406 : vector<16xf32>
      %add3A_408 = arith.addf %add3A_402, %mul3A_407 : vector<16xf32>
      %get3A_409 = arith.index_cast %add3A_334 : i32 to index
      %get3A_410 = arith.constant 192 : index
      %get3A_411 = tpu.vector_load %arg7[%get3A_409, %get3A_410] {strides = array<i32>} : memref<32x256xf32, #tpu.memory_space<vmem>>, vector<16xf32>,
      %sub3A_412 = arith.subf %add3A_71, %get3A_411 : vector<16xf32>
      %mul3A_413 = arith.mulf %sub3A_412, %sub3A_412 : vector<16xf32>
      %add3A_414 = arith.addf %add3A_408, %mul3A_413 : vector<16xf32>
      %get3A_415 = arith.index_cast %add3A_334 : i32 to index
      %get3A_416 = arith.constant 208 : index
      %get3A_417 = tpu.vector_load %arg7[%get3A_415, %get3A_416] {strides = array<i32>} : memref<32x256xf32, #tpu.memory_space<vmem>>, vector<16xf32>,
      %sub3A_418 = arith.subf %add3A_76, %get3A_417 : vector<16xf32>
      %mul3A_419 = arith.mulf %sub3A_418, %sub3A_418 : vector<16xf32>
      %add3A_420 = arith.addf %add3A_414, %mul3A_419 : vector<16xf32>
      %get3A_421 = arith.index_cast %add3A_334 : i32 to index
      %get3A_422 = arith.constant 224 : index
      %get3A_423 = tpu.vector_load %arg7[%get3A_421, %get3A_422] {strides = array<i32>} : memref<32x256xf32, #tpu.memory_space<vmem>>, vector<16xf32>,
      %sub3A_424 = arith.subf %add3A_81, %get3A_423 : vector<16xf32>
      %mul3A_425 = arith.mulf %sub3A_424, %sub3A_424 : vector<16xf32>
      %add3A_426 = arith.addf %add3A_420, %mul3A_425 : vector<16xf32>
      %get3A_427 = arith.index_cast %add3A_334 : i32 to index
      %get3A_428 = arith.constant 240 : index
      %get3A_429 = tpu.vector_load %arg7[%get3A_427, %get3A_428] {strides = array<i32>} : memref<32x256xf32, #tpu.memory_space<vmem>>, vector<16xf32>,
      %sub3A_430 = arith.subf %add3A_86, %get3A_429 : vector<16xf32>
      %mul3A_431 = arith.mulf %sub3A_430, %sub3A_430 : vector<16xf32>
      %add3A_432 = arith.addf %add3A_426, %mul3A_431 : vector<16xf32>
      %reduce_sum3A_433 = arith.constant true
      %reduce_sum3A_434 = vector.broadcast %reduce_sum3A_433 : i1 to vector<16xi1>
      %reduce_sum3A_435 = tpu.scan <sum>, %add3A_432 masked %reduce_sum3A_434 : vector<16xf32>, vector<16xi1> -> vector<16xf32>
      %reduce_sum3A_436 = vector.extract %reduce_sum3A_435[15] : f32 from vector<16xf32>
      %eq3A_437 = arith.constant 2 : i32
      %eq3A_438 = vector.broadcast %eq3A_437 : i32 to vector<16xi32>
      %eq3A_439 = arith.cmpi eq, %iota3A, %eq3A_438 : vector<16xi32>
      %broadcast_in_dim3A_440 = vector.broadcast %reduce_sum3A_436 : f32 to vector<16xf32>
      %select_n3A_441 = arith.select %eq3A_439, %broadcast_in_dim3A_440, %select_n3A_330 : vector<16xi1>, vector<16xf32>
      %mul3A_442 = arith.constant 16 : i32
      %mul3A_443 = arith.muli %scan3A_111, %mul3A_442 : i32
      %add3A_444 = arith.constant 3 : i32
      %add3A_445 = arith.addi %mul3A_443, %add3A_444 : i32
      %broadcast_in_dim3A_446 = arith.constant 0.000000e+00 : f32
      %broadcast_in_dim3A_447 = vector.broadcast %broadcast_in_dim3A_446 : f32 to vector<16xf32>
      %get3A_448 = arith.index_cast %add3A_445 : i32 to index
      %get3A_449 = arith.constant 0 : index
      %get3A_450 = tpu.vector_load %arg7[%get3A_448, %get3A_449] {strides = array<i32>} : memref<32x256xf32, #tpu.memory_space<vmem>>, vector<16xf32>,
      %sub3A_451 = arith.subf %add3A_11, %get3A_450 : vector<16xf32>
      %mul3A_452 = arith.mulf %sub3A_451, %sub3A_451 : vector<16xf32>
      %add3A_453 = arith.addf %broadcast_in_dim3A_447, %mul3A_452 : vector<16xf32>
      %get3A_454 = arith.index_cast %add3A_445 : i32 to index
      %get3A_455 = arith.constant 16 : index
      %get3A_456 = tpu.vector_load %arg7[%get3A_454, %get3A_455] {strides = array<i32>} : memref<32x256xf32, #tpu.memory_space<vmem>>, vector<16xf32>,
      %sub3A_457 = arith.subf %add3A_16, %get3A_456 : vector<16xf32>
      %mul3A_458 = arith.mulf %sub3A_457, %sub3A_457 : vector<16xf32>
      %add3A_459 = arith.addf %add3A_453, %mul3A_458 : vector<16xf32>
      %get3A_460 = arith.index_cast %add3A_445 : i32 to index
      %get3A_461 = arith.constant 32 : index
      %get3A_462 = tpu.vector_load %arg7[%get3A_460, %get3A_461] {strides = array<i32>} : memref<32x256xf32, #tpu.memory_space<vmem>>, vector<16xf32>,
      %sub3A_463 = arith.subf %add3A_21, %get3A_462 : vector<16xf32>
      %mul3A_464 = arith.mulf %sub3A_463, %sub3A_463 : vector<16xf32>
      %add3A_465 = arith.addf %add3A_459, %mul3A_464 : vector<16xf32>
      %get3A_466 = arith.index_cast %add3A_445 : i32 to index
      %get3A_467 = arith.constant 48 : index
      %get3A_468 = tpu.vector_load %arg7[%get3A_466, %get3A_467] {strides = array<i32>} : memref<32x256xf32, #tpu.memory_space<vmem>>, vector<16xf32>,
      %sub3A_469 = arith.subf %add3A_26, %get3A_468 : vector<16xf32>
      %mul3A_470 = arith.mulf %sub3A_469, %sub3A_469 : vector<16xf32>
      %add3A_471 = arith.addf %add3A_465, %mul3A_470 : vector<16xf32>
      %get3A_472 = arith.index_cast %add3A_445 : i32 to index
      %get3A_473 = arith.constant 64 : index
      %get3A_474 = tpu.vector_load %arg7[%get3A_472, %get3A_473] {strides = array<i32>} : memref<32x256xf32, #tpu.memory_space<vmem>>, vector<16xf32>,
      %sub3A_475 = arith.subf %add3A_31, %get3A_474 : vector<16xf32>
      %mul3A_476 = arith.mulf %sub3A_475, %sub3A_475 : vector<16xf32>
      %add3A_477 = arith.addf %add3A_471, %mul3A_476 : vector<16xf32>
      %get3A_478 = arith.index_cast %add3A_445 : i32 to index
      %get3A_479 = arith.constant 80 : index
      %get3A_480 = tpu.vector_load %arg7[%get3A_478, %get3A_479] {strides = array<i32>} : memref<32x256xf32, #tpu.memory_space<vmem>>, vector<16xf32>,
      %sub3A_481 = arith.subf %add3A_36, %get3A_480 : vector<16xf32>
      %mul3A_482 = arith.mulf %sub3A_481, %sub3A_481 : vector<16xf32>
      %add3A_483 = arith.addf %add3A_477, %mul3A_482 : vector<16xf32>
      %get3A_484 = arith.index_cast %add3A_445 : i32 to index
      %get3A_485 = arith.constant 96 : index
      %get3A_486 = tpu.vector_load %arg7[%get3A_484, %get3A_485] {strides = array<i32>} : memref<32x256xf32, #tpu.memory_space<vmem>>, vector<16xf32>,
      %sub3A_487 = arith.subf %add3A_41, %get3A_486 : vector<16xf32>
      %mul3A_488 = arith.mulf %sub3A_487, %sub3A_487 : vector<16xf32>
      %add3A_489 = arith.addf %add3A_483, %mul3A_488 : vector<16xf32>
      %get3A_490 = arith.index_cast %add3A_445 : i32 to index
      %get3A_491 = arith.constant 112 : index
      %get3A_492 = tpu.vector_load %arg7[%get3A_490, %get3A_491] {strides = array<i32>} : memref<32x256xf32, #tpu.memory_space<vmem>>, vector<16xf32>,
      %sub3A_493 = arith.subf %add3A_46, %get3A_492 : vector<16xf32>
      %mul3A_494 = arith.mulf %sub3A_493, %sub3A_493 : vector<16xf32>
      %add3A_495 = arith.addf %add3A_489, %mul3A_494 : vector<16xf32>
      %get3A_496 = arith.index_cast %add3A_445 : i32 to index
      %get3A_497 = arith.constant 128 : index
      %get3A_498 = tpu.vector_load %arg7[%get3A_496, %get3A_497] {strides = array<i32>} : memref<32x256xf32, #tpu.memory_space<vmem>>, vector<16xf32>,
      %sub3A_499 = arith.subf %add3A_51, %get3A_498 : vector<16xf32>
      %mul3A_500 = arith.mulf %sub3A_499, %sub3A_499 : vector<16xf32>
      %add3A_501 = arith.addf %add3A_495, %mul3A_500 : vector<16xf32>
      %get3A_502 = arith.index_cast %add3A_445 : i32 to index
      %get3A_503 = arith.constant 144 : index
      %get3A_504 = tpu.vector_load %arg7[%get3A_502, %get3A_503] {strides = array<i32>} : memref<32x256xf32, #tpu.memory_space<vmem>>, vector<16xf32>,
      %sub3A_505 = arith.subf %add3A_56, %get3A_504 : vector<16xf32>
      %mul3A_506 = arith.mulf %sub3A_505, %sub3A_505 : vector<16xf32>
      %add3A_507 = arith.addf %add3A_501, %mul3A_506 : vector<16xf32>
      %get3A_508 = arith.index_cast %add3A_445 : i32 to index
      %get3A_509 = arith.constant 160 : index
      %get3A_510 = tpu.vector_load %arg7[%get3A_508, %get3A_509] {strides = array<i32>} : memref<32x256xf32, #tpu.memory_space<vmem>>, vector<16xf32>,
      %sub3A_511 = arith.subf %add3A_61, %get3A_510 : vector<16xf32>
      %mul3A_512 = arith.mulf %sub3A_511, %sub3A_511 : vector<16xf32>
      %add3A_513 = arith.addf %add3A_507, %mul3A_512 : vector<16xf32>
      %get3A_514 = arith.index_cast %add3A_445 : i32 to index
      %get3A_515 = arith.constant 176 : index
      %get3A_516 = tpu.vector_load %arg7[%get3A_514, %get3A_515] {strides = array<i32>} : memref<32x256xf32, #tpu.memory_space<vmem>>, vector<16xf32>,
      %sub3A_517 = arith.subf %add3A_66, %get3A_516 : vector<16xf32>
      %mul3A_518 = arith.mulf %sub3A_517, %sub3A_517 : vector<16xf32>
      %add3A_519 = arith.addf %add3A_513, %mul3A_518 : vector<16xf32>
      %get3A_520 = arith.index_cast %add3A_445 : i32 to index
      %get3A_521 = arith.constant 192 : index
      %get3A_522 = tpu.vector_load %arg7[%get3A_520, %get3A_521] {strides = array<i32>} : memref<32x256xf32, #tpu.memory_space<vmem>>, vector<16xf32>,
      %sub3A_523 = arith.subf %add3A_71, %get3A_522 : vector<16xf32>
      %mul3A_524 = arith.mulf %sub3A_523, %sub3A_523 : vector<16xf32>
      %add3A_525 = arith.addf %add3A_519, %mul3A_524 : vector<16xf32>
      %get3A_526 = arith.index_cast %add3A_445 : i32 to index
      %get3A_527 = arith.constant 208 : index
      %get3A_528 = tpu.vector_load %arg7[%get3A_526, %get3A_527] {strides = array<i32>} : memref<32x256xf32, #tpu.memory_space<vmem>>, vector<16xf32>,
      %sub3A_529 = arith.subf %add3A_76, %get3A_528 : vector<16xf32>
      %mul3A_530 = arith.mulf %sub3A_529, %sub3A_529 : vector<16xf32>
      %add3A_531 = arith.addf %add3A_525, %mul3A_530 : vector<16xf32>
      %get3A_532 = arith.index_cast %add3A_445 : i32 to index
      %get3A_533 = arith.constant 224 : index
      %get3A_534 = tpu.vector_load %arg7[%get3A_532, %get3A_533] {strides = array<i32>} : memref<32x256xf32, #tpu.memory_space<vmem>>, vector<16xf32>,
      %sub3A_535 = arith.subf %add3A_81, %get3A_534 : vector<16xf32>
      %mul3A_536 = arith.mulf %sub3A_535, %sub3A_535 : vector<16xf32>
      %add3A_537 = arith.addf %add3A_531, %mul3A_536 : vector<16xf32>
      %get3A_538 = arith.index_cast %add3A_445 : i32 to index
      %get3A_539 = arith.constant 240 : index
      %get3A_540 = tpu.vector_load %arg7[%get3A_538, %get3A_539] {strides = array<i32>} : memref<32x256xf32, #tpu.memory_space<vmem>>, vector<16xf32>,
      %sub3A_541 = arith.subf %add3A_86, %get3A_540 : vector<16xf32>
      %mul3A_542 = arith.mulf %sub3A_541, %sub3A_541 : vector<16xf32>
      %add3A_543 = arith.addf %add3A_537, %mul3A_542 : vector<16xf32>
      %reduce_sum3A_544 = arith.constant true
      %reduce_sum3A_545 = vector.broadcast %reduce_sum3A_544 : i1 to vector<16xi1>
      %reduce_sum3A_546 = tpu.scan <sum>, %add3A_543 masked %reduce_sum3A_545 : vector<16xf32>, vector<16xi1> -> vector<16xf32>
      %reduce_sum3A_547 = vector.extract %reduce_sum3A_546[15] : f32 from vector<16xf32>
      %eq3A_548 = arith.constant 3 : i32
      %eq3A_549 = vector.broadcast %eq3A_548 : i32 to vector<16xi32>
      %eq3A_550 = arith.cmpi eq, %iota3A, %eq3A_549 : vector<16xi32>
      %broadcast_in_dim3A_551 = vector.broadcast %reduce_sum3A_547 : f32 to vector<16xf32>
      %select_n3A_552 = arith.select %eq3A_550, %broadcast_in_dim3A_551, %select_n3A_441 : vector<16xi1>, vector<16xf32>
      %mul3A_553 = arith.constant 16 : i32
      %mul3A_554 = arith.muli %scan3A_111, %mul3A_553 : i32
      %add3A_555 = arith.constant 4 : i32
      %add3A_556 = arith.addi %mul3A_554, %add3A_555 : i32
      %broadcast_in_dim3A_557 = arith.constant 0.000000e+00 : f32
      %broadcast_in_dim3A_558 = vector.broadcast %broadcast_in_dim3A_557 : f32 to vector<16xf32>
      %get3A_559 = arith.index_cast %add3A_556 : i32 to index
      %get3A_560 = arith.constant 0 : index
      %get3A_561 = tpu.vector_load %arg7[%get3A_559, %get3A_560] {strides = array<i32>} : memref<32x256xf32, #tpu.memory_space<vmem>>, vector<16xf32>,
      %sub3A_562 = arith.subf %add3A_11, %get3A_561 : vector<16xf32>
      %mul3A_563 = arith.mulf %sub3A_562, %sub3A_562 : vector<16xf32>
      %add3A_564 = arith.addf %broadcast_in_dim3A_558, %mul3A_563 : vector<16xf32>
      %get3A_565 = arith.index_cast %add3A_556 : i32 to index
      %get3A_566 = arith.constant 16 : index
      %get3A_567 = tpu.vector_load %arg7[%get3A_565, %get3A_566] {strides = array<i32>} : memref<32x256xf32, #tpu.memory_space<vmem>>, vector<16xf32>,
      %sub3A_568 = arith.subf %add3A_16, %get3A_567 : vector<16xf32>
      %mul3A_569 = arith.mulf %sub3A_568, %sub3A_568 : vector<16xf32>
      %add3A_570 = arith.addf %add3A_564, %mul3A_569 : vector<16xf32>
      %get3A_571 = arith.index_cast %add3A_556 : i32 to index
      %get3A_572 = arith.constant 32 : index
      %get3A_573 = tpu.vector_load %arg7[%get3A_571, %get3A_572] {strides = array<i32>} : memref<32x256xf32, #tpu.memory_space<vmem>>, vector<16xf32>,
      %sub3A_574 = arith.subf %add3A_21, %get3A_573 : vector<16xf32>
      %mul3A_575 = arith.mulf %sub3A_574, %sub3A_574 : vector<16xf32>
      %add3A_576 = arith.addf %add3A_570, %mul3A_575 : vector<16xf32>
      %get3A_577 = arith.index_cast %add3A_556 : i32 to index
      %get3A_578 = arith.constant 48 : index
      %get3A_579 = tpu.vector_load %arg7[%get3A_577, %get3A_578] {strides = array<i32>} : memref<32x256xf32, #tpu.memory_space<vmem>>, vector<16xf32>,
      %sub3A_580 = arith.subf %add3A_26, %get3A_579 : vector<16xf32>
      %mul3A_581 = arith.mulf %sub3A_580, %sub3A_580 : vector<16xf32>
      %add3A_582 = arith.addf %add3A_576, %mul3A_581 : vector<16xf32>
      %get3A_583 = arith.index_cast %add3A_556 : i32 to index
      %get3A_584 = arith.constant 64 : index
      %get3A_585 = tpu.vector_load %arg7[%get3A_583, %get3A_584] {strides = array<i32>} : memref<32x256xf32, #tpu.memory_space<vmem>>, vector<16xf32>,
      %sub3A_586 = arith.subf %add3A_31, %get3A_585 : vector<16xf32>
      %mul3A_587 = arith.mulf %sub3A_586, %sub3A_586 : vector<16xf32>
      %add3A_588 = arith.addf %add3A_582, %mul3A_587 : vector<16xf32>
      %get3A_589 = arith.index_cast %add3A_556 : i32 to index
      %get3A_590 = arith.constant 80 : index
      %get3A_591 = tpu.vector_load %arg7[%get3A_589, %get3A_590] {strides = array<i32>} : memref<32x256xf32, #tpu.memory_space<vmem>>, vector<16xf32>,
      %sub3A_592 = arith.subf %add3A_36, %get3A_591 : vector<16xf32>
      %mul3A_593 = arith.mulf %sub3A_592, %sub3A_592 : vector<16xf32>
      %add3A_594 = arith.addf %add3A_588, %mul3A_593 : vector<16xf32>
      %get3A_595 = arith.index_cast %add3A_556 : i32 to index
      %get3A_596 = arith.constant 96 : index
      %get3A_597 = tpu.vector_load %arg7[%get3A_595, %get3A_596] {strides = array<i32>} : memref<32x256xf32, #tpu.memory_space<vmem>>, vector<16xf32>,
      %sub3A_598 = arith.subf %add3A_41, %get3A_597 : vector<16xf32>
      %mul3A_599 = arith.mulf %sub3A_598, %sub3A_598 : vector<16xf32>
      %add3A_600 = arith.addf %add3A_594, %mul3A_599 : vector<16xf32>
      %get3A_601 = arith.index_cast %add3A_556 : i32 to index
      %get3A_602 = arith.constant 112 : index
      %get3A_603 = tpu.vector_load %arg7[%get3A_601, %get3A_602] {strides = array<i32>} : memref<32x256xf32, #tpu.memory_space<vmem>>, vector<16xf32>,
      %sub3A_604 = arith.subf %add3A_46, %get3A_603 : vector<16xf32>
      %mul3A_605 = arith.mulf %sub3A_604, %sub3A_604 : vector<16xf32>
      %add3A_606 = arith.addf %add3A_600, %mul3A_605 : vector<16xf32>
      %get3A_607 = arith.index_cast %add3A_556 : i32 to index
      %get3A_608 = arith.constant 128 : index
      %get3A_609 = tpu.vector_load %arg7[%get3A_607, %get3A_608] {strides = array<i32>} : memref<32x256xf32, #tpu.memory_space<vmem>>, vector<16xf32>,
      %sub3A_610 = arith.subf %add3A_51, %get3A_609 : vector<16xf32>
      %mul3A_611 = arith.mulf %sub3A_610, %sub3A_610 : vector<16xf32>
      %add3A_612 = arith.addf %add3A_606, %mul3A_611 : vector<16xf32>
      %get3A_613 = arith.index_cast %add3A_556 : i32 to index
      %get3A_614 = arith.constant 144 : index
      %get3A_615 = tpu.vector_load %arg7[%get3A_613, %get3A_614] {strides = array<i32>} : memref<32x256xf32, #tpu.memory_space<vmem>>, vector<16xf32>,
      %sub3A_616 = arith.subf %add3A_56, %get3A_615 : vector<16xf32>
      %mul3A_617 = arith.mulf %sub3A_616, %sub3A_616 : vector<16xf32>
      %add3A_618 = arith.addf %add3A_612, %mul3A_617 : vector<16xf32>
      %get3A_619 = arith.index_cast %add3A_556 : i32 to index
      %get3A_620 = arith.constant 160 : index
      %get3A_621 = tpu.vector_load %arg7[%get3A_619, %get3A_620] {strides = array<i32>} : memref<32x256xf32, #tpu.memory_space<vmem>>, vector<16xf32>,
      %sub3A_622 = arith.subf %add3A_61, %get3A_621 : vector<16xf32>
      %mul3A_623 = arith.mulf %sub3A_622, %sub3A_622 : vector<16xf32>
      %add3A_624 = arith.addf %add3A_618, %mul3A_623 : vector<16xf32>
      %get3A_625 = arith.index_cast %add3A_556 : i32 to index
      %get3A_626 = arith.constant 176 : index
      %get3A_627 = tpu.vector_load %arg7[%get3A_625, %get3A_626] {strides = array<i32>} : memref<32x256xf32, #tpu.memory_space<vmem>>, vector<16xf32>,
      %sub3A_628 = arith.subf %add3A_66, %get3A_627 : vector<16xf32>
      %mul3A_629 = arith.mulf %sub3A_628, %sub3A_628 : vector<16xf32>
      %add3A_630 = arith.addf %add3A_624, %mul3A_629 : vector<16xf32>
      %get3A_631 = arith.index_cast %add3A_556 : i32 to index
      %get3A_632 = arith.constant 192 : index
      %get3A_633 = tpu.vector_load %arg7[%get3A_631, %get3A_632] {strides = array<i32>} : memref<32x256xf32, #tpu.memory_space<vmem>>, vector<16xf32>,
      %sub3A_634 = arith.subf %add3A_71, %get3A_633 : vector<16xf32>
      %mul3A_635 = arith.mulf %sub3A_634, %sub3A_634 : vector<16xf32>
      %add3A_636 = arith.addf %add3A_630, %mul3A_635 : vector<16xf32>
      %get3A_637 = arith.index_cast %add3A_556 : i32 to index
      %get3A_638 = arith.constant 208 : index
      %get3A_639 = tpu.vector_load %arg7[%get3A_637, %get3A_638] {strides = array<i32>} : memref<32x256xf32, #tpu.memory_space<vmem>>, vector<16xf32>,
      %sub3A_640 = arith.subf %add3A_76, %get3A_639 : vector<16xf32>
      %mul3A_641 = arith.mulf %sub3A_640, %sub3A_640 : vector<16xf32>
      %add3A_642 = arith.addf %add3A_636, %mul3A_641 : vector<16xf32>
      %get3A_643 = arith.index_cast %add3A_556 : i32 to index
      %get3A_644 = arith.constant 224 : index
      %get3A_645 = tpu.vector_load %arg7[%get3A_643, %get3A_644] {strides = array<i32>} : memref<32x256xf32, #tpu.memory_space<vmem>>, vector<16xf32>,
      %sub3A_646 = arith.subf %add3A_81, %get3A_645 : vector<16xf32>
      %mul3A_647 = arith.mulf %sub3A_646, %sub3A_646 : vector<16xf32>
      %add3A_648 = arith.addf %add3A_642, %mul3A_647 : vector<16xf32>
      %get3A_649 = arith.index_cast %add3A_556 : i32 to index
      %get3A_650 = arith.constant 240 : index
      %get3A_651 = tpu.vector_load %arg7[%get3A_649, %get3A_650] {strides = array<i32>} : memref<32x256xf32, #tpu.memory_space<vmem>>, vector<16xf32>,
      %sub3A_652 = arith.subf %add3A_86, %get3A_651 : vector<16xf32>
      %mul3A_653 = arith.mulf %sub3A_652, %sub3A_652 : vector<16xf32>
      %add3A_654 = arith.addf %add3A_648, %mul3A_653 : vector<16xf32>
      %reduce_sum3A_655 = arith.constant true
      %reduce_sum3A_656 = vector.broadcast %reduce_sum3A_655 : i1 to vector<16xi1>
      %reduce_sum3A_657 = tpu.scan <sum>, %add3A_654 masked %reduce_sum3A_656 : vector<16xf32>, vector<16xi1> -> vector<16xf32>
      %reduce_sum3A_658 = vector.extract %reduce_sum3A_657[15] : f32 from vector<16xf32>
      %eq3A_659 = arith.constant 4 : i32
      %eq3A_660 = vector.broadcast %eq3A_659 : i32 to vector<16xi32>
      %eq3A_661 = arith.cmpi eq, %iota3A, %eq3A_660 : vector<16xi32>
      %broadcast_in_dim3A_662 = vector.broadcast %reduce_sum3A_658 : f32 to vector<16xf32>
      %select_n3A_663 = arith.select %eq3A_661, %broadcast_in_dim3A_662, %select_n3A_552 : vector<16xi1>, vector<16xf32>
      %mul3A_664 = arith.constant 16 : i32
      %mul3A_665 = arith.muli %scan3A_111, %mul3A_664 : i32
      %add3A_666 = arith.constant 5 : i32
      %add3A_667 = arith.addi %mul3A_665, %add3A_666 : i32
      %broadcast_in_dim3A_668 = arith.constant 0.000000e+00 : f32
      %broadcast_in_dim3A_669 = vector.broadcast %broadcast_in_dim3A_668 : f32 to vector<16xf32>
      %get3A_670 = arith.index_cast %add3A_667 : i32 to index
      %get3A_671 = arith.constant 0 : index
      %get3A_672 = tpu.vector_load %arg7[%get3A_670, %get3A_671] {strides = array<i32>} : memref<32x256xf32, #tpu.memory_space<vmem>>, vector<16xf32>,
      %sub3A_673 = arith.subf %add3A_11, %get3A_672 : vector<16xf32>
      %mul3A_674 = arith.mulf %sub3A_673, %sub3A_673 : vector<16xf32>
      %add3A_675 = arith.addf %broadcast_in_dim3A_669, %mul3A_674 : vector<16xf32>
      %get3A_676 = arith.index_cast %add3A_667 : i32 to index
      %get3A_677 = arith.constant 16 : index
      %get3A_678 = tpu.vector_load %arg7[%get3A_676, %get3A_677] {strides = array<i32>} : memref<32x256xf32, #tpu.memory_space<vmem>>, vector<16xf32>,
      %sub3A_679 = arith.subf %add3A_16, %get3A_678 : vector<16xf32>
      %mul3A_680 = arith.mulf %sub3A_679, %sub3A_679 : vector<16xf32>
      %add3A_681 = arith.addf %add3A_675, %mul3A_680 : vector<16xf32>
      %get3A_682 = arith.index_cast %add3A_667 : i32 to index
      %get3A_683 = arith.constant 32 : index
      %get3A_684 = tpu.vector_load %arg7[%get3A_682, %get3A_683] {strides = array<i32>} : memref<32x256xf32, #tpu.memory_space<vmem>>, vector<16xf32>,
      %sub3A_685 = arith.subf %add3A_21, %get3A_684 : vector<16xf32>
      %mul3A_686 = arith.mulf %sub3A_685, %sub3A_685 : vector<16xf32>
      %add3A_687 = arith.addf %add3A_681, %mul3A_686 : vector<16xf32>
      %get3A_688 = arith.index_cast %add3A_667 : i32 to index
      %get3A_689 = arith.constant 48 : index
      %get3A_690 = tpu.vector_load %arg7[%get3A_688, %get3A_689] {strides = array<i32>} : memref<32x256xf32, #tpu.memory_space<vmem>>, vector<16xf32>,
      %sub3A_691 = arith.subf %add3A_26, %get3A_690 : vector<16xf32>
      %mul3A_692 = arith.mulf %sub3A_691, %sub3A_691 : vector<16xf32>
      %add3A_693 = arith.addf %add3A_687, %mul3A_692 : vector<16xf32>
      %get3A_694 = arith.index_cast %add3A_667 : i32 to index
      %get3A_695 = arith.constant 64 : index
      %get3A_696 = tpu.vector_load %arg7[%get3A_694, %get3A_695] {strides = array<i32>} : memref<32x256xf32, #tpu.memory_space<vmem>>, vector<16xf32>,
      %sub3A_697 = arith.subf %add3A_31, %get3A_696 : vector<16xf32>
      %mul3A_698 = arith.mulf %sub3A_697, %sub3A_697 : vector<16xf32>
      %add3A_699 = arith.addf %add3A_693, %mul3A_698 : vector<16xf32>
      %get3A_700 = arith.index_cast %add3A_667 : i32 to index
      %get3A_701 = arith.constant 80 : index
      %get3A_702 = tpu.vector_load %arg7[%get3A_700, %get3A_701] {strides = array<i32>} : memref<32x256xf32, #tpu.memory_space<vmem>>, vector<16xf32>,
      %sub3A_703 = arith.subf %add3A_36, %get3A_702 : vector<16xf32>
      %mul3A_704 = arith.mulf %sub3A_703, %sub3A_703 : vector<16xf32>
      %add3A_705 = arith.addf %add3A_699, %mul3A_704 : vector<16xf32>
      %get3A_706 = arith.index_cast %add3A_667 : i32 to index
      %get3A_707 = arith.constant 96 : index
      %get3A_708 = tpu.vector_load %arg7[%get3A_706, %get3A_707] {strides = array<i32>} : memref<32x256xf32, #tpu.memory_space<vmem>>, vector<16xf32>,
      %sub3A_709 = arith.subf %add3A_41, %get3A_708 : vector<16xf32>
      %mul3A_710 = arith.mulf %sub3A_709, %sub3A_709 : vector<16xf32>
      %add3A_711 = arith.addf %add3A_705, %mul3A_710 : vector<16xf32>
      %get3A_712 = arith.index_cast %add3A_667 : i32 to index
      %get3A_713 = arith.constant 112 : index
      %get3A_714 = tpu.vector_load %arg7[%get3A_712, %get3A_713] {strides = array<i32>} : memref<32x256xf32, #tpu.memory_space<vmem>>, vector<16xf32>,
      %sub3A_715 = arith.subf %add3A_46, %get3A_714 : vector<16xf32>
      %mul3A_716 = arith.mulf %sub3A_715, %sub3A_715 : vector<16xf32>
      %add3A_717 = arith.addf %add3A_711, %mul3A_716 : vector<16xf32>
      %get3A_718 = arith.index_cast %add3A_667 : i32 to index
      %get3A_719 = arith.constant 128 : index
      %get3A_720 = tpu.vector_load %arg7[%get3A_718, %get3A_719] {strides = array<i32>} : memref<32x256xf32, #tpu.memory_space<vmem>>, vector<16xf32>,
      %sub3A_721 = arith.subf %add3A_51, %get3A_720 : vector<16xf32>
      %mul3A_722 = arith.mulf %sub3A_721, %sub3A_721 : vector<16xf32>
      %add3A_723 = arith.addf %add3A_717, %mul3A_722 : vector<16xf32>
      %get3A_724 = arith.index_cast %add3A_667 : i32 to index
      %get3A_725 = arith.constant 144 : index
      %get3A_726 = tpu.vector_load %arg7[%get3A_724, %get3A_725] {strides = array<i32>} : memref<32x256xf32, #tpu.memory_space<vmem>>, vector<16xf32>,
      %sub3A_727 = arith.subf %add3A_56, %get3A_726 : vector<16xf32>
      %mul3A_728 = arith.mulf %sub3A_727, %sub3A_727 : vector<16xf32>
      %add3A_729 = arith.addf %add3A_723, %mul3A_728 : vector<16xf32>
      %get3A_730 = arith.index_cast %add3A_667 : i32 to index
      %get3A_731 = arith.constant 160 : index
      %get3A_732 = tpu.vector_load %arg7[%get3A_730, %get3A_731] {strides = array<i32>} : memref<32x256xf32, #tpu.memory_space<vmem>>, vector<16xf32>,
      %sub3A_733 = arith.subf %add3A_61, %get3A_732 : vector<16xf32>
      %mul3A_734 = arith.mulf %sub3A_733, %sub3A_733 : vector<16xf32>
      %add3A_735 = arith.addf %add3A_729, %mul3A_734 : vector<16xf32>
      %get3A_736 = arith.index_cast %add3A_667 : i32 to index
      %get3A_737 = arith.constant 176 : index
      %get3A_738 = tpu.vector_load %arg7[%get3A_736, %get3A_737] {strides = array<i32>} : memref<32x256xf32, #tpu.memory_space<vmem>>, vector<16xf32>,
      %sub3A_739 = arith.subf %add3A_66, %get3A_738 : vector<16xf32>
      %mul3A_740 = arith.mulf %sub3A_739, %sub3A_739 : vector<16xf32>
      %add3A_741 = arith.addf %add3A_735, %mul3A_740 : vector<16xf32>
      %get3A_742 = arith.index_cast %add3A_667 : i32 to index
      %get3A_743 = arith.constant 192 : index
      %get3A_744 = tpu.vector_load %arg7[%get3A_742, %get3A_743] {strides = array<i32>} : memref<32x256xf32, #tpu.memory_space<vmem>>, vector<16xf32>,
      %sub3A_745 = arith.subf %add3A_71, %get3A_744 : vector<16xf32>
      %mul3A_746 = arith.mulf %sub3A_745, %sub3A_745 : vector<16xf32>
      %add3A_747 = arith.addf %add3A_741, %mul3A_746 : vector<16xf32>
      %get3A_748 = arith.index_cast %add3A_667 : i32 to index
      %get3A_749 = arith.constant 208 : index
      %get3A_750 = tpu.vector_load %arg7[%get3A_748, %get3A_749] {strides = array<i32>} : memref<32x256xf32, #tpu.memory_space<vmem>>, vector<16xf32>,
      %sub3A_751 = arith.subf %add3A_76, %get3A_750 : vector<16xf32>
      %mul3A_752 = arith.mulf %sub3A_751, %sub3A_751 : vector<16xf32>
      %add3A_753 = arith.addf %add3A_747, %mul3A_752 : vector<16xf32>
      %get3A_754 = arith.index_cast %add3A_667 : i32 to index
      %get3A_755 = arith.constant 224 : index
      %get3A_756 = tpu.vector_load %arg7[%get3A_754, %get3A_755] {strides = array<i32>} : memref<32x256xf32, #tpu.memory_space<vmem>>, vector<16xf32>,
      %sub3A_757 = arith.subf %add3A_81, %get3A_756 : vector<16xf32>
      %mul3A_758 = arith.mulf %sub3A_757, %sub3A_757 : vector<16xf32>
      %add3A_759 = arith.addf %add3A_753, %mul3A_758 : vector<16xf32>
      %get3A_760 = arith.index_cast %add3A_667 : i32 to index
      %get3A_761 = arith.constant 240 : index
      %get3A_762 = tpu.vector_load %arg7[%get3A_760, %get3A_761] {strides = array<i32>} : memref<32x256xf32, #tpu.memory_space<vmem>>, vector<16xf32>,
      %sub3A_763 = arith.subf %add3A_86, %get3A_762 : vector<16xf32>
      %mul3A_764 = arith.mulf %sub3A_763, %sub3A_763 : vector<16xf32>
      %add3A_765 = arith.addf %add3A_759, %mul3A_764 : vector<16xf32>
      %reduce_sum3A_766 = arith.constant true
      %reduce_sum3A_767 = vector.broadcast %reduce_sum3A_766 : i1 to vector<16xi1>
      %reduce_sum3A_768 = tpu.scan <sum>, %add3A_765 masked %reduce_sum3A_767 : vector<16xf32>, vector<16xi1> -> vector<16xf32>
      %reduce_sum3A_769 = vector.extract %reduce_sum3A_768[15] : f32 from vector<16xf32>
      %eq3A_770 = arith.constant 5 : i32
      %eq3A_771 = vector.broadcast %eq3A_770 : i32 to vector<16xi32>
      %eq3A_772 = arith.cmpi eq, %iota3A, %eq3A_771 : vector<16xi32>
      %broadcast_in_dim3A_773 = vector.broadcast %reduce_sum3A_769 : f32 to vector<16xf32>
      %select_n3A_774 = arith.select %eq3A_772, %broadcast_in_dim3A_773, %select_n3A_663 : vector<16xi1>, vector<16xf32>
      %mul3A_775 = arith.constant 16 : i32
      %mul3A_776 = arith.muli %scan3A_111, %mul3A_775 : i32
      %add3A_777 = arith.constant 6 : i32
      %add3A_778 = arith.addi %mul3A_776, %add3A_777 : i32
      %broadcast_in_dim3A_779 = arith.constant 0.000000e+00 : f32
      %broadcast_in_dim3A_780 = vector.broadcast %broadcast_in_dim3A_779 : f32 to vector<16xf32>
      %get3A_781 = arith.index_cast %add3A_778 : i32 to index
      %get3A_782 = arith.constant 0 : index
      %get3A_783 = tpu.vector_load %arg7[%get3A_781, %get3A_782] {strides = array<i32>} : memref<32x256xf32, #tpu.memory_space<vmem>>, vector<16xf32>,
      %sub3A_784 = arith.subf %add3A_11, %get3A_783 : vector<16xf32>
      %mul3A_785 = arith.mulf %sub3A_784, %sub3A_784 : vector<16xf32>
      %add3A_786 = arith.addf %broadcast_in_dim3A_780, %mul3A_785 : vector<16xf32>
      %get3A_787 = arith.index_cast %add3A_778 : i32 to index
      %get3A_788 = arith.constant 16 : index
      %get3A_789 = tpu.vector_load %arg7[%get3A_787, %get3A_788] {strides = array<i32>} : memref<32x256xf32, #tpu.memory_space<vmem>>, vector<16xf32>,
      %sub3A_790 = arith.subf %add3A_16, %get3A_789 : vector<16xf32>
      %mul3A_791 = arith.mulf %sub3A_790, %sub3A_790 : vector<16xf32>
      %add3A_792 = arith.addf %add3A_786, %mul3A_791 : vector<16xf32>
      %get3A_793 = arith.index_cast %add3A_778 : i32 to index
      %get3A_794 = arith.constant 32 : index
      %get3A_795 = tpu.vector_load %arg7[%get3A_793, %get3A_794] {strides = array<i32>} : memref<32x256xf32, #tpu.memory_space<vmem>>, vector<16xf32>,
      %sub3A_796 = arith.subf %add3A_21, %get3A_795 : vector<16xf32>
      %mul3A_797 = arith.mulf %sub3A_796, %sub3A_796 : vector<16xf32>
      %add3A_798 = arith.addf %add3A_792, %mul3A_797 : vector<16xf32>
      %get3A_799 = arith.index_cast %add3A_778 : i32 to index
      %get3A_800 = arith.constant 48 : index
      %get3A_801 = tpu.vector_load %arg7[%get3A_799, %get3A_800] {strides = array<i32>} : memref<32x256xf32, #tpu.memory_space<vmem>>, vector<16xf32>,
      %sub3A_802 = arith.subf %add3A_26, %get3A_801 : vector<16xf32>
      %mul3A_803 = arith.mulf %sub3A_802, %sub3A_802 : vector<16xf32>
      %add3A_804 = arith.addf %add3A_798, %mul3A_803 : vector<16xf32>
      %get3A_805 = arith.index_cast %add3A_778 : i32 to index
      %get3A_806 = arith.constant 64 : index
      %get3A_807 = tpu.vector_load %arg7[%get3A_805, %get3A_806] {strides = array<i32>} : memref<32x256xf32, #tpu.memory_space<vmem>>, vector<16xf32>,
      %sub3A_808 = arith.subf %add3A_31, %get3A_807 : vector<16xf32>
      %mul3A_809 = arith.mulf %sub3A_808, %sub3A_808 : vector<16xf32>
      %add3A_810 = arith.addf %add3A_804, %mul3A_809 : vector<16xf32>
      %get3A_811 = arith.index_cast %add3A_778 : i32 to index
      %get3A_812 = arith.constant 80 : index
      %get3A_813 = tpu.vector_load %arg7[%get3A_811, %get3A_812] {strides = array<i32>} : memref<32x256xf32, #tpu.memory_space<vmem>>, vector<16xf32>,
      %sub3A_814 = arith.subf %add3A_36, %get3A_813 : vector<16xf32>
      %mul3A_815 = arith.mulf %sub3A_814, %sub3A_814 : vector<16xf32>
      %add3A_816 = arith.addf %add3A_810, %mul3A_815 : vector<16xf32>
      %get3A_817 = arith.index_cast %add3A_778 : i32 to index
      %get3A_818 = arith.constant 96 : index
      %get3A_819 = tpu.vector_load %arg7[%get3A_817, %get3A_818] {strides = array<i32>} : memref<32x256xf32, #tpu.memory_space<vmem>>, vector<16xf32>,
      %sub3A_820 = arith.subf %add3A_41, %get3A_819 : vector<16xf32>
      %mul3A_821 = arith.mulf %sub3A_820, %sub3A_820 : vector<16xf32>
      %add3A_822 = arith.addf %add3A_816, %mul3A_821 : vector<16xf32>
      %get3A_823 = arith.index_cast %add3A_778 : i32 to index
      %get3A_824 = arith.constant 112 : index
      %get3A_825 = tpu.vector_load %arg7[%get3A_823, %get3A_824] {strides = array<i32>} : memref<32x256xf32, #tpu.memory_space<vmem>>, vector<16xf32>,
      %sub3A_826 = arith.subf %add3A_46, %get3A_825 : vector<16xf32>
      %mul3A_827 = arith.mulf %sub3A_826, %sub3A_826 : vector<16xf32>
      %add3A_828 = arith.addf %add3A_822, %mul3A_827 : vector<16xf32>
      %get3A_829 = arith.index_cast %add3A_778 : i32 to index
      %get3A_830 = arith.constant 128 : index
      %get3A_831 = tpu.vector_load %arg7[%get3A_829, %get3A_830] {strides = array<i32>} : memref<32x256xf32, #tpu.memory_space<vmem>>, vector<16xf32>,
      %sub3A_832 = arith.subf %add3A_51, %get3A_831 : vector<16xf32>
      %mul3A_833 = arith.mulf %sub3A_832, %sub3A_832 : vector<16xf32>
      %add3A_834 = arith.addf %add3A_828, %mul3A_833 : vector<16xf32>
      %get3A_835 = arith.index_cast %add3A_778 : i32 to index
      %get3A_836 = arith.constant 144 : index
      %get3A_837 = tpu.vector_load %arg7[%get3A_835, %get3A_836] {strides = array<i32>} : memref<32x256xf32, #tpu.memory_space<vmem>>, vector<16xf32>,
      %sub3A_838 = arith.subf %add3A_56, %get3A_837 : vector<16xf32>
      %mul3A_839 = arith.mulf %sub3A_838, %sub3A_838 : vector<16xf32>
      %add3A_840 = arith.addf %add3A_834, %mul3A_839 : vector<16xf32>
      %get3A_841 = arith.index_cast %add3A_778 : i32 to index
      %get3A_842 = arith.constant 160 : index
      %get3A_843 = tpu.vector_load %arg7[%get3A_841, %get3A_842] {strides = array<i32>} : memref<32x256xf32, #tpu.memory_space<vmem>>, vector<16xf32>,
      %sub3A_844 = arith.subf %add3A_61, %get3A_843 : vector<16xf32>
      %mul3A_845 = arith.mulf %sub3A_844, %sub3A_844 : vector<16xf32>
      %add3A_846 = arith.addf %add3A_840, %mul3A_845 : vector<16xf32>
      %get3A_847 = arith.index_cast %add3A_778 : i32 to index
      %get3A_848 = arith.constant 176 : index
      %get3A_849 = tpu.vector_load %arg7[%get3A_847, %get3A_848] {strides = array<i32>} : memref<32x256xf32, #tpu.memory_space<vmem>>, vector<16xf32>,
      %sub3A_850 = arith.subf %add3A_66, %get3A_849 : vector<16xf32>
      %mul3A_851 = arith.mulf %sub3A_850, %sub3A_850 : vector<16xf32>
      %add3A_852 = arith.addf %add3A_846, %mul3A_851 : vector<16xf32>
      %get3A_853 = arith.index_cast %add3A_778 : i32 to index
      %get3A_854 = arith.constant 192 : index
      %get3A_855 = tpu.vector_load %arg7[%get3A_853, %get3A_854] {strides = array<i32>} : memref<32x256xf32, #tpu.memory_space<vmem>>, vector<16xf32>,
      %sub3A_856 = arith.subf %add3A_71, %get3A_855 : vector<16xf32>
      %mul3A_857 = arith.mulf %sub3A_856, %sub3A_856 : vector<16xf32>
      %add3A_858 = arith.addf %add3A_852, %mul3A_857 : vector<16xf32>
      %get3A_859 = arith.index_cast %add3A_778 : i32 to index
      %get3A_860 = arith.constant 208 : index
      %get3A_861 = tpu.vector_load %arg7[%get3A_859, %get3A_860] {strides = array<i32>} : memref<32x256xf32, #tpu.memory_space<vmem>>, vector<16xf32>,
      %sub3A_862 = arith.subf %add3A_76, %get3A_861 : vector<16xf32>
      %mul3A_863 = arith.mulf %sub3A_862, %sub3A_862 : vector<16xf32>
      %add3A_864 = arith.addf %add3A_858, %mul3A_863 : vector<16xf32>
      %get3A_865 = arith.index_cast %add3A_778 : i32 to index
      %get3A_866 = arith.constant 224 : index
      %get3A_867 = tpu.vector_load %arg7[%get3A_865, %get3A_866] {strides = array<i32>} : memref<32x256xf32, #tpu.memory_space<vmem>>, vector<16xf32>,
      %sub3A_868 = arith.subf %add3A_81, %get3A_867 : vector<16xf32>
      %mul3A_869 = arith.mulf %sub3A_868, %sub3A_868 : vector<16xf32>
      %add3A_870 = arith.addf %add3A_864, %mul3A_869 : vector<16xf32>
      %get3A_871 = arith.index_cast %add3A_778 : i32 to index
      %get3A_872 = arith.constant 240 : index
      %get3A_873 = tpu.vector_load %arg7[%get3A_871, %get3A_872] {strides = array<i32>} : memref<32x256xf32, #tpu.memory_space<vmem>>, vector<16xf32>,
      %sub3A_874 = arith.subf %add3A_86, %get3A_873 : vector<16xf32>
      %mul3A_875 = arith.mulf %sub3A_874, %sub3A_874 : vector<16xf32>
      %add3A_876 = arith.addf %add3A_870, %mul3A_875 : vector<16xf32>
      %reduce_sum3A_877 = arith.constant true
      %reduce_sum3A_878 = vector.broadcast %reduce_sum3A_877 : i1 to vector<16xi1>
      %reduce_sum3A_879 = tpu.scan <sum>, %add3A_876 masked %reduce_sum3A_878 : vector<16xf32>, vector<16xi1> -> vector<16xf32>
      %reduce_sum3A_880 = vector.extract %reduce_sum3A_879[15] : f32 from vector<16xf32>
      %eq3A_881 = arith.constant 6 : i32
      %eq3A_882 = vector.broadcast %eq3A_881 : i32 to vector<16xi32>
      %eq3A_883 = arith.cmpi eq, %iota3A, %eq3A_882 : vector<16xi32>
      %broadcast_in_dim3A_884 = vector.broadcast %reduce_sum3A_880 : f32 to vector<16xf32>
      %select_n3A_885 = arith.select %eq3A_883, %broadcast_in_dim3A_884, %select_n3A_774 : vector<16xi1>, vector<16xf32>
      %mul3A_886 = arith.constant 16 : i32
      %mul3A_887 = arith.muli %scan3A_111, %mul3A_886 : i32
      %add3A_888 = arith.constant 7 : i32
      %add3A_889 = arith.addi %mul3A_887, %add3A_888 : i32
      %broadcast_in_dim3A_890 = arith.constant 0.000000e+00 : f32
      %broadcast_in_dim3A_891 = vector.broadcast %broadcast_in_dim3A_890 : f32 to vector<16xf32>
      %get3A_892 = arith.index_cast %add3A_889 : i32 to index
      %get3A_893 = arith.constant 0 : index
      %get3A_894 = tpu.vector_load %arg7[%get3A_892, %get3A_893] {strides = array<i32>} : memref<32x256xf32, #tpu.memory_space<vmem>>, vector<16xf32>,
      %sub3A_895 = arith.subf %add3A_11, %get3A_894 : vector<16xf32>
      %mul3A_896 = arith.mulf %sub3A_895, %sub3A_895 : vector<16xf32>
      %add3A_897 = arith.addf %broadcast_in_dim3A_891, %mul3A_896 : vector<16xf32>
      %get3A_898 = arith.index_cast %add3A_889 : i32 to index
      %get3A_899 = arith.constant 16 : index
      %get3A_900 = tpu.vector_load %arg7[%get3A_898, %get3A_899] {strides = array<i32>} : memref<32x256xf32, #tpu.memory_space<vmem>>, vector<16xf32>,
      %sub3A_901 = arith.subf %add3A_16, %get3A_900 : vector<16xf32>
      %mul3A_902 = arith.mulf %sub3A_901, %sub3A_901 : vector<16xf32>
      %add3A_903 = arith.addf %add3A_897, %mul3A_902 : vector<16xf32>
      %get3A_904 = arith.index_cast %add3A_889 : i32 to index
      %get3A_905 = arith.constant 32 : index
      %get3A_906 = tpu.vector_load %arg7[%get3A_904, %get3A_905] {strides = array<i32>} : memref<32x256xf32, #tpu.memory_space<vmem>>, vector<16xf32>,
      %sub3A_907 = arith.subf %add3A_21, %get3A_906 : vector<16xf32>
      %mul3A_908 = arith.mulf %sub3A_907, %sub3A_907 : vector<16xf32>
      %add3A_909 = arith.addf %add3A_903, %mul3A_908 : vector<16xf32>
      %get3A_910 = arith.index_cast %add3A_889 : i32 to index
      %get3A_911 = arith.constant 48 : index
      %get3A_912 = tpu.vector_load %arg7[%get3A_910, %get3A_911] {strides = array<i32>} : memref<32x256xf32, #tpu.memory_space<vmem>>, vector<16xf32>,
      %sub3A_913 = arith.subf %add3A_26, %get3A_912 : vector<16xf32>
      %mul3A_914 = arith.mulf %sub3A_913, %sub3A_913 : vector<16xf32>
      %add3A_915 = arith.addf %add3A_909, %mul3A_914 : vector<16xf32>
      %get3A_916 = arith.index_cast %add3A_889 : i32 to index
      %get3A_917 = arith.constant 64 : index
      %get3A_918 = tpu.vector_load %arg7[%get3A_916, %get3A_917] {strides = array<i32>} : memref<32x256xf32, #tpu.memory_space<vmem>>, vector<16xf32>,
      %sub3A_919 = arith.subf %add3A_31, %get3A_918 : vector<16xf32>
      %mul3A_920 = arith.mulf %sub3A_919, %sub3A_919 : vector<16xf32>
      %add3A_921 = arith.addf %add3A_915, %mul3A_920 : vector<16xf32>
      %get3A_922 = arith.index_cast %add3A_889 : i32 to index
      %get3A_923 = arith.constant 80 : index
      %get3A_924 = tpu.vector_load %arg7[%get3A_922, %get3A_923] {strides = array<i32>} : memref<32x256xf32, #tpu.memory_space<vmem>>, vector<16xf32>,
      %sub3A_925 = arith.subf %add3A_36, %get3A_924 : vector<16xf32>
      %mul3A_926 = arith.mulf %sub3A_925, %sub3A_925 : vector<16xf32>
      %add3A_927 = arith.addf %add3A_921, %mul3A_926 : vector<16xf32>
      %get3A_928 = arith.index_cast %add3A_889 : i32 to index
      %get3A_929 = arith.constant 96 : index
      %get3A_930 = tpu.vector_load %arg7[%get3A_928, %get3A_929] {strides = array<i32>} : memref<32x256xf32, #tpu.memory_space<vmem>>, vector<16xf32>,
      %sub3A_931 = arith.subf %add3A_41, %get3A_930 : vector<16xf32>
      %mul3A_932 = arith.mulf %sub3A_931, %sub3A_931 : vector<16xf32>
      %add3A_933 = arith.addf %add3A_927, %mul3A_932 : vector<16xf32>
      %get3A_934 = arith.index_cast %add3A_889 : i32 to index
      %get3A_935 = arith.constant 112 : index
      %get3A_936 = tpu.vector_load %arg7[%get3A_934, %get3A_935] {strides = array<i32>} : memref<32x256xf32, #tpu.memory_space<vmem>>, vector<16xf32>,
      %sub3A_937 = arith.subf %add3A_46, %get3A_936 : vector<16xf32>
      %mul3A_938 = arith.mulf %sub3A_937, %sub3A_937 : vector<16xf32>
      %add3A_939 = arith.addf %add3A_933, %mul3A_938 : vector<16xf32>
      %get3A_940 = arith.index_cast %add3A_889 : i32 to index
      %get3A_941 = arith.constant 128 : index
      %get3A_942 = tpu.vector_load %arg7[%get3A_940, %get3A_941] {strides = array<i32>} : memref<32x256xf32, #tpu.memory_space<vmem>>, vector<16xf32>,
      %sub3A_943 = arith.subf %add3A_51, %get3A_942 : vector<16xf32>
      %mul3A_944 = arith.mulf %sub3A_943, %sub3A_943 : vector<16xf32>
      %add3A_945 = arith.addf %add3A_939, %mul3A_944 : vector<16xf32>
      %get3A_946 = arith.index_cast %add3A_889 : i32 to index
      %get3A_947 = arith.constant 144 : index
      %get3A_948 = tpu.vector_load %arg7[%get3A_946, %get3A_947] {strides = array<i32>} : memref<32x256xf32, #tpu.memory_space<vmem>>, vector<16xf32>,
      %sub3A_949 = arith.subf %add3A_56, %get3A_948 : vector<16xf32>
      %mul3A_950 = arith.mulf %sub3A_949, %sub3A_949 : vector<16xf32>
      %add3A_951 = arith.addf %add3A_945, %mul3A_950 : vector<16xf32>
      %get3A_952 = arith.index_cast %add3A_889 : i32 to index
      %get3A_953 = arith.constant 160 : index
      %get3A_954 = tpu.vector_load %arg7[%get3A_952, %get3A_953] {strides = array<i32>} : memref<32x256xf32, #tpu.memory_space<vmem>>, vector<16xf32>,
      %sub3A_955 = arith.subf %add3A_61, %get3A_954 : vector<16xf32>
      %mul3A_956 = arith.mulf %sub3A_955, %sub3A_955 : vector<16xf32>
      %add3A_957 = arith.addf %add3A_951, %mul3A_956 : vector<16xf32>
      %get3A_958 = arith.index_cast %add3A_889 : i32 to index
      %get3A_959 = arith.constant 176 : index
      %get3A_960 = tpu.vector_load %arg7[%get3A_958, %get3A_959] {strides = array<i32>} : memref<32x256xf32, #tpu.memory_space<vmem>>, vector<16xf32>,
      %sub3A_961 = arith.subf %add3A_66, %get3A_960 : vector<16xf32>
      %mul3A_962 = arith.mulf %sub3A_961, %sub3A_961 : vector<16xf32>
      %add3A_963 = arith.addf %add3A_957, %mul3A_962 : vector<16xf32>
      %get3A_964 = arith.index_cast %add3A_889 : i32 to index
      %get3A_965 = arith.constant 192 : index
      %get3A_966 = tpu.vector_load %arg7[%get3A_964, %get3A_965] {strides = array<i32>} : memref<32x256xf32, #tpu.memory_space<vmem>>, vector<16xf32>,
      %sub3A_967 = arith.subf %add3A_71, %get3A_966 : vector<16xf32>
      %mul3A_968 = arith.mulf %sub3A_967, %sub3A_967 : vector<16xf32>
      %add3A_969 = arith.addf %add3A_963, %mul3A_968 : vector<16xf32>
      %get3A_970 = arith.index_cast %add3A_889 : i32 to index
      %get3A_971 = arith.constant 208 : index
      %get3A_972 = tpu.vector_load %arg7[%get3A_970, %get3A_971] {strides = array<i32>} : memref<32x256xf32, #tpu.memory_space<vmem>>, vector<16xf32>,
      %sub3A_973 = arith.subf %add3A_76, %get3A_972 : vector<16xf32>
      %mul3A_974 = arith.mulf %sub3A_973, %sub3A_973 : vector<16xf32>
      %add3A_975 = arith.addf %add3A_969, %mul3A_974 : vector<16xf32>
      %get3A_976 = arith.index_cast %add3A_889 : i32 to index
      %get3A_977 = arith.constant 224 : index
      %get3A_978 = tpu.vector_load %arg7[%get3A_976, %get3A_977] {strides = array<i32>} : memref<32x256xf32, #tpu.memory_space<vmem>>, vector<16xf32>,
      %sub3A_979 = arith.subf %add3A_81, %get3A_978 : vector<16xf32>
      %mul3A_980 = arith.mulf %sub3A_979, %sub3A_979 : vector<16xf32>
      %add3A_981 = arith.addf %add3A_975, %mul3A_980 : vector<16xf32>
      %get3A_982 = arith.index_cast %add3A_889 : i32 to index
      %get3A_983 = arith.constant 240 : index
      %get3A_984 = tpu.vector_load %arg7[%get3A_982, %get3A_983] {strides = array<i32>} : memref<32x256xf32, #tpu.memory_space<vmem>>, vector<16xf32>,
      %sub3A_985 = arith.subf %add3A_86, %get3A_984 : vector<16xf32>
      %mul3A_986 = arith.mulf %sub3A_985, %sub3A_985 : vector<16xf32>
      %add3A_987 = arith.addf %add3A_981, %mul3A_986 : vector<16xf32>
      %reduce_sum3A_988 = arith.constant true
      %reduce_sum3A_989 = vector.broadcast %reduce_sum3A_988 : i1 to vector<16xi1>
      %reduce_sum3A_990 = tpu.scan <sum>, %add3A_987 masked %reduce_sum3A_989 : vector<16xf32>, vector<16xi1> -> vector<16xf32>
      %reduce_sum3A_991 = vector.extract %reduce_sum3A_990[15] : f32 from vector<16xf32>
      %eq3A_992 = arith.constant 7 : i32
      %eq3A_993 = vector.broadcast %eq3A_992 : i32 to vector<16xi32>
      %eq3A_994 = arith.cmpi eq, %iota3A, %eq3A_993 : vector<16xi32>
      %broadcast_in_dim3A_995 = vector.broadcast %reduce_sum3A_991 : f32 to vector<16xf32>
      %select_n3A_996 = arith.select %eq3A_994, %broadcast_in_dim3A_995, %select_n3A_885 : vector<16xi1>, vector<16xf32>
      %mul3A_997 = arith.constant 16 : i32
      %mul3A_998 = arith.muli %scan3A_111, %mul3A_997 : i32
      %add3A_999 = arith.constant 8 : i32
      %add3A_1000 = arith.addi %mul3A_998, %add3A_999 : i32
      %broadcast_in_dim3A_1001 = arith.constant 0.000000e+00 : f32
      %broadcast_in_dim3A_1002 = vector.broadcast %broadcast_in_dim3A_1001 : f32 to vector<16xf32>
      %get3A_1003 = arith.index_cast %add3A_1000 : i32 to index
      %get3A_1004 = arith.constant 0 : index
      %get3A_1005 = tpu.vector_load %arg7[%get3A_1003, %get3A_1004] {strides = array<i32>} : memref<32x256xf32, #tpu.memory_space<vmem>>, vector<16xf32>,
      %sub3A_1006 = arith.subf %add3A_11, %get3A_1005 : vector<16xf32>
      %mul3A_1007 = arith.mulf %sub3A_1006, %sub3A_1006 : vector<16xf32>
      %add3A_1008 = arith.addf %broadcast_in_dim3A_1002, %mul3A_1007 : vector<16xf32>
      %get3A_1009 = arith.index_cast %add3A_1000 : i32 to index
      %get3A_1010 = arith.constant 16 : index
      %get3A_1011 = tpu.vector_load %arg7[%get3A_1009, %get3A_1010] {strides = array<i32>} : memref<32x256xf32, #tpu.memory_space<vmem>>, vector<16xf32>,
      %sub3A_1012 = arith.subf %add3A_16, %get3A_1011 : vector<16xf32>
      %mul3A_1013 = arith.mulf %sub3A_1012, %sub3A_1012 : vector<16xf32>
      %add3A_1014 = arith.addf %add3A_1008, %mul3A_1013 : vector<16xf32>
      %get3A_1015 = arith.index_cast %add3A_1000 : i32 to index
      %get3A_1016 = arith.constant 32 : index
      %get3A_1017 = tpu.vector_load %arg7[%get3A_1015, %get3A_1016] {strides = array<i32>} : memref<32x256xf32, #tpu.memory_space<vmem>>, vector<16xf32>,
      %sub3A_1018 = arith.subf %add3A_21, %get3A_1017 : vector<16xf32>
      %mul3A_1019 = arith.mulf %sub3A_1018, %sub3A_1018 : vector<16xf32>
      %add3A_1020 = arith.addf %add3A_1014, %mul3A_1019 : vector<16xf32>
      %get3A_1021 = arith.index_cast %add3A_1000 : i32 to index
      %get3A_1022 = arith.constant 48 : index
      %get3A_1023 = tpu.vector_load %arg7[%get3A_1021, %get3A_1022] {strides = array<i32>} : memref<32x256xf32, #tpu.memory_space<vmem>>, vector<16xf32>,
      %sub3A_1024 = arith.subf %add3A_26, %get3A_1023 : vector<16xf32>
      %mul3A_1025 = arith.mulf %sub3A_1024, %sub3A_1024 : vector<16xf32>
      %add3A_1026 = arith.addf %add3A_1020, %mul3A_1025 : vector<16xf32>
      %get3A_1027 = arith.index_cast %add3A_1000 : i32 to index
      %get3A_1028 = arith.constant 64 : index
      %get3A_1029 = tpu.vector_load %arg7[%get3A_1027, %get3A_1028] {strides = array<i32>} : memref<32x256xf32, #tpu.memory_space<vmem>>, vector<16xf32>,
      %sub3A_1030 = arith.subf %add3A_31, %get3A_1029 : vector<16xf32>
      %mul3A_1031 = arith.mulf %sub3A_1030, %sub3A_1030 : vector<16xf32>
      %add3A_1032 = arith.addf %add3A_1026, %mul3A_1031 : vector<16xf32>
      %get3A_1033 = arith.index_cast %add3A_1000 : i32 to index
      %get3A_1034 = arith.constant 80 : index
      %get3A_1035 = tpu.vector_load %arg7[%get3A_1033, %get3A_1034] {strides = array<i32>} : memref<32x256xf32, #tpu.memory_space<vmem>>, vector<16xf32>,
      %sub3A_1036 = arith.subf %add3A_36, %get3A_1035 : vector<16xf32>
      %mul3A_1037 = arith.mulf %sub3A_1036, %sub3A_1036 : vector<16xf32>
      %add3A_1038 = arith.addf %add3A_1032, %mul3A_1037 : vector<16xf32>
      %get3A_1039 = arith.index_cast %add3A_1000 : i32 to index
      %get3A_1040 = arith.constant 96 : index
      %get3A_1041 = tpu.vector_load %arg7[%get3A_1039, %get3A_1040] {strides = array<i32>} : memref<32x256xf32, #tpu.memory_space<vmem>>, vector<16xf32>,
      %sub3A_1042 = arith.subf %add3A_41, %get3A_1041 : vector<16xf32>
      %mul3A_1043 = arith.mulf %sub3A_1042, %sub3A_1042 : vector<16xf32>
      %add3A_1044 = arith.addf %add3A_1038, %mul3A_1043 : vector<16xf32>
      %get3A_1045 = arith.index_cast %add3A_1000 : i32 to index
      %get3A_1046 = arith.constant 112 : index
      %get3A_1047 = tpu.vector_load %arg7[%get3A_1045, %get3A_1046] {strides = array<i32>} : memref<32x256xf32, #tpu.memory_space<vmem>>, vector<16xf32>,
      %sub3A_1048 = arith.subf %add3A_46, %get3A_1047 : vector<16xf32>
      %mul3A_1049 = arith.mulf %sub3A_1048, %sub3A_1048 : vector<16xf32>
      %add3A_1050 = arith.addf %add3A_1044, %mul3A_1049 : vector<16xf32>
      %get3A_1051 = arith.index_cast %add3A_1000 : i32 to index
      %get3A_1052 = arith.constant 128 : index
      %get3A_1053 = tpu.vector_load %arg7[%get3A_1051, %get3A_1052] {strides = array<i32>} : memref<32x256xf32, #tpu.memory_space<vmem>>, vector<16xf32>,
      %sub3A_1054 = arith.subf %add3A_51, %get3A_1053 : vector<16xf32>
      %mul3A_1055 = arith.mulf %sub3A_1054, %sub3A_1054 : vector<16xf32>
      %add3A_1056 = arith.addf %add3A_1050, %mul3A_1055 : vector<16xf32>
      %get3A_1057 = arith.index_cast %add3A_1000 : i32 to index
      %get3A_1058 = arith.constant 144 : index
      %get3A_1059 = tpu.vector_load %arg7[%get3A_1057, %get3A_1058] {strides = array<i32>} : memref<32x256xf32, #tpu.memory_space<vmem>>, vector<16xf32>,
      %sub3A_1060 = arith.subf %add3A_56, %get3A_1059 : vector<16xf32>
      %mul3A_1061 = arith.mulf %sub3A_1060, %sub3A_1060 : vector<16xf32>
      %add3A_1062 = arith.addf %add3A_1056, %mul3A_1061 : vector<16xf32>
      %get3A_1063 = arith.index_cast %add3A_1000 : i32 to index
      %get3A_1064 = arith.constant 160 : index
      %get3A_1065 = tpu.vector_load %arg7[%get3A_1063, %get3A_1064] {strides = array<i32>} : memref<32x256xf32, #tpu.memory_space<vmem>>, vector<16xf32>,
      %sub3A_1066 = arith.subf %add3A_61, %get3A_1065 : vector<16xf32>
      %mul3A_1067 = arith.mulf %sub3A_1066, %sub3A_1066 : vector<16xf32>
      %add3A_1068 = arith.addf %add3A_1062, %mul3A_1067 : vector<16xf32>
      %get3A_1069 = arith.index_cast %add3A_1000 : i32 to index
      %get3A_1070 = arith.constant 176 : index
      %get3A_1071 = tpu.vector_load %arg7[%get3A_1069, %get3A_1070] {strides = array<i32>} : memref<32x256xf32, #tpu.memory_space<vmem>>, vector<16xf32>,
      %sub3A_1072 = arith.subf %add3A_66, %get3A_1071 : vector<16xf32>
      %mul3A_1073 = arith.mulf %sub3A_1072, %sub3A_1072 : vector<16xf32>
      %add3A_1074 = arith.addf %add3A_1068, %mul3A_1073 : vector<16xf32>
      %get3A_1075 = arith.index_cast %add3A_1000 : i32 to index
      %get3A_1076 = arith.constant 192 : index
      %get3A_1077 = tpu.vector_load %arg7[%get3A_1075, %get3A_1076] {strides = array<i32>} : memref<32x256xf32, #tpu.memory_space<vmem>>, vector<16xf32>,
      %sub3A_1078 = arith.subf %add3A_71, %get3A_1077 : vector<16xf32>
      %mul3A_1079 = arith.mulf %sub3A_1078, %sub3A_1078 : vector<16xf32>
      %add3A_1080 = arith.addf %add3A_1074, %mul3A_1079 : vector<16xf32>
      %get3A_1081 = arith.index_cast %add3A_1000 : i32 to index
      %get3A_1082 = arith.constant 208 : index
      %get3A_1083 = tpu.vector_load %arg7[%get3A_1081, %get3A_1082] {strides = array<i32>} : memref<32x256xf32, #tpu.memory_space<vmem>>, vector<16xf32>,
      %sub3A_1084 = arith.subf %add3A_76, %get3A_1083 : vector<16xf32>
      %mul3A_1085 = arith.mulf %sub3A_1084, %sub3A_1084 : vector<16xf32>
      %add3A_1086 = arith.addf %add3A_1080, %mul3A_1085 : vector<16xf32>
      %get3A_1087 = arith.index_cast %add3A_1000 : i32 to index
      %get3A_1088 = arith.constant 224 : index
      %get3A_1089 = tpu.vector_load %arg7[%get3A_1087, %get3A_1088] {strides = array<i32>} : memref<32x256xf32, #tpu.memory_space<vmem>>, vector<16xf32>,
      %sub3A_1090 = arith.subf %add3A_81, %get3A_1089 : vector<16xf32>
      %mul3A_1091 = arith.mulf %sub3A_1090, %sub3A_1090 : vector<16xf32>
      %add3A_1092 = arith.addf %add3A_1086, %mul3A_1091 : vector<16xf32>
      %get3A_1093 = arith.index_cast %add3A_1000 : i32 to index
      %get3A_1094 = arith.constant 240 : index
      %get3A_1095 = tpu.vector_load %arg7[%get3A_1093, %get3A_1094] {strides = array<i32>} : memref<32x256xf32, #tpu.memory_space<vmem>>, vector<16xf32>,
      %sub3A_1096 = arith.subf %add3A_86, %get3A_1095 : vector<16xf32>
      %mul3A_1097 = arith.mulf %sub3A_1096, %sub3A_1096 : vector<16xf32>
      %add3A_1098 = arith.addf %add3A_1092, %mul3A_1097 : vector<16xf32>
      %reduce_sum3A_1099 = arith.constant true
      %reduce_sum3A_1100 = vector.broadcast %reduce_sum3A_1099 : i1 to vector<16xi1>
      %reduce_sum3A_1101 = tpu.scan <sum>, %add3A_1098 masked %reduce_sum3A_1100 : vector<16xf32>, vector<16xi1> -> vector<16xf32>
      %reduce_sum3A_1102 = vector.extract %reduce_sum3A_1101[15] : f32 from vector<16xf32>
      %eq3A_1103 = arith.constant 8 : i32
      %eq3A_1104 = vector.broadcast %eq3A_1103 : i32 to vector<16xi32>
      %eq3A_1105 = arith.cmpi eq, %iota3A, %eq3A_1104 : vector<16xi32>
      %broadcast_in_dim3A_1106 = vector.broadcast %reduce_sum3A_1102 : f32 to vector<16xf32>
      %select_n3A_1107 = arith.select %eq3A_1105, %broadcast_in_dim3A_1106, %select_n3A_996 : vector<16xi1>, vector<16xf32>
      %mul3A_1108 = arith.constant 16 : i32
      %mul3A_1109 = arith.muli %scan3A_111, %mul3A_1108 : i32
      %add3A_1110 = arith.constant 9 : i32
      %add3A_1111 = arith.addi %mul3A_1109, %add3A_1110 : i32
      %broadcast_in_dim3A_1112 = arith.constant 0.000000e+00 : f32
      %broadcast_in_dim3A_1113 = vector.broadcast %broadcast_in_dim3A_1112 : f32 to vector<16xf32>
      %get3A_1114 = arith.index_cast %add3A_1111 : i32 to index
      %get3A_1115 = arith.constant 0 : index
      %get3A_1116 = tpu.vector_load %arg7[%get3A_1114, %get3A_1115] {strides = array<i32>} : memref<32x256xf32, #tpu.memory_space<vmem>>, vector<16xf32>,
      %sub3A_1117 = arith.subf %add3A_11, %get3A_1116 : vector<16xf32>
      %mul3A_1118 = arith.mulf %sub3A_1117, %sub3A_1117 : vector<16xf32>
      %add3A_1119 = arith.addf %broadcast_in_dim3A_1113, %mul3A_1118 : vector<16xf32>
      %get3A_1120 = arith.index_cast %add3A_1111 : i32 to index
      %get3A_1121 = arith.constant 16 : index
      %get3A_1122 = tpu.vector_load %arg7[%get3A_1120, %get3A_1121] {strides = array<i32>} : memref<32x256xf32, #tpu.memory_space<vmem>>, vector<16xf32>,
      %sub3A_1123 = arith.subf %add3A_16, %get3A_1122 : vector<16xf32>
      %mul3A_1124 = arith.mulf %sub3A_1123, %sub3A_1123 : vector<16xf32>
      %add3A_1125 = arith.addf %add3A_1119, %mul3A_1124 : vector<16xf32>
      %get3A_1126 = arith.index_cast %add3A_1111 : i32 to index
      %get3A_1127 = arith.constant 32 : index
      %get3A_1128 = tpu.vector_load %arg7[%get3A_1126, %get3A_1127] {strides = array<i32>} : memref<32x256xf32, #tpu.memory_space<vmem>>, vector<16xf32>,
      %sub3A_1129 = arith.subf %add3A_21, %get3A_1128 : vector<16xf32>
      %mul3A_1130 = arith.mulf %sub3A_1129, %sub3A_1129 : vector<16xf32>
      %add3A_1131 = arith.addf %add3A_1125, %mul3A_1130 : vector<16xf32>
      %get3A_1132 = arith.index_cast %add3A_1111 : i32 to index
      %get3A_1133 = arith.constant 48 : index
      %get3A_1134 = tpu.vector_load %arg7[%get3A_1132, %get3A_1133] {strides = array<i32>} : memref<32x256xf32, #tpu.memory_space<vmem>>, vector<16xf32>,
      %sub3A_1135 = arith.subf %add3A_26, %get3A_1134 : vector<16xf32>
      %mul3A_1136 = arith.mulf %sub3A_1135, %sub3A_1135 : vector<16xf32>
      %add3A_1137 = arith.addf %add3A_1131, %mul3A_1136 : vector<16xf32>
      %get3A_1138 = arith.index_cast %add3A_1111 : i32 to index
      %get3A_1139 = arith.constant 64 : index
      %get3A_1140 = tpu.vector_load %arg7[%get3A_1138, %get3A_1139] {strides = array<i32>} : memref<32x256xf32, #tpu.memory_space<vmem>>, vector<16xf32>,
      %sub3A_1141 = arith.subf %add3A_31, %get3A_1140 : vector<16xf32>
      %mul3A_1142 = arith.mulf %sub3A_1141, %sub3A_1141 : vector<16xf32>
      %add3A_1143 = arith.addf %add3A_1137, %mul3A_1142 : vector<16xf32>
      %get3A_1144 = arith.index_cast %add3A_1111 : i32 to index
      %get3A_1145 = arith.constant 80 : index
      %get3A_1146 = tpu.vector_load %arg7[%get3A_1144, %get3A_1145] {strides = array<i32>} : memref<32x256xf32, #tpu.memory_space<vmem>>, vector<16xf32>,
      %sub3A_1147 = arith.subf %add3A_36, %get3A_1146 : vector<16xf32>
      %mul3A_1148 = arith.mulf %sub3A_1147, %sub3A_1147 : vector<16xf32>
      %add3A_1149 = arith.addf %add3A_1143, %mul3A_1148 : vector<16xf32>
      %get3A_1150 = arith.index_cast %add3A_1111 : i32 to index
      %get3A_1151 = arith.constant 96 : index
      %get3A_1152 = tpu.vector_load %arg7[%get3A_1150, %get3A_1151] {strides = array<i32>} : memref<32x256xf32, #tpu.memory_space<vmem>>, vector<16xf32>,
      %sub3A_1153 = arith.subf %add3A_41, %get3A_1152 : vector<16xf32>
      %mul3A_1154 = arith.mulf %sub3A_1153, %sub3A_1153 : vector<16xf32>
      %add3A_1155 = arith.addf %add3A_1149, %mul3A_1154 : vector<16xf32>
      %get3A_1156 = arith.index_cast %add3A_1111 : i32 to index
      %get3A_1157 = arith.constant 112 : index
      %get3A_1158 = tpu.vector_load %arg7[%get3A_1156, %get3A_1157] {strides = array<i32>} : memref<32x256xf32, #tpu.memory_space<vmem>>, vector<16xf32>,
      %sub3A_1159 = arith.subf %add3A_46, %get3A_1158 : vector<16xf32>
      %mul3A_1160 = arith.mulf %sub3A_1159, %sub3A_1159 : vector<16xf32>
      %add3A_1161 = arith.addf %add3A_1155, %mul3A_1160 : vector<16xf32>
      %get3A_1162 = arith.index_cast %add3A_1111 : i32 to index
      %get3A_1163 = arith.constant 128 : index
      %get3A_1164 = tpu.vector_load %arg7[%get3A_1162, %get3A_1163] {strides = array<i32>} : memref<32x256xf32, #tpu.memory_space<vmem>>, vector<16xf32>,
      %sub3A_1165 = arith.subf %add3A_51, %get3A_1164 : vector<16xf32>
      %mul3A_1166 = arith.mulf %sub3A_1165, %sub3A_1165 : vector<16xf32>
      %add3A_1167 = arith.addf %add3A_1161, %mul3A_1166 : vector<16xf32>
      %get3A_1168 = arith.index_cast %add3A_1111 : i32 to index
      %get3A_1169 = arith.constant 144 : index
      %get3A_1170 = tpu.vector_load %arg7[%get3A_1168, %get3A_1169] {strides = array<i32>} : memref<32x256xf32, #tpu.memory_space<vmem>>, vector<16xf32>,
      %sub3A_1171 = arith.subf %add3A_56, %get3A_1170 : vector<16xf32>
      %mul3A_1172 = arith.mulf %sub3A_1171, %sub3A_1171 : vector<16xf32>
      %add3A_1173 = arith.addf %add3A_1167, %mul3A_1172 : vector<16xf32>
      %get3A_1174 = arith.index_cast %add3A_1111 : i32 to index
      %get3A_1175 = arith.constant 160 : index
      %get3A_1176 = tpu.vector_load %arg7[%get3A_1174, %get3A_1175] {strides = array<i32>} : memref<32x256xf32, #tpu.memory_space<vmem>>, vector<16xf32>,
      %sub3A_1177 = arith.subf %add3A_61, %get3A_1176 : vector<16xf32>
      %mul3A_1178 = arith.mulf %sub3A_1177, %sub3A_1177 : vector<16xf32>
      %add3A_1179 = arith.addf %add3A_1173, %mul3A_1178 : vector<16xf32>
      %get3A_1180 = arith.index_cast %add3A_1111 : i32 to index
      %get3A_1181 = arith.constant 176 : index
      %get3A_1182 = tpu.vector_load %arg7[%get3A_1180, %get3A_1181] {strides = array<i32>} : memref<32x256xf32, #tpu.memory_space<vmem>>, vector<16xf32>,
      %sub3A_1183 = arith.subf %add3A_66, %get3A_1182 : vector<16xf32>
      %mul3A_1184 = arith.mulf %sub3A_1183, %sub3A_1183 : vector<16xf32>
      %add3A_1185 = arith.addf %add3A_1179, %mul3A_1184 : vector<16xf32>
      %get3A_1186 = arith.index_cast %add3A_1111 : i32 to index
      %get3A_1187 = arith.constant 192 : index
      %get3A_1188 = tpu.vector_load %arg7[%get3A_1186, %get3A_1187] {strides = array<i32>} : memref<32x256xf32, #tpu.memory_space<vmem>>, vector<16xf32>,
      %sub3A_1189 = arith.subf %add3A_71, %get3A_1188 : vector<16xf32>
      %mul3A_1190 = arith.mulf %sub3A_1189, %sub3A_1189 : vector<16xf32>
      %add3A_1191 = arith.addf %add3A_1185, %mul3A_1190 : vector<16xf32>
      %get3A_1192 = arith.index_cast %add3A_1111 : i32 to index
      %get3A_1193 = arith.constant 208 : index
      %get3A_1194 = tpu.vector_load %arg7[%get3A_1192, %get3A_1193] {strides = array<i32>} : memref<32x256xf32, #tpu.memory_space<vmem>>, vector<16xf32>,
      %sub3A_1195 = arith.subf %add3A_76, %get3A_1194 : vector<16xf32>
      %mul3A_1196 = arith.mulf %sub3A_1195, %sub3A_1195 : vector<16xf32>
      %add3A_1197 = arith.addf %add3A_1191, %mul3A_1196 : vector<16xf32>
      %get3A_1198 = arith.index_cast %add3A_1111 : i32 to index
      %get3A_1199 = arith.constant 224 : index
      %get3A_1200 = tpu.vector_load %arg7[%get3A_1198, %get3A_1199] {strides = array<i32>} : memref<32x256xf32, #tpu.memory_space<vmem>>, vector<16xf32>,
      %sub3A_1201 = arith.subf %add3A_81, %get3A_1200 : vector<16xf32>
      %mul3A_1202 = arith.mulf %sub3A_1201, %sub3A_1201 : vector<16xf32>
      %add3A_1203 = arith.addf %add3A_1197, %mul3A_1202 : vector<16xf32>
      %get3A_1204 = arith.index_cast %add3A_1111 : i32 to index
      %get3A_1205 = arith.constant 240 : index
      %get3A_1206 = tpu.vector_load %arg7[%get3A_1204, %get3A_1205] {strides = array<i32>} : memref<32x256xf32, #tpu.memory_space<vmem>>, vector<16xf32>,
      %sub3A_1207 = arith.subf %add3A_86, %get3A_1206 : vector<16xf32>
      %mul3A_1208 = arith.mulf %sub3A_1207, %sub3A_1207 : vector<16xf32>
      %add3A_1209 = arith.addf %add3A_1203, %mul3A_1208 : vector<16xf32>
      %reduce_sum3A_1210 = arith.constant true
      %reduce_sum3A_1211 = vector.broadcast %reduce_sum3A_1210 : i1 to vector<16xi1>
      %reduce_sum3A_1212 = tpu.scan <sum>, %add3A_1209 masked %reduce_sum3A_1211 : vector<16xf32>, vector<16xi1> -> vector<16xf32>
      %reduce_sum3A_1213 = vector.extract %reduce_sum3A_1212[15] : f32 from vector<16xf32>
      %eq3A_1214 = arith.constant 9 : i32
      %eq3A_1215 = vector.broadcast %eq3A_1214 : i32 to vector<16xi32>
      %eq3A_1216 = arith.cmpi eq, %iota3A, %eq3A_1215 : vector<16xi32>
      %broadcast_in_dim3A_1217 = vector.broadcast %reduce_sum3A_1213 : f32 to vector<16xf32>
      %select_n3A_1218 = arith.select %eq3A_1216, %broadcast_in_dim3A_1217, %select_n3A_1107 : vector<16xi1>, vector<16xf32>
      %mul3A_1219 = arith.constant 16 : i32
      %mul3A_1220 = arith.muli %scan3A_111, %mul3A_1219 : i32
      %add3A_1221 = arith.constant 10 : i32
      %add3A_1222 = arith.addi %mul3A_1220, %add3A_1221 : i32
      %broadcast_in_dim3A_1223 = arith.constant 0.000000e+00 : f32
      %broadcast_in_dim3A_1224 = vector.broadcast %broadcast_in_dim3A_1223 : f32 to vector<16xf32>
      %get3A_1225 = arith.index_cast %add3A_1222 : i32 to index
      %get3A_1226 = arith.constant 0 : index
      %get3A_1227 = tpu.vector_load %arg7[%get3A_1225, %get3A_1226] {strides = array<i32>} : memref<32x256xf32, #tpu.memory_space<vmem>>, vector<16xf32>,
      %sub3A_1228 = arith.subf %add3A_11, %get3A_1227 : vector<16xf32>
      %mul3A_1229 = arith.mulf %sub3A_1228, %sub3A_1228 : vector<16xf32>
      %add3A_1230 = arith.addf %broadcast_in_dim3A_1224, %mul3A_1229 : vector<16xf32>
      %get3A_1231 = arith.index_cast %add3A_1222 : i32 to index
      %get3A_1232 = arith.constant 16 : index
      %get3A_1233 = tpu.vector_load %arg7[%get3A_1231, %get3A_1232] {strides = array<i32>} : memref<32x256xf32, #tpu.memory_space<vmem>>, vector<16xf32>,
      %sub3A_1234 = arith.subf %add3A_16, %get3A_1233 : vector<16xf32>
      %mul3A_1235 = arith.mulf %sub3A_1234, %sub3A_1234 : vector<16xf32>
      %add3A_1236 = arith.addf %add3A_1230, %mul3A_1235 : vector<16xf32>
      %get3A_1237 = arith.index_cast %add3A_1222 : i32 to index
      %get3A_1238 = arith.constant 32 : index
      %get3A_1239 = tpu.vector_load %arg7[%get3A_1237, %get3A_1238] {strides = array<i32>} : memref<32x256xf32, #tpu.memory_space<vmem>>, vector<16xf32>,
      %sub3A_1240 = arith.subf %add3A_21, %get3A_1239 : vector<16xf32>
      %mul3A_1241 = arith.mulf %sub3A_1240, %sub3A_1240 : vector<16xf32>
      %add3A_1242 = arith.addf %add3A_1236, %mul3A_1241 : vector<16xf32>
      %get3A_1243 = arith.index_cast %add3A_1222 : i32 to index
      %get3A_1244 = arith.constant 48 : index
      %get3A_1245 = tpu.vector_load %arg7[%get3A_1243, %get3A_1244] {strides = array<i32>} : memref<32x256xf32, #tpu.memory_space<vmem>>, vector<16xf32>,
      %sub3A_1246 = arith.subf %add3A_26, %get3A_1245 : vector<16xf32>
      %mul3A_1247 = arith.mulf %sub3A_1246, %sub3A_1246 : vector<16xf32>
      %add3A_1248 = arith.addf %add3A_1242, %mul3A_1247 : vector<16xf32>
      %get3A_1249 = arith.index_cast %add3A_1222 : i32 to index
      %get3A_1250 = arith.constant 64 : index
      %get3A_1251 = tpu.vector_load %arg7[%get3A_1249, %get3A_1250] {strides = array<i32>} : memref<32x256xf32, #tpu.memory_space<vmem>>, vector<16xf32>,
      %sub3A_1252 = arith.subf %add3A_31, %get3A_1251 : vector<16xf32>
      %mul3A_1253 = arith.mulf %sub3A_1252, %sub3A_1252 : vector<16xf32>
      %add3A_1254 = arith.addf %add3A_1248, %mul3A_1253 : vector<16xf32>
      %get3A_1255 = arith.index_cast %add3A_1222 : i32 to index
      %get3A_1256 = arith.constant 80 : index
      %get3A_1257 = tpu.vector_load %arg7[%get3A_1255, %get3A_1256] {strides = array<i32>} : memref<32x256xf32, #tpu.memory_space<vmem>>, vector<16xf32>,
      %sub3A_1258 = arith.subf %add3A_36, %get3A_1257 : vector<16xf32>
      %mul3A_1259 = arith.mulf %sub3A_1258, %sub3A_1258 : vector<16xf32>
      %add3A_1260 = arith.addf %add3A_1254, %mul3A_1259 : vector<16xf32>
      %get3A_1261 = arith.index_cast %add3A_1222 : i32 to index
      %get3A_1262 = arith.constant 96 : index
      %get3A_1263 = tpu.vector_load %arg7[%get3A_1261, %get3A_1262] {strides = array<i32>} : memref<32x256xf32, #tpu.memory_space<vmem>>, vector<16xf32>,
      %sub3A_1264 = arith.subf %add3A_41, %get3A_1263 : vector<16xf32>
      %mul3A_1265 = arith.mulf %sub3A_1264, %sub3A_1264 : vector<16xf32>
      %add3A_1266 = arith.addf %add3A_1260, %mul3A_1265 : vector<16xf32>
      %get3A_1267 = arith.index_cast %add3A_1222 : i32 to index
      %get3A_1268 = arith.constant 112 : index
      %get3A_1269 = tpu.vector_load %arg7[%get3A_1267, %get3A_1268] {strides = array<i32>} : memref<32x256xf32, #tpu.memory_space<vmem>>, vector<16xf32>,
      %sub3A_1270 = arith.subf %add3A_46, %get3A_1269 : vector<16xf32>
      %mul3A_1271 = arith.mulf %sub3A_1270, %sub3A_1270 : vector<16xf32>
      %add3A_1272 = arith.addf %add3A_1266, %mul3A_1271 : vector<16xf32>
      %get3A_1273 = arith.index_cast %add3A_1222 : i32 to index
      %get3A_1274 = arith.constant 128 : index
      %get3A_1275 = tpu.vector_load %arg7[%get3A_1273, %get3A_1274] {strides = array<i32>} : memref<32x256xf32, #tpu.memory_space<vmem>>, vector<16xf32>,
      %sub3A_1276 = arith.subf %add3A_51, %get3A_1275 : vector<16xf32>
      %mul3A_1277 = arith.mulf %sub3A_1276, %sub3A_1276 : vector<16xf32>
      %add3A_1278 = arith.addf %add3A_1272, %mul3A_1277 : vector<16xf32>
      %get3A_1279 = arith.index_cast %add3A_1222 : i32 to index
      %get3A_1280 = arith.constant 144 : index
      %get3A_1281 = tpu.vector_load %arg7[%get3A_1279, %get3A_1280] {strides = array<i32>} : memref<32x256xf32, #tpu.memory_space<vmem>>, vector<16xf32>,
      %sub3A_1282 = arith.subf %add3A_56, %get3A_1281 : vector<16xf32>
      %mul3A_1283 = arith.mulf %sub3A_1282, %sub3A_1282 : vector<16xf32>
      %add3A_1284 = arith.addf %add3A_1278, %mul3A_1283 : vector<16xf32>
      %get3A_1285 = arith.index_cast %add3A_1222 : i32 to index
      %get3A_1286 = arith.constant 160 : index
      %get3A_1287 = tpu.vector_load %arg7[%get3A_1285, %get3A_1286] {strides = array<i32>} : memref<32x256xf32, #tpu.memory_space<vmem>>, vector<16xf32>,
      %sub3A_1288 = arith.subf %add3A_61, %get3A_1287 : vector<16xf32>
      %mul3A_1289 = arith.mulf %sub3A_1288, %sub3A_1288 : vector<16xf32>
      %add3A_1290 = arith.addf %add3A_1284, %mul3A_1289 : vector<16xf32>
      %get3A_1291 = arith.index_cast %add3A_1222 : i32 to index
      %get3A_1292 = arith.constant 176 : index
      %get3A_1293 = tpu.vector_load %arg7[%get3A_1291, %get3A_1292] {strides = array<i32>} : memref<32x256xf32, #tpu.memory_space<vmem>>, vector<16xf32>,
      %sub3A_1294 = arith.subf %add3A_66, %get3A_1293 : vector<16xf32>
      %mul3A_1295 = arith.mulf %sub3A_1294, %sub3A_1294 : vector<16xf32>
      %add3A_1296 = arith.addf %add3A_1290, %mul3A_1295 : vector<16xf32>
      %get3A_1297 = arith.index_cast %add3A_1222 : i32 to index
      %get3A_1298 = arith.constant 192 : index
      %get3A_1299 = tpu.vector_load %arg7[%get3A_1297, %get3A_1298] {strides = array<i32>} : memref<32x256xf32, #tpu.memory_space<vmem>>, vector<16xf32>,
      %sub3A_1300 = arith.subf %add3A_71, %get3A_1299 : vector<16xf32>
      %mul3A_1301 = arith.mulf %sub3A_1300, %sub3A_1300 : vector<16xf32>
      %add3A_1302 = arith.addf %add3A_1296, %mul3A_1301 : vector<16xf32>
      %get3A_1303 = arith.index_cast %add3A_1222 : i32 to index
      %get3A_1304 = arith.constant 208 : index
      %get3A_1305 = tpu.vector_load %arg7[%get3A_1303, %get3A_1304] {strides = array<i32>} : memref<32x256xf32, #tpu.memory_space<vmem>>, vector<16xf32>,
      %sub3A_1306 = arith.subf %add3A_76, %get3A_1305 : vector<16xf32>
      %mul3A_1307 = arith.mulf %sub3A_1306, %sub3A_1306 : vector<16xf32>
      %add3A_1308 = arith.addf %add3A_1302, %mul3A_1307 : vector<16xf32>
      %get3A_1309 = arith.index_cast %add3A_1222 : i32 to index
      %get3A_1310 = arith.constant 224 : index
      %get3A_1311 = tpu.vector_load %arg7[%get3A_1309, %get3A_1310] {strides = array<i32>} : memref<32x256xf32, #tpu.memory_space<vmem>>, vector<16xf32>,
      %sub3A_1312 = arith.subf %add3A_81, %get3A_1311 : vector<16xf32>
      %mul3A_1313 = arith.mulf %sub3A_1312, %sub3A_1312 : vector<16xf32>
      %add3A_1314 = arith.addf %add3A_1308, %mul3A_1313 : vector<16xf32>
      %get3A_1315 = arith.index_cast %add3A_1222 : i32 to index
      %get3A_1316 = arith.constant 240 : index
      %get3A_1317 = tpu.vector_load %arg7[%get3A_1315, %get3A_1316] {strides = array<i32>} : memref<32x256xf32, #tpu.memory_space<vmem>>, vector<16xf32>,
      %sub3A_1318 = arith.subf %add3A_86, %get3A_1317 : vector<16xf32>
      %mul3A_1319 = arith.mulf %sub3A_1318, %sub3A_1318 : vector<16xf32>
      %add3A_1320 = arith.addf %add3A_1314, %mul3A_1319 : vector<16xf32>
      %reduce_sum3A_1321 = arith.constant true
      %reduce_sum3A_1322 = vector.broadcast %reduce_sum3A_1321 : i1 to vector<16xi1>
      %reduce_sum3A_1323 = tpu.scan <sum>, %add3A_1320 masked %reduce_sum3A_1322 : vector<16xf32>, vector<16xi1> -> vector<16xf32>
      %reduce_sum3A_1324 = vector.extract %reduce_sum3A_1323[15] : f32 from vector<16xf32>
      %eq3A_1325 = arith.constant 10 : i32
      %eq3A_1326 = vector.broadcast %eq3A_1325 : i32 to vector<16xi32>
      %eq3A_1327 = arith.cmpi eq, %iota3A, %eq3A_1326 : vector<16xi32>
      %broadcast_in_dim3A_1328 = vector.broadcast %reduce_sum3A_1324 : f32 to vector<16xf32>
      %select_n3A_1329 = arith.select %eq3A_1327, %broadcast_in_dim3A_1328, %select_n3A_1218 : vector<16xi1>, vector<16xf32>
      %mul3A_1330 = arith.constant 16 : i32
      %mul3A_1331 = arith.muli %scan3A_111, %mul3A_1330 : i32
      %add3A_1332 = arith.constant 11 : i32
      %add3A_1333 = arith.addi %mul3A_1331, %add3A_1332 : i32
      %broadcast_in_dim3A_1334 = arith.constant 0.000000e+00 : f32
      %broadcast_in_dim3A_1335 = vector.broadcast %broadcast_in_dim3A_1334 : f32 to vector<16xf32>
      %get3A_1336 = arith.index_cast %add3A_1333 : i32 to index
      %get3A_1337 = arith.constant 0 : index
      %get3A_1338 = tpu.vector_load %arg7[%get3A_1336, %get3A_1337] {strides = array<i32>} : memref<32x256xf32, #tpu.memory_space<vmem>>, vector<16xf32>,
      %sub3A_1339 = arith.subf %add3A_11, %get3A_1338 : vector<16xf32>
      %mul3A_1340 = arith.mulf %sub3A_1339, %sub3A_1339 : vector<16xf32>
      %add3A_1341 = arith.addf %broadcast_in_dim3A_1335, %mul3A_1340 : vector<16xf32>
      %get3A_1342 = arith.index_cast %add3A_1333 : i32 to index
      %get3A_1343 = arith.constant 16 : index
      %get3A_1344 = tpu.vector_load %arg7[%get3A_1342, %get3A_1343] {strides = array<i32>} : memref<32x256xf32, #tpu.memory_space<vmem>>, vector<16xf32>,
      %sub3A_1345 = arith.subf %add3A_16, %get3A_1344 : vector<16xf32>
      %mul3A_1346 = arith.mulf %sub3A_1345, %sub3A_1345 : vector<16xf32>
      %add3A_1347 = arith.addf %add3A_1341, %mul3A_1346 : vector<16xf32>
      %get3A_1348 = arith.index_cast %add3A_1333 : i32 to index
      %get3A_1349 = arith.constant 32 : index
      %get3A_1350 = tpu.vector_load %arg7[%get3A_1348, %get3A_1349] {strides = array<i32>} : memref<32x256xf32, #tpu.memory_space<vmem>>, vector<16xf32>,
      %sub3A_1351 = arith.subf %add3A_21, %get3A_1350 : vector<16xf32>
      %mul3A_1352 = arith.mulf %sub3A_1351, %sub3A_1351 : vector<16xf32>
      %add3A_1353 = arith.addf %add3A_1347, %mul3A_1352 : vector<16xf32>
      %get3A_1354 = arith.index_cast %add3A_1333 : i32 to index
      %get3A_1355 = arith.constant 48 : index
      %get3A_1356 = tpu.vector_load %arg7[%get3A_1354, %get3A_1355] {strides = array<i32>} : memref<32x256xf32, #tpu.memory_space<vmem>>, vector<16xf32>,
      %sub3A_1357 = arith.subf %add3A_26, %get3A_1356 : vector<16xf32>
      %mul3A_1358 = arith.mulf %sub3A_1357, %sub3A_1357 : vector<16xf32>
      %add3A_1359 = arith.addf %add3A_1353, %mul3A_1358 : vector<16xf32>
      %get3A_1360 = arith.index_cast %add3A_1333 : i32 to index
      %get3A_1361 = arith.constant 64 : index
      %get3A_1362 = tpu.vector_load %arg7[%get3A_1360, %get3A_1361] {strides = array<i32>} : memref<32x256xf32, #tpu.memory_space<vmem>>, vector<16xf32>,
      %sub3A_1363 = arith.subf %add3A_31, %get3A_1362 : vector<16xf32>
      %mul3A_1364 = arith.mulf %sub3A_1363, %sub3A_1363 : vector<16xf32>
      %add3A_1365 = arith.addf %add3A_1359, %mul3A_1364 : vector<16xf32>
      %get3A_1366 = arith.index_cast %add3A_1333 : i32 to index
      %get3A_1367 = arith.constant 80 : index
      %get3A_1368 = tpu.vector_load %arg7[%get3A_1366, %get3A_1367] {strides = array<i32>} : memref<32x256xf32, #tpu.memory_space<vmem>>, vector<16xf32>,
      %sub3A_1369 = arith.subf %add3A_36, %get3A_1368 : vector<16xf32>
      %mul3A_1370 = arith.mulf %sub3A_1369, %sub3A_1369 : vector<16xf32>
      %add3A_1371 = arith.addf %add3A_1365, %mul3A_1370 : vector<16xf32>
      %get3A_1372 = arith.index_cast %add3A_1333 : i32 to index
      %get3A_1373 = arith.constant 96 : index
      %get3A_1374 = tpu.vector_load %arg7[%get3A_1372, %get3A_1373] {strides = array<i32>} : memref<32x256xf32, #tpu.memory_space<vmem>>, vector<16xf32>,
      %sub3A_1375 = arith.subf %add3A_41, %get3A_1374 : vector<16xf32>
      %mul3A_1376 = arith.mulf %sub3A_1375, %sub3A_1375 : vector<16xf32>
      %add3A_1377 = arith.addf %add3A_1371, %mul3A_1376 : vector<16xf32>
      %get3A_1378 = arith.index_cast %add3A_1333 : i32 to index
      %get3A_1379 = arith.constant 112 : index
      %get3A_1380 = tpu.vector_load %arg7[%get3A_1378, %get3A_1379] {strides = array<i32>} : memref<32x256xf32, #tpu.memory_space<vmem>>, vector<16xf32>,
      %sub3A_1381 = arith.subf %add3A_46, %get3A_1380 : vector<16xf32>
      %mul3A_1382 = arith.mulf %sub3A_1381, %sub3A_1381 : vector<16xf32>
      %add3A_1383 = arith.addf %add3A_1377, %mul3A_1382 : vector<16xf32>
      %get3A_1384 = arith.index_cast %add3A_1333 : i32 to index
      %get3A_1385 = arith.constant 128 : index
      %get3A_1386 = tpu.vector_load %arg7[%get3A_1384, %get3A_1385] {strides = array<i32>} : memref<32x256xf32, #tpu.memory_space<vmem>>, vector<16xf32>,
      %sub3A_1387 = arith.subf %add3A_51, %get3A_1386 : vector<16xf32>
      %mul3A_1388 = arith.mulf %sub3A_1387, %sub3A_1387 : vector<16xf32>
      %add3A_1389 = arith.addf %add3A_1383, %mul3A_1388 : vector<16xf32>
      %get3A_1390 = arith.index_cast %add3A_1333 : i32 to index
      %get3A_1391 = arith.constant 144 : index
      %get3A_1392 = tpu.vector_load %arg7[%get3A_1390, %get3A_1391] {strides = array<i32>} : memref<32x256xf32, #tpu.memory_space<vmem>>, vector<16xf32>,
      %sub3A_1393 = arith.subf %add3A_56, %get3A_1392 : vector<16xf32>
      %mul3A_1394 = arith.mulf %sub3A_1393, %sub3A_1393 : vector<16xf32>
      %add3A_1395 = arith.addf %add3A_1389, %mul3A_1394 : vector<16xf32>
      %get3A_1396 = arith.index_cast %add3A_1333 : i32 to index
      %get3A_1397 = arith.constant 160 : index
      %get3A_1398 = tpu.vector_load %arg7[%get3A_1396, %get3A_1397] {strides = array<i32>} : memref<32x256xf32, #tpu.memory_space<vmem>>, vector<16xf32>,
      %sub3A_1399 = arith.subf %add3A_61, %get3A_1398 : vector<16xf32>
      %mul3A_1400 = arith.mulf %sub3A_1399, %sub3A_1399 : vector<16xf32>
      %add3A_1401 = arith.addf %add3A_1395, %mul3A_1400 : vector<16xf32>
      %get3A_1402 = arith.index_cast %add3A_1333 : i32 to index
      %get3A_1403 = arith.constant 176 : index
      %get3A_1404 = tpu.vector_load %arg7[%get3A_1402, %get3A_1403] {strides = array<i32>} : memref<32x256xf32, #tpu.memory_space<vmem>>, vector<16xf32>,
      %sub3A_1405 = arith.subf %add3A_66, %get3A_1404 : vector<16xf32>
      %mul3A_1406 = arith.mulf %sub3A_1405, %sub3A_1405 : vector<16xf32>
      %add3A_1407 = arith.addf %add3A_1401, %mul3A_1406 : vector<16xf32>
      %get3A_1408 = arith.index_cast %add3A_1333 : i32 to index
      %get3A_1409 = arith.constant 192 : index
      %get3A_1410 = tpu.vector_load %arg7[%get3A_1408, %get3A_1409] {strides = array<i32>} : memref<32x256xf32, #tpu.memory_space<vmem>>, vector<16xf32>,
      %sub3A_1411 = arith.subf %add3A_71, %get3A_1410 : vector<16xf32>
      %mul3A_1412 = arith.mulf %sub3A_1411, %sub3A_1411 : vector<16xf32>
      %add3A_1413 = arith.addf %add3A_1407, %mul3A_1412 : vector<16xf32>
      %get3A_1414 = arith.index_cast %add3A_1333 : i32 to index
      %get3A_1415 = arith.constant 208 : index
      %get3A_1416 = tpu.vector_load %arg7[%get3A_1414, %get3A_1415] {strides = array<i32>} : memref<32x256xf32, #tpu.memory_space<vmem>>, vector<16xf32>,
      %sub3A_1417 = arith.subf %add3A_76, %get3A_1416 : vector<16xf32>
      %mul3A_1418 = arith.mulf %sub3A_1417, %sub3A_1417 : vector<16xf32>
      %add3A_1419 = arith.addf %add3A_1413, %mul3A_1418 : vector<16xf32>
      %get3A_1420 = arith.index_cast %add3A_1333 : i32 to index
      %get3A_1421 = arith.constant 224 : index
      %get3A_1422 = tpu.vector_load %arg7[%get3A_1420, %get3A_1421] {strides = array<i32>} : memref<32x256xf32, #tpu.memory_space<vmem>>, vector<16xf32>,
      %sub3A_1423 = arith.subf %add3A_81, %get3A_1422 : vector<16xf32>
      %mul3A_1424 = arith.mulf %sub3A_1423, %sub3A_1423 : vector<16xf32>
      %add3A_1425 = arith.addf %add3A_1419, %mul3A_1424 : vector<16xf32>
      %get3A_1426 = arith.index_cast %add3A_1333 : i32 to index
      %get3A_1427 = arith.constant 240 : index
      %get3A_1428 = tpu.vector_load %arg7[%get3A_1426, %get3A_1427] {strides = array<i32>} : memref<32x256xf32, #tpu.memory_space<vmem>>, vector<16xf32>,
      %sub3A_1429 = arith.subf %add3A_86, %get3A_1428 : vector<16xf32>
      %mul3A_1430 = arith.mulf %sub3A_1429, %sub3A_1429 : vector<16xf32>
      %add3A_1431 = arith.addf %add3A_1425, %mul3A_1430 : vector<16xf32>
      %reduce_sum3A_1432 = arith.constant true
      %reduce_sum3A_1433 = vector.broadcast %reduce_sum3A_1432 : i1 to vector<16xi1>
      %reduce_sum3A_1434 = tpu.scan <sum>, %add3A_1431 masked %reduce_sum3A_1433 : vector<16xf32>, vector<16xi1> -> vector<16xf32>
      %reduce_sum3A_1435 = vector.extract %reduce_sum3A_1434[15] : f32 from vector<16xf32>
      %eq3A_1436 = arith.constant 11 : i32
      %eq3A_1437 = vector.broadcast %eq3A_1436 : i32 to vector<16xi32>
      %eq3A_1438 = arith.cmpi eq, %iota3A, %eq3A_1437 : vector<16xi32>
      %broadcast_in_dim3A_1439 = vector.broadcast %reduce_sum3A_1435 : f32 to vector<16xf32>
      %select_n3A_1440 = arith.select %eq3A_1438, %broadcast_in_dim3A_1439, %select_n3A_1329 : vector<16xi1>, vector<16xf32>
      %mul3A_1441 = arith.constant 16 : i32
      %mul3A_1442 = arith.muli %scan3A_111, %mul3A_1441 : i32
      %add3A_1443 = arith.constant 12 : i32
      %add3A_1444 = arith.addi %mul3A_1442, %add3A_1443 : i32
      %broadcast_in_dim3A_1445 = arith.constant 0.000000e+00 : f32
      %broadcast_in_dim3A_1446 = vector.broadcast %broadcast_in_dim3A_1445 : f32 to vector<16xf32>
      %get3A_1447 = arith.index_cast %add3A_1444 : i32 to index
      %get3A_1448 = arith.constant 0 : index
      %get3A_1449 = tpu.vector_load %arg7[%get3A_1447, %get3A_1448] {strides = array<i32>} : memref<32x256xf32, #tpu.memory_space<vmem>>, vector<16xf32>,
      %sub3A_1450 = arith.subf %add3A_11, %get3A_1449 : vector<16xf32>
      %mul3A_1451 = arith.mulf %sub3A_1450, %sub3A_1450 : vector<16xf32>
      %add3A_1452 = arith.addf %broadcast_in_dim3A_1446, %mul3A_1451 : vector<16xf32>
      %get3A_1453 = arith.index_cast %add3A_1444 : i32 to index
      %get3A_1454 = arith.constant 16 : index
      %get3A_1455 = tpu.vector_load %arg7[%get3A_1453, %get3A_1454] {strides = array<i32>} : memref<32x256xf32, #tpu.memory_space<vmem>>, vector<16xf32>,
      %sub3A_1456 = arith.subf %add3A_16, %get3A_1455 : vector<16xf32>
      %mul3A_1457 = arith.mulf %sub3A_1456, %sub3A_1456 : vector<16xf32>
      %add3A_1458 = arith.addf %add3A_1452, %mul3A_1457 : vector<16xf32>
      %get3A_1459 = arith.index_cast %add3A_1444 : i32 to index
      %get3A_1460 = arith.constant 32 : index
      %get3A_1461 = tpu.vector_load %arg7[%get3A_1459, %get3A_1460] {strides = array<i32>} : memref<32x256xf32, #tpu.memory_space<vmem>>, vector<16xf32>,
      %sub3A_1462 = arith.subf %add3A_21, %get3A_1461 : vector<16xf32>
      %mul3A_1463 = arith.mulf %sub3A_1462, %sub3A_1462 : vector<16xf32>
      %add3A_1464 = arith.addf %add3A_1458, %mul3A_1463 : vector<16xf32>
      %get3A_1465 = arith.index_cast %add3A_1444 : i32 to index
      %get3A_1466 = arith.constant 48 : index
      %get3A_1467 = tpu.vector_load %arg7[%get3A_1465, %get3A_1466] {strides = array<i32>} : memref<32x256xf32, #tpu.memory_space<vmem>>, vector<16xf32>,
      %sub3A_1468 = arith.subf %add3A_26, %get3A_1467 : vector<16xf32>
      %mul3A_1469 = arith.mulf %sub3A_1468, %sub3A_1468 : vector<16xf32>
      %add3A_1470 = arith.addf %add3A_1464, %mul3A_1469 : vector<16xf32>
      %get3A_1471 = arith.index_cast %add3A_1444 : i32 to index
      %get3A_1472 = arith.constant 64 : index
      %get3A_1473 = tpu.vector_load %arg7[%get3A_1471, %get3A_1472] {strides = array<i32>} : memref<32x256xf32, #tpu.memory_space<vmem>>, vector<16xf32>,
      %sub3A_1474 = arith.subf %add3A_31, %get3A_1473 : vector<16xf32>
      %mul3A_1475 = arith.mulf %sub3A_1474, %sub3A_1474 : vector<16xf32>
      %add3A_1476 = arith.addf %add3A_1470, %mul3A_1475 : vector<16xf32>
      %get3A_1477 = arith.index_cast %add3A_1444 : i32 to index
      %get3A_1478 = arith.constant 80 : index
      %get3A_1479 = tpu.vector_load %arg7[%get3A_1477, %get3A_1478] {strides = array<i32>} : memref<32x256xf32, #tpu.memory_space<vmem>>, vector<16xf32>,
      %sub3A_1480 = arith.subf %add3A_36, %get3A_1479 : vector<16xf32>
      %mul3A_1481 = arith.mulf %sub3A_1480, %sub3A_1480 : vector<16xf32>
      %add3A_1482 = arith.addf %add3A_1476, %mul3A_1481 : vector<16xf32>
      %get3A_1483 = arith.index_cast %add3A_1444 : i32 to index
      %get3A_1484 = arith.constant 96 : index
      %get3A_1485 = tpu.vector_load %arg7[%get3A_1483, %get3A_1484] {strides = array<i32>} : memref<32x256xf32, #tpu.memory_space<vmem>>, vector<16xf32>,
      %sub3A_1486 = arith.subf %add3A_41, %get3A_1485 : vector<16xf32>
      %mul3A_1487 = arith.mulf %sub3A_1486, %sub3A_1486 : vector<16xf32>
      %add3A_1488 = arith.addf %add3A_1482, %mul3A_1487 : vector<16xf32>
      %get3A_1489 = arith.index_cast %add3A_1444 : i32 to index
      %get3A_1490 = arith.constant 112 : index
      %get3A_1491 = tpu.vector_load %arg7[%get3A_1489, %get3A_1490] {strides = array<i32>} : memref<32x256xf32, #tpu.memory_space<vmem>>, vector<16xf32>,
      %sub3A_1492 = arith.subf %add3A_46, %get3A_1491 : vector<16xf32>
      %mul3A_1493 = arith.mulf %sub3A_1492, %sub3A_1492 : vector<16xf32>
      %add3A_1494 = arith.addf %add3A_1488, %mul3A_1493 : vector<16xf32>
      %get3A_1495 = arith.index_cast %add3A_1444 : i32 to index
      %get3A_1496 = arith.constant 128 : index
      %get3A_1497 = tpu.vector_load %arg7[%get3A_1495, %get3A_1496] {strides = array<i32>} : memref<32x256xf32, #tpu.memory_space<vmem>>, vector<16xf32>,
      %sub3A_1498 = arith.subf %add3A_51, %get3A_1497 : vector<16xf32>
      %mul3A_1499 = arith.mulf %sub3A_1498, %sub3A_1498 : vector<16xf32>
      %add3A_1500 = arith.addf %add3A_1494, %mul3A_1499 : vector<16xf32>
      %get3A_1501 = arith.index_cast %add3A_1444 : i32 to index
      %get3A_1502 = arith.constant 144 : index
      %get3A_1503 = tpu.vector_load %arg7[%get3A_1501, %get3A_1502] {strides = array<i32>} : memref<32x256xf32, #tpu.memory_space<vmem>>, vector<16xf32>,
      %sub3A_1504 = arith.subf %add3A_56, %get3A_1503 : vector<16xf32>
      %mul3A_1505 = arith.mulf %sub3A_1504, %sub3A_1504 : vector<16xf32>
      %add3A_1506 = arith.addf %add3A_1500, %mul3A_1505 : vector<16xf32>
      %get3A_1507 = arith.index_cast %add3A_1444 : i32 to index
      %get3A_1508 = arith.constant 160 : index
      %get3A_1509 = tpu.vector_load %arg7[%get3A_1507, %get3A_1508] {strides = array<i32>} : memref<32x256xf32, #tpu.memory_space<vmem>>, vector<16xf32>,
      %sub3A_1510 = arith.subf %add3A_61, %get3A_1509 : vector<16xf32>
      %mul3A_1511 = arith.mulf %sub3A_1510, %sub3A_1510 : vector<16xf32>
      %add3A_1512 = arith.addf %add3A_1506, %mul3A_1511 : vector<16xf32>
      %get3A_1513 = arith.index_cast %add3A_1444 : i32 to index
      %get3A_1514 = arith.constant 176 : index
      %get3A_1515 = tpu.vector_load %arg7[%get3A_1513, %get3A_1514] {strides = array<i32>} : memref<32x256xf32, #tpu.memory_space<vmem>>, vector<16xf32>,
      %sub3A_1516 = arith.subf %add3A_66, %get3A_1515 : vector<16xf32>
      %mul3A_1517 = arith.mulf %sub3A_1516, %sub3A_1516 : vector<16xf32>
      %add3A_1518 = arith.addf %add3A_1512, %mul3A_1517 : vector<16xf32>
      %get3A_1519 = arith.index_cast %add3A_1444 : i32 to index
      %get3A_1520 = arith.constant 192 : index
      %get3A_1521 = tpu.vector_load %arg7[%get3A_1519, %get3A_1520] {strides = array<i32>} : memref<32x256xf32, #tpu.memory_space<vmem>>, vector<16xf32>,
      %sub3A_1522 = arith.subf %add3A_71, %get3A_1521 : vector<16xf32>
      %mul3A_1523 = arith.mulf %sub3A_1522, %sub3A_1522 : vector<16xf32>
      %add3A_1524 = arith.addf %add3A_1518, %mul3A_1523 : vector<16xf32>
      %get3A_1525 = arith.index_cast %add3A_1444 : i32 to index
      %get3A_1526 = arith.constant 208 : index
      %get3A_1527 = tpu.vector_load %arg7[%get3A_1525, %get3A_1526] {strides = array<i32>} : memref<32x256xf32, #tpu.memory_space<vmem>>, vector<16xf32>,
      %sub3A_1528 = arith.subf %add3A_76, %get3A_1527 : vector<16xf32>
      %mul3A_1529 = arith.mulf %sub3A_1528, %sub3A_1528 : vector<16xf32>
      %add3A_1530 = arith.addf %add3A_1524, %mul3A_1529 : vector<16xf32>
      %get3A_1531 = arith.index_cast %add3A_1444 : i32 to index
      %get3A_1532 = arith.constant 224 : index
      %get3A_1533 = tpu.vector_load %arg7[%get3A_1531, %get3A_1532] {strides = array<i32>} : memref<32x256xf32, #tpu.memory_space<vmem>>, vector<16xf32>,
      %sub3A_1534 = arith.subf %add3A_81, %get3A_1533 : vector<16xf32>
      %mul3A_1535 = arith.mulf %sub3A_1534, %sub3A_1534 : vector<16xf32>
      %add3A_1536 = arith.addf %add3A_1530, %mul3A_1535 : vector<16xf32>
      %get3A_1537 = arith.index_cast %add3A_1444 : i32 to index
      %get3A_1538 = arith.constant 240 : index
      %get3A_1539 = tpu.vector_load %arg7[%get3A_1537, %get3A_1538] {strides = array<i32>} : memref<32x256xf32, #tpu.memory_space<vmem>>, vector<16xf32>,
      %sub3A_1540 = arith.subf %add3A_86, %get3A_1539 : vector<16xf32>
      %mul3A_1541 = arith.mulf %sub3A_1540, %sub3A_1540 : vector<16xf32>
      %add3A_1542 = arith.addf %add3A_1536, %mul3A_1541 : vector<16xf32>
      %reduce_sum3A_1543 = arith.constant true
      %reduce_sum3A_1544 = vector.broadcast %reduce_sum3A_1543 : i1 to vector<16xi1>
      %reduce_sum3A_1545 = tpu.scan <sum>, %add3A_1542 masked %reduce_sum3A_1544 : vector<16xf32>, vector<16xi1> -> vector<16xf32>
      %reduce_sum3A_1546 = vector.extract %reduce_sum3A_1545[15] : f32 from vector<16xf32>
      %eq3A_1547 = arith.constant 12 : i32
      %eq3A_1548 = vector.broadcast %eq3A_1547 : i32 to vector<16xi32>
      %eq3A_1549 = arith.cmpi eq, %iota3A, %eq3A_1548 : vector<16xi32>
      %broadcast_in_dim3A_1550 = vector.broadcast %reduce_sum3A_1546 : f32 to vector<16xf32>
      %select_n3A_1551 = arith.select %eq3A_1549, %broadcast_in_dim3A_1550, %select_n3A_1440 : vector<16xi1>, vector<16xf32>
      %mul3A_1552 = arith.constant 16 : i32
      %mul3A_1553 = arith.muli %scan3A_111, %mul3A_1552 : i32
      %add3A_1554 = arith.constant 13 : i32
      %add3A_1555 = arith.addi %mul3A_1553, %add3A_1554 : i32
      %broadcast_in_dim3A_1556 = arith.constant 0.000000e+00 : f32
      %broadcast_in_dim3A_1557 = vector.broadcast %broadcast_in_dim3A_1556 : f32 to vector<16xf32>
      %get3A_1558 = arith.index_cast %add3A_1555 : i32 to index
      %get3A_1559 = arith.constant 0 : index
      %get3A_1560 = tpu.vector_load %arg7[%get3A_1558, %get3A_1559] {strides = array<i32>} : memref<32x256xf32, #tpu.memory_space<vmem>>, vector<16xf32>,
      %sub3A_1561 = arith.subf %add3A_11, %get3A_1560 : vector<16xf32>
      %mul3A_1562 = arith.mulf %sub3A_1561, %sub3A_1561 : vector<16xf32>
      %add3A_1563 = arith.addf %broadcast_in_dim3A_1557, %mul3A_1562 : vector<16xf32>
      %get3A_1564 = arith.index_cast %add3A_1555 : i32 to index
      %get3A_1565 = arith.constant 16 : index
      %get3A_1566 = tpu.vector_load %arg7[%get3A_1564, %get3A_1565] {strides = array<i32>} : memref<32x256xf32, #tpu.memory_space<vmem>>, vector<16xf32>,
      %sub3A_1567 = arith.subf %add3A_16, %get3A_1566 : vector<16xf32>
      %mul3A_1568 = arith.mulf %sub3A_1567, %sub3A_1567 : vector<16xf32>
      %add3A_1569 = arith.addf %add3A_1563, %mul3A_1568 : vector<16xf32>
      %get3A_1570 = arith.index_cast %add3A_1555 : i32 to index
      %get3A_1571 = arith.constant 32 : index
      %get3A_1572 = tpu.vector_load %arg7[%get3A_1570, %get3A_1571] {strides = array<i32>} : memref<32x256xf32, #tpu.memory_space<vmem>>, vector<16xf32>,
      %sub3A_1573 = arith.subf %add3A_21, %get3A_1572 : vector<16xf32>
      %mul3A_1574 = arith.mulf %sub3A_1573, %sub3A_1573 : vector<16xf32>
      %add3A_1575 = arith.addf %add3A_1569, %mul3A_1574 : vector<16xf32>
      %get3A_1576 = arith.index_cast %add3A_1555 : i32 to index
      %get3A_1577 = arith.constant 48 : index
      %get3A_1578 = tpu.vector_load %arg7[%get3A_1576, %get3A_1577] {strides = array<i32>} : memref<32x256xf32, #tpu.memory_space<vmem>>, vector<16xf32>,
      %sub3A_1579 = arith.subf %add3A_26, %get3A_1578 : vector<16xf32>
      %mul3A_1580 = arith.mulf %sub3A_1579, %sub3A_1579 : vector<16xf32>
      %add3A_1581 = arith.addf %add3A_1575, %mul3A_1580 : vector<16xf32>
      %get3A_1582 = arith.index_cast %add3A_1555 : i32 to index
      %get3A_1583 = arith.constant 64 : index
      %get3A_1584 = tpu.vector_load %arg7[%get3A_1582, %get3A_1583] {strides = array<i32>} : memref<32x256xf32, #tpu.memory_space<vmem>>, vector<16xf32>,
      %sub3A_1585 = arith.subf %add3A_31, %get3A_1584 : vector<16xf32>
      %mul3A_1586 = arith.mulf %sub3A_1585, %sub3A_1585 : vector<16xf32>
      %add3A_1587 = arith.addf %add3A_1581, %mul3A_1586 : vector<16xf32>
      %get3A_1588 = arith.index_cast %add3A_1555 : i32 to index
      %get3A_1589 = arith.constant 80 : index
      %get3A_1590 = tpu.vector_load %arg7[%get3A_1588, %get3A_1589] {strides = array<i32>} : memref<32x256xf32, #tpu.memory_space<vmem>>, vector<16xf32>,
      %sub3A_1591 = arith.subf %add3A_36, %get3A_1590 : vector<16xf32>
      %mul3A_1592 = arith.mulf %sub3A_1591, %sub3A_1591 : vector<16xf32>
      %add3A_1593 = arith.addf %add3A_1587, %mul3A_1592 : vector<16xf32>
      %get3A_1594 = arith.index_cast %add3A_1555 : i32 to index
      %get3A_1595 = arith.constant 96 : index
      %get3A_1596 = tpu.vector_load %arg7[%get3A_1594, %get3A_1595] {strides = array<i32>} : memref<32x256xf32, #tpu.memory_space<vmem>>, vector<16xf32>,
      %sub3A_1597 = arith.subf %add3A_41, %get3A_1596 : vector<16xf32>
      %mul3A_1598 = arith.mulf %sub3A_1597, %sub3A_1597 : vector<16xf32>
      %add3A_1599 = arith.addf %add3A_1593, %mul3A_1598 : vector<16xf32>
      %get3A_1600 = arith.index_cast %add3A_1555 : i32 to index
      %get3A_1601 = arith.constant 112 : index
      %get3A_1602 = tpu.vector_load %arg7[%get3A_1600, %get3A_1601] {strides = array<i32>} : memref<32x256xf32, #tpu.memory_space<vmem>>, vector<16xf32>,
      %sub3A_1603 = arith.subf %add3A_46, %get3A_1602 : vector<16xf32>
      %mul3A_1604 = arith.mulf %sub3A_1603, %sub3A_1603 : vector<16xf32>
      %add3A_1605 = arith.addf %add3A_1599, %mul3A_1604 : vector<16xf32>
      %get3A_1606 = arith.index_cast %add3A_1555 : i32 to index
      %get3A_1607 = arith.constant 128 : index
      %get3A_1608 = tpu.vector_load %arg7[%get3A_1606, %get3A_1607] {strides = array<i32>} : memref<32x256xf32, #tpu.memory_space<vmem>>, vector<16xf32>,
      %sub3A_1609 = arith.subf %add3A_51, %get3A_1608 : vector<16xf32>
      %mul3A_1610 = arith.mulf %sub3A_1609, %sub3A_1609 : vector<16xf32>
      %add3A_1611 = arith.addf %add3A_1605, %mul3A_1610 : vector<16xf32>
      %get3A_1612 = arith.index_cast %add3A_1555 : i32 to index
      %get3A_1613 = arith.constant 144 : index
      %get3A_1614 = tpu.vector_load %arg7[%get3A_1612, %get3A_1613] {strides = array<i32>} : memref<32x256xf32, #tpu.memory_space<vmem>>, vector<16xf32>,
      %sub3A_1615 = arith.subf %add3A_56, %get3A_1614 : vector<16xf32>
      %mul3A_1616 = arith.mulf %sub3A_1615, %sub3A_1615 : vector<16xf32>
      %add3A_1617 = arith.addf %add3A_1611, %mul3A_1616 : vector<16xf32>
      %get3A_1618 = arith.index_cast %add3A_1555 : i32 to index
      %get3A_1619 = arith.constant 160 : index
      %get3A_1620 = tpu.vector_load %arg7[%get3A_1618, %get3A_1619] {strides = array<i32>} : memref<32x256xf32, #tpu.memory_space<vmem>>, vector<16xf32>,
      %sub3A_1621 = arith.subf %add3A_61, %get3A_1620 : vector<16xf32>
      %mul3A_1622 = arith.mulf %sub3A_1621, %sub3A_1621 : vector<16xf32>
      %add3A_1623 = arith.addf %add3A_1617, %mul3A_1622 : vector<16xf32>
      %get3A_1624 = arith.index_cast %add3A_1555 : i32 to index
      %get3A_1625 = arith.constant 176 : index
      %get3A_1626 = tpu.vector_load %arg7[%get3A_1624, %get3A_1625] {strides = array<i32>} : memref<32x256xf32, #tpu.memory_space<vmem>>, vector<16xf32>,
      %sub3A_1627 = arith.subf %add3A_66, %get3A_1626 : vector<16xf32>
      %mul3A_1628 = arith.mulf %sub3A_1627, %sub3A_1627 : vector<16xf32>
      %add3A_1629 = arith.addf %add3A_1623, %mul3A_1628 : vector<16xf32>
      %get3A_1630 = arith.index_cast %add3A_1555 : i32 to index
      %get3A_1631 = arith.constant 192 : index
      %get3A_1632 = tpu.vector_load %arg7[%get3A_1630, %get3A_1631] {strides = array<i32>} : memref<32x256xf32, #tpu.memory_space<vmem>>, vector<16xf32>,
      %sub3A_1633 = arith.subf %add3A_71, %get3A_1632 : vector<16xf32>
      %mul3A_1634 = arith.mulf %sub3A_1633, %sub3A_1633 : vector<16xf32>
      %add3A_1635 = arith.addf %add3A_1629, %mul3A_1634 : vector<16xf32>
      %get3A_1636 = arith.index_cast %add3A_1555 : i32 to index
      %get3A_1637 = arith.constant 208 : index
      %get3A_1638 = tpu.vector_load %arg7[%get3A_1636, %get3A_1637] {strides = array<i32>} : memref<32x256xf32, #tpu.memory_space<vmem>>, vector<16xf32>,
      %sub3A_1639 = arith.subf %add3A_76, %get3A_1638 : vector<16xf32>
      %mul3A_1640 = arith.mulf %sub3A_1639, %sub3A_1639 : vector<16xf32>
      %add3A_1641 = arith.addf %add3A_1635, %mul3A_1640 : vector<16xf32>
      %get3A_1642 = arith.index_cast %add3A_1555 : i32 to index
      %get3A_1643 = arith.constant 224 : index
      %get3A_1644 = tpu.vector_load %arg7[%get3A_1642, %get3A_1643] {strides = array<i32>} : memref<32x256xf32, #tpu.memory_space<vmem>>, vector<16xf32>,
      %sub3A_1645 = arith.subf %add3A_81, %get3A_1644 : vector<16xf32>
      %mul3A_1646 = arith.mulf %sub3A_1645, %sub3A_1645 : vector<16xf32>
      %add3A_1647 = arith.addf %add3A_1641, %mul3A_1646 : vector<16xf32>
      %get3A_1648 = arith.index_cast %add3A_1555 : i32 to index
      %get3A_1649 = arith.constant 240 : index
      %get3A_1650 = tpu.vector_load %arg7[%get3A_1648, %get3A_1649] {strides = array<i32>} : memref<32x256xf32, #tpu.memory_space<vmem>>, vector<16xf32>,
      %sub3A_1651 = arith.subf %add3A_86, %get3A_1650 : vector<16xf32>
      %mul3A_1652 = arith.mulf %sub3A_1651, %sub3A_1651 : vector<16xf32>
      %add3A_1653 = arith.addf %add3A_1647, %mul3A_1652 : vector<16xf32>
      %reduce_sum3A_1654 = arith.constant true
      %reduce_sum3A_1655 = vector.broadcast %reduce_sum3A_1654 : i1 to vector<16xi1>
      %reduce_sum3A_1656 = tpu.scan <sum>, %add3A_1653 masked %reduce_sum3A_1655 : vector<16xf32>, vector<16xi1> -> vector<16xf32>
      %reduce_sum3A_1657 = vector.extract %reduce_sum3A_1656[15] : f32 from vector<16xf32>
      %eq3A_1658 = arith.constant 13 : i32
      %eq3A_1659 = vector.broadcast %eq3A_1658 : i32 to vector<16xi32>
      %eq3A_1660 = arith.cmpi eq, %iota3A, %eq3A_1659 : vector<16xi32>
      %broadcast_in_dim3A_1661 = vector.broadcast %reduce_sum3A_1657 : f32 to vector<16xf32>
      %select_n3A_1662 = arith.select %eq3A_1660, %broadcast_in_dim3A_1661, %select_n3A_1551 : vector<16xi1>, vector<16xf32>
      %mul3A_1663 = arith.constant 16 : i32
      %mul3A_1664 = arith.muli %scan3A_111, %mul3A_1663 : i32
      %add3A_1665 = arith.constant 14 : i32
      %add3A_1666 = arith.addi %mul3A_1664, %add3A_1665 : i32
      %broadcast_in_dim3A_1667 = arith.constant 0.000000e+00 : f32
      %broadcast_in_dim3A_1668 = vector.broadcast %broadcast_in_dim3A_1667 : f32 to vector<16xf32>
      %get3A_1669 = arith.index_cast %add3A_1666 : i32 to index
      %get3A_1670 = arith.constant 0 : index
      %get3A_1671 = tpu.vector_load %arg7[%get3A_1669, %get3A_1670] {strides = array<i32>} : memref<32x256xf32, #tpu.memory_space<vmem>>, vector<16xf32>,
      %sub3A_1672 = arith.subf %add3A_11, %get3A_1671 : vector<16xf32>
      %mul3A_1673 = arith.mulf %sub3A_1672, %sub3A_1672 : vector<16xf32>
      %add3A_1674 = arith.addf %broadcast_in_dim3A_1668, %mul3A_1673 : vector<16xf32>
      %get3A_1675 = arith.index_cast %add3A_1666 : i32 to index
      %get3A_1676 = arith.constant 16 : index
      %get3A_1677 = tpu.vector_load %arg7[%get3A_1675, %get3A_1676] {strides = array<i32>} : memref<32x256xf32, #tpu.memory_space<vmem>>, vector<16xf32>,
      %sub3A_1678 = arith.subf %add3A_16, %get3A_1677 : vector<16xf32>
      %mul3A_1679 = arith.mulf %sub3A_1678, %sub3A_1678 : vector<16xf32>
      %add3A_1680 = arith.addf %add3A_1674, %mul3A_1679 : vector<16xf32>
      %get3A_1681 = arith.index_cast %add3A_1666 : i32 to index
      %get3A_1682 = arith.constant 32 : index
      %get3A_1683 = tpu.vector_load %arg7[%get3A_1681, %get3A_1682] {strides = array<i32>} : memref<32x256xf32, #tpu.memory_space<vmem>>, vector<16xf32>,
      %sub3A_1684 = arith.subf %add3A_21, %get3A_1683 : vector<16xf32>
      %mul3A_1685 = arith.mulf %sub3A_1684, %sub3A_1684 : vector<16xf32>
      %add3A_1686 = arith.addf %add3A_1680, %mul3A_1685 : vector<16xf32>
      %get3A_1687 = arith.index_cast %add3A_1666 : i32 to index
      %get3A_1688 = arith.constant 48 : index
      %get3A_1689 = tpu.vector_load %arg7[%get3A_1687, %get3A_1688] {strides = array<i32>} : memref<32x256xf32, #tpu.memory_space<vmem>>, vector<16xf32>,
      %sub3A_1690 = arith.subf %add3A_26, %get3A_1689 : vector<16xf32>
      %mul3A_1691 = arith.mulf %sub3A_1690, %sub3A_1690 : vector<16xf32>
      %add3A_1692 = arith.addf %add3A_1686, %mul3A_1691 : vector<16xf32>
      %get3A_1693 = arith.index_cast %add3A_1666 : i32 to index
      %get3A_1694 = arith.constant 64 : index
      %get3A_1695 = tpu.vector_load %arg7[%get3A_1693, %get3A_1694] {strides = array<i32>} : memref<32x256xf32, #tpu.memory_space<vmem>>, vector<16xf32>,
      %sub3A_1696 = arith.subf %add3A_31, %get3A_1695 : vector<16xf32>
      %mul3A_1697 = arith.mulf %sub3A_1696, %sub3A_1696 : vector<16xf32>
      %add3A_1698 = arith.addf %add3A_1692, %mul3A_1697 : vector<16xf32>
      %get3A_1699 = arith.index_cast %add3A_1666 : i32 to index
      %get3A_1700 = arith.constant 80 : index
      %get3A_1701 = tpu.vector_load %arg7[%get3A_1699, %get3A_1700] {strides = array<i32>} : memref<32x256xf32, #tpu.memory_space<vmem>>, vector<16xf32>,
      %sub3A_1702 = arith.subf %add3A_36, %get3A_1701 : vector<16xf32>
      %mul3A_1703 = arith.mulf %sub3A_1702, %sub3A_1702 : vector<16xf32>
      %add3A_1704 = arith.addf %add3A_1698, %mul3A_1703 : vector<16xf32>
      %get3A_1705 = arith.index_cast %add3A_1666 : i32 to index
      %get3A_1706 = arith.constant 96 : index
      %get3A_1707 = tpu.vector_load %arg7[%get3A_1705, %get3A_1706] {strides = array<i32>} : memref<32x256xf32, #tpu.memory_space<vmem>>, vector<16xf32>,
      %sub3A_1708 = arith.subf %add3A_41, %get3A_1707 : vector<16xf32>
      %mul3A_1709 = arith.mulf %sub3A_1708, %sub3A_1708 : vector<16xf32>
      %add3A_1710 = arith.addf %add3A_1704, %mul3A_1709 : vector<16xf32>
      %get3A_1711 = arith.index_cast %add3A_1666 : i32 to index
      %get3A_1712 = arith.constant 112 : index
      %get3A_1713 = tpu.vector_load %arg7[%get3A_1711, %get3A_1712] {strides = array<i32>} : memref<32x256xf32, #tpu.memory_space<vmem>>, vector<16xf32>,
      %sub3A_1714 = arith.subf %add3A_46, %get3A_1713 : vector<16xf32>
      %mul3A_1715 = arith.mulf %sub3A_1714, %sub3A_1714 : vector<16xf32>
      %add3A_1716 = arith.addf %add3A_1710, %mul3A_1715 : vector<16xf32>
      %get3A_1717 = arith.index_cast %add3A_1666 : i32 to index
      %get3A_1718 = arith.constant 128 : index
      %get3A_1719 = tpu.vector_load %arg7[%get3A_1717, %get3A_1718] {strides = array<i32>} : memref<32x256xf32, #tpu.memory_space<vmem>>, vector<16xf32>,
      %sub3A_1720 = arith.subf %add3A_51, %get3A_1719 : vector<16xf32>
      %mul3A_1721 = arith.mulf %sub3A_1720, %sub3A_1720 : vector<16xf32>
      %add3A_1722 = arith.addf %add3A_1716, %mul3A_1721 : vector<16xf32>
      %get3A_1723 = arith.index_cast %add3A_1666 : i32 to index
      %get3A_1724 = arith.constant 144 : index
      %get3A_1725 = tpu.vector_load %arg7[%get3A_1723, %get3A_1724] {strides = array<i32>} : memref<32x256xf32, #tpu.memory_space<vmem>>, vector<16xf32>,
      %sub3A_1726 = arith.subf %add3A_56, %get3A_1725 : vector<16xf32>
      %mul3A_1727 = arith.mulf %sub3A_1726, %sub3A_1726 : vector<16xf32>
      %add3A_1728 = arith.addf %add3A_1722, %mul3A_1727 : vector<16xf32>
      %get3A_1729 = arith.index_cast %add3A_1666 : i32 to index
      %get3A_1730 = arith.constant 160 : index
      %get3A_1731 = tpu.vector_load %arg7[%get3A_1729, %get3A_1730] {strides = array<i32>} : memref<32x256xf32, #tpu.memory_space<vmem>>, vector<16xf32>,
      %sub3A_1732 = arith.subf %add3A_61, %get3A_1731 : vector<16xf32>
      %mul3A_1733 = arith.mulf %sub3A_1732, %sub3A_1732 : vector<16xf32>
      %add3A_1734 = arith.addf %add3A_1728, %mul3A_1733 : vector<16xf32>
      %get3A_1735 = arith.index_cast %add3A_1666 : i32 to index
      %get3A_1736 = arith.constant 176 : index
      %get3A_1737 = tpu.vector_load %arg7[%get3A_1735, %get3A_1736] {strides = array<i32>} : memref<32x256xf32, #tpu.memory_space<vmem>>, vector<16xf32>,
      %sub3A_1738 = arith.subf %add3A_66, %get3A_1737 : vector<16xf32>
      %mul3A_1739 = arith.mulf %sub3A_1738, %sub3A_1738 : vector<16xf32>
      %add3A_1740 = arith.addf %add3A_1734, %mul3A_1739 : vector<16xf32>
      %get3A_1741 = arith.index_cast %add3A_1666 : i32 to index
      %get3A_1742 = arith.constant 192 : index
      %get3A_1743 = tpu.vector_load %arg7[%get3A_1741, %get3A_1742] {strides = array<i32>} : memref<32x256xf32, #tpu.memory_space<vmem>>, vector<16xf32>,
      %sub3A_1744 = arith.subf %add3A_71, %get3A_1743 : vector<16xf32>
      %mul3A_1745 = arith.mulf %sub3A_1744, %sub3A_1744 : vector<16xf32>
      %add3A_1746 = arith.addf %add3A_1740, %mul3A_1745 : vector<16xf32>
      %get3A_1747 = arith.index_cast %add3A_1666 : i32 to index
      %get3A_1748 = arith.constant 208 : index
      %get3A_1749 = tpu.vector_load %arg7[%get3A_1747, %get3A_1748] {strides = array<i32>} : memref<32x256xf32, #tpu.memory_space<vmem>>, vector<16xf32>,
      %sub3A_1750 = arith.subf %add3A_76, %get3A_1749 : vector<16xf32>
      %mul3A_1751 = arith.mulf %sub3A_1750, %sub3A_1750 : vector<16xf32>
      %add3A_1752 = arith.addf %add3A_1746, %mul3A_1751 : vector<16xf32>
      %get3A_1753 = arith.index_cast %add3A_1666 : i32 to index
      %get3A_1754 = arith.constant 224 : index
      %get3A_1755 = tpu.vector_load %arg7[%get3A_1753, %get3A_1754] {strides = array<i32>} : memref<32x256xf32, #tpu.memory_space<vmem>>, vector<16xf32>,
      %sub3A_1756 = arith.subf %add3A_81, %get3A_1755 : vector<16xf32>
      %mul3A_1757 = arith.mulf %sub3A_1756, %sub3A_1756 : vector<16xf32>
      %add3A_1758 = arith.addf %add3A_1752, %mul3A_1757 : vector<16xf32>
      %get3A_1759 = arith.index_cast %add3A_1666 : i32 to index
      %get3A_1760 = arith.constant 240 : index
      %get3A_1761 = tpu.vector_load %arg7[%get3A_1759, %get3A_1760] {strides = array<i32>} : memref<32x256xf32, #tpu.memory_space<vmem>>, vector<16xf32>,
      %sub3A_1762 = arith.subf %add3A_86, %get3A_1761 : vector<16xf32>
      %mul3A_1763 = arith.mulf %sub3A_1762, %sub3A_1762 : vector<16xf32>
      %add3A_1764 = arith.addf %add3A_1758, %mul3A_1763 : vector<16xf32>
      %reduce_sum3A_1765 = arith.constant true
      %reduce_sum3A_1766 = vector.broadcast %reduce_sum3A_1765 : i1 to vector<16xi1>
      %reduce_sum3A_1767 = tpu.scan <sum>, %add3A_1764 masked %reduce_sum3A_1766 : vector<16xf32>, vector<16xi1> -> vector<16xf32>
      %reduce_sum3A_1768 = vector.extract %reduce_sum3A_1767[15] : f32 from vector<16xf32>
      %eq3A_1769 = arith.constant 14 : i32
      %eq3A_1770 = vector.broadcast %eq3A_1769 : i32 to vector<16xi32>
      %eq3A_1771 = arith.cmpi eq, %iota3A, %eq3A_1770 : vector<16xi32>
      %broadcast_in_dim3A_1772 = vector.broadcast %reduce_sum3A_1768 : f32 to vector<16xf32>
      %select_n3A_1773 = arith.select %eq3A_1771, %broadcast_in_dim3A_1772, %select_n3A_1662 : vector<16xi1>, vector<16xf32>
      %mul3A_1774 = arith.constant 16 : i32
      %mul3A_1775 = arith.muli %scan3A_111, %mul3A_1774 : i32
      %add3A_1776 = arith.constant 15 : i32
      %add3A_1777 = arith.addi %mul3A_1775, %add3A_1776 : i32
      %broadcast_in_dim3A_1778 = arith.constant 0.000000e+00 : f32
      %broadcast_in_dim3A_1779 = vector.broadcast %broadcast_in_dim3A_1778 : f32 to vector<16xf32>
      %get3A_1780 = arith.index_cast %add3A_1777 : i32 to index
      %get3A_1781 = arith.constant 0 : index
      %get3A_1782 = tpu.vector_load %arg7[%get3A_1780, %get3A_1781] {strides = array<i32>} : memref<32x256xf32, #tpu.memory_space<vmem>>, vector<16xf32>,
      %sub3A_1783 = arith.subf %add3A_11, %get3A_1782 : vector<16xf32>
      %mul3A_1784 = arith.mulf %sub3A_1783, %sub3A_1783 : vector<16xf32>
      %add3A_1785 = arith.addf %broadcast_in_dim3A_1779, %mul3A_1784 : vector<16xf32>
      %get3A_1786 = arith.index_cast %add3A_1777 : i32 to index
      %get3A_1787 = arith.constant 16 : index
      %get3A_1788 = tpu.vector_load %arg7[%get3A_1786, %get3A_1787] {strides = array<i32>} : memref<32x256xf32, #tpu.memory_space<vmem>>, vector<16xf32>,
      %sub3A_1789 = arith.subf %add3A_16, %get3A_1788 : vector<16xf32>
      %mul3A_1790 = arith.mulf %sub3A_1789, %sub3A_1789 : vector<16xf32>
      %add3A_1791 = arith.addf %add3A_1785, %mul3A_1790 : vector<16xf32>
      %get3A_1792 = arith.index_cast %add3A_1777 : i32 to index
      %get3A_1793 = arith.constant 32 : index
      %get3A_1794 = tpu.vector_load %arg7[%get3A_1792, %get3A_1793] {strides = array<i32>} : memref<32x256xf32, #tpu.memory_space<vmem>>, vector<16xf32>,
      %sub3A_1795 = arith.subf %add3A_21, %get3A_1794 : vector<16xf32>
      %mul3A_1796 = arith.mulf %sub3A_1795, %sub3A_1795 : vector<16xf32>
      %add3A_1797 = arith.addf %add3A_1791, %mul3A_1796 : vector<16xf32>
      %get3A_1798 = arith.index_cast %add3A_1777 : i32 to index
      %get3A_1799 = arith.constant 48 : index
      %get3A_1800 = tpu.vector_load %arg7[%get3A_1798, %get3A_1799] {strides = array<i32>} : memref<32x256xf32, #tpu.memory_space<vmem>>, vector<16xf32>,
      %sub3A_1801 = arith.subf %add3A_26, %get3A_1800 : vector<16xf32>
      %mul3A_1802 = arith.mulf %sub3A_1801, %sub3A_1801 : vector<16xf32>
      %add3A_1803 = arith.addf %add3A_1797, %mul3A_1802 : vector<16xf32>
      %get3A_1804 = arith.index_cast %add3A_1777 : i32 to index
      %get3A_1805 = arith.constant 64 : index
      %get3A_1806 = tpu.vector_load %arg7[%get3A_1804, %get3A_1805] {strides = array<i32>} : memref<32x256xf32, #tpu.memory_space<vmem>>, vector<16xf32>,
      %sub3A_1807 = arith.subf %add3A_31, %get3A_1806 : vector<16xf32>
      %mul3A_1808 = arith.mulf %sub3A_1807, %sub3A_1807 : vector<16xf32>
      %add3A_1809 = arith.addf %add3A_1803, %mul3A_1808 : vector<16xf32>
      %get3A_1810 = arith.index_cast %add3A_1777 : i32 to index
      %get3A_1811 = arith.constant 80 : index
      %get3A_1812 = tpu.vector_load %arg7[%get3A_1810, %get3A_1811] {strides = array<i32>} : memref<32x256xf32, #tpu.memory_space<vmem>>, vector<16xf32>,
      %sub3A_1813 = arith.subf %add3A_36, %get3A_1812 : vector<16xf32>
      %mul3A_1814 = arith.mulf %sub3A_1813, %sub3A_1813 : vector<16xf32>
      %add3A_1815 = arith.addf %add3A_1809, %mul3A_1814 : vector<16xf32>
      %get3A_1816 = arith.index_cast %add3A_1777 : i32 to index
      %get3A_1817 = arith.constant 96 : index
      %get3A_1818 = tpu.vector_load %arg7[%get3A_1816, %get3A_1817] {strides = array<i32>} : memref<32x256xf32, #tpu.memory_space<vmem>>, vector<16xf32>,
      %sub3A_1819 = arith.subf %add3A_41, %get3A_1818 : vector<16xf32>
      %mul3A_1820 = arith.mulf %sub3A_1819, %sub3A_1819 : vector<16xf32>
      %add3A_1821 = arith.addf %add3A_1815, %mul3A_1820 : vector<16xf32>
      %get3A_1822 = arith.index_cast %add3A_1777 : i32 to index
      %get3A_1823 = arith.constant 112 : index
      %get3A_1824 = tpu.vector_load %arg7[%get3A_1822, %get3A_1823] {strides = array<i32>} : memref<32x256xf32, #tpu.memory_space<vmem>>, vector<16xf32>,
      %sub3A_1825 = arith.subf %add3A_46, %get3A_1824 : vector<16xf32>
      %mul3A_1826 = arith.mulf %sub3A_1825, %sub3A_1825 : vector<16xf32>
      %add3A_1827 = arith.addf %add3A_1821, %mul3A_1826 : vector<16xf32>
      %get3A_1828 = arith.index_cast %add3A_1777 : i32 to index
      %get3A_1829 = arith.constant 128 : index
      %get3A_1830 = tpu.vector_load %arg7[%get3A_1828, %get3A_1829] {strides = array<i32>} : memref<32x256xf32, #tpu.memory_space<vmem>>, vector<16xf32>,
      %sub3A_1831 = arith.subf %add3A_51, %get3A_1830 : vector<16xf32>
      %mul3A_1832 = arith.mulf %sub3A_1831, %sub3A_1831 : vector<16xf32>
      %add3A_1833 = arith.addf %add3A_1827, %mul3A_1832 : vector<16xf32>
      %get3A_1834 = arith.index_cast %add3A_1777 : i32 to index
      %get3A_1835 = arith.constant 144 : index
      %get3A_1836 = tpu.vector_load %arg7[%get3A_1834, %get3A_1835] {strides = array<i32>} : memref<32x256xf32, #tpu.memory_space<vmem>>, vector<16xf32>,
      %sub3A_1837 = arith.subf %add3A_56, %get3A_1836 : vector<16xf32>
      %mul3A_1838 = arith.mulf %sub3A_1837, %sub3A_1837 : vector<16xf32>
      %add3A_1839 = arith.addf %add3A_1833, %mul3A_1838 : vector<16xf32>
      %get3A_1840 = arith.index_cast %add3A_1777 : i32 to index
      %get3A_1841 = arith.constant 160 : index
      %get3A_1842 = tpu.vector_load %arg7[%get3A_1840, %get3A_1841] {strides = array<i32>} : memref<32x256xf32, #tpu.memory_space<vmem>>, vector<16xf32>,
      %sub3A_1843 = arith.subf %add3A_61, %get3A_1842 : vector<16xf32>
      %mul3A_1844 = arith.mulf %sub3A_1843, %sub3A_1843 : vector<16xf32>
      %add3A_1845 = arith.addf %add3A_1839, %mul3A_1844 : vector<16xf32>
      %get3A_1846 = arith.index_cast %add3A_1777 : i32 to index
      %get3A_1847 = arith.constant 176 : index
      %get3A_1848 = tpu.vector_load %arg7[%get3A_1846, %get3A_1847] {strides = array<i32>} : memref<32x256xf32, #tpu.memory_space<vmem>>, vector<16xf32>,
      %sub3A_1849 = arith.subf %add3A_66, %get3A_1848 : vector<16xf32>
      %mul3A_1850 = arith.mulf %sub3A_1849, %sub3A_1849 : vector<16xf32>
      %add3A_1851 = arith.addf %add3A_1845, %mul3A_1850 : vector<16xf32>
      %get3A_1852 = arith.index_cast %add3A_1777 : i32 to index
      %get3A_1853 = arith.constant 192 : index
      %get3A_1854 = tpu.vector_load %arg7[%get3A_1852, %get3A_1853] {strides = array<i32>} : memref<32x256xf32, #tpu.memory_space<vmem>>, vector<16xf32>,
      %sub3A_1855 = arith.subf %add3A_71, %get3A_1854 : vector<16xf32>
      %mul3A_1856 = arith.mulf %sub3A_1855, %sub3A_1855 : vector<16xf32>
      %add3A_1857 = arith.addf %add3A_1851, %mul3A_1856 : vector<16xf32>
      %get3A_1858 = arith.index_cast %add3A_1777 : i32 to index
      %get3A_1859 = arith.constant 208 : index
      %get3A_1860 = tpu.vector_load %arg7[%get3A_1858, %get3A_1859] {strides = array<i32>} : memref<32x256xf32, #tpu.memory_space<vmem>>, vector<16xf32>,
      %sub3A_1861 = arith.subf %add3A_76, %get3A_1860 : vector<16xf32>
      %mul3A_1862 = arith.mulf %sub3A_1861, %sub3A_1861 : vector<16xf32>
      %add3A_1863 = arith.addf %add3A_1857, %mul3A_1862 : vector<16xf32>
      %get3A_1864 = arith.index_cast %add3A_1777 : i32 to index
      %get3A_1865 = arith.constant 224 : index
      %get3A_1866 = tpu.vector_load %arg7[%get3A_1864, %get3A_1865] {strides = array<i32>} : memref<32x256xf32, #tpu.memory_space<vmem>>, vector<16xf32>,
      %sub3A_1867 = arith.subf %add3A_81, %get3A_1866 : vector<16xf32>
      %mul3A_1868 = arith.mulf %sub3A_1867, %sub3A_1867 : vector<16xf32>
      %add3A_1869 = arith.addf %add3A_1863, %mul3A_1868 : vector<16xf32>
      %get3A_1870 = arith.index_cast %add3A_1777 : i32 to index
      %get3A_1871 = arith.constant 240 : index
      %get3A_1872 = tpu.vector_load %arg7[%get3A_1870, %get3A_1871] {strides = array<i32>} : memref<32x256xf32, #tpu.memory_space<vmem>>, vector<16xf32>,
      %sub3A_1873 = arith.subf %add3A_86, %get3A_1872 : vector<16xf32>
      %mul3A_1874 = arith.mulf %sub3A_1873, %sub3A_1873 : vector<16xf32>
      %add3A_1875 = arith.addf %add3A_1869, %mul3A_1874 : vector<16xf32>
      %reduce_sum3A_1876 = arith.constant true
      %reduce_sum3A_1877 = vector.broadcast %reduce_sum3A_1876 : i1 to vector<16xi1>
      %reduce_sum3A_1878 = tpu.scan <sum>, %add3A_1875 masked %reduce_sum3A_1877 : vector<16xf32>, vector<16xi1> -> vector<16xf32>
      %reduce_sum3A_1879 = vector.extract %reduce_sum3A_1878[15] : f32 from vector<16xf32>
      %eq3A_1880 = arith.constant 15 : i32
      %eq3A_1881 = vector.broadcast %eq3A_1880 : i32 to vector<16xi32>
      %eq3A_1882 = arith.cmpi eq, %iota3A, %eq3A_1881 : vector<16xi32>
      %broadcast_in_dim3A_1883 = vector.broadcast %reduce_sum3A_1879 : f32 to vector<16xf32>
      %select_n3A_1884 = arith.select %eq3A_1882, %broadcast_in_dim3A_1883, %select_n3A_1773 : vector<16xi1>, vector<16xf32>
      %mul3A_1885 = arith.constant 16 : i32
      %mul3A_1886 = arith.muli %scan3A_111, %mul3A_1885 : i32
      %add3A_1887 = arith.constant 32 : i32
      %add3A_1888 = arith.addi %add3A_1887, %mul3A_1886 : i32
      %swap3A = arith.index_cast %add3A_1888 : i32 to index
      %swap3A_1889 = tpu.vector_load %arg8[%swap3A] {strides = array<i32>} : memref<64xf32, #tpu.memory_space<vmem>>, vector<16xf32>,
      tpu.vector_store %arg8[%swap3A], %select_n3A_1884 {strides = array<i32>} : memref<64xf32, #tpu.memory_space<vmem>>, vector<16xf32>,
    }
    %scan3A_110 = arith.constant 2 : i32
    "tpu.region"() ({
      %run_scoped3A = tpu.sem_alloc : memref<!tpu.dma_semaphore, #tpu.memory_space<semaphore_mem>>
      %dma_start3A_111 = tpu.memref_slice %arg4[%mul3A_2] : memref<2048xf32, #tpu.memory_space<hbm>> -> memref<64xf32, #tpu.memory_space<hbm>>
      %dma_start3A_112 = tpu.memref_slice %arg4[%mul3A_2] : memref<2048xf32, #tpu.memory_space<hbm>> -> memref<64xf32, #tpu.memory_space<hbm>>
      tpu.enqueue_dma source(%arg8 : memref<64xf32, #tpu.memory_space<vmem>>) target(%dma_start3A_112 : memref<64xf32, #tpu.memory_space<hbm>>) target_semaphore(%run_scoped3A : memref<!tpu.dma_semaphore, #tpu.memory_space<semaphore_mem>>)
      %dma_wait3A_113 = tpu.memref_slice %arg4[%mul3A_2] : memref<2048xf32, #tpu.memory_space<hbm>> -> memref<64xf32, #tpu.memory_space<hbm>>
      %dma_wait3A_114 = tpu.memref_slice %arg4[%mul3A_2] : memref<2048xf32, #tpu.memory_space<hbm>> -> memref<64xf32, #tpu.memory_space<hbm>>
      tpu.wait_dma2 semaphore(%run_scoped3A : memref<!tpu.dma_semaphore, #tpu.memory_space<semaphore_mem>>) src(%arg8 : memref<64xf32, #tpu.memory_space<vmem>>) dst(%dma_wait3A_114 : memref<64xf32, #tpu.memory_space<hbm>>)
      tpu.yield
    }) : () -> ()
    return
  }
}

module attributes {stable_mosaic.version = 14 : i64} {
  func.func @_merge_body(%arg0: memref<1x1xi32, #tpu.memory_space<smem>>, %arg1: memref<48x128xf32, #tpu.memory_space<vmem>>, %arg2: memref<16x128xf32, #tpu.memory_space<vmem>>, %arg3: memref<64x128xi32, #tpu.memory_space<vmem>>, %arg4: memref<1x1xf32, #tpu.memory_space<smem>>, %arg5: memref<1x1xf32, #tpu.memory_space<smem>>) attributes {dimension_semantics = [], scalar_prefetch = 0 : i64, scratch_operands = 0 : i64, tpu.core_type = #tpu.core_type<tc>} {
    %get3A = arith.constant 0 : index
    %get3A_0 = arith.constant 0 : index
    %get3A_1 = vector.load %arg1[%get3A, %get3A_0] : memref<48x128xf32, #tpu.memory_space<vmem>>, vector<48x128xf32>
    %get3A_2 = arith.constant 0 : index
    %get3A_3 = arith.constant 0 : index
    %get3A_4 = vector.load %arg2[%get3A_2, %get3A_3] : memref<16x128xf32, #tpu.memory_space<vmem>>, vector<16x128xf32>
    %concatenate3A = tpu.concatenate %get3A_1, %get3A_4 in 0 : vector<48x128xf32>, vector<16x128xf32> -> vector<64x128xf32>
    %get3A_5 = arith.constant 0 : index
    %get3A_6 = arith.constant 0 : index
    %get3A_7 = vector.load %arg3[%get3A_5, %get3A_6] : memref<64x128xi32, #tpu.memory_space<vmem>>, vector<64x128xi32>
    %get3A_8 = arith.constant 0 : index
    %get3A_9 = arith.constant 0 : index
    %get3A_10 = memref.load %arg0[%get3A_8, %get3A_9] : memref<1x1xi32, #tpu.memory_space<smem>>
    %eq3A = vector.broadcast %get3A_10 : i32 to vector<64x128xi32>
    %eq3A_11 = arith.cmpi eq, %get3A_7, %eq3A : vector<64x128xi32>
    %sqrt3A = math.sqrt %concatenate3A : vector<64x128xf32>
    %mul3A = arith.constant -1.000000e-01 : f32
    %mul3A_12 = vector.broadcast %mul3A : f32 to vector<64x128xf32>
    %mul3A_13 = arith.mulf %mul3A_12, %concatenate3A : vector<64x128xf32>
    %exp3A = math.exp %mul3A_13 : vector<64x128xf32>
    %reduce_sum3A = vector.shape_cast %exp3A : vector<64x128xf32> to vector<1x64x128xf32>
    %reduce_sum3A_14 = arith.constant dense<0.000000e+00> : vector<1xf32>
    %reduce_sum3A_15 = vector.multi_reduction <add>, %reduce_sum3A, %reduce_sum3A_14 [1, 2] : vector<1x64x128xf32> to vector<1xf32>
    %reduce_sum3A_16 = vector.shape_cast %reduce_sum3A_15 : vector<1xf32> to vector<1x1x1xf32>
    %reduce_sum3A_17 = vector.extract %reduce_sum3A_16[0, 0, 0] : f32 from vector<1x1x1xf32>
    %jit3A = arith.constant 0.000000e+00 : f32
    %broadcast_in_dim3A = vector.broadcast %jit3A : f32 to vector<64x128xf32>
    %select_n3A = arith.select %eq3A_11, %exp3A, %broadcast_in_dim3A : vector<64x128xi1>, vector<64x128xf32>
    %reduce_sum3A_18 = vector.shape_cast %select_n3A : vector<64x128xf32> to vector<1x64x128xf32>
    %reduce_sum3A_19 = arith.constant dense<0.000000e+00> : vector<1xf32>
    %reduce_sum3A_20 = vector.multi_reduction <add>, %reduce_sum3A_18, %reduce_sum3A_19 [1, 2] : vector<1x64x128xf32> to vector<1xf32>
    %reduce_sum3A_21 = vector.shape_cast %reduce_sum3A_20 : vector<1xf32> to vector<1x1x1xf32>
    %reduce_sum3A_22 = vector.extract %reduce_sum3A_21[0, 0, 0] : f32 from vector<1x1x1xf32>
    %sub3A = arith.constant 1.000000e+01 : f32
    %sub3A_23 = vector.broadcast %sub3A : f32 to vector<64x128xf32>
    %sub3A_24 = arith.subf %sub3A_23, %sqrt3A : vector<64x128xf32>
    %sub3A_25 = arith.constant 1.000000e+00 : f32
    %sub3A_26 = vector.broadcast %sub3A_25 : f32 to vector<64x128xf32>
    %sub3A_27 = arith.subf %sub3A_26, %sub3A_24 : vector<64x128xf32>
    %exp3A_28 = math.exp %sub3A_27 : vector<64x128xf32>
    %log1p3A = math.log1p %exp3A_28 : vector<64x128xf32>
    %sub3A_29 = arith.constant 1.000000e+01 : f32
    %sub3A_30 = vector.broadcast %sub3A_29 : f32 to vector<64x128xf32>
    %sub3A_31 = arith.subf %sub3A_30, %sqrt3A : vector<64x128xf32>
    %add3A = arith.constant 1.000000e+00 : f32
    %add3A_32 = vector.broadcast %add3A : f32 to vector<64x128xf32>
    %add3A_33 = arith.addf %add3A_32, %sub3A_31 : vector<64x128xf32>
    %exp3A_34 = math.exp %add3A_33 : vector<64x128xf32>
    %log1p3A_35 = math.log1p %exp3A_34 : vector<64x128xf32>
    %jit3A_36 = arith.constant 0.000000e+00 : f32
    %broadcast_in_dim3A_37 = vector.broadcast %jit3A_36 : f32 to vector<64x128xf32>
    %select_n3A_38 = arith.select %eq3A_11, %log1p3A, %broadcast_in_dim3A_37 : vector<64x128xi1>, vector<64x128xf32>
    %reduce_sum3A_39 = vector.shape_cast %select_n3A_38 : vector<64x128xf32> to vector<1x64x128xf32>
    %reduce_sum3A_40 = arith.constant dense<0.000000e+00> : vector<1xf32>
    %reduce_sum3A_41 = vector.multi_reduction <add>, %reduce_sum3A_39, %reduce_sum3A_40 [1, 2] : vector<1x64x128xf32> to vector<1xf32>
    %reduce_sum3A_42 = vector.shape_cast %reduce_sum3A_41 : vector<1xf32> to vector<1x1x1xf32>
    %reduce_sum3A_43 = vector.extract %reduce_sum3A_42[0, 0, 0] : f32 from vector<1x1x1xf32>
    %reduce_sum3A_44 = vector.shape_cast %log1p3A_35 : vector<64x128xf32> to vector<1x64x128xf32>
    %reduce_sum3A_45 = arith.constant dense<0.000000e+00> : vector<1xf32>
    %reduce_sum3A_46 = vector.multi_reduction <add>, %reduce_sum3A_44, %reduce_sum3A_45 [1, 2] : vector<1x64x128xf32> to vector<1xf32>
    %reduce_sum3A_47 = vector.shape_cast %reduce_sum3A_46 : vector<1xf32> to vector<1x1x1xf32>
    %reduce_sum3A_48 = vector.extract %reduce_sum3A_47[0, 0, 0] : f32 from vector<1x1x1xf32>
    %add3A_49 = arith.addf %reduce_sum3A_43, %reduce_sum3A_48 : f32
    %jit3A_50 = arith.constant 0x7F800000 : f32
    %broadcast_in_dim3A_51 = vector.broadcast %jit3A_50 : f32 to vector<64x128xf32>
    %select_n3A_52 = arith.select %eq3A_11, %concatenate3A, %broadcast_in_dim3A_51 : vector<64x128xi1>, vector<64x128xf32>
    %reduce_min3A = vector.shape_cast %select_n3A_52 : vector<64x128xf32> to vector<1x64x128xf32>
    %reduce_min3A_53 = arith.constant dense<0x7F800000> : vector<1xf32>
    %reduce_min3A_54 = vector.multi_reduction <minimumf>, %reduce_min3A, %reduce_min3A_53 [1, 2] : vector<1x64x128xf32> to vector<1xf32>
    %reduce_min3A_55 = vector.shape_cast %reduce_min3A_54 : vector<1xf32> to vector<1x1x1xf32>
    %reduce_min3A_56 = vector.extract %reduce_min3A_55[0, 0, 0] : f32 from vector<1x1x1xf32>
    %div3A = arith.divf %reduce_sum3A_22, %reduce_sum3A_17 : f32
    %log3A = math.log %div3A : f32
    %neg3A = arith.constant 0.000000e+00 : f32
    %neg3A_57 = arith.subf %neg3A, %log3A : f32
    %mul3A_58 = arith.constant 1.000000e-01 : f32
    %mul3A_59 = arith.mulf %mul3A_58, %add3A_49 : f32
    %add3A_60 = arith.addf %neg3A_57, %mul3A_59 : f32
    %swap3A = arith.constant 0 : index
    %swap3A_61 = arith.constant 0 : index
    %swap3A_62 = memref.load %arg4[%swap3A, %swap3A_61] : memref<1x1xf32, #tpu.memory_space<smem>>
    memref.store %add3A_60, %arg4[%swap3A, %swap3A_61] : memref<1x1xf32, #tpu.memory_space<smem>>
    %sqrt3A_63 = math.sqrt %reduce_min3A_56 : f32
    %swap3A_64 = arith.constant 0 : index
    %swap3A_65 = arith.constant 0 : index
    %swap3A_66 = memref.load %arg5[%swap3A_64, %swap3A_65] : memref<1x1xf32, #tpu.memory_space<smem>>
    memref.store %sqrt3A_63, %arg5[%swap3A_64, %swap3A_65] : memref<1x1xf32, #tpu.memory_space<smem>>
    return
  }
}

module attributes {stable_mosaic.version = 14 : i64} {
  func.func @_tc_d2_body(%arg0: i32, %arg1: memref<1x256xf32, #tpu.memory_space<vmem>>, %arg2: memref<1024x256xf32, #tpu.memory_space<vmem>>, %arg3: memref<8x128xf32, #tpu.memory_space<vmem>>) attributes {dimension_semantics = [#tpu.dimension_semantics<arbitrary>], iteration_bounds = array<i64: 6>, scalar_prefetch = 0 : i64, scratch_operands = 0 : i64, tpu.core_type = #tpu.core_type<tc>, window_params = [{pipeline_mode = #tpu.pipeline_mode<synchronous>, transform_indices = @transform_0, window_bounds = array<i64: 1, 256>}, {transform_indices = @transform_1, window_bounds = array<i64: 1024, 256>}, {transform_indices = @transform_2, window_bounds = array<i64: 8, 128>}]} {
    %get3A = arith.constant 0 : index
    %get3A_0 = arith.constant 0 : index
    %get3A_1 = vector.load %arg1[%get3A, %get3A_0] : memref<1x256xf32, #tpu.memory_space<vmem>>, vector<1x256xf32>
    %add3A = arith.constant 9.99999997E-7 : f32
    %add3A_2 = vector.broadcast %add3A : f32 to vector<1x256xf32>
    %add3A_3 = arith.addf %get3A_1, %add3A_2 : vector<1x256xf32>
    %get3A_4 = arith.constant 0 : index
    %get3A_5 = arith.constant 0 : index
    %get3A_6 = vector.load %arg2[%get3A_4, %get3A_5] : memref<1024x256xf32, #tpu.memory_space<vmem>>, vector<1024x256xf32>
    %sub3A = vector.broadcast %add3A_3 : vector<1x256xf32> to vector<1024x256xf32>
    %sub3A_7 = arith.subf %sub3A, %get3A_6 : vector<1024x256xf32>
    %mul3A = arith.mulf %sub3A_7, %sub3A_7 : vector<1024x256xf32>
    %broadcast_in_dim3A = arith.constant 1.000000e+00 : f32
    %broadcast_in_dim3A_8 = vector.broadcast %broadcast_in_dim3A : f32 to vector<256x1xf32>
    %dot_general3A = arith.constant dense<0.000000e+00> : vector<1024x1xf32>
    %dot_general3A_9 = tpu.matmul %mul3A, %broadcast_in_dim3A_8, %dot_general3A {dimension_numbers = #tpu.dot_dimension_numbers<[1], [0], [0], [1], [0, 0, 1, 1], [], []>, transpose_lhs_hint = false} : vector<1024x256xf32>, vector<256x1xf32>, vector<1024x1xf32> -> vector<1024x1xf32>
    %reshape3A = vector.shape_cast %dot_general3A_9 : vector<1024x1xf32> to vector<8x128xf32>
    %swap3A = arith.constant 0 : index
    %swap3A_10 = arith.constant 0 : index
    %swap3A_11 = vector.load %arg3[%swap3A, %swap3A_10] : memref<8x128xf32, #tpu.memory_space<vmem>>, vector<8x128xf32>
    tpu.vector_store %arg3[%swap3A, %swap3A_10], %reshape3A {strides = array<i32>} : memref<8x128xf32, #tpu.memory_space<vmem>>, vector<8x128xf32>,
    return
  }
  func.func @transform_0(%arg0: i32) -> (i32, i32) {
    %c0_i32 = arith.constant 0 : i32
    %c0_i32_0 = arith.constant 0 : i32
    %c0_i32_1 = arith.constant 0 : i32
    return %c0_i32, %c0_i32_0 : i32, i32
  }
  func.func @transform_1(%arg0: i32) -> (i32, i32) {
    %c0_i32 = arith.constant 0 : i32
    %c0_i32_0 = arith.constant 0 : i32
    return %arg0, %c0_i32 : i32, i32
  }
  func.func @transform_2(%arg0: i32) -> (i32, i32) {
    %c0_i32 = arith.constant 0 : i32
    %c0_i32_0 = arith.constant 0 : i32
    return %arg0, %c0_i32 : i32, i32
  }
}

</mosaic_0001>

<sc_bundles>
// kernel: kernel.5.cloned.1.call-start
scs
__scs_entry_jumppad:
0x0: {  	(pc) =	sbr.rel $0x88, $3  }
0x1: {  	(tag) =	ssettag $0x0;
	lr =	simm.s32 $0x1  }
0x2: {  	[smem:$0x3F9D] =	sst lr;
	_ =	strace $0xD0000000  }
0x3: {  	_ = 	snop  }
0x4: {  	_ = 	snop  }
0x5: {  	_ = 	snop  }
0x6: {  	_ = 	snop  }
0x7: {  	_ = 	snop  }
__scs_overlays_trampoline_lowered:
0x8: {  	[smem:$0x3FAC] =	sst s0  }
0x9: {  	[smem:$0x3FAD] =	sst s1  }
0xa: {  	[smem:$0x3FAE] =	sst s2  }
0xb: {  	[smem:$0x3FAF] =	sst s3  }
0xc: {  	[smem:$0x3FB0] =	sst s4  }
0xd: {  	[smem:$0x3FB1] =	sst s5  }
0xe: {  	[smem:$0x3FB2] =	sst s6  }
0xf: {  	[smem:$0x3FB3] =	sst s7  }
0x10: {  	[smem:$0x3FB4] =	sst s8  }
0x11: {  	[smem:$0x3FB5] =	sst s9;
	s0 =	simm.s32 @!p0 $0x0  }
0x12: {  	s1 =	sld [smem:$0x3F9B];
	s0 =	simm.s32 @p0 $0x1  }
0x13: {  	[smem:$0x3FB6] =	sst s0;
	s0 =	simm.s32 @!p1 $0x0  }
0x14: {  	s2 =	sld [smem:$0x3F9A];
	s0 =	simm.s32 @p1 $0x1  }
0x15: {  	[smem:$0x3FB7] =	sst s0;
	s0 =	simm.s32 @!p2 $0x0  }
0x16: {  	s3 =	sld [smem:$0x3FDB];
	s0 =	simm.s32 @p2 $0x1  }
0x17: {  	s4 =	simm.s32 $0x1BF5;
	[smem:$0x3FB9] =	sst s0  }
0x18: {  	s0 =	sld [smem:$0x3F9C];
	_ =	swait.ge [sflag:s4], $0x0  }
0x19: {  	s7 =	sld [smem:$0x3F9D]  }
0x1a: {  	s8 =	sadd.s32 $0xFFFFE003, lr  }
0x1b: {  	s9 =	sadd.s32 $0xFFFFFEF7, lr;
	s5 =	simm.s32 $0xFFFFFFFF;
	p2 =	slt.u32 s8, $0xFFFFF086  }
0x1c: {  	p1 =	slt.u32 s9, $0xF7A;
	s5 =	simm.s32 @!p2 $0x0  }
0x1d: {  	s5 =	simm.s32 @p1 $0x1;
	p0 =	seq.s32 s7, s2  }
0x1e: {  	s7 =	smul.u32 @!p0 $0xF7A, s2;
	p2 =	seq.s32 @!p0 s5, $0x0  }
0x1f: {  	s9 =	smul.u32 $0xF7A, s1;
	s8 =	simm.s32 @!p0 $0x1BF5;
	p2 =	por !p2, p0  }
0x20: {  	[sflag:s8] =	ssyncset.s32 @!p0 $0xFFFFF086;
	s6 =	sadd.s32 @!p0 s3, s7;
	s7 =	simm.s32 @!p0 $0x108  }
0x21: {  	s3 =	sadd.s32 s3, s9;
	s6 =	sadd.s32 @!p0 $0x88, s6;
	s7 =	simm.s32 @p2 $0x1082  }
0x22: {  	[simem:s7], [sflag:s8] =	dma.local @!p0 [hbm:s6], $0xF7A  }
0x23: {  	s9 =	sor.u32 $0xD0000000, s2;
	s6 =	simm.s32 $0x108;
	_ =	swait.ge @!p0 [sflag:s8], $0x0  }
0x24: {  	s3 =	sadd.s32 $0x88, s3;
	s6 =	simm.s32 @!p1 $0x1082;
	[sflag:s4] =	ssyncset.s32 $0xFFFFF086  }
0x25: {  	[simem:s6], [sflag:s4] =	dma.local [hbm:s3], $0xF7A  }
0x26: {  	[smem:$0x3F9D] =	sst s1;
	(tag) =	ssettag s2;
	_ =	strace s9  }
0x27: {  	s1 =	sld [smem:$0x3FAD]  }
0x28: {  	s2 =	sld [smem:$0x3FAE]  }
0x29: {  	s4 =	sld [smem:$0x3FB0]  }
0x2a: {  	p0 =	seq.s32 s5, $0x0;
	s5 =	sld [smem:$0x3FB1]  }
0x2b: {  	s6 =	sld [smem:$0x3FB2]  }
0x2c: {  	s7 =	sld [smem:$0x3FB3]  }
0x2d: {  	s3 =	simm.s32 $0x108;
	s8 =	sld [smem:$0x3FB4]  }
0x2e: {  	s3 =	simm.s32 @!p0 $0x1082;
	s9 =	sld [smem:$0x3FB5]  }
0x2f: {  	lr =	sadd.s32 s0, s3;
	s0 =	sld [smem:$0x3FAC]  }
0x30: {  	s3 =	sld [smem:$0x3FAF]  }
0x31: {  	[smem:$0x3FB8] =	sst s10  }
0x32: {  	s10 =	sld [smem:$0x3FB6];
	_ =	sdelay $0x3  }
0x33: {  	p0 =	seq.s32 s10, $0x1;
	s10 =	sld [smem:$0x3FB8];
	_ =	sdelay $0x3  }
0x34: {  	[smem:$0x3FB8] =	sst s10  }
0x35: {  	s10 =	sld [smem:$0x3FB7];
	_ =	sdelay $0x3  }
0x36: {  	p1 =	seq.s32 s10, $0x1;
	s10 =	sld [smem:$0x3FB8];
	_ =	sdelay $0x3  }
0x37: {  	[smem:$0x3FB8] =	sst s10  }
0x38: {  	s10 =	sld [smem:$0x3FB9]  }
0x39: {  	_ = 	snop;
	(pc) =	sbr.ind lr, $3  }
0x3a: {  	_ = 	snop  }
0x3b: {  	_ = 	snop  }
0x3c: {  	p2 =	seq.s32 s10, $0x1;
	s10 =	sld [smem:$0x3FB8]  }
0x3d: {  	_ =	shalt  }
0x3e: {  	_ =	shalt  }
0x3f: {  	_ =	shalt  }
0x40: {  	_ =	shalt  }
0x41: {  	_ =	shalt  }
0x42: {  	_ =	shalt  }
0x43: {  	_ =	shalt  }
0x44: {  	_ =	shalt  }
0x45: {  	_ =	shalt  }
0x46: {  	_ =	shalt  }
0x47: {  	_ =	shalt  }
0x48: {  	_ =	shalt  }
0x49: {  	_ =	shalt  }
0x4a: {  	_ =	shalt  }
0x4b: {  	_ =	shalt  }
0x4c: {  	_ =	shalt  }
0x4d: {  	_ =	shalt  }
0x4e: {  	_ =	shalt  }
0x4f: {  	_ =	shalt  }
0x50: {  	_ =	shalt  }
0x51: {  	_ =	shalt  }
0x52: {  	_ =	shalt  }
0x53: {  	_ =	shalt  }
0x54: {  	_ =	shalt  }
0x55: {  	_ =	shalt  }
0x56: {  	_ =	shalt  }
0x57: {  	_ =	shalt  }
0x58: {  	_ =	shalt  }
0x59: {  	_ =	shalt  }
0x5a: {  	_ =	shalt  }
0x5b: {  	_ =	shalt  }
0x5c: {  	_ =	shalt  }
0x5d: {  	_ =	shalt  }
0x5e: {  	_ =	shalt  }
0x5f: {  	_ =	shalt  }
0x60: {  	_ =	shalt  }
0x61: {  	_ =	shalt  }
0x62: {  	_ =	shalt  }
0x63: {  	_ =	shalt  }
0x64: {  	_ =	shalt  }
0x65: {  	_ =	shalt  }
0x66: {  	_ =	shalt  }
0x67: {  	_ =	shalt  }
0x68: {  	_ =	shalt  }
0x69: {  	_ =	shalt  }
0x6a: {  	_ =	shalt  }
0x6b: {  	_ =	shalt  }
0x6c: {  	_ =	shalt  }
0x6d: {  	_ =	shalt  }
0x6e: {  	_ =	shalt  }
0x6f: {  	_ =	shalt  }
0x70: {  	_ =	shalt  }
0x71: {  	_ =	shalt  }
0x72: {  	_ =	shalt  }
0x73: {  	_ =	shalt  }
0x74: {  	_ =	shalt  }
0x75: {  	_ =	shalt  }
0x76: {  	_ =	shalt  }
0x77: {  	_ =	shalt  }
0x78: {  	_ =	shalt  }
0x79: {  	_ =	shalt  }
0x7a: {  	_ =	shalt  }
0x7b: {  	_ =	shalt  }
0x7c: {  	_ =	shalt  }
0x7d: {  	_ =	shalt  }
0x7e: {  	_ =	shalt  }
0x7f: {  	_ =	shalt  }
0x80: {  	_ =	shalt  }
0x81: {  	_ =	shalt  }
0x82: {  	_ =	shalt  }
0x83: {  	_ =	shalt  }
0x84: {  	_ =	shalt  }
0x85: {  	_ =	shalt  }
0x86: {  	_ =	shalt  }
0x87: {  	_ =	shalt  }
.Lfunc_end0:
.L_simem_size_0:
called_computation_lowered:
.L_overlay_start_0:
0x88: {  	s2 =	sld [smem:$0x3FD9]  }
0x89: {  	s3 =	sld [smem:$0x3FFE];
	_ =	sdelay $0x1  }
0x8a: {  	s1 =	srdreg.scid  }
0x8b: {  	s0 =	sand.u32 $0x1, s1  }
0x8c: {  	s17 =	sshll.u32 s0, $0xA;
	s2 =	sadd.s32 s3, s2  }
0x8d: {  	s2 =	sadd.s32 s2, s17  }
0x8e: {  	[smem:$0x3FC4] =	sst s2  }
0x8f: {  	_ = 	snop  }
0x90: {  	s2 =	sld [smem:$0x3FC9]  }
0x91: {  	s18 =	sld [smem:$0x3FC7];
	(tm) =	ssettm $0x1  }
0x92: {  	s4 =	sld [smem:$0x3FFB];
	_ =	sdelay $0x3  }
0x93: {  	_ =	strace s4  }
0x94: {  	s4 =	sld [smem:$0x3FFC];
	_ =	sdelay $0x3  }
0x95: {  	_ =	strace s4  }
0x96: {  	s4 =	sld [smem:$0x3FFD];
	_ =	sdelay $0x3  }
0x97: {  	_ =	strace s4  }
0x98: {  	_ =	strace $0x8FFFFFFF  }
0x99: {  	s19 =	sld [smem:$0x3FDB];
	_ =	sdelay $0x1  }
0x9a: {  	s5 =	simm.s32 $_scs_section_size  }
0x9b: {  	s6 =	simm.s32 $_size__tile_overlayer_lowered;
	s7 =	simm.s32 $_tile_overlayer_lowered  }
0x9c: {  	s22 =	simm.s32 $0x1BFF;
	s21 =	sshll.u32 s7, $0x1;
	s4 =	sadd.s32 s5, s19  }
0x9d: {  	s8 =	simm.s32 $0x0;
	s20 =	sshll.u32 s6, $0x1;
	s6 =	sadd.s32 s21, s4  }
0x9e: {  	[timem:s8], [sflag:s22] =	dma.local [hbm:s6], s20  }
0x9f: {  	_ =	swait.ge [sflag:s22], s20  }
0xa0: {  	s5 =	ssub.s32 $0x0, s20;
	[sflag:s22] =	ssyncset.done $0x0  }
0xa1: {  	[sflag:s22] =	ssyncadd.s32 s5;
	_ =	sdelay $0x1  }
0xa2: {  	s23 =	simm.s32 $0x1B8B  }
0xa3: {  	_ =	swait.ge [sflag:s23], $0x1  }
0xa4: {  	[sflag:s23] =	ssyncset.done $0x0  }
0xa5: {  	s25 =	simm.s32 $0x1B8E;
	s24 =	sld [smem:$0x3FFE];
	[sflag:s23] =	ssyncadd.s32 $0xFFFFFFFF  }
0xa6: {  	s26 =	simm.s32 $execute0_lowered;
	[smem:$0x3FD2] =	sst s25  }
0xa7: {  	s6 =	sshll.u32 s26, $0x1;
	_ =	strace $0x80000046;
	[dreg:$0x1] =	wrdreg $0xFFFFFFFF  }
0xa8: {  	s28 =	simm.s32 $_size_execute0_lowered;
	s4 =	sadd.s32 s4, s6;
	[dreg:$0x0] =	wrdreg $0x0  }
0xa9: {  	s6 =	sshll.u32 s28, $0x1;
	[dreg:$0x2] =	wrdreg s4  }
0xaa: {  	[dreg:$0x3] =	wrdreg s6  }
0xab: {  	[dreg:$0x4] =	wrdreg $0xC0  }
0xac: {  	_ =	task [dreg:s8], $0x5FFFF  }
0xad: {  	[dreg:$0x1] =	wrdreg $0xFFFFFFFF  }
0xae: {  	[dreg:$0x0] =	wrdreg $0x60  }
0xaf: {  	[dreg:$0x2] =	wrdreg s2  }
0xb0: {  	[dreg:$0x3] =	wrdreg s18  }
0xb1: {  	[dreg:$0x4] =	wrdreg s24  }
0xb2: {  	[dreg:$0x5] =	wrdreg $0x9  }
0xb3: {  	_ =	task.clear_ibuf [dreg:s8], $0x6FFFF;
	_ =	strace $0x90000046  }
0xb4: {  	s29 =	simm.s32 $0x9;
	_ =	strace $0x80000048  }
0xb5: {  	_ =	swait.ge [sflag:s29], $0x1  }
0xb6: {  	[sflag:s29] =	ssyncadd.s32 $0xFFFFFFFF  }
0xb7: {  	_ =	strace $0x90000048  }
0xb8: {  	_ =	sfence  }
0xb9: {  	s30 =	sld [smem:$0x0];
	_ =	sdelay $0x2  }
0xba: {  	s31 =	sshll.u32 s1, $0xD;
	s1 =	sshrl.u32 s1, $0x2  }
0xbb: {  	s3 =	sand.u32 $0x4000, s31;
	s1 =	sadd.s32 s1, s30  }
0xbc: {  	s0 =	sor.u32 s3, s0;
	s1 =	sshll.u32 s1, $0x11  }
0xbd: {  	s0 =	sor.u32 s1, s0  }
0xbe: {  	s0 =	sadd.s32 $0x8F2B, s0  }
0xbf: {  	[sflag:s0] =	ssyncadd.remote.s32 $0x1  }
0xc0: {  	_ =	sfence.sel $0xFFFF  }
0xc1: {  	[dreg:$0x0] =	wrdreg $0xFFFFFFFF;
	(pc) =	sbr.abs _section_cstart, $3  }
0xc2: {  	[dreg:$0x1] =	wrdreg $0xFFFFFFFF  }
0xc3: {  	_ =	task.clear_ibuf [dreg:s8], $0x2FFFF;
	_ =	strace $0x9FFFFFFF  }
0xc4: {  	(tm) =	ssettm $0x7FFFFFFF  }
0xc5: {  	_ =	shalt  }
tec
execute0_lowered:
.L_overlay_start_1:
0x0: {  	(tag) =	ssettag $0x1  }
0x1: {  	s1 =	rddreg [dreg:$0x0]  }
0x2: {  	s4 =	rddreg [dreg:$0x1]  }
0x3: {  	s5 =	rddreg [dreg:$0x2]  }
0x4: {  	s0 =	rddreg [dreg:$0x3]  }
0x5: {  	s6 =	srdreg.scid;
	s3 =	simm.s32 $0x0;
	s2 =	stileid.u32  }
0x6: {  	s10 =	simm.s32 $0x2100;
	s11 =	simm.s32 $0x1;
	s12 =	simm.s32 $0x2  }
0x7: {  	s13 =	simm.s32 $0x4100;
	s14 =	simm.s32 $0x0;
	s6 =	sand.u32 $0x1, s6  }
0x8: {  	[smem:$0x7FF] =	sst s3;
	s7 =	sshll.u32 s2, $0x7;
	s8 =	sshll.u32 s6, $0x6  }
0x9: {  	vm0 =	vmmov $0x1;
	vm1 =	vmmov $0x3;
	vm2 =	vmmov $0x7;
	_ =	strace $0x80000047;
	s6 =	ssub.s32 $0x2, s6;
	s7 =	sor.u32 s8, s7  }
0xa: {  	vm3 =	vmmov $0xf;
	vm4 =	vmmov $0x1f;
	vm5 =	vmmov $0x3f;
	s31 =	sshrl.u32 s6, $0x1;
	s8 =	sshrl.u32 s7, $0x3;
	s7 =	sshll.u32 s7, $0x5  }
0xb: {  	vm6 =	vmmov $0x7f;
	vm7 =	vmmov $0xff;
	vm8 =	vmmov $0x1ff;
	s9 =	ssub.s32 s6, s31;
	s8 =	sadd.s32 s8, s5;
	s7 =	sadd.s32 s7, s4  }
0xc: {  	vm9 =	vmmov $0x3ff;
	vm10 =	vmmov $0x7ff;
	vm11 =	vmmov $0xfff;
	s4 =	sadd.s32 $0x30000, s7;
	s5 =	sadd.s32 $0x30400, s7;
	s6 =	sadd.s32 $0xE00, s8  }
0xd: {  	vm12 =	vmmov $0x1fff;
	vm13 =	vmmov $0x3fff;
	vm14 =	vmmov $0x7fff;
	s7 =	smax.u32 s9, $0x1;
	s8 =	simm.s32 $0x3;
	s9 =	simm.s32 $0x100  }
.LBB2_1:
0xe: {  	[tilespmem:s3], [sflag:$0x3] =	stream.linear.gather [hbm4b:s1+s3], $0x100, $0x38;
	[tilespmem:$0x4180] =	vst v63  }
0xf: {  	_ =	swait.ge [sflag:s8], $0x100  }
0x10: {  	[sflag:s8] =	ssyncset.done $0x0  }
0x11: {  	[sflag:s8] =	ssyncadd.s32 $0xFFFFFF00  }
0x12: {  	[tilespmem:s9], [sflag:$0x1] =	stream.linear.gather [hbm4b:s4+s3], $0x2000, $0x38;
	[tilespmem:$0x4180] =	vst v63  }
0x13: {  	v0 =	vld [tilespmem:$0x0]  }
0x14: {  	v1 =	vld [tilespmem:$0x10]  }
0x15: {  	v2 =	vld [tilespmem:$0x20]  }
0x16: {  	v3 =	vld [tilespmem:$0x30]  }
0x17: {  	v4 =	vld [tilespmem:$0x40]  }
0x18: {  	v5 =	vld [tilespmem:$0x50]  }
0x19: {  	v6 =	vld [tilespmem:$0x60]  }
0x1a: {  	v7 =	vld [tilespmem:$0x70]  }
0x1b: {  	v8 =	vld [tilespmem:$0x80]  }
0x1c: {  	v9 =	vld [tilespmem:$0x90]  }
0x1d: {  	v10 =	vld [tilespmem:$0xA0]  }
0x1e: {  	v11 =	vld [tilespmem:$0xB0]  }
0x1f: {  	v12 =	vld [tilespmem:$0xC0]  }
0x20: {  	v13 =	vld [tilespmem:$0xD0];
	v0 =	vadd.f32 $9.999999970e-07, v0;
	v1 =	vadd.f32 $9.999999970e-07, v1  }
0x21: {  	v14 =	vld [tilespmem:$0xE0];
	v2 =	vadd.f32 $9.999999970e-07, v2;
	v3 =	vadd.f32 $9.999999970e-07, v3  }
0x22: {  	v15 =	vld [tilespmem:$0xF0];
	v4 =	vadd.f32 $9.999999970e-07, v4;
	v5 =	vadd.f32 $9.999999970e-07, v5  }
0x23: {  	v6 =	vadd.f32 $9.999999970e-07, v6;
	v7 =	vadd.f32 $9.999999970e-07, v7  }
0x24: {  	[tilespmem:s10], [sflag:$0x2] =	stream.linear.gather [hbm4b:s5+s3], $0x2000, $0x38;
	v8 =	vadd.f32 $9.999999970e-07, v8;
	v9 =	vadd.f32 $9.999999970e-07, v9;
	[tilespmem:$0x4180] =	vst v63  }
0x25: {  	_ =	swait.ge [sflag:s11], $0x2000;
	v10 =	vadd.f32 $9.999999970e-07, v10;
	v11 =	vadd.f32 $9.999999970e-07, v11  }
0x26: {  	[sflag:s11] =	ssyncset.done $0x0;
	v12 =	vadd.f32 $9.999999970e-07, v12;
	v13 =	vadd.f32 $9.999999970e-07, v13  }
0x27: {  	p0 =	por $0x1, $0x1;
	s15 =	simm.s32 $0x0;
	[sflag:s11] =	ssyncadd.s32 $0xFFFFE000;
	v14 =	vadd.f32 $9.999999970e-07, v14;
	v15 =	vadd.f32 $9.999999970e-07, v15  }
.LBB2_2:
0x28: {  	s16 =	sshll.u32 s15, $0xC  }
0x29: {  	s16 =	sand.u32 $0x3FFFF000, s16  }
0x2a: {  	v16 =	vld [tilespmem:s16+$0x100]  }
0x2b: {  	v17 =	vld [tilespmem:s16+$0x110]  }
0x2c: {  	v18 =	vld [tilespmem:s16+$0x120]  }
0x2d: {  	v19 =	vld [tilespmem:s16+$0x130]  }
0x2e: {  	v20 =	vld [tilespmem:s16+$0x140]  }
0x2f: {  	v21 =	vld [tilespmem:s16+$0x150]  }
0x30: {  	v22 =	vld [tilespmem:s16+$0x180]  }
0x31: {  	v46 =	vld [tilespmem:s16+$0x190]  }
0x32: {  	v23 =	vld [tilespmem:s16+$0x160]  }
0x33: {  	v48 =	vld [tilespmem:s16+$0x1A0]  }
0x34: {  	v24 =	vld [tilespmem:s16+$0x170]  }
0x35: {  	v50 =	vld [tilespmem:s16+$0x1B0]  }
0x36: {  	v25 =	vld [tilespmem:s16+$0x500]  }
0x37: {  	v52 =	vld [tilespmem:s16+$0x1C0]  }
0x38: {  	v26 =	vld [tilespmem:s16+$0x510]  }
0x39: {  	v54 =	vld [tilespmem:s16+$0x1D0];
	v16 =	vsub.f32 v0, v16;
	v17 =	vsub.f32 v1, v17  }
0x3a: {  	v27 =	vld [tilespmem:s16+$0x520];
	v18 =	vsub.f32 v2, v18;
	v45 =	vsub.f32 v3, v19  }
0x3b: {  	v56 =	vld [tilespmem:s16+$0x1E0];
	v47 =	vsub.f32 v4, v20;
	v49 =	vsub.f32 v5, v21  }
0x3c: {  	v57 =	vld [tilespmem:s16+$0x530];
	v22 =	vsub.f32 v0, v22;
	v19 =	vsub.f32 v1, v46  }
0x3d: {  	v61 =	vld [tilespmem:s16+$0x1F0];
	v51 =	vsub.f32 v6, v23;
	v20 =	vsub.f32 v2, v48  }
0x3e: {  	v62 =	vld [tilespmem:s16+$0x540];
	v53 =	vsub.f32 v7, v24;
	v21 =	vsub.f32 v3, v50  }
0x3f: {  	v33 =	vld [tilespmem:s16+$0x550];
	v55 =	vsub.f32 v8, v25;
	v59 =	vsub.f32 v4, v52  }
0x40: {  	v42 =	vld [tilespmem:s16+$0x5A0];
	v60 =	vsub.f32 v9, v26;
	v30 =	vsub.f32 v5, v54  }
0x41: {  	v31 =	vsub.f32 v10, v27;
	v35 =	vsub.f32 v6, v56  }
0x42: {  	v32 =	vld [tilespmem:s16+$0x580];
	v36 =	vsub.f32 v11, v57;
	v40 =	vsub.f32 v7, v61;
	v16 =	vmul.f32 v16, v16  }
0x43: {  	v41 =	vsub.f32 v12, v62;
	v50 =	vld [tilespmem:s16+$0x5C0];
	v17 =	vmul.f32 v17, v17;
	v22 =	vmul.f32 v22, v22  }
0x44: {  	v46 =	vsub.f32 v13, v33;
	v52 =	vld [tilespmem:s16+$0x200];
	v19 =	vmul.f32 v19, v19;
	v20 =	vmul.f32 v20, v20  }
0x45: {  	v37 =	vld [tilespmem:s16+$0x590];
	v54 =	vsub.f32 v10, v42;
	v58 =	vmul.f32 v21, v21;
	v63 =	vmul.f32 v59, v59  }
0x46: {  	v56 =	vld [tilespmem:s16+$0x5D0];
	v34 =	vmul.f32 v30, v30;
	v16 =	vadd.f32 v17, v16;
	v17 =	vmul.f32 v18, v18  }
0x47: {  	v39 =	vmul.f32 v35, v35;
	v44 =	vmul.f32 v40, v40;
	v59 =	vld [tilespmem:s16+$0x220];
	v19 =	vadd.f32 v19, v22  }
0x48: {  	v30 =	vld [tilespmem:s16+$0x620];
	v62 =	vsub.f32 v12, v50;
	v16 =	vadd.f32 v17, v16;
	v17 =	vmul.f32 v45, v45  }
0x49: {  	v38 =	vld [tilespmem:s16+$0x560];
	v57 =	vmul.f32 v54, v54;
	v25 =	vsub.f32 v0, v52;
	v19 =	vadd.f32 v20, v19  }
0x4a: {  	v45 =	vsub.f32 v8, v32;
	v32 =	vld [tilespmem:s16+$0x5F0];
	v16 =	vadd.f32 v17, v16;
	v17 =	vmul.f32 v47, v47  }
0x4b: {  	v43 =	vld [tilespmem:s16+$0x570];
	v18 =	vsub.f32 v13, v56;
	v33 =	vmul.f32 v62, v62;
	v19 =	vadd.f32 v58, v19  }
0x4c: {  	v24 =	vsub.f32 v2, v59;
	v47 =	vld [tilespmem:s16+$0x5B0];
	v16 =	vadd.f32 v17, v16;
	v17 =	vmul.f32 v49, v49  }
0x4d: {  	v25 =	vmul.f32 v25, v25;
	v62 =	vsub.f32 v10, v30;
	v19 =	vadd.f32 v63, v19;
	v63 =	vld [tilespmem:s16+$0x230]  }
0x4e: {  	v29 =	vld [tilespmem:s16+$0x610];
	v49 =	vsub.f32 v9, v37;
	v16 =	vadd.f32 v17, v16;
	v17 =	vmul.f32 v51, v51  }
0x4f: {  	v28 =	vld [tilespmem:s16+$0x250];
	v18 =	vmul.f32 v18, v18;
	v42 =	vsub.f32 v15, v32;
	v19 =	vadd.f32 v34, v19  }
0x50: {  	v51 =	vsub.f32 v14, v38;
	v34 =	vld [tilespmem:s16+$0x240];
	v16 =	vadd.f32 v17, v16;
	v17 =	vmul.f32 v53, v53  }
0x51: {  	v54 =	vld [tilespmem:s16+$0x2E0];
	v48 =	vmul.f32 v45, v45;
	v58 =	vsub.f32 v11, v47;
	v19 =	vadd.f32 v39, v19  }
0x52: {  	v22 =	vsub.f32 v3, v63;
	v16 =	vadd.f32 v17, v16;
	v17 =	vmul.f32 v55, v55;
	v55 =	vld [tilespmem:s16+$0x210]  }
0x53: {  	v50 =	vld [tilespmem:s16+$0x2D0];
	v61 =	vmul.f32 v58, v58;
	v58 =	vsub.f32 v9, v29;
	v19 =	vadd.f32 v44, v19  }
0x54: {  	v59 =	vld [tilespmem:s16+$0x2F0];
	v44 =	vsub.f32 v5, v28;
	v16 =	vadd.f32 v17, v16;
	v17 =	vmul.f32 v60, v60  }
0x55: {  	v53 =	vmul.f32 v49, v49;
	v21 =	vsub.f32 v4, v34;
	v19 =	vadd.f32 v48, v19;
	v60 =	vld [tilespmem:s16+$0x5E0]  }
0x56: {  	v47 =	vmul.f32 v44, v44;
	v44 =	vld [tilespmem:s16+$0x6A0];
	v16 =	vadd.f32 v17, v16;
	v17 =	vmul.f32 v31, v31  }
0x57: {  	v24 =	vmul.f32 v24, v24;
	v37 =	vld [tilespmem:s16+$0x290];
	v19 =	vadd.f32 v53, v19;
	v23 =	vsub.f32 v1, v55  }
0x58: {  	v45 =	vld [tilespmem:s16+$0x2B0];
	v22 =	vmul.f32 v22, v22;
	v16 =	vadd.f32 v17, v16;
	v17 =	vmul.f32 v36, v36  }
0x59: {  	v21 =	vmul.f32 v21, v21;
	v55 =	vld [tilespmem:s16+$0x630];
	v19 =	vadd.f32 v57, v19;
	v23 =	vmul.f32 v23, v23  }
0x5a: {  	v36 =	vld [tilespmem:s16+$0x280];
	v35 =	vsub.f32 v14, v60;
	v16 =	vadd.f32 v17, v16;
	v17 =	vmul.f32 v41, v41  }
0x5b: {  	v32 =	vld [tilespmem:s16+$0x320];
	v19 =	vadd.f32 v61, v19;
	v61 =	vmul.f32 v58, v58;
	v58 =	vsub.f32 v10, v44  }
0x5c: {  	v48 =	vld [tilespmem:s16+$0x2C0];
	v23 =	vadd.f32 v23, v25;
	v38 =	vmul.f32 v35, v35;
	v25 =	vsub.f32 v1, v37  }
0x5d: {  	v41 =	vld [tilespmem:s16+$0x2A0];
	v35 =	vsub.f32 v6, v54;
	v16 =	vadd.f32 v17, v16;
	v17 =	vmul.f32 v46, v46  }
0x5e: {  	v39 =	vld [tilespmem:s16+$0x260];
	v19 =	vadd.f32 v33, v19;
	v37 =	vsub.f32 v11, v55;
	v30 =	vmul.f32 v58, v58  }
0x5f: {  	v63 =	vld [tilespmem:s16+$0x680];
	v40 =	vadd.f32 v24, v23;
	v26 =	vsub.f32 v0, v36;
	v25 =	vmul.f32 v25, v25  }
0x60: {  	v46 =	vld [tilespmem:s16+$0x600];
	v24 =	vsub.f32 v5, v50;
	v36 =	vmul.f32 v62, v62;
	v16 =	vadd.f32 v17, v16  }
0x61: {  	v50 =	vld [tilespmem:s16+$0x6B0];
	v17 =	vmul.f32 v51, v51;
	v51 =	vsub.f32 v3, v45;
	v20 =	vadd.f32 v22, v40  }
0x62: {  	v60 =	vld [tilespmem:s16+$0x640];
	v26 =	vmul.f32 v26, v26;
	v23 =	vsub.f32 v2, v41;
	v22 =	vsub.f32 v4, v48  }
0x63: {  	v44 =	vld [tilespmem:s16+$0x390];
	v34 =	vmul.f32 v24, v24;
	v41 =	vsub.f32 v7, v59;
	v24 =	vsub.f32 v2, v32  }
0x64: {  	v33 =	vld [tilespmem:s16+$0x650];
	v40 =	vmul.f32 v35, v35;
	v16 =	vadd.f32 v17, v16;
	v17 =	vsub.f32 v15, v43  }
0x65: {  	v59 =	vld [tilespmem:s16+$0x310];
	v20 =	vadd.f32 v21, v20;
	v25 =	vadd.f32 v25, v26;
	v23 =	vmul.f32 v23, v23  }
0x66: {  	v43 =	vld [tilespmem:s16+$0x270];
	v53 =	vsub.f32 v8, v46;
	v17 =	vmul.f32 v17, v17;
	v31 =	vsub.f32 v11, v50  }
0x67: {  	v62 =	vld [tilespmem:s16+$0x6D0];
	v56 =	vmul.f32 v51, v51;
	v20 =	vadd.f32 v47, v20;
	v23 =	vadd.f32 v23, v25  }
0x68: {  	v45 =	vld [tilespmem:s16+$0x670];
	v22 =	vmul.f32 v22, v22;
	v47 =	vsub.f32 v8, v63;
	v16 =	vadd.f32 v17, v16  }
0x69: {  	v32 =	vld [tilespmem:s16+$0x720];
	v46 =	vmul.f32 v41, v41;
	v17 =	vadd.f32 v18, v19;
	v19 =	vsub.f32 v6, v39  }
0x6a: {  	v18 =	vmul.f32 v42, v42;
	v39 =	vld [tilespmem:s16+$0x660];
	v26 =	vsub.f32 v1, v59;
	v23 =	vadd.f32 v56, v23  }
0x6b: {  	v42 =	vmul.f32 v37, v37;
	v37 =	vld [tilespmem:s16+$0x330];
	v49 =	vsub.f32 v7, v43;
	v43 =	vsub.f32 v12, v60  }
0x6c: {  	v56 =	vld [tilespmem:s16+$0x300];
	v17 =	vadd.f32 v38, v17;
	v19 =	vmul.f32 v19, v19;
	v22 =	vadd.f32 v22, v23  }
0x6d: {  	v38 =	vld [tilespmem:s16+$0x690];
	v52 =	vmul.f32 v49, v49;
	v49 =	vsub.f32 v13, v33;
	v33 =	vsub.f32 v15, v45  }
0x6e: {  	v48 =	vmul.f32 v43, v43;
	v43 =	vld [tilespmem:s16+$0x380];
	v19 =	vadd.f32 v19, v20;
	v17 =	vadd.f32 v18, v17  }
0x6f: {  	v41 =	vld [tilespmem:s16+$0x350];
	v24 =	vmul.f32 v24, v24;
	v20 =	vsub.f32 v13, v62;
	v22 =	vadd.f32 v34, v22  }
0x70: {  	v50 =	vld [tilespmem:s16+$0x3A0];
	v57 =	vmul.f32 v53, v53;
	v55 =	vsub.f32 v14, v39;
	v19 =	vadd.f32 v52, v19  }
0x71: {  	v53 =	vld [tilespmem:s16+$0x6C0];
	v35 =	vmul.f32 v31, v31;
	v28 =	vsub.f32 v0, v56;
	v22 =	vadd.f32 v40, v22  }
0x72: {  	v26 =	vmul.f32 v26, v26;
	v52 =	vsub.f32 v9, v38;
	v38 =	vld [tilespmem:s16+$0x6F0];
	v19 =	vadd.f32 v57, v19  }
0x73: {  	v27 =	vsub.f32 v3, v37;
	v40 =	vld [tilespmem:s16+$0x340];
	v28 =	vmul.f32 v28, v28;
	v25 =	vsub.f32 v0, v43  }
0x74: {  	v31 =	vld [tilespmem:s16+$0x710];
	v51 =	vmul.f32 v47, v47;
	v22 =	vadd.f32 v46, v22;
	v19 =	vadd.f32 v61, v19  }
0x75: {  	v54 =	vmul.f32 v49, v49;
	v34 =	vld [tilespmem:s16+$0x6E0];
	v26 =	vadd.f32 v26, v28;
	v28 =	vsub.f32 v1, v44  }
0x76: {  	v57 =	vmul.f32 v52, v52;
	v52 =	vld [tilespmem:s16+$0x370];
	v44 =	vsub.f32 v10, v32;
	v22 =	vadd.f32 v51, v22  }
0x77: {  	v61 =	vmul.f32 v55, v55;
	v55 =	vld [tilespmem:s16+$0x700];
	v19 =	vadd.f32 v36, v19;
	v36 =	vsub.f32 v12, v53  }
0x78: {  	v59 =	vld [tilespmem:s16+$0x3D0];
	v25 =	vmul.f32 v25, v25;
	v23 =	vsub.f32 v4, v40;
	v51 =	vsub.f32 v15, v38  }
0x79: {  	v47 =	vld [tilespmem:s16+$0x360];
	v53 =	vsub.f32 v5, v41;
	v28 =	vmul.f32 v28, v28;
	v63 =	vadd.f32 v57, v22  }
0x7a: {  	v20 =	vmul.f32 v20, v20;
	v40 =	vld [tilespmem:s16+$0x3F0];
	v19 =	vadd.f32 v42, v19;
	v42 =	vsub.f32 v14, v34  }
0x7b: {  	v49 =	vmul.f32 v27, v27;
	v57 =	vld [tilespmem:s16+$0x3C0];
	v58 =	vsub.f32 v7, v52;
	v25 =	vadd.f32 v28, v25  }
0x7c: {  	v41 =	vld [tilespmem:s16+$0x740];
	v39 =	vmul.f32 v36, v36;
	v21 =	vadd.f32 v30, v63;
	v62 =	vsub.f32 v8, v55  }
0x7d: {  	v23 =	vmul.f32 v23, v23;
	v36 =	vld [tilespmem:s16+$0x730];
	v19 =	vadd.f32 v48, v19;
	v48 =	vadd.f32 v24, v26  }
0x7e: {  	v52 =	vld [tilespmem:s16+$0x760];
	v46 =	vmul.f32 v42, v42;
	v26 =	vsub.f32 v2, v50;
	v42 =	vsub.f32 v5, v59  }
0x7f: {  	v56 =	vmul.f32 v53, v53;
	v63 =	vld [tilespmem:s16+$0x3E0];
	v21 =	vadd.f32 v35, v21;
	v60 =	vadd.f32 v54, v19  }
0x80: {  	v38 =	vmul.f32 v62, v62;
	v35 =	vld [tilespmem:s16+$0x7C0];
	v22 =	vadd.f32 v49, v48;
	v24 =	vsub.f32 v4, v57  }
0x81: {  	v54 =	vld [tilespmem:s16+$0x3B0];
	v26 =	vmul.f32 v26, v26;
	v21 =	vadd.f32 v39, v21;
	v39 =	vsub.f32 v9, v31  }
0x82: {  	v19 =	vmul.f32 v33, v33;
	v57 =	vld [tilespmem:s16+$0x7A0];
	v50 =	vsub.f32 v11, v36;
	v18 =	vadd.f32 v61, v60  }
0x83: {  	v49 =	vmul.f32 v44, v44;
	v44 =	vld [tilespmem:s16+$0x7D0];
	v22 =	vadd.f32 v23, v22;
	v25 =	vadd.f32 v26, v25  }
0x84: {  	v61 =	vmul.f32 v58, v58;
	v48 =	vsub.f32 v6, v63;
	v58 =	vld [tilespmem:s16+$0x770];
	v45 =	vadd.f32 v20, v21  }
0x85: {  	v20 =	vmul.f32 v51, v51;
	v21 =	vsub.f32 v6, v47;
	v51 =	vld [tilespmem:s16+$0x790];
	v18 =	vadd.f32 v19, v18  }
0x86: {  	v22 =	vadd.f32 v56, v22;
	v53 =	vmul.f32 v48, v48;
	v56 =	vsub.f32 v12, v41;
	v41 =	vld [tilespmem:s16+$0x410]  }
0x87: {  	v48 =	vld [tilespmem:s16+$0x420];
	v19 =	vadd.f32 v46, v45;
	v21 =	vmul.f32 v21, v21;
	v60 =	vsub.f32 v3, v54  }
0x88: {  	v24 =	vmul.f32 v24, v24;
	v45 =	vld [tilespmem:s16+$0x780];
	v54 =	vsub.f32 v7, v40;
	v40 =	vsub.f32 v10, v57  }
0x89: {  	v46 =	vld [tilespmem:s16+$0x750];
	v21 =	vadd.f32 v21, v22;
	v37 =	vmul.f32 v60, v60;
	v19 =	vadd.f32 v20, v19  }
0x8a: {  	v63 =	vld [tilespmem:s16+$0x7B0];
	v43 =	vmul.f32 v39, v39;
	v22 =	vsub.f32 v13, v44;
	v34 =	vsub.f32 v9, v51  }
0x8b: {  	v47 =	vmul.f32 v42, v42;
	v57 =	vld [tilespmem:s16+$0x450];
	v21 =	vadd.f32 v61, v21;
	v25 =	vadd.f32 v37, v25  }
0x8c: {  	v55 =	vmul.f32 v50, v50;
	v50 =	vld [tilespmem:s16+$0x7E0];
	v37 =	vsub.f32 v14, v52;
	v52 =	vsub.f32 v12, v35  }
0x8d: {  	v61 =	vmul.f32 v56, v56;
	v28 =	vsub.f32 v1, v41;
	v56 =	vld [tilespmem:s16+$0x440];
	v26 =	vsub.f32 v2, v48  }
0x8e: {  	v59 =	vmul.f32 v54, v54;
	v54 =	vld [tilespmem:s16+$0x7F0];
	v60 =	vsub.f32 v8, v45;
	v62 =	vsub.f32 v13, v46  }
0x8f: {  	v22 =	vmul.f32 v22, v22;
	v21 =	vadd.f32 v38, v21;
	v24 =	vadd.f32 v24, v25;
	v38 =	vld [tilespmem:s16+$0x400]  }
0x90: {  	v44 =	vld [tilespmem:s16+$0x4C0];
	v39 =	vmul.f32 v34, v34;
	v46 =	vmul.f32 v40, v40;
	v40 =	vsub.f32 v5, v57  }
0x91: {  	v41 =	vld [tilespmem:s16+$0x4B0];
	v28 =	vmul.f32 v28, v28;
	v21 =	vadd.f32 v43, v21;
	v24 =	vadd.f32 v47, v24  }
0x92: {  	v34 =	vld [tilespmem:s16+$0x820];
	v26 =	vmul.f32 v26, v26;
	v47 =	vsub.f32 v11, v63;
	v25 =	vsub.f32 v4, v56  }
0x93: {  	v33 =	vmul.f32 v60, v60;
	v60 =	vld [tilespmem:s16+$0x490];
	v21 =	vadd.f32 v49, v21;
	v24 =	vadd.f32 v53, v24  }
0x94: {  	v36 =	vmul.f32 v62, v62;
	v49 =	vsub.f32 v15, v58;
	v53 =	vld [tilespmem:s16+$0x430];
	v30 =	vsub.f32 v0, v38  }
0x95: {  	v63 =	vld [tilespmem:s16+$0x460];
	v51 =	vmul.f32 v47, v47;
	v58 =	vsub.f32 v14, v50;
	v21 =	vadd.f32 v55, v21  }
0x96: {  	v47 =	vsub.f32 v3, v41;
	v24 =	vadd.f32 v59, v24;
	v59 =	vld [tilespmem:s16+$0x480];
	v30 =	vmul.f32 v30, v30  }
0x97: {  	v43 =	vmul.f32 v37, v37;
	v37 =	vld [tilespmem:s16+$0x4A0];
	v38 =	vsub.f32 v15, v54;
	v21 =	vadd.f32 v61, v21  }
0x98: {  	v56 =	vld [tilespmem:s16+$0x840];
	v25 =	vmul.f32 v25, v25;
	v24 =	vadd.f32 v33, v24;
	v28 =	vadd.f32 v28, v30  }
0x99: {  	v50 =	vld [tilespmem:s16+$0x4E0];
	v55 =	vmul.f32 v52, v52;
	v29 =	vsub.f32 v3, v53;
	v30 =	vsub.f32 v1, v60  }
0x9a: {  	v62 =	vmul.f32 v58, v58;
	v33 =	vld [tilespmem:s16+$0x810];
	v42 =	vadd.f32 v36, v21;
	v45 =	vadd.f32 v39, v24  }
0x9b: {  	v52 =	vmul.f32 v47, v47;
	v60 =	vld [tilespmem:s16+$0x880];
	v35 =	vadd.f32 v26, v28;
	v27 =	vsub.f32 v0, v59  }
0x9c: {  	v39 =	vld [tilespmem:s16+$0x470];
	v36 =	vmul.f32 v29, v29;
	v28 =	vsub.f32 v2, v37;
	v26 =	vsub.f32 v4, v44  }
0x9d: {  	v21 =	vmul.f32 v49, v49;
	v59 =	vsub.f32 v10, v34;
	v44 =	vld [tilespmem:s16+$0x8A0];
	v23 =	vadd.f32 v46, v45  }
0x9e: {  	v30 =	vmul.f32 v30, v30;
	v20 =	vadd.f32 v43, v42;
	v42 =	vld [tilespmem:s16+$0x800];
	v24 =	vadd.f32 v36, v35  }
0x9f: {  	v46 =	vld [tilespmem:s16+$0x4D0];
	v27 =	vmul.f32 v27, v27;
	v54 =	vsub.f32 v9, v33;
	v23 =	vadd.f32 v51, v23  }
0xa0: {  	v36 =	vmul.f32 v59, v59;
	v59 =	vld [tilespmem:s16+$0x910];
	v20 =	vadd.f32 v21, v20;
	v47 =	vsub.f32 v8, v60  }
0xa1: {  	v43 =	vmul.f32 v40, v40;
	v51 =	vld [tilespmem:s16+$0x830];
	v24 =	vadd.f32 v25, v24;
	v45 =	vsub.f32 v7, v39  }
0xa2: {  	v28 =	vmul.f32 v28, v28;
	v27 =	vadd.f32 v30, v27;
	v39 =	vld [tilespmem:s16+$0x860];
	v23 =	vadd.f32 v55, v23  }
0xa3: {  	v26 =	vmul.f32 v26, v26;
	v55 =	vld [tilespmem:s16+$0x4F0];
	v24 =	vadd.f32 v43, v24;
	v49 =	vsub.f32 v8, v42  }
0xa4: {  	v48 =	vmul.f32 v45, v45;
	v27 =	vadd.f32 v28, v27;
	v57 =	vsub.f32 v5, v46;
	v45 =	vld [tilespmem:s16+$0x870]  }
0xa5: {  	v58 =	vmul.f32 v54, v54;
	v43 =	vsub.f32 v12, v56;
	v56 =	vld [tilespmem:s16+$0x900];
	v61 =	vadd.f32 v22, v23  }
0xa6: {  	v22 =	vmul.f32 v38, v38;
	v23 =	vsub.f32 v6, v63;
	v63 =	vsub.f32 v6, v50;
	v38 =	vld [tilespmem:s16+$0x890]  }
0xa7: {  	v50 =	vld [tilespmem:s16+$0x8B0];
	v30 =	vsub.f32 v1, v59;
	v53 =	vmul.f32 v49, v49;
	v27 =	vadd.f32 v52, v27  }
0xa8: {  	v59 =	vld [tilespmem:s16+$0xD00];
	v37 =	vsub.f32 v11, v51;
	v51 =	vmul.f32 v47, v47;
	v21 =	vadd.f32 v62, v61  }
0xa9: {  	v47 =	vld [tilespmem:s16+$0x980];
	v23 =	vmul.f32 v23, v23;
	v62 =	vmul.f32 v57, v57;
	v26 =	vadd.f32 v26, v27  }
0xaa: {  	v61 =	vld [tilespmem:s16+$0x850];
	v40 =	vmul.f32 v63, v63;
	v41 =	vsub.f32 v7, v55;
	v55 =	vsub.f32 v14, v39  }
0xab: {  	v42 =	vmul.f32 v37, v37;
	v23 =	vadd.f32 v23, v24;
	v37 =	vsub.f32 v15, v45;
	v45 =	vld [tilespmem:s16+$0x950]  }
0xac: {  	v30 =	vmul.f32 v30, v30;
	v21 =	vadd.f32 v22, v21;
	v32 =	vsub.f32 v0, v56;
	v56 =	vld [tilespmem:s16+$0x970]  }
0xad: {  	v26 =	vadd.f32 v62, v26;
	v46 =	vmul.f32 v41, v41;
	v52 =	vsub.f32 v9, v38;
	v62 =	vld [tilespmem:s16+$0x8D0]  }
0xae: {  	v35 =	vsub.f32 v11, v50;
	v41 =	vld [tilespmem:s16+$0x930];
	v23 =	vadd.f32 v48, v23;
	v48 =	vmul.f32 v43, v43  }
0xaf: {  	v38 =	vld [tilespmem:s16+$0x8E0];
	v32 =	vmul.f32 v32, v32;
	v29 =	vsub.f32 v0, v47;
	v26 =	vadd.f32 v40, v26  }
0xb0: {  	v49 =	vsub.f32 v13, v61;
	v39 =	vmul.f32 v35, v35;
	v35 =	vld [tilespmem:s16+$0xD10];
	v23 =	vadd.f32 v53, v23  }
0xb1: {  	v57 =	vmul.f32 v52, v52;
	v53 =	vld [tilespmem:s16+$0x8C0];
	v30 =	vadd.f32 v30, v32;
	v26 =	vadd.f32 v46, v26  }
0xb2: {  	v61 =	vmul.f32 v55, v55;
	v23 =	vadd.f32 v58, v23;
	v58 =	vsub.f32 v10, v44;
	v44 =	vld [tilespmem:s16+$0x940]  }
0xb3: {  	v29 =	vmul.f32 v29, v29;
	v24 =	vsub.f32 v13, v62;
	v31 =	vsub.f32 v3, v41;
	v41 =	vld [tilespmem:s16+$0xD30]  }
0xb4: {  	v54 =	vmul.f32 v49, v49;
	v46 =	vsub.f32 v14, v38;
	v26 =	vadd.f32 v51, v26;
	v51 =	vld [tilespmem:s16+$0x960]  }
0xb5: {  	v62 =	vsub.f32 v7, v56;
	v23 =	vadd.f32 v36, v23;
	v34 =	vmul.f32 v58, v58;
	v36 =	vld [tilespmem:s16+$0x920]  }
0xb6: {  	v24 =	vmul.f32 v24, v24;
	v58 =	vld [tilespmem:s16+$0x9B0];
	v63 =	vadd.f32 v57, v26;
	v40 =	vsub.f32 v12, v53  }
0xb7: {  	v50 =	vmul.f32 v46, v46;
	v57 =	vsub.f32 v5, v45;
	v45 =	vld [tilespmem:s16+$0x9F0];
	v23 =	vadd.f32 v42, v23  }
0xb8: {  	v38 =	vmul.f32 v62, v62;
	v42 =	vld [tilespmem:s16+$0x8F0];
	v25 =	vadd.f32 v34, v63;
	v27 =	vsub.f32 v4, v44  }
0xb9: {  	v53 =	vmul.f32 v31, v31;
	v63 =	vld [tilespmem:s16+$0x9D0];
	v44 =	vsub.f32 v9, v35;
	v23 =	vadd.f32 v48, v23  }
0xba: {  	v46 =	vld [tilespmem:s16+$0xD40];
	v43 =	vmul.f32 v40, v40;
	v25 =	vadd.f32 v39, v25;
	v28 =	vsub.f32 v2, v36  }
0xbb: {  	v48 =	vld [tilespmem:s16+$0x990];
	v27 =	vmul.f32 v27, v27;
	v39 =	vsub.f32 v8, v59;
	v60 =	vadd.f32 v54, v23  }
0xbc: {  	v62 =	vld [tilespmem:s16+$0xDA0];
	v23 =	vmul.f32 v37, v37;
	v37 =	vsub.f32 v3, v58;
	v59 =	vsub.f32 v7, v45  }
0xbd: {  	v36 =	vld [tilespmem:s16+$0xD20];
	v25 =	vadd.f32 v43, v25;
	v28 =	vmul.f32 v28, v28;
	v55 =	vsub.f32 v15, v42  }
0xbe: {  	v54 =	vld [tilespmem:s16+$0x9A0];
	v43 =	vmul.f32 v39, v39;
	v22 =	vadd.f32 v61, v60;
	v47 =	vsub.f32 v5, v63  }
0xbf: {  	v40 =	vld [tilespmem:s16+$0x9E0];
	v60 =	vmul.f32 v57, v57;
	v49 =	vadd.f32 v24, v25;
	v52 =	vadd.f32 v28, v30  }
0xc0: {  	v61 =	vld [tilespmem:s16+$0x9C0];
	v42 =	vmul.f32 v37, v37;
	v32 =	vsub.f32 v1, v48;
	v25 =	vsub.f32 v6, v51  }
0xc1: {  	v57 =	vld [tilespmem:s16+$0xD60];
	v24 =	vmul.f32 v55, v55;
	v55 =	vsub.f32 v11, v41;
	v22 =	vadd.f32 v23, v22  }
0xc2: {  	v48 =	vmul.f32 v44, v44;
	v51 =	vld [tilespmem:s16+$0xD50];
	v23 =	vadd.f32 v50, v49;
	v26 =	vadd.f32 v53, v52  }
0xc3: {  	v44 =	vld [tilespmem:s16+$0xDC0];
	v32 =	vmul.f32 v32, v32;
	v30 =	vsub.f32 v2, v54;
	v49 =	vsub.f32 v10, v36  }
0xc4: {  	v50 =	vld [tilespmem:s16+$0xD80];
	v52 =	vmul.f32 v47, v47;
	v53 =	vsub.f32 v6, v40;
	v26 =	vadd.f32 v27, v26  }
0xc5: {  	v47 =	vld [tilespmem:s16+$0xA00];
	v29 =	vadd.f32 v32, v29;
	v30 =	vmul.f32 v30, v30;
	v28 =	vsub.f32 v4, v61  }
0xc6: {  	v58 =	vmul.f32 v53, v53;
	v61 =	vsub.f32 v12, v46;
	v46 =	vsub.f32 v14, v57;
	v53 =	vld [tilespmem:s16+$0xDD0]  }
0xc7: {  	v54 =	vmul.f32 v49, v49;
	v49 =	vsub.f32 v10, v62;
	v23 =	vadd.f32 v24, v23;
	v57 =	vld [tilespmem:s16+$0xA20]  }
0xc8: {  	v25 =	vmul.f32 v25, v25;
	v62 =	vld [tilespmem:s16+$0xA30];
	v40 =	vsub.f32 v13, v51;
	v26 =	vadd.f32 v60, v26  }
0xc9: {  	v29 =	vadd.f32 v30, v29;
	v39 =	vmul.f32 v61, v61;
	v61 =	vsub.f32 v12, v44;
	v44 =	vld [tilespmem:s16+$0xA80]  }
0xca: {  	v56 =	vld [tilespmem:s16+$0xD90];
	v37 =	vmul.f32 v59, v59;
	v34 =	vsub.f32 v0, v47;
	v25 =	vadd.f32 v25, v26  }
0xcb: {  	v41 =	vld [tilespmem:s16+$0xDB0];
	v28 =	vmul.f32 v28, v28;
	v29 =	vadd.f32 v42, v29;
	v26 =	vsub.f32 v13, v53  }
0xcc: {  	v63 =	vld [tilespmem:s16+$0xD70];
	v60 =	vmul.f32 v55, v55;
	v30 =	vsub.f32 v2, v57;
	v25 =	vadd.f32 v38, v25  }
0xcd: {  	v55 =	vmul.f32 v49, v49;
	v28 =	vadd.f32 v28, v29;
	v38 =	vsub.f32 v8, v50;
	v50 =	vld [tilespmem:s16+$0xA10]  }
0xce: {  	v59 =	vld [tilespmem:s16+$0xDE0];
	v45 =	vmul.f32 v40, v40;
	v33 =	vsub.f32 v3, v62;
	v31 =	vsub.f32 v0, v44  }
0xcf: {  	v40 =	vmul.f32 v61, v61;
	v53 =	vld [tilespmem:s16+$0xA70];
	v25 =	vadd.f32 v43, v25;
	v28 =	vadd.f32 v52, v28  }
0xd0: {  	v34 =	vmul.f32 v34, v34;
	v43 =	vsub.f32 v9, v56;
	v56 =	vsub.f32 v11, v41  }
0xd1: {  	v26 =	vmul.f32 v26, v26;
	v41 =	vld [tilespmem:s16+$0xA40];
	v25 =	vadd.f32 v48, v25;
	v28 =	vadd.f32 v58, v28  }
0xd2: {  	v42 =	vmul.f32 v38, v38;
	v38 =	vld [tilespmem:s16+$0xE20];
	v58 =	vsub.f32 v15, v63;
	v32 =	vsub.f32 v1, v50  }
0xd3: {  	v48 =	vmul.f32 v43, v43;
	v25 =	vadd.f32 v54, v25;
	v28 =	vadd.f32 v37, v28;
	v37 =	vld [tilespmem:s16+$0xE10]  }
0xd4: {  	v63 =	vld [tilespmem:s16+$0xDF0];
	v43 =	vsub.f32 v14, v59;
	v59 =	vsub.f32 v7, v53;
	v32 =	vmul.f32 v32, v32  }
0xd5: {  	v30 =	vmul.f32 v30, v30;
	v25 =	vadd.f32 v60, v25;
	v28 =	vadd.f32 v42, v28;
	v42 =	vld [tilespmem:s16+$0xA50]  }
0xd6: {  	v52 =	vmul.f32 v46, v46;
	v29 =	vsub.f32 v4, v41;
	v41 =	vld [tilespmem:s16+$0xE30];
	v32 =	vadd.f32 v32, v34  }
0xd7: {  	v60 =	vmul.f32 v56, v56;
	v56 =	vld [tilespmem:s16+$0xE00];
	v25 =	vadd.f32 v39, v25;
	v54 =	vadd.f32 v48, v28  }
0xd8: {  	v50 =	vmul.f32 v33, v33;
	v48 =	vld [tilespmem:s16+$0xA60];
	v49 =	vadd.f32 v30, v32;
	v44 =	vsub.f32 v9, v37  }
0xd9: {  	v31 =	vmul.f32 v31, v31;
	v51 =	vadd.f32 v45, v25;
	v27 =	vadd.f32 v55, v54;
	v45 =	vld [tilespmem:s16+$0xA90]  }
0xda: {  	v29 =	vmul.f32 v29, v29;
	v55 =	vld [tilespmem:s16+$0xAB0];
	v28 =	vadd.f32 v50, v49;
	v54 =	vsub.f32 v5, v42  }
0xdb: {  	v25 =	vmul.f32 v58, v58;
	v58 =	vld [tilespmem:s16+$0xAC0];
	v49 =	vsub.f32 v10, v38;
	v24 =	vadd.f32 v52, v51  }
0xdc: {  	v47 =	vmul.f32 v43, v43;
	v50 =	vld [tilespmem:s16+$0xE80];
	v27 =	vadd.f32 v60, v27;
	v52 =	vsub.f32 v15, v63  }
0xdd: {  	v51 =	vld [tilespmem:s16+$0xAA0];
	v63 =	vsub.f32 v8, v56;
	v28 =	vadd.f32 v29, v28;
	v57 =	vmul.f32 v54, v54  }
0xde: {  	v62 =	vmul.f32 v59, v59;
	v60 =	vld [tilespmem:s16+$0xAD0];
	v27 =	vadd.f32 v40, v27;
	v24 =	vadd.f32 v25, v24  }
0xdf: {  	v56 =	vld [tilespmem:s16+$0xE90];
	v54 =	vmul.f32 v49, v49;
	v34 =	vsub.f32 v1, v45;
	v28 =	vadd.f32 v57, v28  }
0xe0: {  	v40 =	vld [tilespmem:s16+$0xAE0];
	v43 =	vmul.f32 v63, v63;
	v61 =	vsub.f32 v3, v55;
	v30 =	vsub.f32 v4, v58  }
0xe1: {  	v45 =	vld [tilespmem:s16+$0xAF0];
	v55 =	vsub.f32 v11, v41;
	v46 =	vadd.f32 v26, v27;
	v26 =	vmul.f32 v52, v52  }
0xe2: {  	v57 =	vld [tilespmem:s16+$0xE60];
	v27 =	vsub.f32 v6, v48;
	v48 =	vmul.f32 v44, v44;
	v41 =	vsub.f32 v8, v50  }
0xe3: {  	v50 =	vld [tilespmem:s16+$0xB00];
	v34 =	vmul.f32 v34, v34;
	v32 =	vsub.f32 v2, v51;
	v42 =	vmul.f32 v61, v61  }
0xe4: {  	v44 =	vld [tilespmem:s16+$0xEB0];
	v25 =	vadd.f32 v47, v46;
	v27 =	vmul.f32 v27, v27;
	v47 =	vsub.f32 v5, v60  }
0xe5: {  	v30 =	vmul.f32 v30, v30;
	v46 =	vld [tilespmem:s16+$0xE40];
	v31 =	vadd.f32 v34, v31;
	v53 =	vsub.f32 v6, v40  }
0xe6: {  	v63 =	vld [tilespmem:s16+$0xE70];
	v32 =	vmul.f32 v32, v32;
	v27 =	vadd.f32 v27, v28;
	v59 =	vsub.f32 v7, v45  }
0xe7: {  	v51 =	vld [tilespmem:s16+$0xE50];
	v45 =	vmul.f32 v41, v41;
	v49 =	vsub.f32 v14, v57;
	v25 =	vadd.f32 v26, v25  }
0xe8: {  	v41 =	vld [tilespmem:s16+$0xB30];
	v31 =	vadd.f32 v32, v31;
	v58 =	vmul.f32 v53, v53;
	v36 =	vsub.f32 v0, v50  }
0xe9: {  	v53 =	vld [tilespmem:s16+$0xB10];
	v27 =	vadd.f32 v62, v27;
	v40 =	vmul.f32 v59, v59;
	v59 =	vsub.f32 v11, v44  }
0xea: {  	v60 =	vmul.f32 v55, v55;
	v62 =	vld [tilespmem:s16+$0xEA0];
	v31 =	vadd.f32 v42, v31;
	v61 =	vsub.f32 v12, v46  }
0xeb: {  	v52 =	vmul.f32 v47, v47;
	v44 =	vld [tilespmem:s16+$0xB40];
	v46 =	vsub.f32 v9, v56;
	v27 =	vadd.f32 v43, v27  }
0xec: {  	v55 =	vmul.f32 v49, v49;
	v56 =	vld [tilespmem:s16+$0xED0];
	v43 =	vsub.f32 v13, v51;
	v30 =	vadd.f32 v30, v31  }
0xed: {  	v39 =	vld [tilespmem:s16+$0xF10];
	v42 =	vmul.f32 v61, v61;
	v61 =	vsub.f32 v15, v63;
	v35 =	vsub.f32 v3, v41  }
0xee: {  	v47 =	vld [tilespmem:s16+$0xEC0];
	v36 =	vmul.f32 v36, v36;
	v27 =	vadd.f32 v48, v27;
	v34 =	vsub.f32 v1, v53  }
0xef: {  	v63 =	vmul.f32 v59, v59;
	v59 =	vld [tilespmem:s16+$0xF00];
	v30 =	vadd.f32 v52, v30;
	v52 =	vsub.f32 v10, v62  }
0xf0: {  	v62 =	vld [tilespmem:s16+$0xEE0];
	v31 =	vsub.f32 v4, v44;
	v27 =	vadd.f32 v54, v27;
	v34 =	vmul.f32 v34, v34  }
0xf1: {  	v51 =	vmul.f32 v46, v46;
	v28 =	vsub.f32 v13, v56;
	v56 =	vld [tilespmem:s16+$0xB70];
	v30 =	vadd.f32 v58, v30  }
0xf2: {  	v48 =	vmul.f32 v43, v43;
	v27 =	vadd.f32 v60, v27;
	v60 =	vld [tilespmem:s16+$0xB20];
	v34 =	vadd.f32 v34, v36  }
0xf3: {  	v53 =	vmul.f32 v35, v35;
	v30 =	vadd.f32 v40, v30;
	v40 =	vsub.f32 v12, v47;
	v47 =	vld [tilespmem:s16+$0xB80]  }
0xf4: {  	v58 =	vmul.f32 v52, v52;
	v44 =	vsub.f32 v8, v59;
	v27 =	vadd.f32 v42, v27;
	v42 =	vld [tilespmem:s16+$0xEF0]  }
0xf5: {  	v31 =	vmul.f32 v31, v31;
	v46 =	vsub.f32 v14, v62;
	v30 =	vadd.f32 v45, v30;
	v45 =	vld [tilespmem:s16+$0xB50]  }
0xf6: {  	v28 =	vmul.f32 v28, v28;
	v62 =	vsub.f32 v7, v56;
	v54 =	vadd.f32 v48, v27;
	v48 =	vld [tilespmem:s16+$0xB90]  }
0xf7: {  	v27 =	vmul.f32 v61, v61;
	v61 =	vld [tilespmem:s16+$0xBC0];
	v57 =	vadd.f32 v51, v30;
	v32 =	vsub.f32 v2, v60  }
0xf8: {  	v43 =	vmul.f32 v40, v40;
	v40 =	vld [tilespmem:s16+$0xF20];
	v26 =	vadd.f32 v55, v54;
	v33 =	vsub.f32 v0, v47  }
0xf9: {  	v54 =	vld [tilespmem:s16+$0xBA0];
	v29 =	vadd.f32 v58, v57;
	v32 =	vmul.f32 v32, v32;
	v55 =	vsub.f32 v15, v42  }
0xfa: {  	v50 =	vmul.f32 v46, v46;
	v58 =	vld [tilespmem:s16+$0xBB0];
	v26 =	vadd.f32 v27, v26;
	v57 =	vsub.f32 v5, v45  }
0xfb: {  	v51 =	vld [tilespmem:s16+$0xB60];
	v33 =	vmul.f32 v33, v33;
	v29 =	vadd.f32 v63, v29;
	v52 =	vadd.f32 v32, v34  }
0xfc: {  	v45 =	vld [tilespmem:s16+$0xBE0];
	v36 =	vsub.f32 v1, v48;
	v32 =	vsub.f32 v4, v61;
	v48 =	vmul.f32 v44, v44  }
0xfd: {  	v63 =	vld [tilespmem:s16+$0xBD0];
	v60 =	vmul.f32 v57, v57;
	v29 =	vadd.f32 v43, v29;
	v30 =	vadd.f32 v53, v52  }
0xfe: {  	v41 =	vld [tilespmem:s16+$0xC70];
	v36 =	vmul.f32 v36, v36;
	v34 =	vsub.f32 v2, v54;
	v54 =	vsub.f32 v10, v40  }
0xff: {  	v46 =	vld [tilespmem:s16+$0xF30];
	v43 =	vmul.f32 v62, v62;
	v42 =	vsub.f32 v3, v58;
	v49 =	vadd.f32 v28, v29  }
0x100: {  	v56 =	vld [tilespmem:s16+$0xF50];
	v32 =	vmul.f32 v32, v32;
	v30 =	vadd.f32 v31, v30;
	v29 =	vsub.f32 v6, v51  }
0x101: {  	v33 =	vadd.f32 v36, v33;
	v34 =	vmul.f32 v34, v34;
	v51 =	vld [tilespmem:s16+$0xF40];
	v58 =	vsub.f32 v6, v45  }
0x102: {  	v62 =	vld [tilespmem:s16+$0xF60];
	v47 =	vmul.f32 v42, v42;
	v52 =	vsub.f32 v5, v63;
	v27 =	vadd.f32 v50, v49  }
0x103: {  	v30 =	vadd.f32 v60, v30;
	v29 =	vmul.f32 v29, v29;
	v33 =	vadd.f32 v34, v33;
	v50 =	vld [tilespmem:s16+$0xBF0]  }
0x104: {  	v28 =	vmul.f32 v55, v55;
	v49 =	vsub.f32 v9, v39;
	v60 =	vsub.f32 v11, v46;
	v46 =	vld [tilespmem:s16+$0xF70]  }
0x105: {  	v55 =	vld [tilespmem:s16+$0xF80];
	v59 =	vmul.f32 v54, v54;
	v29 =	vadd.f32 v29, v30;
	v33 =	vadd.f32 v47, v33  }
0x106: {  	v54 =	vld [tilespmem:s16+$0xFC0];
	v63 =	vmul.f32 v58, v58;
	v27 =	vadd.f32 v28, v27;
	v44 =	vsub.f32 v12, v51  }
0x107: {  	v61 =	vld [tilespmem:s16+$0xF90];
	v57 =	vmul.f32 v52, v52;
	v29 =	vadd.f32 v43, v29;
	v32 =	vadd.f32 v32, v33  }
0x108: {  	v43 =	vmul.f32 v60, v60;
	v60 =	vld [tilespmem:s16+$0xC10];
	v42 =	vsub.f32 v7, v50;
	v50 =	vsub.f32 v13, v56  }
0x109: {  	v45 =	vld [tilespmem:s16+$0xFA0];
	v53 =	vmul.f32 v49, v49;
	v56 =	vsub.f32 v14, v62;
	v62 =	vsub.f32 v15, v46  }
0x10a: {  	v49 =	vmul.f32 v44, v44;
	v44 =	vld [tilespmem:s16+$0xC20];
	v29 =	vadd.f32 v48, v29;
	v32 =	vadd.f32 v57, v32  }
0x10b: {  	v51 =	vld [tilespmem:s16+$0xFB0];
	v48 =	vsub.f32 v8, v55;
	v55 =	vmul.f32 v50, v50;
	v50 =	vsub.f32 v12, v54  }
0x10c: {  	v57 =	vld [tilespmem:s16+$0xC00];
	v47 =	vmul.f32 v42, v42;
	v29 =	vadd.f32 v53, v29;
	v32 =	vadd.f32 v63, v32  }
0x10d: {  	v46 =	vmul.f32 v62, v62;
	v53 =	vsub.f32 v9, v61;
	v63 =	vld [tilespmem:s16+$0xFD0];
	v36 =	vsub.f32 v1, v60  }
0x10e: {  	v52 =	vmul.f32 v48, v48;
	v60 =	vld [tilespmem:s16+$0xC50];
	v29 =	vadd.f32 v59, v29;
	v32 =	vadd.f32 v47, v32  }
0x10f: {  	v61 =	vmul.f32 v56, v56;
	v59 =	vsub.f32 v10, v45;
	v47 =	vld [tilespmem:s16+$0xC30];
	v35 =	vsub.f32 v2, v44  }
0x110: {  	v58 =	vmul.f32 v53, v53;
	v53 =	vld [tilespmem:s16+$0xC90];
	v29 =	vadd.f32 v43, v29;
	v32 =	vadd.f32 v52, v32  }
0x111: {  	v62 =	vld [tilespmem:s16+$0xC60];
	v36 =	vmul.f32 v36, v36;
	v43 =	vsub.f32 v11, v51;
	v52 =	vsub.f32 v0, v57  }
0x112: {  	v56 =	vld [tilespmem:s16+$0xC40];
	v42 =	vmul.f32 v59, v59;
	v59 =	vsub.f32 v13, v63;
	v29 =	vadd.f32 v49, v29  }
0x113: {  	v51 =	vld [tilespmem:s16+$0xC80];
	v35 =	vmul.f32 v35, v35;
	v32 =	vadd.f32 v58, v32;
	v44 =	vsub.f32 v5, v60  }
0x114: {  	v63 =	vld [tilespmem:s16+$0xCC0];
	v57 =	vmul.f32 v52, v52;
	v52 =	vsub.f32 v7, v41;
	v30 =	vsub.f32 v3, v47  }
0x115: {  	v49 =	vmul.f32 v43, v43;
	v58 =	vld [tilespmem:s16+$0xCA0];
	v38 =	vsub.f32 v1, v53;
	v29 =	vadd.f32 v55, v29  }
0x116: {  	v31 =	vmul.f32 v59, v59;
	v48 =	vadd.f32 v42, v32;
	v33 =	vadd.f32 v36, v57  }
0x117: {  	v55 =	vmul.f32 v50, v50;
	v32 =	vsub.f32 v4, v56;
	v45 =	vadd.f32 v61, v29;
	v61 =	vld [tilespmem:s16+$0xCB0]  }
0x118: {  	v53 =	vld [tilespmem:s16+$0x1010];
	v34 =	vsub.f32 v0, v51;
	v30 =	vmul.f32 v30, v30;
	v54 =	vadd.f32 v49, v48  }
0x119: {  	v38 =	vmul.f32 v38, v38;
	v33 =	vadd.f32 v35, v33;
	v48 =	vsub.f32 v6, v62  }
0x11a: {  	v49 =	vld [tilespmem:s16+$0xCE0];
	v35 =	vsub.f32 v4, v63;
	v34 =	vmul.f32 v34, v34;
	v37 =	vsub.f32 v2, v58  }
0x11b: {  	v32 =	vmul.f32 v32, v32;
	v28 =	vadd.f32 v46, v45;
	v30 =	vadd.f32 v30, v33;
	v45 =	vld [tilespmem:s16+$0xCD0]  }
0x11c: {  	v50 =	vld [tilespmem:s16+$0xFE0];
	v34 =	vadd.f32 v38, v34;
	v37 =	vmul.f32 v37, v37;
	v36 =	vsub.f32 v3, v61  }
0x11d: {  	v47 =	vmul.f32 v44, v44;
	v63 =	vld [tilespmem:s16+$0x1030];
	v29 =	vadd.f32 v55, v54;
	v43 =	vsub.f32 v9, v53  }
0x11e: {  	v46 =	vld [tilespmem:s16+$0x1000];
	v30 =	vadd.f32 v32, v30;
	v34 =	vadd.f32 v37, v34;
	v36 =	vmul.f32 v36, v36  }
0x11f: {  	v56 =	vmul.f32 v52, v52;
	v55 =	vld [tilespmem:s16+$0xCF0];
	v29 =	vadd.f32 v31, v29;
	v60 =	vsub.f32 v6, v49  }
0x120: {  	v52 =	vld [tilespmem:s16+$0xFF0];
	v35 =	vmul.f32 v35, v35;
	v54 =	vsub.f32 v5, v45;
	v34 =	vadd.f32 v36, v34  }
0x121: {  	v51 =	vmul.f32 v48, v48;
	v61 =	vld [tilespmem:s16+$0x1080];
	v37 =	vsub.f32 v14, v50;
	v30 =	vadd.f32 v47, v30  }
0x122: {  	v58 =	vld [tilespmem:s16+$0x1020];
	v32 =	vsub.f32 v11, v63;
	v59 =	vmul.f32 v54, v54;
	v34 =	vadd.f32 v35, v34  }
0x123: {  	v33 =	vmul.f32 v43, v43;
	v57 =	vsub.f32 v8, v46;
	v45 =	vld [tilespmem:s16+$0x1090];
	v30 =	vadd.f32 v51, v30  }
0x124: {  	v47 =	vld [tilespmem:s16+$0x10A0];
	v44 =	vmul.f32 v60, v60;
	v39 =	vsub.f32 v7, v55;
	v34 =	vadd.f32 v59, v34  }
0x125: {  	v63 =	vsub.f32 v15, v52;
	v46 =	vld [tilespmem:s16+$0x1040];
	v62 =	vmul.f32 v57, v57;
	v30 =	vadd.f32 v56, v30  }
0x126: {  	(xrf2) =	vadd.scan.msk.f32 $0xffff, v16;
	v51 =	vld [tilespmem:s16+$0x10B0];
	v39 =	vmul.f32 v39, v39;
	v40 =	vsub.f32 v8, v61;
	v34 =	vadd.f32 v44, v34  }
0x127: {  	(xrf2) =	vadd.scan.msk.f32 $0xffff, v17;
	v49 =	vld [tilespmem:s16+$0x1050];
	v38 =	vsub.f32 v10, v58;
	v17 =	vmul.f32 v37, v37;
	v30 =	vadd.f32 v62, v30  }
0x128: {  	v54 =	vld [tilespmem:s16+$0x10C0];
	v50 =	vmul.f32 v40, v40;
	v36 =	vsub.f32 v9, v45;
	v34 =	vadd.f32 v39, v34  }
0x129: {  	v58 =	vld [tilespmem:s16+$0x10D0];
	v48 =	vmul.f32 v38, v38;
	v17 =	vadd.f32 v17, v29;
	v35 =	vsub.f32 v10, v47  }
0x12a: {  	v55 =	vld [tilespmem:s16+$0x1060];
	v30 =	vadd.f32 v33, v30;
	v53 =	vmul.f32 v36, v36;
	v16 =	vadd.f32 v50, v34  }
0x12b: {  	v32 =	vmul.f32 v32, v32;
	v31 =	vsub.f32 v12, v46;
	v62 =	vld [tilespmem:s16+$0x10E0];
	v60 =	vsub.f32 v11, v51  }
0x12c: {  	(xrf2) =	vadd.scan.msk.f32 $0xffff, v18;
	v57 =	vmul.f32 v35, v35;
	v59 =	vld [tilespmem:s16+$0x1070];
	v30 =	vadd.f32 v48, v30;
	v16 =	vadd.f32 v53, v16  }
0x12d: {  	(xrf2) =	vadd.scan.msk.f32 $0xffff, v19;
	v56 =	vsub.f32 v13, v49;
	v31 =	vmul.f32 v31, v31;
	v33 =	vsub.f32 v12, v54  }
0x12e: {  	(xrf2) =	vadd.scan.msk.f32 $0xffff, v20;
	v36 =	vld [tilespmem:s16+$0x10F0];
	v29 =	vmul.f32 v60, v60;
	v30 =	vadd.f32 v32, v30;
	v16 =	vadd.f32 v57, v16  }
0x12f: {  	(xrf2) =	vadd.scan.msk.f32 $0xffff, v21;
	v38 =	vsub.f32 v13, v58;
	v18 =	vmul.f32 v56, v56;
	v34 =	vsub.f32 v14, v55  }
0x130: {  	(xrf2) =	vadd.scan.msk.f32 $0xffff, v22;
	v37 =	vmul.f32 v33, v33;
	v61 =	vadd.f32 v31, v30;
	v16 =	vadd.f32 v29, v16  }
0x131: {  	(xrf2) =	vadd.scan.msk.f32 $0xffff, v23;
	v39 =	vmul.f32 v38, v38;
	v40 =	vsub.f32 v14, v62;
	v19 =	vsub.f32 v15, v59  }
0x132: {  	(xrf2) =	vadd.scan.msk.f32 $0xffff, v24;
	v20 =	vmul.f32 v34, v34;
	v18 =	vadd.f32 v18, v61;
	v16 =	vadd.f32 v37, v16  }
0x133: {  	(xrf2) =	vadd.scan.msk.f32 $0xffff, v25;
	v21 =	vmul.f32 v63, v63;
	v43 =	vmul.f32 v40, v40;
	v22 =	vsub.f32 v15, v36  }
0x134: {  	v41, _, _ =	vpop (xrf2);
	(xrf2) =	vadd.scan.msk.f32 $0xffff, v26;
	v19 =	vmul.f32 v19, v19;
	v18 =	vadd.f32 v20, v18;
	v16 =	vadd.f32 v39, v16  }
0x135: {  	v42, _, _ =	vpop (xrf2);
	(xrf2) =	vadd.scan.msk.f32 $0xffff, v27;
	v17 =	vadd.f32 v21, v17;
	v45 =	vbroadcast v41, $0xF;
	v47 =	vmul.f32 v22, v22  }
0x136: {  	v44, _, _ =	vpop (xrf2);
	(xrf2) =	vadd.scan.msk.f32 $0xffff, v28;
	v20 =	vbroadcast v42, $0xF;
	v18 =	vadd.f32 v19, v18;
	v16 =	vadd.f32 v43, v16  }
0x137: {  	v46, _, _ =	vpop (xrf2);
	(xrf2) =	vadd.scan.msk.f32 $0xffff, v17;
	v17 =	vbroadcast v44, $0xF  }
0x138: {  	v48, _, _ =	vpop (xrf2);
	v20 =	vsel vm0, v45, v20;
	v19 =	vbroadcast v46, $0xF;
	(xrf2) =	vadd.scan.msk.f32 $0xffff, v18;
	v16 =	vadd.f32 v47, v16  }
0x139: {  	v49, _, _ =	vpop (xrf2);
	v50 =	vbroadcast v48, $0xF;
	v17 =	vsel vm1, v20, v17  }
0x13a: {  	v51, _, _ =	vpop (xrf2);
	v17 =	vsel vm2, v17, v19;
	v18 =	vbroadcast v49, $0xF  }
0x13b: {  	v52 =	vbroadcast v51, $0xF;
	v53, _, _ =	vpop (xrf2);
	v17 =	vsel vm3, v17, v50  }
0x13c: {  	v54 =	vbroadcast v53, $0xF;
	v17 =	vsel vm4, v17, v18;
	(xrf2) =	vadd.scan.msk.f32 $0xffff, v16;
	v16, _, _ =	vpop (xrf2)  }
0x13d: {  	v17 =	vsel vm5, v17, v52;
	v55, _, _ =	vpop (xrf2);
	v16 =	vbroadcast v16, $0xF  }
0x13e: {  	v17 =	vsel vm6, v17, v54;
	v56, _, _ =	vpop (xrf2);
	v57 =	vbroadcast v55, $0xF  }
0x13f: {  	v58, _, _ =	vpop (xrf2);
	v16 =	vsel vm7, v17, v16;
	v17 =	vbroadcast v56, $0xF  }
0x140: {  	v59, _, _ =	vpop (xrf2);
	v16 =	vsel vm8, v16, v57;
	v60 =	vbroadcast v58, $0xF  }
0x141: {  	v61, _, _ =	vpop (xrf2);
	v16 =	vsel vm9, v16, v17;
	v17 =	vbroadcast v59, $0xF  }
0x142: {  	v62, _, _ =	vpop (xrf2);
	v16 =	vsel vm10, v16, v60  }
0x143: {  	v16 =	vsel vm11, v16, v17;
	v17 =	vbroadcast v62, $0xF  }
0x144: {  	p1 =	por p0, p0;
	v63 =	vbroadcast v61, $0xF  }
.Ltmp0:
0x145: {  	_ = 	snop;
	(pc) =	sbr.rel @p1 .LBB2_2-.Ltmp0, $4  }
0x146: {  	v16 =	vsel vm12, v16, v63  }
0x147: {  	s31 =	sshll.u32 s15, $0x4;
	v16 =	vsel vm13, v16, v17;
	v17, _, _ =	vpop (xrf2)  }
0x148: {  	s15 =	sand.u32 $0x3FFFFFF0, s31;
	v16 =	vsel vm14, v16, v17  }
0x149: {  	p0 =	por $0x0, $0x0;
	[tilespmem:s15+$0x4100] =	vst v16;
	s15 =	simm.s32 $0x1  }
0x14a: {  	_ =	swait.ge [sflag:s12], $0x2000  }
0x14b: {  	[sflag:s12] =	ssyncset.done $0x0  }
0x14c: {  	s15 =	simm.s32 $0x0;
	p0 =	por $0x1, $0x1;
	[sflag:s12] =	ssyncadd.s32 $0xFFFFE000  }
.LBB2_4:
0x14d: {  	s16 =	sshll.u32 s15, $0xC  }
0x14e: {  	s16 =	sand.u32 $0x3FFFF000, s16  }
0x14f: {  	v16 =	vld [tilespmem:s16+$0x2100]  }
0x150: {  	v17 =	vld [tilespmem:s16+$0x2110]  }
0x151: {  	v18 =	vld [tilespmem:s16+$0x2120]  }
0x152: {  	v19 =	vld [tilespmem:s16+$0x2130]  }
0x153: {  	v20 =	vld [tilespmem:s16+$0x2140]  }
0x154: {  	v21 =	vld [tilespmem:s16+$0x2150]  }
0x155: {  	v22 =	vld [tilespmem:s16+$0x2180]  }
0x156: {  	v46 =	vld [tilespmem:s16+$0x2190]  }
0x157: {  	v23 =	vld [tilespmem:s16+$0x2160]  }
0x158: {  	v48 =	vld [tilespmem:s16+$0x21A0]  }
0x159: {  	v24 =	vld [tilespmem:s16+$0x2170]  }
0x15a: {  	v50 =	vld [tilespmem:s16+$0x21B0]  }
0x15b: {  	v25 =	vld [tilespmem:s16+$0x2500]  }
0x15c: {  	v52 =	vld [tilespmem:s16+$0x21C0]  }
0x15d: {  	v26 =	vld [tilespmem:s16+$0x2510]  }
0x15e: {  	v54 =	vld [tilespmem:s16+$0x21D0];
	v16 =	vsub.f32 v0, v16;
	v17 =	vsub.f32 v1, v17  }
0x15f: {  	v27 =	vld [tilespmem:s16+$0x2520];
	v18 =	vsub.f32 v2, v18;
	v45 =	vsub.f32 v3, v19  }
0x160: {  	v56 =	vld [tilespmem:s16+$0x21E0];
	v47 =	vsub.f32 v4, v20;
	v49 =	vsub.f32 v5, v21  }
0x161: {  	v57 =	vld [tilespmem:s16+$0x2530];
	v22 =	vsub.f32 v0, v22;
	v19 =	vsub.f32 v1, v46  }
0x162: {  	v61 =	vld [tilespmem:s16+$0x21F0];
	v51 =	vsub.f32 v6, v23;
	v20 =	vsub.f32 v2, v48  }
0x163: {  	v62 =	vld [tilespmem:s16+$0x2540];
	v53 =	vsub.f32 v7, v24;
	v21 =	vsub.f32 v3, v50  }
0x164: {  	v33 =	vld [tilespmem:s16+$0x2550];
	v55 =	vsub.f32 v8, v25;
	v59 =	vsub.f32 v4, v52  }
0x165: {  	v42 =	vld [tilespmem:s16+$0x25A0];
	v60 =	vsub.f32 v9, v26;
	v30 =	vsub.f32 v5, v54  }
0x166: {  	v31 =	vsub.f32 v10, v27;
	v35 =	vsub.f32 v6, v56  }
0x167: {  	v32 =	vld [tilespmem:s16+$0x2580];
	v36 =	vsub.f32 v11, v57;
	v40 =	vsub.f32 v7, v61;
	v16 =	vmul.f32 v16, v16  }
0x168: {  	v41 =	vsub.f32 v12, v62;
	v50 =	vld [tilespmem:s16+$0x25C0];
	v17 =	vmul.f32 v17, v17;
	v22 =	vmul.f32 v22, v22  }
0x169: {  	v46 =	vsub.f32 v13, v33;
	v52 =	vld [tilespmem:s16+$0x2200];
	v19 =	vmul.f32 v19, v19;
	v20 =	vmul.f32 v20, v20  }
0x16a: {  	v37 =	vld [tilespmem:s16+$0x2590];
	v54 =	vsub.f32 v10, v42;
	v58 =	vmul.f32 v21, v21;
	v63 =	vmul.f32 v59, v59  }
0x16b: {  	v56 =	vld [tilespmem:s16+$0x25D0];
	v34 =	vmul.f32 v30, v30;
	v16 =	vadd.f32 v17, v16;
	v17 =	vmul.f32 v18, v18  }
0x16c: {  	v39 =	vmul.f32 v35, v35;
	v44 =	vmul.f32 v40, v40;
	v59 =	vld [tilespmem:s16+$0x2220];
	v19 =	vadd.f32 v19, v22  }
0x16d: {  	v30 =	vld [tilespmem:s16+$0x2620];
	v62 =	vsub.f32 v12, v50;
	v16 =	vadd.f32 v17, v16;
	v17 =	vmul.f32 v45, v45  }
0x16e: {  	v38 =	vld [tilespmem:s16+$0x2560];
	v57 =	vmul.f32 v54, v54;
	v25 =	vsub.f32 v0, v52;
	v19 =	vadd.f32 v20, v19  }
0x16f: {  	v45 =	vsub.f32 v8, v32;
	v32 =	vld [tilespmem:s16+$0x25F0];
	v16 =	vadd.f32 v17, v16;
	v17 =	vmul.f32 v47, v47  }
0x170: {  	v43 =	vld [tilespmem:s16+$0x2570];
	v18 =	vsub.f32 v13, v56;
	v33 =	vmul.f32 v62, v62;
	v19 =	vadd.f32 v58, v19  }
0x171: {  	v24 =	vsub.f32 v2, v59;
	v47 =	vld [tilespmem:s16+$0x25B0];
	v16 =	vadd.f32 v17, v16;
	v17 =	vmul.f32 v49, v49  }
0x172: {  	v25 =	vmul.f32 v25, v25;
	v62 =	vsub.f32 v10, v30;
	v19 =	vadd.f32 v63, v19;
	v63 =	vld [tilespmem:s16+$0x2230]  }
0x173: {  	v29 =	vld [tilespmem:s16+$0x2610];
	v49 =	vsub.f32 v9, v37;
	v16 =	vadd.f32 v17, v16;
	v17 =	vmul.f32 v51, v51  }
0x174: {  	v28 =	vld [tilespmem:s16+$0x2250];
	v18 =	vmul.f32 v18, v18;
	v42 =	vsub.f32 v15, v32;
	v19 =	vadd.f32 v34, v19  }
0x175: {  	v51 =	vsub.f32 v14, v38;
	v34 =	vld [tilespmem:s16+$0x2240];
	v16 =	vadd.f32 v17, v16;
	v17 =	vmul.f32 v53, v53  }
0x176: {  	v54 =	vld [tilespmem:s16+$0x22E0];
	v48 =	vmul.f32 v45, v45;
	v58 =	vsub.f32 v11, v47;
	v19 =	vadd.f32 v39, v19  }
0x177: {  	v22 =	vsub.f32 v3, v63;
	v16 =	vadd.f32 v17, v16;
	v17 =	vmul.f32 v55, v55;
	v55 =	vld [tilespmem:s16+$0x2210]  }
0x178: {  	v50 =	vld [tilespmem:s16+$0x22D0];
	v61 =	vmul.f32 v58, v58;
	v58 =	vsub.f32 v9, v29;
	v19 =	vadd.f32 v44, v19  }
0x179: {  	v59 =	vld [tilespmem:s16+$0x22F0];
	v44 =	vsub.f32 v5, v28;
	v16 =	vadd.f32 v17, v16;
	v17 =	vmul.f32 v60, v60  }
0x17a: {  	v53 =	vmul.f32 v49, v49;
	v21 =	vsub.f32 v4, v34;
	v19 =	vadd.f32 v48, v19;
	v60 =	vld [tilespmem:s16+$0x25E0]  }
0x17b: {  	v47 =	vmul.f32 v44, v44;
	v44 =	vld [tilespmem:s16+$0x26A0];
	v16 =	vadd.f32 v17, v16;
	v17 =	vmul.f32 v31, v31  }
0x17c: {  	v24 =	vmul.f32 v24, v24;
	v37 =	vld [tilespmem:s16+$0x2290];
	v19 =	vadd.f32 v53, v19;
	v23 =	vsub.f32 v1, v55  }
0x17d: {  	v45 =	vld [tilespmem:s16+$0x22B0];
	v22 =	vmul.f32 v22, v22;
	v16 =	vadd.f32 v17, v16;
	v17 =	vmul.f32 v36, v36  }
0x17e: {  	v21 =	vmul.f32 v21, v21;
	v55 =	vld [tilespmem:s16+$0x2630];
	v19 =	vadd.f32 v57, v19;
	v23 =	vmul.f32 v23, v23  }
0x17f: {  	v36 =	vld [tilespmem:s16+$0x2280];
	v35 =	vsub.f32 v14, v60;
	v16 =	vadd.f32 v17, v16;
	v17 =	vmul.f32 v41, v41  }
0x180: {  	v32 =	vld [tilespmem:s16+$0x2320];
	v19 =	vadd.f32 v61, v19;
	v61 =	vmul.f32 v58, v58;
	v58 =	vsub.f32 v10, v44  }
0x181: {  	v48 =	vld [tilespmem:s16+$0x22C0];
	v23 =	vadd.f32 v23, v25;
	v38 =	vmul.f32 v35, v35;
	v25 =	vsub.f32 v1, v37  }
0x182: {  	v41 =	vld [tilespmem:s16+$0x22A0];
	v35 =	vsub.f32 v6, v54;
	v16 =	vadd.f32 v17, v16;
	v17 =	vmul.f32 v46, v46  }
0x183: {  	v39 =	vld [tilespmem:s16+$0x2260];
	v19 =	vadd.f32 v33, v19;
	v37 =	vsub.f32 v11, v55;
	v30 =	vmul.f32 v58, v58  }
0x184: {  	v63 =	vld [tilespmem:s16+$0x2680];
	v40 =	vadd.f32 v24, v23;
	v26 =	vsub.f32 v0, v36;
	v25 =	vmul.f32 v25, v25  }
0x185: {  	v46 =	vld [tilespmem:s16+$0x2600];
	v24 =	vsub.f32 v5, v50;
	v36 =	vmul.f32 v62, v62;
	v16 =	vadd.f32 v17, v16  }
0x186: {  	v50 =	vld [tilespmem:s16+$0x26B0];
	v17 =	vmul.f32 v51, v51;
	v51 =	vsub.f32 v3, v45;
	v20 =	vadd.f32 v22, v40  }
0x187: {  	v60 =	vld [tilespmem:s16+$0x2640];
	v26 =	vmul.f32 v26, v26;
	v23 =	vsub.f32 v2, v41;
	v22 =	vsub.f32 v4, v48  }
0x188: {  	v44 =	vld [tilespmem:s16+$0x2390];
	v34 =	vmul.f32 v24, v24;
	v41 =	vsub.f32 v7, v59;
	v24 =	vsub.f32 v2, v32  }
0x189: {  	v33 =	vld [tilespmem:s16+$0x2650];
	v40 =	vmul.f32 v35, v35;
	v16 =	vadd.f32 v17, v16;
	v17 =	vsub.f32 v15, v43  }
0x18a: {  	v59 =	vld [tilespmem:s16+$0x2310];
	v20 =	vadd.f32 v21, v20;
	v25 =	vadd.f32 v25, v26;
	v23 =	vmul.f32 v23, v23  }
0x18b: {  	v43 =	vld [tilespmem:s16+$0x2270];
	v53 =	vsub.f32 v8, v46;
	v17 =	vmul.f32 v17, v17;
	v31 =	vsub.f32 v11, v50  }
0x18c: {  	v62 =	vld [tilespmem:s16+$0x26D0];
	v56 =	vmul.f32 v51, v51;
	v20 =	vadd.f32 v47, v20;
	v23 =	vadd.f32 v23, v25  }
0x18d: {  	v45 =	vld [tilespmem:s16+$0x2670];
	v22 =	vmul.f32 v22, v22;
	v47 =	vsub.f32 v8, v63;
	v16 =	vadd.f32 v17, v16  }
0x18e: {  	v32 =	vld [tilespmem:s16+$0x2720];
	v46 =	vmul.f32 v41, v41;
	v17 =	vadd.f32 v18, v19;
	v19 =	vsub.f32 v6, v39  }
0x18f: {  	v18 =	vmul.f32 v42, v42;
	v39 =	vld [tilespmem:s16+$0x2660];
	v26 =	vsub.f32 v1, v59;
	v23 =	vadd.f32 v56, v23  }
0x190: {  	v42 =	vmul.f32 v37, v37;
	v37 =	vld [tilespmem:s16+$0x2330];
	v49 =	vsub.f32 v7, v43;
	v43 =	vsub.f32 v12, v60  }
0x191: {  	v56 =	vld [tilespmem:s16+$0x2300];
	v17 =	vadd.f32 v38, v17;
	v19 =	vmul.f32 v19, v19;
	v22 =	vadd.f32 v22, v23  }
0x192: {  	v38 =	vld [tilespmem:s16+$0x2690];
	v52 =	vmul.f32 v49, v49;
	v49 =	vsub.f32 v13, v33;
	v33 =	vsub.f32 v15, v45  }
0x193: {  	v48 =	vmul.f32 v43, v43;
	v43 =	vld [tilespmem:s16+$0x2380];
	v19 =	vadd.f32 v19, v20;
	v17 =	vadd.f32 v18, v17  }
0x194: {  	v41 =	vld [tilespmem:s16+$0x2350];
	v24 =	vmul.f32 v24, v24;
	v20 =	vsub.f32 v13, v62;
	v22 =	vadd.f32 v34, v22  }
0x195: {  	v50 =	vld [tilespmem:s16+$0x23A0];
	v57 =	vmul.f32 v53, v53;
	v55 =	vsub.f32 v14, v39;
	v19 =	vadd.f32 v52, v19  }
0x196: {  	v53 =	vld [tilespmem:s16+$0x26C0];
	v35 =	vmul.f32 v31, v31;
	v28 =	vsub.f32 v0, v56;
	v22 =	vadd.f32 v40, v22  }
0x197: {  	v26 =	vmul.f32 v26, v26;
	v52 =	vsub.f32 v9, v38;
	v38 =	vld [tilespmem:s16+$0x26F0];
	v19 =	vadd.f32 v57, v19  }
0x198: {  	v27 =	vsub.f32 v3, v37;
	v40 =	vld [tilespmem:s16+$0x2340];
	v28 =	vmul.f32 v28, v28;
	v25 =	vsub.f32 v0, v43  }
0x199: {  	v31 =	vld [tilespmem:s16+$0x2710];
	v51 =	vmul.f32 v47, v47;
	v22 =	vadd.f32 v46, v22;
	v19 =	vadd.f32 v61, v19  }
0x19a: {  	v54 =	vmul.f32 v49, v49;
	v34 =	vld [tilespmem:s16+$0x26E0];
	v26 =	vadd.f32 v26, v28;
	v28 =	vsub.f32 v1, v44  }
0x19b: {  	v57 =	vmul.f32 v52, v52;
	v52 =	vld [tilespmem:s16+$0x2370];
	v44 =	vsub.f32 v10, v32;
	v22 =	vadd.f32 v51, v22  }
0x19c: {  	v61 =	vmul.f32 v55, v55;
	v55 =	vld [tilespmem:s16+$0x2700];
	v19 =	vadd.f32 v36, v19;
	v36 =	vsub.f32 v12, v53  }
0x19d: {  	v59 =	vld [tilespmem:s16+$0x23D0];
	v25 =	vmul.f32 v25, v25;
	v23 =	vsub.f32 v4, v40;
	v51 =	vsub.f32 v15, v38  }
0x19e: {  	v47 =	vld [tilespmem:s16+$0x2360];
	v53 =	vsub.f32 v5, v41;
	v28 =	vmul.f32 v28, v28;
	v63 =	vadd.f32 v57, v22  }
0x19f: {  	v20 =	vmul.f32 v20, v20;
	v40 =	vld [tilespmem:s16+$0x23F0];
	v19 =	vadd.f32 v42, v19;
	v42 =	vsub.f32 v14, v34  }
0x1a0: {  	v49 =	vmul.f32 v27, v27;
	v57 =	vld [tilespmem:s16+$0x23C0];
	v58 =	vsub.f32 v7, v52;
	v25 =	vadd.f32 v28, v25  }
0x1a1: {  	v41 =	vld [tilespmem:s16+$0x2740];
	v39 =	vmul.f32 v36, v36;
	v21 =	vadd.f32 v30, v63;
	v62 =	vsub.f32 v8, v55  }
0x1a2: {  	v23 =	vmul.f32 v23, v23;
	v36 =	vld [tilespmem:s16+$0x2730];
	v19 =	vadd.f32 v48, v19;
	v48 =	vadd.f32 v24, v26  }
0x1a3: {  	v52 =	vld [tilespmem:s16+$0x2760];
	v46 =	vmul.f32 v42, v42;
	v26 =	vsub.f32 v2, v50;
	v42 =	vsub.f32 v5, v59  }
0x1a4: {  	v56 =	vmul.f32 v53, v53;
	v63 =	vld [tilespmem:s16+$0x23E0];
	v21 =	vadd.f32 v35, v21;
	v60 =	vadd.f32 v54, v19  }
0x1a5: {  	v38 =	vmul.f32 v62, v62;
	v35 =	vld [tilespmem:s16+$0x27C0];
	v22 =	vadd.f32 v49, v48;
	v24 =	vsub.f32 v4, v57  }
0x1a6: {  	v54 =	vld [tilespmem:s16+$0x23B0];
	v26 =	vmul.f32 v26, v26;
	v21 =	vadd.f32 v39, v21;
	v39 =	vsub.f32 v9, v31  }
0x1a7: {  	v19 =	vmul.f32 v33, v33;
	v57 =	vld [tilespmem:s16+$0x27A0];
	v50 =	vsub.f32 v11, v36;
	v18 =	vadd.f32 v61, v60  }
0x1a8: {  	v49 =	vmul.f32 v44, v44;
	v44 =	vld [tilespmem:s16+$0x27D0];
	v22 =	vadd.f32 v23, v22;
	v25 =	vadd.f32 v26, v25  }
0x1a9: {  	v61 =	vmul.f32 v58, v58;
	v48 =	vsub.f32 v6, v63;
	v58 =	vld [tilespmem:s16+$0x2770];
	v45 =	vadd.f32 v20, v21  }
0x1aa: {  	v20 =	vmul.f32 v51, v51;
	v21 =	vsub.f32 v6, v47;
	v51 =	vld [tilespmem:s16+$0x2790];
	v18 =	vadd.f32 v19, v18  }
0x1ab: {  	v22 =	vadd.f32 v56, v22;
	v53 =	vmul.f32 v48, v48;
	v56 =	vsub.f32 v12, v41;
	v41 =	vld [tilespmem:s16+$0x2410]  }
0x1ac: {  	v48 =	vld [tilespmem:s16+$0x2420];
	v19 =	vadd.f32 v46, v45;
	v21 =	vmul.f32 v21, v21;
	v60 =	vsub.f32 v3, v54  }
0x1ad: {  	v24 =	vmul.f32 v24, v24;
	v45 =	vld [tilespmem:s16+$0x2780];
	v54 =	vsub.f32 v7, v40;
	v40 =	vsub.f32 v10, v57  }
0x1ae: {  	v46 =	vld [tilespmem:s16+$0x2750];
	v21 =	vadd.f32 v21, v22;
	v37 =	vmul.f32 v60, v60;
	v19 =	vadd.f32 v20, v19  }
0x1af: {  	v63 =	vld [tilespmem:s16+$0x27B0];
	v43 =	vmul.f32 v39, v39;
	v22 =	vsub.f32 v13, v44;
	v34 =	vsub.f32 v9, v51  }
0x1b0: {  	v47 =	vmul.f32 v42, v42;
	v57 =	vld [tilespmem:s16+$0x2450];
	v21 =	vadd.f32 v61, v21;
	v25 =	vadd.f32 v37, v25  }
0x1b1: {  	v55 =	vmul.f32 v50, v50;
	v50 =	vld [tilespmem:s16+$0x27E0];
	v37 =	vsub.f32 v14, v52;
	v52 =	vsub.f32 v12, v35  }
0x1b2: {  	v61 =	vmul.f32 v56, v56;
	v28 =	vsub.f32 v1, v41;
	v56 =	vld [tilespmem:s16+$0x2440];
	v26 =	vsub.f32 v2, v48  }
0x1b3: {  	v59 =	vmul.f32 v54, v54;
	v54 =	vld [tilespmem:s16+$0x27F0];
	v60 =	vsub.f32 v8, v45;
	v62 =	vsub.f32 v13, v46  }
0x1b4: {  	v22 =	vmul.f32 v22, v22;
	v21 =	vadd.f32 v38, v21;
	v24 =	vadd.f32 v24, v25;
	v38 =	vld [tilespmem:s16+$0x2400]  }
0x1b5: {  	v44 =	vld [tilespmem:s16+$0x24C0];
	v39 =	vmul.f32 v34, v34;
	v46 =	vmul.f32 v40, v40;
	v40 =	vsub.f32 v5, v57  }
0x1b6: {  	v41 =	vld [tilespmem:s16+$0x24B0];
	v28 =	vmul.f32 v28, v28;
	v21 =	vadd.f32 v43, v21;
	v24 =	vadd.f32 v47, v24  }
0x1b7: {  	v34 =	vld [tilespmem:s16+$0x2820];
	v26 =	vmul.f32 v26, v26;
	v47 =	vsub.f32 v11, v63;
	v25 =	vsub.f32 v4, v56  }
0x1b8: {  	v33 =	vmul.f32 v60, v60;
	v60 =	vld [tilespmem:s16+$0x2490];
	v21 =	vadd.f32 v49, v21;
	v24 =	vadd.f32 v53, v24  }
0x1b9: {  	v36 =	vmul.f32 v62, v62;
	v49 =	vsub.f32 v15, v58;
	v53 =	vld [tilespmem:s16+$0x2430];
	v30 =	vsub.f32 v0, v38  }
0x1ba: {  	v63 =	vld [tilespmem:s16+$0x2460];
	v51 =	vmul.f32 v47, v47;
	v58 =	vsub.f32 v14, v50;
	v21 =	vadd.f32 v55, v21  }
0x1bb: {  	v47 =	vsub.f32 v3, v41;
	v24 =	vadd.f32 v59, v24;
	v59 =	vld [tilespmem:s16+$0x2480];
	v30 =	vmul.f32 v30, v30  }
0x1bc: {  	v43 =	vmul.f32 v37, v37;
	v37 =	vld [tilespmem:s16+$0x24A0];
	v38 =	vsub.f32 v15, v54;
	v21 =	vadd.f32 v61, v21  }
0x1bd: {  	v56 =	vld [tilespmem:s16+$0x2840];
	v25 =	vmul.f32 v25, v25;
	v24 =	vadd.f32 v33, v24;
	v28 =	vadd.f32 v28, v30  }
0x1be: {  	v50 =	vld [tilespmem:s16+$0x24E0];
	v55 =	vmul.f32 v52, v52;
	v29 =	vsub.f32 v3, v53;
	v30 =	vsub.f32 v1, v60  }
0x1bf: {  	v62 =	vmul.f32 v58, v58;
	v33 =	vld [tilespmem:s16+$0x2810];
	v42 =	vadd.f32 v36, v21;
	v45 =	vadd.f32 v39, v24  }
0x1c0: {  	v52 =	vmul.f32 v47, v47;
	v60 =	vld [tilespmem:s16+$0x2880];
	v35 =	vadd.f32 v26, v28;
	v27 =	vsub.f32 v0, v59  }
0x1c1: {  	v39 =	vld [tilespmem:s16+$0x2470];
	v36 =	vmul.f32 v29, v29;
	v28 =	vsub.f32 v2, v37;
	v26 =	vsub.f32 v4, v44  }
0x1c2: {  	v21 =	vmul.f32 v49, v49;
	v59 =	vsub.f32 v10, v34;
	v44 =	vld [tilespmem:s16+$0x28A0];
	v23 =	vadd.f32 v46, v45  }
0x1c3: {  	v30 =	vmul.f32 v30, v30;
	v20 =	vadd.f32 v43, v42;
	v42 =	vld [tilespmem:s16+$0x2800];
	v24 =	vadd.f32 v36, v35  }
0x1c4: {  	v46 =	vld [tilespmem:s16+$0x24D0];
	v27 =	vmul.f32 v27, v27;
	v54 =	vsub.f32 v9, v33;
	v23 =	vadd.f32 v51, v23  }
0x1c5: {  	v36 =	vmul.f32 v59, v59;
	v59 =	vld [tilespmem:s16+$0x2910];
	v20 =	vadd.f32 v21, v20;
	v47 =	vsub.f32 v8, v60  }
0x1c6: {  	v43 =	vmul.f32 v40, v40;
	v51 =	vld [tilespmem:s16+$0x2830];
	v24 =	vadd.f32 v25, v24;
	v45 =	vsub.f32 v7, v39  }
0x1c7: {  	v28 =	vmul.f32 v28, v28;
	v27 =	vadd.f32 v30, v27;
	v39 =	vld [tilespmem:s16+$0x2860];
	v23 =	vadd.f32 v55, v23  }
0x1c8: {  	v26 =	vmul.f32 v26, v26;
	v55 =	vld [tilespmem:s16+$0x24F0];
	v24 =	vadd.f32 v43, v24;
	v49 =	vsub.f32 v8, v42  }
0x1c9: {  	v48 =	vmul.f32 v45, v45;
	v27 =	vadd.f32 v28, v27;
	v57 =	vsub.f32 v5, v46;
	v45 =	vld [tilespmem:s16+$0x2870]  }
0x1ca: {  	v58 =	vmul.f32 v54, v54;
	v43 =	vsub.f32 v12, v56;
	v56 =	vld [tilespmem:s16+$0x2900];
	v61 =	vadd.f32 v22, v23  }
0x1cb: {  	v22 =	vmul.f32 v38, v38;
	v23 =	vsub.f32 v6, v63;
	v63 =	vsub.f32 v6, v50;
	v38 =	vld [tilespmem:s16+$0x2890]  }
0x1cc: {  	v50 =	vld [tilespmem:s16+$0x28B0];
	v30 =	vsub.f32 v1, v59;
	v53 =	vmul.f32 v49, v49;
	v27 =	vadd.f32 v52, v27  }
0x1cd: {  	v59 =	vld [tilespmem:s16+$0x2D00];
	v37 =	vsub.f32 v11, v51;
	v51 =	vmul.f32 v47, v47;
	v21 =	vadd.f32 v62, v61  }
0x1ce: {  	v47 =	vld [tilespmem:s16+$0x2980];
	v23 =	vmul.f32 v23, v23;
	v62 =	vmul.f32 v57, v57;
	v26 =	vadd.f32 v26, v27  }
0x1cf: {  	v61 =	vld [tilespmem:s16+$0x2850];
	v40 =	vmul.f32 v63, v63;
	v41 =	vsub.f32 v7, v55;
	v55 =	vsub.f32 v14, v39  }
0x1d0: {  	v42 =	vmul.f32 v37, v37;
	v23 =	vadd.f32 v23, v24;
	v37 =	vsub.f32 v15, v45;
	v45 =	vld [tilespmem:s16+$0x2950]  }
0x1d1: {  	v30 =	vmul.f32 v30, v30;
	v21 =	vadd.f32 v22, v21;
	v32 =	vsub.f32 v0, v56;
	v56 =	vld [tilespmem:s16+$0x2970]  }
0x1d2: {  	v26 =	vadd.f32 v62, v26;
	v46 =	vmul.f32 v41, v41;
	v52 =	vsub.f32 v9, v38;
	v62 =	vld [tilespmem:s16+$0x28D0]  }
0x1d3: {  	v35 =	vsub.f32 v11, v50;
	v41 =	vld [tilespmem:s16+$0x2930];
	v23 =	vadd.f32 v48, v23;
	v48 =	vmul.f32 v43, v43  }
0x1d4: {  	v38 =	vld [tilespmem:s16+$0x28E0];
	v32 =	vmul.f32 v32, v32;
	v29 =	vsub.f32 v0, v47;
	v26 =	vadd.f32 v40, v26  }
0x1d5: {  	v49 =	vsub.f32 v13, v61;
	v39 =	vmul.f32 v35, v35;
	v35 =	vld [tilespmem:s16+$0x2D10];
	v23 =	vadd.f32 v53, v23  }
0x1d6: {  	v57 =	vmul.f32 v52, v52;
	v53 =	vld [tilespmem:s16+$0x28C0];
	v30 =	vadd.f32 v30, v32;
	v26 =	vadd.f32 v46, v26  }
0x1d7: {  	v61 =	vmul.f32 v55, v55;
	v23 =	vadd.f32 v58, v23;
	v58 =	vsub.f32 v10, v44;
	v44 =	vld [tilespmem:s16+$0x2940]  }
0x1d8: {  	v29 =	vmul.f32 v29, v29;
	v24 =	vsub.f32 v13, v62;
	v31 =	vsub.f32 v3, v41;
	v41 =	vld [tilespmem:s16+$0x2D30]  }
0x1d9: {  	v54 =	vmul.f32 v49, v49;
	v46 =	vsub.f32 v14, v38;
	v26 =	vadd.f32 v51, v26;
	v51 =	vld [tilespmem:s16+$0x2960]  }
0x1da: {  	v62 =	vsub.f32 v7, v56;
	v23 =	vadd.f32 v36, v23;
	v34 =	vmul.f32 v58, v58;
	v36 =	vld [tilespmem:s16+$0x2920]  }
0x1db: {  	v24 =	vmul.f32 v24, v24;
	v58 =	vld [tilespmem:s16+$0x29B0];
	v63 =	vadd.f32 v57, v26;
	v40 =	vsub.f32 v12, v53  }
0x1dc: {  	v50 =	vmul.f32 v46, v46;
	v57 =	vsub.f32 v5, v45;
	v45 =	vld [tilespmem:s16+$0x29F0];
	v23 =	vadd.f32 v42, v23  }
0x1dd: {  	v38 =	vmul.f32 v62, v62;
	v42 =	vld [tilespmem:s16+$0x28F0];
	v25 =	vadd.f32 v34, v63;
	v27 =	vsub.f32 v4, v44  }
0x1de: {  	v53 =	vmul.f32 v31, v31;
	v63 =	vld [tilespmem:s16+$0x29D0];
	v44 =	vsub.f32 v9, v35;
	v23 =	vadd.f32 v48, v23  }
0x1df: {  	v46 =	vld [tilespmem:s16+$0x2D40];
	v43 =	vmul.f32 v40, v40;
	v25 =	vadd.f32 v39, v25;
	v28 =	vsub.f32 v2, v36  }
0x1e0: {  	v48 =	vld [tilespmem:s16+$0x2990];
	v27 =	vmul.f32 v27, v27;
	v39 =	vsub.f32 v8, v59;
	v60 =	vadd.f32 v54, v23  }
0x1e1: {  	v62 =	vld [tilespmem:s16+$0x2DA0];
	v23 =	vmul.f32 v37, v37;
	v37 =	vsub.f32 v3, v58;
	v59 =	vsub.f32 v7, v45  }
0x1e2: {  	v36 =	vld [tilespmem:s16+$0x2D20];
	v25 =	vadd.f32 v43, v25;
	v28 =	vmul.f32 v28, v28;
	v55 =	vsub.f32 v15, v42  }
0x1e3: {  	v54 =	vld [tilespmem:s16+$0x29A0];
	v43 =	vmul.f32 v39, v39;
	v22 =	vadd.f32 v61, v60;
	v47 =	vsub.f32 v5, v63  }
0x1e4: {  	v40 =	vld [tilespmem:s16+$0x29E0];
	v60 =	vmul.f32 v57, v57;
	v49 =	vadd.f32 v24, v25;
	v52 =	vadd.f32 v28, v30  }
0x1e5: {  	v61 =	vld [tilespmem:s16+$0x29C0];
	v42 =	vmul.f32 v37, v37;
	v32 =	vsub.f32 v1, v48;
	v25 =	vsub.f32 v6, v51  }
0x1e6: {  	v57 =	vld [tilespmem:s16+$0x2D60];
	v24 =	vmul.f32 v55, v55;
	v55 =	vsub.f32 v11, v41;
	v22 =	vadd.f32 v23, v22  }
0x1e7: {  	v48 =	vmul.f32 v44, v44;
	v51 =	vld [tilespmem:s16+$0x2D50];
	v23 =	vadd.f32 v50, v49;
	v26 =	vadd.f32 v53, v52  }
0x1e8: {  	v44 =	vld [tilespmem:s16+$0x2DC0];
	v32 =	vmul.f32 v32, v32;
	v30 =	vsub.f32 v2, v54;
	v49 =	vsub.f32 v10, v36  }
0x1e9: {  	v50 =	vld [tilespmem:s16+$0x2D80];
	v52 =	vmul.f32 v47, v47;
	v53 =	vsub.f32 v6, v40;
	v26 =	vadd.f32 v27, v26  }
0x1ea: {  	v47 =	vld [tilespmem:s16+$0x2A00];
	v29 =	vadd.f32 v32, v29;
	v30 =	vmul.f32 v30, v30;
	v28 =	vsub.f32 v4, v61  }
0x1eb: {  	v58 =	vmul.f32 v53, v53;
	v61 =	vsub.f32 v12, v46;
	v46 =	vsub.f32 v14, v57;
	v53 =	vld [tilespmem:s16+$0x2DD0]  }
0x1ec: {  	v54 =	vmul.f32 v49, v49;
	v49 =	vsub.f32 v10, v62;
	v23 =	vadd.f32 v24, v23;
	v57 =	vld [tilespmem:s16+$0x2A20]  }
0x1ed: {  	v25 =	vmul.f32 v25, v25;
	v62 =	vld [tilespmem:s16+$0x2A30];
	v40 =	vsub.f32 v13, v51;
	v26 =	vadd.f32 v60, v26  }
0x1ee: {  	v29 =	vadd.f32 v30, v29;
	v39 =	vmul.f32 v61, v61;
	v61 =	vsub.f32 v12, v44;
	v44 =	vld [tilespmem:s16+$0x2A80]  }
0x1ef: {  	v56 =	vld [tilespmem:s16+$0x2D90];
	v37 =	vmul.f32 v59, v59;
	v34 =	vsub.f32 v0, v47;
	v25 =	vadd.f32 v25, v26  }
0x1f0: {  	v41 =	vld [tilespmem:s16+$0x2DB0];
	v28 =	vmul.f32 v28, v28;
	v29 =	vadd.f32 v42, v29;
	v26 =	vsub.f32 v13, v53  }
0x1f1: {  	v63 =	vld [tilespmem:s16+$0x2D70];
	v60 =	vmul.f32 v55, v55;
	v30 =	vsub.f32 v2, v57;
	v25 =	vadd.f32 v38, v25  }
0x1f2: {  	v55 =	vmul.f32 v49, v49;
	v28 =	vadd.f32 v28, v29;
	v38 =	vsub.f32 v8, v50;
	v50 =	vld [tilespmem:s16+$0x2A10]  }
0x1f3: {  	v59 =	vld [tilespmem:s16+$0x2DE0];
	v45 =	vmul.f32 v40, v40;
	v33 =	vsub.f32 v3, v62;
	v31 =	vsub.f32 v0, v44  }
0x1f4: {  	v40 =	vmul.f32 v61, v61;
	v53 =	vld [tilespmem:s16+$0x2A70];
	v25 =	vadd.f32 v43, v25;
	v28 =	vadd.f32 v52, v28  }
0x1f5: {  	v34 =	vmul.f32 v34, v34;
	v43 =	vsub.f32 v9, v56;
	v56 =	vsub.f32 v11, v41  }
0x1f6: {  	v26 =	vmul.f32 v26, v26;
	v41 =	vld [tilespmem:s16+$0x2A40];
	v25 =	vadd.f32 v48, v25;
	v28 =	vadd.f32 v58, v28  }
0x1f7: {  	v42 =	vmul.f32 v38, v38;
	v38 =	vld [tilespmem:s16+$0x2E20];
	v58 =	vsub.f32 v15, v63;
	v32 =	vsub.f32 v1, v50  }
0x1f8: {  	v48 =	vmul.f32 v43, v43;
	v25 =	vadd.f32 v54, v25;
	v28 =	vadd.f32 v37, v28;
	v37 =	vld [tilespmem:s16+$0x2E10]  }
0x1f9: {  	v63 =	vld [tilespmem:s16+$0x2DF0];
	v43 =	vsub.f32 v14, v59;
	v59 =	vsub.f32 v7, v53;
	v32 =	vmul.f32 v32, v32  }
0x1fa: {  	v30 =	vmul.f32 v30, v30;
	v25 =	vadd.f32 v60, v25;
	v28 =	vadd.f32 v42, v28;
	v42 =	vld [tilespmem:s16+$0x2A50]  }
0x1fb: {  	v52 =	vmul.f32 v46, v46;
	v29 =	vsub.f32 v4, v41;
	v41 =	vld [tilespmem:s16+$0x2E30];
	v32 =	vadd.f32 v32, v34  }
0x1fc: {  	v60 =	vmul.f32 v56, v56;
	v56 =	vld [tilespmem:s16+$0x2E00];
	v25 =	vadd.f32 v39, v25;
	v54 =	vadd.f32 v48, v28  }
0x1fd: {  	v50 =	vmul.f32 v33, v33;
	v48 =	vld [tilespmem:s16+$0x2A60];
	v49 =	vadd.f32 v30, v32;
	v44 =	vsub.f32 v9, v37  }
0x1fe: {  	v31 =	vmul.f32 v31, v31;
	v51 =	vadd.f32 v45, v25;
	v27 =	vadd.f32 v55, v54;
	v45 =	vld [tilespmem:s16+$0x2A90]  }
0x1ff: {  	v29 =	vmul.f32 v29, v29;
	v55 =	vld [tilespmem:s16+$0x2AB0];
	v28 =	vadd.f32 v50, v49;
	v54 =	vsub.f32 v5, v42  }
0x200: {  	v25 =	vmul.f32 v58, v58;
	v58 =	vld [tilespmem:s16+$0x2AC0];
	v49 =	vsub.f32 v10, v38;
	v24 =	vadd.f32 v52, v51  }
0x201: {  	v47 =	vmul.f32 v43, v43;
	v50 =	vld [tilespmem:s16+$0x2E80];
	v27 =	vadd.f32 v60, v27;
	v52 =	vsub.f32 v15, v63  }
0x202: {  	v51 =	vld [tilespmem:s16+$0x2AA0];
	v63 =	vsub.f32 v8, v56;
	v28 =	vadd.f32 v29, v28;
	v57 =	vmul.f32 v54, v54  }
0x203: {  	v62 =	vmul.f32 v59, v59;
	v60 =	vld [tilespmem:s16+$0x2AD0];
	v27 =	vadd.f32 v40, v27;
	v24 =	vadd.f32 v25, v24  }
0x204: {  	v56 =	vld [tilespmem:s16+$0x2E90];
	v54 =	vmul.f32 v49, v49;
	v34 =	vsub.f32 v1, v45;
	v28 =	vadd.f32 v57, v28  }
0x205: {  	v40 =	vld [tilespmem:s16+$0x2AE0];
	v43 =	vmul.f32 v63, v63;
	v61 =	vsub.f32 v3, v55;
	v30 =	vsub.f32 v4, v58  }
0x206: {  	v45 =	vld [tilespmem:s16+$0x2AF0];
	v55 =	vsub.f32 v11, v41;
	v46 =	vadd.f32 v26, v27;
	v26 =	vmul.f32 v52, v52  }
0x207: {  	v57 =	vld [tilespmem:s16+$0x2E60];
	v27 =	vsub.f32 v6, v48;
	v48 =	vmul.f32 v44, v44;
	v41 =	vsub.f32 v8, v50  }
0x208: {  	v50 =	vld [tilespmem:s16+$0x2B00];
	v34 =	vmul.f32 v34, v34;
	v32 =	vsub.f32 v2, v51;
	v42 =	vmul.f32 v61, v61  }
0x209: {  	v44 =	vld [tilespmem:s16+$0x2EB0];
	v25 =	vadd.f32 v47, v46;
	v27 =	vmul.f32 v27, v27;
	v47 =	vsub.f32 v5, v60  }
0x20a: {  	v30 =	vmul.f32 v30, v30;
	v46 =	vld [tilespmem:s16+$0x2E40];
	v31 =	vadd.f32 v34, v31;
	v53 =	vsub.f32 v6, v40  }
0x20b: {  	v63 =	vld [tilespmem:s16+$0x2E70];
	v32 =	vmul.f32 v32, v32;
	v27 =	vadd.f32 v27, v28;
	v59 =	vsub.f32 v7, v45  }
0x20c: {  	v51 =	vld [tilespmem:s16+$0x2E50];
	v45 =	vmul.f32 v41, v41;
	v49 =	vsub.f32 v14, v57;
	v25 =	vadd.f32 v26, v25  }
0x20d: {  	v41 =	vld [tilespmem:s16+$0x2B30];
	v31 =	vadd.f32 v32, v31;
	v58 =	vmul.f32 v53, v53;
	v36 =	vsub.f32 v0, v50  }
0x20e: {  	v53 =	vld [tilespmem:s16+$0x2B10];
	v27 =	vadd.f32 v62, v27;
	v40 =	vmul.f32 v59, v59;
	v59 =	vsub.f32 v11, v44  }
0x20f: {  	v60 =	vmul.f32 v55, v55;
	v62 =	vld [tilespmem:s16+$0x2EA0];
	v31 =	vadd.f32 v42, v31;
	v61 =	vsub.f32 v12, v46  }
0x210: {  	v52 =	vmul.f32 v47, v47;
	v44 =	vld [tilespmem:s16+$0x2B40];
	v46 =	vsub.f32 v9, v56;
	v27 =	vadd.f32 v43, v27  }
0x211: {  	v55 =	vmul.f32 v49, v49;
	v56 =	vld [tilespmem:s16+$0x2ED0];
	v43 =	vsub.f32 v13, v51;
	v30 =	vadd.f32 v30, v31  }
0x212: {  	v39 =	vld [tilespmem:s16+$0x2F10];
	v42 =	vmul.f32 v61, v61;
	v61 =	vsub.f32 v15, v63;
	v35 =	vsub.f32 v3, v41  }
0x213: {  	v47 =	vld [tilespmem:s16+$0x2EC0];
	v36 =	vmul.f32 v36, v36;
	v27 =	vadd.f32 v48, v27;
	v34 =	vsub.f32 v1, v53  }
0x214: {  	v63 =	vmul.f32 v59, v59;
	v59 =	vld [tilespmem:s16+$0x2F00];
	v30 =	vadd.f32 v52, v30;
	v52 =	vsub.f32 v10, v62  }
0x215: {  	v62 =	vld [tilespmem:s16+$0x2EE0];
	v31 =	vsub.f32 v4, v44;
	v27 =	vadd.f32 v54, v27;
	v34 =	vmul.f32 v34, v34  }
0x216: {  	v51 =	vmul.f32 v46, v46;
	v28 =	vsub.f32 v13, v56;
	v56 =	vld [tilespmem:s16+$0x2B70];
	v30 =	vadd.f32 v58, v30  }
0x217: {  	v48 =	vmul.f32 v43, v43;
	v27 =	vadd.f32 v60, v27;
	v60 =	vld [tilespmem:s16+$0x2B20];
	v34 =	vadd.f32 v34, v36  }
0x218: {  	v53 =	vmul.f32 v35, v35;
	v30 =	vadd.f32 v40, v30;
	v40 =	vsub.f32 v12, v47;
	v47 =	vld [tilespmem:s16+$0x2B80]  }
0x219: {  	v58 =	vmul.f32 v52, v52;
	v44 =	vsub.f32 v8, v59;
	v27 =	vadd.f32 v42, v27;
	v42 =	vld [tilespmem:s16+$0x2EF0]  }
0x21a: {  	v31 =	vmul.f32 v31, v31;
	v46 =	vsub.f32 v14, v62;
	v30 =	vadd.f32 v45, v30;
	v45 =	vld [tilespmem:s16+$0x2B50]  }
0x21b: {  	v28 =	vmul.f32 v28, v28;
	v62 =	vsub.f32 v7, v56;
	v54 =	vadd.f32 v48, v27;
	v48 =	vld [tilespmem:s16+$0x2B90]  }
0x21c: {  	v27 =	vmul.f32 v61, v61;
	v61 =	vld [tilespmem:s16+$0x2BC0];
	v57 =	vadd.f32 v51, v30;
	v32 =	vsub.f32 v2, v60  }
0x21d: {  	v43 =	vmul.f32 v40, v40;
	v40 =	vld [tilespmem:s16+$0x2F20];
	v26 =	vadd.f32 v55, v54;
	v33 =	vsub.f32 v0, v47  }
0x21e: {  	v54 =	vld [tilespmem:s16+$0x2BA0];
	v29 =	vadd.f32 v58, v57;
	v32 =	vmul.f32 v32, v32;
	v55 =	vsub.f32 v15, v42  }
0x21f: {  	v50 =	vmul.f32 v46, v46;
	v58 =	vld [tilespmem:s16+$0x2BB0];
	v26 =	vadd.f32 v27, v26;
	v57 =	vsub.f32 v5, v45  }
0x220: {  	v51 =	vld [tilespmem:s16+$0x2B60];
	v33 =	vmul.f32 v33, v33;
	v29 =	vadd.f32 v63, v29;
	v52 =	vadd.f32 v32, v34  }
0x221: {  	v45 =	vld [tilespmem:s16+$0x2BE0];
	v36 =	vsub.f32 v1, v48;
	v32 =	vsub.f32 v4, v61;
	v48 =	vmul.f32 v44, v44  }
0x222: {  	v63 =	vld [tilespmem:s16+$0x2BD0];
	v60 =	vmul.f32 v57, v57;
	v29 =	vadd.f32 v43, v29;
	v30 =	vadd.f32 v53, v52  }
0x223: {  	v41 =	vld [tilespmem:s16+$0x2C70];
	v36 =	vmul.f32 v36, v36;
	v34 =	vsub.f32 v2, v54;
	v54 =	vsub.f32 v10, v40  }
0x224: {  	v46 =	vld [tilespmem:s16+$0x2F30];
	v43 =	vmul.f32 v62, v62;
	v42 =	vsub.f32 v3, v58;
	v49 =	vadd.f32 v28, v29  }
0x225: {  	v56 =	vld [tilespmem:s16+$0x2F50];
	v32 =	vmul.f32 v32, v32;
	v30 =	vadd.f32 v31, v30;
	v29 =	vsub.f32 v6, v51  }
0x226: {  	v33 =	vadd.f32 v36, v33;
	v34 =	vmul.f32 v34, v34;
	v51 =	vld [tilespmem:s16+$0x2F40];
	v58 =	vsub.f32 v6, v45  }
0x227: {  	v62 =	vld [tilespmem:s16+$0x2F60];
	v47 =	vmul.f32 v42, v42;
	v52 =	vsub.f32 v5, v63;
	v27 =	vadd.f32 v50, v49  }
0x228: {  	v30 =	vadd.f32 v60, v30;
	v29 =	vmul.f32 v29, v29;
	v33 =	vadd.f32 v34, v33;
	v50 =	vld [tilespmem:s16+$0x2BF0]  }
0x229: {  	v28 =	vmul.f32 v55, v55;
	v49 =	vsub.f32 v9, v39;
	v60 =	vsub.f32 v11, v46;
	v46 =	vld [tilespmem:s16+$0x2F70]  }
0x22a: {  	v55 =	vld [tilespmem:s16+$0x2F80];
	v59 =	vmul.f32 v54, v54;
	v29 =	vadd.f32 v29, v30;
	v33 =	vadd.f32 v47, v33  }
0x22b: {  	v54 =	vld [tilespmem:s16+$0x2FC0];
	v63 =	vmul.f32 v58, v58;
	v27 =	vadd.f32 v28, v27;
	v44 =	vsub.f32 v12, v51  }
0x22c: {  	v61 =	vld [tilespmem:s16+$0x2F90];
	v57 =	vmul.f32 v52, v52;
	v29 =	vadd.f32 v43, v29;
	v32 =	vadd.f32 v32, v33  }
0x22d: {  	v43 =	vmul.f32 v60, v60;
	v60 =	vld [tilespmem:s16+$0x2C10];
	v42 =	vsub.f32 v7, v50;
	v50 =	vsub.f32 v13, v56  }
0x22e: {  	v45 =	vld [tilespmem:s16+$0x2FA0];
	v53 =	vmul.f32 v49, v49;
	v56 =	vsub.f32 v14, v62;
	v62 =	vsub.f32 v15, v46  }
0x22f: {  	v49 =	vmul.f32 v44, v44;
	v44 =	vld [tilespmem:s16+$0x2C20];
	v29 =	vadd.f32 v48, v29;
	v32 =	vadd.f32 v57, v32  }
0x230: {  	v51 =	vld [tilespmem:s16+$0x2FB0];
	v48 =	vsub.f32 v8, v55;
	v55 =	vmul.f32 v50, v50;
	v50 =	vsub.f32 v12, v54  }
0x231: {  	v57 =	vld [tilespmem:s16+$0x2C00];
	v47 =	vmul.f32 v42, v42;
	v29 =	vadd.f32 v53, v29;
	v32 =	vadd.f32 v63, v32  }
0x232: {  	v46 =	vmul.f32 v62, v62;
	v53 =	vsub.f32 v9, v61;
	v63 =	vld [tilespmem:s16+$0x2FD0];
	v36 =	vsub.f32 v1, v60  }
0x233: {  	v52 =	vmul.f32 v48, v48;
	v60 =	vld [tilespmem:s16+$0x2C50];
	v29 =	vadd.f32 v59, v29;
	v32 =	vadd.f32 v47, v32  }
0x234: {  	v61 =	vmul.f32 v56, v56;
	v59 =	vsub.f32 v10, v45;
	v47 =	vld [tilespmem:s16+$0x2C30];
	v35 =	vsub.f32 v2, v44  }
0x235: {  	v58 =	vmul.f32 v53, v53;
	v53 =	vld [tilespmem:s16+$0x2C90];
	v29 =	vadd.f32 v43, v29;
	v32 =	vadd.f32 v52, v32  }
0x236: {  	v62 =	vld [tilespmem:s16+$0x2C60];
	v36 =	vmul.f32 v36, v36;
	v43 =	vsub.f32 v11, v51;
	v52 =	vsub.f32 v0, v57  }
0x237: {  	v56 =	vld [tilespmem:s16+$0x2C40];
	v42 =	vmul.f32 v59, v59;
	v59 =	vsub.f32 v13, v63;
	v29 =	vadd.f32 v49, v29  }
0x238: {  	v51 =	vld [tilespmem:s16+$0x2C80];
	v35 =	vmul.f32 v35, v35;
	v32 =	vadd.f32 v58, v32;
	v44 =	vsub.f32 v5, v60  }
0x239: {  	v63 =	vld [tilespmem:s16+$0x2CC0];
	v57 =	vmul.f32 v52, v52;
	v52 =	vsub.f32 v7, v41;
	v30 =	vsub.f32 v3, v47  }
0x23a: {  	v49 =	vmul.f32 v43, v43;
	v58 =	vld [tilespmem:s16+$0x2CA0];
	v38 =	vsub.f32 v1, v53;
	v29 =	vadd.f32 v55, v29  }
0x23b: {  	v31 =	vmul.f32 v59, v59;
	v48 =	vadd.f32 v42, v32;
	v33 =	vadd.f32 v36, v57  }
0x23c: {  	v55 =	vmul.f32 v50, v50;
	v32 =	vsub.f32 v4, v56;
	v45 =	vadd.f32 v61, v29;
	v61 =	vld [tilespmem:s16+$0x2CB0]  }
0x23d: {  	v53 =	vld [tilespmem:s16+$0x3010];
	v34 =	vsub.f32 v0, v51;
	v30 =	vmul.f32 v30, v30;
	v54 =	vadd.f32 v49, v48  }
0x23e: {  	v38 =	vmul.f32 v38, v38;
	v33 =	vadd.f32 v35, v33;
	v48 =	vsub.f32 v6, v62  }
0x23f: {  	v49 =	vld [tilespmem:s16+$0x2CE0];
	v35 =	vsub.f32 v4, v63;
	v34 =	vmul.f32 v34, v34;
	v37 =	vsub.f32 v2, v58  }
0x240: {  	v32 =	vmul.f32 v32, v32;
	v28 =	vadd.f32 v46, v45;
	v30 =	vadd.f32 v30, v33;
	v45 =	vld [tilespmem:s16+$0x2CD0]  }
0x241: {  	v50 =	vld [tilespmem:s16+$0x2FE0];
	v34 =	vadd.f32 v38, v34;
	v37 =	vmul.f32 v37, v37;
	v36 =	vsub.f32 v3, v61  }
0x242: {  	v47 =	vmul.f32 v44, v44;
	v63 =	vld [tilespmem:s16+$0x3030];
	v29 =	vadd.f32 v55, v54;
	v43 =	vsub.f32 v9, v53  }
0x243: {  	v46 =	vld [tilespmem:s16+$0x3000];
	v30 =	vadd.f32 v32, v30;
	v34 =	vadd.f32 v37, v34;
	v36 =	vmul.f32 v36, v36  }
0x244: {  	v56 =	vmul.f32 v52, v52;
	v55 =	vld [tilespmem:s16+$0x2CF0];
	v29 =	vadd.f32 v31, v29;
	v60 =	vsub.f32 v6, v49  }
0x245: {  	v52 =	vld [tilespmem:s16+$0x2FF0];
	v35 =	vmul.f32 v35, v35;
	v54 =	vsub.f32 v5, v45;
	v34 =	vadd.f32 v36, v34  }
0x246: {  	v51 =	vmul.f32 v48, v48;
	v61 =	vld [tilespmem:s16+$0x3080];
	v37 =	vsub.f32 v14, v50;
	v30 =	vadd.f32 v47, v30  }
0x247: {  	v58 =	vld [tilespmem:s16+$0x3020];
	v32 =	vsub.f32 v11, v63;
	v59 =	vmul.f32 v54, v54;
	v34 =	vadd.f32 v35, v34  }
0x248: {  	v33 =	vmul.f32 v43, v43;
	v57 =	vsub.f32 v8, v46;
	v45 =	vld [tilespmem:s16+$0x3090];
	v30 =	vadd.f32 v51, v30  }
0x249: {  	v47 =	vld [tilespmem:s16+$0x30A0];
	v44 =	vmul.f32 v60, v60;
	v39 =	vsub.f32 v7, v55;
	v34 =	vadd.f32 v59, v34  }
0x24a: {  	v63 =	vsub.f32 v15, v52;
	v46 =	vld [tilespmem:s16+$0x3040];
	v62 =	vmul.f32 v57, v57;
	v30 =	vadd.f32 v56, v30  }
0x24b: {  	(xrf2) =	vadd.scan.msk.f32 $0xffff, v16;
	v51 =	vld [tilespmem:s16+$0x30B0];
	v39 =	vmul.f32 v39, v39;
	v40 =	vsub.f32 v8, v61;
	v34 =	vadd.f32 v44, v34  }
0x24c: {  	(xrf2) =	vadd.scan.msk.f32 $0xffff, v17;
	v49 =	vld [tilespmem:s16+$0x3050];
	v38 =	vsub.f32 v10, v58;
	v17 =	vmul.f32 v37, v37;
	v30 =	vadd.f32 v62, v30  }
0x24d: {  	v54 =	vld [tilespmem:s16+$0x30C0];
	v50 =	vmul.f32 v40, v40;
	v36 =	vsub.f32 v9, v45;
	v34 =	vadd.f32 v39, v34  }
0x24e: {  	v58 =	vld [tilespmem:s16+$0x30D0];
	v48 =	vmul.f32 v38, v38;
	v17 =	vadd.f32 v17, v29;
	v35 =	vsub.f32 v10, v47  }
0x24f: {  	v55 =	vld [tilespmem:s16+$0x3060];
	v30 =	vadd.f32 v33, v30;
	v53 =	vmul.f32 v36, v36;
	v16 =	vadd.f32 v50, v34  }
0x250: {  	v32 =	vmul.f32 v32, v32;
	v31 =	vsub.f32 v12, v46;
	v62 =	vld [tilespmem:s16+$0x30E0];
	v60 =	vsub.f32 v11, v51  }
0x251: {  	(xrf2) =	vadd.scan.msk.f32 $0xffff, v18;
	v57 =	vmul.f32 v35, v35;
	v59 =	vld [tilespmem:s16+$0x3070];
	v30 =	vadd.f32 v48, v30;
	v16 =	vadd.f32 v53, v16  }
0x252: {  	(xrf2) =	vadd.scan.msk.f32 $0xffff, v19;
	v56 =	vsub.f32 v13, v49;
	v31 =	vmul.f32 v31, v31;
	v33 =	vsub.f32 v12, v54  }
0x253: {  	(xrf2) =	vadd.scan.msk.f32 $0xffff, v20;
	v36 =	vld [tilespmem:s16+$0x30F0];
	v29 =	vmul.f32 v60, v60;
	v30 =	vadd.f32 v32, v30;
	v16 =	vadd.f32 v57, v16  }
0x254: {  	(xrf2) =	vadd.scan.msk.f32 $0xffff, v21;
	v38 =	vsub.f32 v13, v58;
	v18 =	vmul.f32 v56, v56;
	v34 =	vsub.f32 v14, v55  }
0x255: {  	(xrf2) =	vadd.scan.msk.f32 $0xffff, v22;
	v37 =	vmul.f32 v33, v33;
	v61 =	vadd.f32 v31, v30;
	v16 =	vadd.f32 v29, v16  }
0x256: {  	(xrf2) =	vadd.scan.msk.f32 $0xffff, v23;
	v39 =	vmul.f32 v38, v38;
	v40 =	vsub.f32 v14, v62;
	v19 =	vsub.f32 v15, v59  }
0x257: {  	(xrf2) =	vadd.scan.msk.f32 $0xffff, v24;
	v20 =	vmul.f32 v34, v34;
	v18 =	vadd.f32 v18, v61;
	v16 =	vadd.f32 v37, v16  }
0x258: {  	(xrf2) =	vadd.scan.msk.f32 $0xffff, v25;
	v21 =	vmul.f32 v63, v63;
	v43 =	vmul.f32 v40, v40;
	v22 =	vsub.f32 v15, v36  }
0x259: {  	v41, _, _ =	vpop (xrf2);
	(xrf2) =	vadd.scan.msk.f32 $0xffff, v26;
	v19 =	vmul.f32 v19, v19;
	v18 =	vadd.f32 v20, v18;
	v16 =	vadd.f32 v39, v16  }
0x25a: {  	v42, _, _ =	vpop (xrf2);
	(xrf2) =	vadd.scan.msk.f32 $0xffff, v27;
	v17 =	vadd.f32 v21, v17;
	v45 =	vbroadcast v41, $0xF;
	v47 =	vmul.f32 v22, v22  }
0x25b: {  	v44, _, _ =	vpop (xrf2);
	(xrf2) =	vadd.scan.msk.f32 $0xffff, v28;
	v20 =	vbroadcast v42, $0xF;
	v18 =	vadd.f32 v19, v18;
	v16 =	vadd.f32 v43, v16  }
0x25c: {  	v46, _, _ =	vpop (xrf2);
	(xrf2) =	vadd.scan.msk.f32 $0xffff, v17;
	v17 =	vbroadcast v44, $0xF  }
0x25d: {  	v48, _, _ =	vpop (xrf2);
	v20 =	vsel vm0, v45, v20;
	v19 =	vbroadcast v46, $0xF;
	(xrf2) =	vadd.scan.msk.f32 $0xffff, v18;
	v16 =	vadd.f32 v47, v16  }
0x25e: {  	v49, _, _ =	vpop (xrf2);
	v50 =	vbroadcast v48, $0xF;
	v17 =	vsel vm1, v20, v17  }
0x25f: {  	v51, _, _ =	vpop (xrf2);
	v17 =	vsel vm2, v17, v19;
	v18 =	vbroadcast v49, $0xF  }
0x260: {  	v52 =	vbroadcast v51, $0xF;
	v53, _, _ =	vpop (xrf2);
	v17 =	vsel vm3, v17, v50  }
0x261: {  	v54 =	vbroadcast v53, $0xF;
	v17 =	vsel vm4, v17, v18;
	(xrf2) =	vadd.scan.msk.f32 $0xffff, v16;
	v16, _, _ =	vpop (xrf2)  }
0x262: {  	v17 =	vsel vm5, v17, v52;
	v55, _, _ =	vpop (xrf2);
	v16 =	vbroadcast v16, $0xF  }
0x263: {  	v17 =	vsel vm6, v17, v54;
	v56, _, _ =	vpop (xrf2);
	v57 =	vbroadcast v55, $0xF  }
0x264: {  	v58, _, _ =	vpop (xrf2);
	v16 =	vsel vm7, v17, v16;
	v17 =	vbroadcast v56, $0xF  }
0x265: {  	v59, _, _ =	vpop (xrf2);
	v16 =	vsel vm8, v16, v57;
	v60 =	vbroadcast v58, $0xF  }
0x266: {  	v61, _, _ =	vpop (xrf2);
	v16 =	vsel vm9, v16, v17;
	v17 =	vbroadcast v59, $0xF  }
0x267: {  	v62, _, _ =	vpop (xrf2);
	v16 =	vsel vm10, v16, v60  }
0x268: {  	v16 =	vsel vm11, v16, v17;
	v17 =	vbroadcast v62, $0xF  }
0x269: {  	p1 =	por p0, p0;
	v63 =	vbroadcast v61, $0xF  }
.Ltmp1:
0x26a: {  	_ = 	snop;
	(pc) =	sbr.rel @p1 .LBB2_4-.Ltmp1, $4  }
0x26b: {  	v16 =	vsel vm12, v16, v63  }
0x26c: {  	s31 =	sshll.u32 s15, $0x4;
	v16 =	vsel vm13, v16, v17;
	v17, _, _ =	vpop (xrf2)  }
0x26d: {  	s15 =	sand.u32 $0x3FFFFFF0, s31;
	v16 =	vsel vm14, v16, v17  }
0x26e: {  	p0 =	por $0x0, $0x0;
	[tilespmem:s15+$0x4120] =	vst v16;
	s15 =	simm.s32 $0x1  }
0x26f: {  	s14 =	sadd.s32 $0x1, s14  }
0x270: {  	p0 =	sne.s32 s14, s7  }
.Ltmp2:
0x271: {  	_ = 	snop;
	(pc) =	sbr.rel @p0 .LBB2_1-.Ltmp2, $4  }
0x272: {  	[hbm4b:s6+s3] =	stream.linear.scatter [tilespmem:s13], [sflag:$0x3], $0x40, $0x38;
	[tilespmem:$0x4180] =	vst v63  }
0x273: {  	_ =	swait.ge [sflag:s8], $0x40  }
0x274: {  	[sflag:s8] =	ssyncset.done $0x0  }
0x275: {  	[sflag:s8] =	ssyncadd.s32 $0xFFFFFFC0  }
0x276: {  	_ =	sfence.sel $0x180000  }
0x277: {  	[bflag:$0x0] =	sbarrier.arrive $0xFFFF  }
0x278: {  	p0 =	sne.s32 s2, $0x0;
	_ =	strace $0x90000047  }
0x279: {  	s0 =	sadd.s32 @!p0 $0x100000, s0;
	[bflag:$0x2] =	sbarrier.arrive $0xFFFF  }
0x27a: {  	[sflag:s0] =	ssyncadd.tile.s32 @!p0 $0x1;
	_ =	shalt  }
.Lfunc_end2:
_tile_overlayer_lowered:
.L_overlay_start_2:
0x27b: {  	(tag) =	ssettag $0x2  }
0x27c: {  	s0 =	rddreg [dreg:$0x0];
	s2 =	stileid.u32  }
0x27d: {  	s1 =	rddreg [dreg:$0x1];
	p0 =	sne.s32 s2, $0x0  }
0x27e: {  	s3 =	rddreg [dreg:$0x2];
	[bflag:$0x3] =	sbarrier.arrive $0xFFFF;
	s2 =	simm.s32 @!p0 $0x1C03  }
0x27f: {  	[timem:s3], [sflag:s2] =	dma.local @!p0 [hbm:s0], s1  }
0x280: {  	s0 =	simm.s32 @!p0 $0x3  }
0x281: {  	_ =	swait.ge @!p0 [sflag:s0], s1  }
0x282: {  	s1 =	ssub.s32 @!p0 $0x0, s1;
	[sflag:s0] =	ssyncset.done @!p0 $0x0  }
0x283: {  	[sflag:s0] =	ssyncadd.s32 @!p0 s1  }
0x284: {  	[bflag:$0x3] =	sbarrier.arrive $0xFFFF  }
0x285: {  	_ =	shalt  }

</sc_bundles>
